<compile_context>
chip_gen: v7x
topology: tpu7x:2x2x1
jax: 0.10.2.dev20260603
libtpu: 0.0.44.dev20260713+nightly
codegen_flags: <defaults>
</compile_context>

<pallas_src>
import functools

import jax
import jax.numpy as jnp
from jax import lax
from jax.experimental import pallas as pl
from jax.experimental.pallas import tpu as pltpu
from jax.experimental.pallas import tpu_sc as plsc

N = 512
E = 8192
RD = 64
OD = 256
PD = 512
NOC = 151

NS = 16
EPT = E // NS
CH = 4
CSZ = EPT // CH
RPT = N // NS


def _prep_body(x_ref, union_ref, box_ref, obj_ref, rel_ref,
               posW1_ref, posb1_ref, posg_ref, posbt_ref, posW2_ref, posb2_ref,
               Wobj_ref, bobj_ref, Wlbla_ref, Wlblb_ref, blbl_ref,
               Wrel_ref, brel_ref, Wrlbl_ref, brlbl_ref,
               imUs_ref, imUd_ref, imWh_ref, imbe_ref, imbh_ref, imWe_ref,
               sgUs_ref, sgUd_ref, sgWh_ref, sgbe_ref, sgbh_ref, sgWe_ref,
               s2_ref, d2_ref, hWh2_ref, efW2_ref):
    f32 = jnp.float32
    dot = functools.partial(jnp.dot, preferred_element_type=f32)

    a = dot(box_ref[...], posW1_ref[...]) + posb1_ref[...]
    mu = jnp.mean(a, axis=0, keepdims=True)
    var = jnp.mean((a - mu) ** 2, axis=0, keepdims=True)
    bn = posg_ref[...] * (a - mu) / jnp.sqrt(var + 1e-5) + posbt_ref[...]
    pos = jnp.maximum(dot(bn, posW2_ref[...]) + posb2_ref[...], 0.0)

    h_im = dot(x_ref[...], Wobj_ref[...]) + bobj_ref[...]
    h_sg = dot(obj_ref[...], Wlbla_ref[...]) + dot(pos, Wlblb_ref[...]) + blbl_ref[...]

    s2_ref[0] = dot(h_im, imUs_ref[...]) + imbe_ref[...]
    s2_ref[1] = dot(h_sg, sgUs_ref[...]) + sgbe_ref[...]
    d2_ref[0] = dot(h_im, imUd_ref[...])
    d2_ref[1] = dot(h_sg, sgUd_ref[...])
    hWh2_ref[0] = dot(h_im, imWh_ref[...]) + imbh_ref[...]
    hWh2_ref[1] = dot(h_sg, sgWh_ref[...]) + sgbh_ref[...]

    dotl = functools.partial(jnp.dot, preferred_element_type=f32)
    Wf_im = dot(Wrel_ref[...], imWe_ref[...])
    bf_im = dot(brel_ref[...], imWe_ref[...])
    efW2_ref[0] = dotl(union_ref[...], Wf_im) + bf_im
    Wf_sg = dot(Wrlbl_ref[...], sgWe_ref[...])
    bf_sg = dot(brlbl_ref[...], sgWe_ref[...])
    efW2_ref[1] = dotl(rel_ref[...], Wf_sg) + bf_sg


def _prep_call(x, union, box, obj, rel, weights):
    f32 = jnp.float32
    out_shape = [
        jax.ShapeDtypeStruct((2, N, RD), f32),
        jax.ShapeDtypeStruct((2, N, RD), f32),
        jax.ShapeDtypeStruct((2, N, OD), f32),
        jax.ShapeDtypeStruct((2, E, RD), f32),
    ]
    return pl.pallas_call(_prep_body, out_shape=out_shape)(
        x, union, box, obj, rel, *weights)


KPT = (N * N) // NS
KSH = 14
EC = E // CSZ


def _sc_body(i2d_hbm, j2d_hbm, s2f_hbm, d2f_hbm, efw2f_hbm,
             corr_out,
             acc_sh, corr_sh, own_tab,
             ibuf, jbuf, kv, ev, ov,
             map_loc, ownf, idx64,
             srow, drow, accg, tpay, zbuf, zbuf2,
             sem_s, sem_d, sem_a):
    c = lax.axis_index("c")
    s = lax.axis_index("s")
    base = s * EPT

    zvec = jnp.zeros((16,), jnp.float32)
    for cc in range(RD // 16):
        def zb(r, _, cc=cc):
            zbuf[r, pl.ds(cc * 16, 16)] = zvec
            return 0
        lax.fori_loop(0, RPT, zb, 0)
    for cc in range(2 * RD // 16):
        def zb2(r, _, cc=cc):
            zbuf2[r, pl.ds(cc * 16, 16)] = zvec
            return 0
        lax.fori_loop(0, RPT, zb2, 0)

    lane = lax.iota(jnp.int32, 16)
    zivec = jnp.zeros((16,), jnp.int32)

    pltpu.sync_copy(i2d_hbm, ibuf)
    pltpu.sync_copy(j2d_hbm, jbuf)
    for k in range(CH):
        for v in range(CSZ // 16):
            sl = pl.ds(v * 16, 16)
            kv[k, sl] = c * N + ibuf[s * CH + k, sl]
            ev[k, sl] = c * N + jbuf[s * CH + k, sl]
            ov[k, sl] = zivec
    pltpu.sync_copy(ov, own_tab.at[pl.ds(s * CH, CH)])

    def zacc(q, _):
        pltpu.sync_copy(zbuf, acc_sh.at[pl.ds(base + q * RPT, RPT)])
        return 0
    lax.fori_loop(0, EPT // RPT, zacc, 0)
    pltpu.sync_copy(zbuf2, corr_sh.at[pl.ds(s * RPT, RPT)])

    plsc.subcore_barrier()

    def sc1(t, _):
        r = t // 8
        vv = lax.rem(t, 8)
        sl = pl.ds(vv * 16, 16)
        kvec = ibuf[r, sl] * N + jbuf[r, sl]
        m = lax.shift_right_logical(kvec, KSH) == s
        loc = lax.bitwise_and(kvec, KPT - 1)
        plsc.store_scatter(map_loc, [loc], t * 16 + lane, mask=m)
        return 0
    lax.fori_loop(0, E // 16, sc1, 0)

    def sc2(t, _):
        r = t // 8
        vv = lax.rem(t, 8)
        sl = pl.ds(vv * 16, 16)
        kvec = ibuf[r, sl] * N + jbuf[r, sl]
        m = lax.shift_right_logical(kvec, KSH) == s
        loc = lax.bitwise_and(kvec, KPT - 1)
        g = plsc.load_gather(map_loc, [loc], mask=m)
        ownf[r, sl] = jnp.where(m, g, 0)
        return 0
    lax.fori_loop(0, E // 16, sc2, 0)

    for w in range(EC // 16):
        idx64[0, pl.ds(w * 16, 16)] = w * 16 + lane
    pltpu.sync_copy(ownf, own_tab.at[idx64.at[0]], add=True)

    plsc.subcore_barrier()

    pltpu.sync_copy(own_tab.at[pl.ds(s * CH, CH)], ov)
    for k in range(CH):
        off = base + k * CSZ
        pltpu.sync_copy(efw2f_hbm.at[pl.ds(c * E + off, CSZ)], srow)
        pltpu.sync_copy(srow, acc_sh.at[ov.at[k]], add=True)

    plsc.subcore_barrier()

    def zt(r, _):
        for cc in range(RD // 16):
            tpay[r, pl.ds(RD + cc * 16, 16)] = zvec
        return 0
    lax.fori_loop(0, CSZ, zt, 0)

    for k in range(CH):
        off = base + k * CSZ
        ca = pltpu.async_copy(acc_sh.at[pl.ds(off, CSZ)], accg, sem_a)
        cs = pltpu.async_copy(s2f_hbm.at[kv.at[k]], srow, sem_s)
        cd = pltpu.async_copy(d2f_hbm.at[ev.at[k]], drow, sem_d)
        ca.wait()
        cs.wait()
        cd.wait()

        def rb(r, _):
            for cc in range(RD // 16):
                sl = pl.ds(cc * 16, 16)
                b16 = srow[r, sl] + drow[r, sl]
                tpay[r, sl] = (jnp.maximum(b16 + accg[r, sl], 0.0)
                               - jnp.maximum(b16, 0.0))
            return 0
        lax.fori_loop(0, CSZ, rb, 0)
        pltpu.sync_copy(tpay, corr_sh.at[ibuf.at[s * CH + k]], add=True)

    plsc.subcore_barrier()

    pltpu.sync_copy(corr_sh.at[pl.ds(s * RPT, RPT)],
                    corr_out.at[pl.ds(c * N + s * RPT, RPT)])


def _sc_call(i_arr, j_arr, s2, d2, efw2):
    f32 = jnp.float32
    i32 = jnp.int32
    mesh = plsc.VectorSubcoreMesh(core_axis_name="c", subcore_axis_name="s",
                                  num_cores=2, num_subcores=NS)
    fn = pl.kernel(
        _sc_body,
        out_type=jax.ShapeDtypeStruct((2 * N, 2 * RD), f32),
        mesh=mesh,
        compiler_params=pltpu.CompilerParams(use_tc_tiling_on_sc=False, needs_layout_passes=False),
        scratch_types=[
            pltpu.VMEM_SHARED((E, RD), f32),
            pltpu.VMEM_SHARED((N, 2 * RD), f32),
            pltpu.VMEM_SHARED((EC, CSZ), i32),
            pltpu.VMEM((EC, CSZ), i32),
            pltpu.VMEM((EC, CSZ), i32),
            pltpu.VMEM((CH, CSZ), i32),
            pltpu.VMEM((CH, CSZ), i32),
            pltpu.VMEM((CH, CSZ), i32),
            pltpu.VMEM((KPT,), i32),
            pltpu.VMEM((EC, CSZ), i32),
            pltpu.VMEM((1, EC), i32),
            pltpu.VMEM((CSZ, RD), f32),
            pltpu.VMEM((CSZ, RD), f32),
            pltpu.VMEM((CSZ, RD), f32),
            pltpu.VMEM((CSZ, 2 * RD), f32),
            pltpu.VMEM((RPT, RD), f32),
            pltpu.VMEM((RPT, 2 * RD), f32),
            pltpu.SemaphoreType.DMA,
            pltpu.SemaphoreType.DMA,
            pltpu.SemaphoreType.DMA,
        ],
    )
    corr_flat = fn(i_arr.reshape(EC, CSZ), j_arr.reshape(EC, CSZ),
                   s2.reshape(2 * N, RD), d2.reshape(2 * N, RD),
                   efw2.reshape(2 * E, RD))
    return corr_flat.reshape(2, N, 2 * RD)


def _finale_body(s2_ref, d2_ref, corr_ref, hWh2_ref,
                 Pe2_ref, Wgnt2_ref, Wpnt2_ref, Wget2_ref, Wpet2_ref,
                 enW1_ref, enb1_ref, enW2t_ref, enb2_ref,
                 out_ref):
    f32 = jnp.float32
    dot = functools.partial(jnp.dot, preferred_element_type=f32)

    S = jnp.concatenate([s2_ref[0], s2_ref[1]], axis=1)

    IB = 128
    JB = 8
    rows = []
    for ib in range(N // IB):
        Sb = S[ib * IB:(ib + 1) * IB, :]

        def jb_body(jb, acc, Sb=Sb):
            Dblk = jnp.concatenate(
                [d2_ref[0, pl.ds(jb * JB, JB), :],
                 d2_ref[1, pl.ds(jb * JB, JB), :]], axis=1)
            for t in range(JB):
                acc = acc + jnp.maximum(Sb + Dblk[t:t + 1, :], 0.0)
            return acc
        rows.append(lax.fori_loop(0, N // JB, jb_body,
                                  jnp.zeros((IB, 2 * RD), f32)))
    DROW = jnp.concatenate(rows, axis=0)

    pooled = []
    for g in range(2):
        ROW = DROW[:, g * RD:(g + 1) * RD] + corr_ref[g]
        h2 = jnp.maximum(hWh2_ref[g] + dot(ROW, Pe2_ref[g]), 0.0)
        gn = jax.nn.sigmoid(jnp.sum(h2 * Wgnt2_ref[g], axis=1, keepdims=True))
        pn = dot(jnp.sum(gn * h2, axis=0, keepdims=True), Wpnt2_ref[g])
        ge = jax.nn.sigmoid(jnp.sum(ROW * Wget2_ref[g], axis=1, keepdims=True))
        pe = dot(jnp.sum(ge * ROW, axis=0, keepdims=True), Wpet2_ref[g])
        pooled.append(pn + pe)

    hcat = jnp.concatenate(pooled, axis=1)
    e1 = jnp.maximum(dot(hcat, enW1_ref[...]) + enb1_ref[...], 0.0)
    out_ref[...] = dot(e1, enW2t_ref[...]) + enb2_ref[...]


def _finale_call(s2, d2, corr2, hWh2, heads):
    return pl.pallas_call(
        _finale_body,
        out_shape=jax.ShapeDtypeStruct((1, 1), jnp.float32),
    )(s2, d2, corr2, hWh2, *heads)


def kernel(x, union_features, box_info, obj_labels, rel_labels, rel_pair_idx,
           params):
    p = params
    r2 = lambda v: v.reshape(1, -1)

    weights = (
        p['pos_W1'], r2(p['pos_b1']), r2(p['pos_g']), r2(p['pos_bt']),
        p['pos_W2'], r2(p['pos_b2']),
        p['W_obj_emb'], r2(p['b_obj_emb']),
        p['W_obj_lbl'][:NOC], p['W_obj_lbl'][NOC:], r2(p['b_obj_lbl']),
        p['W_rel_emb'], r2(p['b_rel_emb']), p['W_rel_lbl'], r2(p['b_rel_lbl']),
        p['im_Us'], p['im_Ud'], p['im_Wh'], r2(p['im_be']), r2(p['im_bh']), p['im_We'],
        p['sg_Us'], p['sg_Ud'], p['sg_Wh'], r2(p['sg_be']), r2(p['sg_bh']), p['sg_We'],
    )
    s2, d2, hWh2, efW2 = _prep_call(x, union_features, box_info, obj_labels,
                                    rel_labels, weights)

    i_arr = rel_pair_idx[:, 0]
    j_arr = rel_pair_idx[:, 1]
    corr2 = _sc_call(i_arr, j_arr, s2, d2, efW2)[:, :, :RD]

    heads = (
        jnp.stack([p['im_Pe'], p['sg_Pe']]),
        jnp.stack([p['imp_Wgn'].T, p['sgp_Wgn'].T]),
        jnp.stack([p['imp_Wpn'], p['sgp_Wpn']]),
        jnp.stack([p['imp_Wge'].T, p['sgp_Wge'].T]),
        jnp.stack([p['imp_Wpe'], p['sgp_Wpe']]),
        p['en_W1'], r2(p['en_b1']), p['en_W2'], r2(p['en_b2']),
    )
    return _finale_call(s2, d2, corr2, hWh2, heads)

# --- scband reference (transcript-rebuilt; emitter-appended) ---
"""Pipeline reference for scband-graph-energy-model-45715631899093 (READ-ONLY COPY).

The authoritative reference and input builder live on the scoring server;
editing this copy changes nothing except your own understanding.
"""

import jax, jax.numpy as jnp
import numpy as np

N = 512
E = 8192
IN_CH = 512
OD = 256
RD = 64
PD = 512
NOC = 151
NRC = 51


def setup_inputs(seed: int = 0):
    key = jax.random.key(seed)
    keys = list(jax.random.split(key, 64))
    it = iter(keys)

    def g(shape, s=0.05):
        return jax.random.normal(next(it), shape, dtype=jnp.float32) * s

    def u(shape):
        return jax.random.uniform(next(it), shape, dtype=jnp.float32)

    params = {
        'W_obj_emb': g((IN_CH, OD)), 'b_obj_emb': jnp.zeros((OD,), jnp.float32),
        'W_rel_emb': g((IN_CH, RD)), 'b_rel_emb': jnp.zeros((RD,), jnp.float32),
        'W_obj_lbl': g((NOC + 128, OD)), 'b_obj_lbl': jnp.zeros((OD,), jnp.float32),
        'W_rel_lbl': g((NRC, RD)), 'b_rel_lbl': jnp.zeros((RD,), jnp.float32),
        'pos_W1': g((9, 32)), 'pos_b1': jnp.zeros((32,), jnp.float32),
        'pos_g': jnp.ones((32,), jnp.float32), 'pos_bt': jnp.zeros((32,), jnp.float32),
        'pos_W2': g((32, 128)), 'pos_b2': jnp.zeros((128,), jnp.float32),
        'en_W1': g((2 * PD, PD)), 'en_b1': jnp.zeros((PD,), jnp.float32),
        'en_W2': g((PD, 1)), 'en_b2': jnp.zeros((1,), jnp.float32),
    }
    for pre in ('im_', 'sg_'):
        params[pre + 'We'] = g((RD, RD)); params[pre + 'be'] = jnp.zeros((RD,), jnp.float32)
        params[pre + 'Us'] = g((OD, RD)); params[pre + 'Ud'] = g((OD, RD))
        params[pre + 'Wh'] = g((OD, OD)); params[pre + 'bh'] = jnp.zeros((OD,), jnp.float32)
        params[pre + 'Pe'] = g((RD, OD))
    for pre in ('imp_', 'sgp_'):
        params[pre + 'Wgn'] = g((OD, 1)); params[pre + 'Wpn'] = g((OD, PD))
        params[pre + 'Wge'] = g((RD, 1)); params[pre + 'Wpe'] = g((RD, PD))

    return {
        'x': g((N, IN_CH), 1.0),
        'union_features': g((E, IN_CH), 1.0),
        'box_info': u((N, 9)),
        'obj_labels': u((N, NOC)),
        'rel_labels': u((E, NRC)),
        'rel_pair_idx': jax.random.randint(next(it), (E, 2), 0, N, dtype=jnp.int32),
        'params': params,
    }


def _bn(x, gamma, beta, eps=1e-5):
    mu = jnp.mean(x, axis=0)
    var = jnp.var(x, axis=0)
    return gamma * (x - mu) / jnp.sqrt(var + eps) + beta


def _egnn(h, e, p, pre):
    e2 = jax.nn.relu(e @ p[pre + 'We'] + p[pre + 'be'] + (h @ p[pre + 'Us'])[:, None, :] + (h @ p[pre + 'Ud'])[None, :, :])
    h2 = jax.nn.relu(h @ p[pre + 'Wh'] + p[pre + 'bh'] + jnp.sum(e2, axis=1) @ p[pre + 'Pe'])
    return h2, e2


def _pool(h, e, p, pre):
    gn = jax.nn.sigmoid(h @ p[pre + 'Wgn'])
    pn = jnp.sum(gn * (h @ p[pre + 'Wpn']), axis=0)
    ea = jnp.sum(e, axis=1)
    ge = jax.nn.sigmoid(ea @ p[pre + 'Wge'])
    pe = jnp.sum(ge * (ea @ p[pre + 'Wpe']), axis=0)
    return (pn + pe)[None, :]


def _forward(x, union_features, box_info, obj_labels, rel_labels, rel_pair_idx, params):
    p = params
    n = x.shape[0]
    pos = jax.nn.relu(_bn(box_info @ p['pos_W1'] + p['pos_b1'], p['pos_g'], p['pos_bt']) @ p['pos_W2'] + p['pos_b2'])
    im_node = x @ p['W_obj_emb'] + p['b_obj_emb']
    im_ef = union_features @ p['W_rel_emb'] + p['b_rel_emb']
    im_edge = jnp.zeros((n, n, im_ef.shape[-1]), jnp.float32).at[rel_pair_idx[:, 0], rel_pair_idx[:, 1]].add(im_ef)
    sg_node = jnp.concatenate([obj_labels, pos], axis=-1) @ p['W_obj_lbl'] + p['b_obj_lbl']
    sg_ef = rel_labels @ p['W_rel_lbl'] + p['b_rel_lbl']
    sg_edge = jnp.zeros((n, n, sg_ef.shape[-1]), jnp.float32).at[rel_pair_idx[:, 0], rel_pair_idx[:, 1]].add(sg_ef)
    im_node2, im_edge2 = _egnn(im_node, im_edge, p, 'im_')
    sg_node2, sg_edge2 = _egnn(sg_node, sg_edge, p, 'sg_')
    im_pooled = _pool(im_node2, im_edge2, p, 'imp_')
    sg_pooled = _pool(sg_node2, sg_edge2, p, 'sgp_')
    h = jnp.concatenate([im_pooled, sg_pooled], axis=-1)
    return jax.nn.relu(h @ p['en_W1'] + p['en_b1']) @ p['en_W2'] + p['en_b2']


def reference(x, union_features, box_info, obj_labels, rel_labels, rel_pair_idx, params):
    return _forward(x, union_features, box_info, obj_labels, rel_labels, rel_pair_idx, params)

if __name__ == "__main__":
    import jax
    _d = setup_inputs()
    print(jax.jit(kernel)(*tuple(_d.values())))

</pallas_src>

<mosaic_0001>
#map = affine_map<(d0, d1) -> (0, 0)>
module attributes {stable_mosaic.version = 14 : i64} {
  func.func @_sc_body(%arg0: i32, %arg1: i32, %arg2: memref<64x128xi32, #tpu.memory_space<hbm>>, %arg3: memref<64x128xi32, #tpu.memory_space<hbm>>, %arg4: memref<1024x64xf32, #tpu.memory_space<hbm>>, %arg5: memref<1024x64xf32, #tpu.memory_space<hbm>>, %arg6: memref<16384x64xf32, #tpu.memory_space<hbm>>, %arg7: memref<1024x128xf32, #tpu.memory_space<hbm>>, %arg8: memref<8192x64xf32, #tpu.memory_space<vmem_shared>>, %arg9: memref<512x128xf32, #tpu.memory_space<vmem_shared>>, %arg10: memref<64x128xi32, #tpu.memory_space<vmem_shared>>, %arg11: memref<64x128xi32, #tpu.memory_space<vmem>>, %arg12: memref<64x128xi32, #tpu.memory_space<vmem>>, %arg13: memref<4x128xi32, #tpu.memory_space<vmem>>, %arg14: memref<4x128xi32, #tpu.memory_space<vmem>>, %arg15: memref<4x128xi32, #tpu.memory_space<vmem>>, %arg16: memref<16384xi32, #tpu.memory_space<vmem>>, %arg17: memref<64x128xi32, #tpu.memory_space<vmem>>, %arg18: memref<1x64xi32, #tpu.memory_space<vmem>>, %arg19: memref<128x64xf32, #tpu.memory_space<vmem>>, %arg20: memref<128x64xf32, #tpu.memory_space<vmem>>, %arg21: memref<128x64xf32, #tpu.memory_space<vmem>>, %arg22: memref<128x128xf32, #tpu.memory_space<vmem>>, %arg23: memref<32x64xf32, #tpu.memory_space<vmem>>, %arg24: memref<32x128xf32, #tpu.memory_space<vmem>>, %arg25: memref<!tpu.dma_semaphore, #tpu.memory_space<semaphore_mem>>, %arg26: memref<!tpu.dma_semaphore, #tpu.memory_space<semaphore_mem>>, %arg27: memref<!tpu.dma_semaphore, #tpu.memory_space<semaphore_mem>>) attributes {dimension_semantics = [#tpu.dimension_semantics<core_parallel>, #tpu.dimension_semantics<subcore_parallel>], iteration_bounds = array<i64: 2, 16>, scalar_prefetch = 0 : i64, scratch_operands = 20 : i64, tpu.core_type = #tpu.core_type<sc_vector_subcore>, window_params = [{transform_indices = #map}, {transform_indices = #map}, {transform_indices = #map}, {transform_indices = #map}, {transform_indices = #map}, {transform_indices = #map}]} {
    %mul3A = arith.constant 512 : i32
    %mul3A_0 = arith.muli %arg1, %mul3A : i32
    %broadcast_in_dim3A = arith.constant 0.000000e+00 : f32
    %broadcast_in_dim3A_1 = vector.broadcast %broadcast_in_dim3A : f32 to vector<16xf32>
    %scan3A = arith.constant 0 : i32
    %scan3A_2 = arith.constant 0 : i32
    %scan3A_3 = arith.constant 32 : i32
    %scan3A_4 = arith.addi %scan3A_2, %scan3A_3 : i32
    %scan3A_5 = arith.constant 1 : i32
    %scan3A_6 = scf.for %scan3A_1462 = %scan3A_2 to %scan3A_4 step %scan3A_5 iter_args(%scan3A_1463 = %scan3A) -> (i32)  : i32 {
      %swap3A_1464 = arith.index_cast %scan3A_1462 : i32 to index
      %swap3A_1465 = arith.constant 0 : index
      %swap3A_1466 = tpu.vector_load %arg23[%swap3A_1464, %swap3A_1465] {strides = array<i32>} : memref<32x64xf32, #tpu.memory_space<vmem>>, vector<16xf32>,
      tpu.vector_store %arg23[%swap3A_1464, %swap3A_1465], %broadcast_in_dim3A_1 {strides = array<i32>} : memref<32x64xf32, #tpu.memory_space<vmem>>, vector<16xf32>,
      %scan3A_1467 = arith.constant 0 : i32
      scf.yield %scan3A_1467 : i32
    }
    %scan3A_7 = arith.constant 32 : i32
    %scan3A_8 = arith.constant 0 : i32
    %scan3A_9 = arith.constant 0 : i32
    %scan3A_10 = arith.constant 32 : i32
    %scan3A_11 = arith.addi %scan3A_9, %scan3A_10 : i32
    %scan3A_12 = arith.constant 1 : i32
    %scan3A_13 = scf.for %scan3A_1462 = %scan3A_9 to %scan3A_11 step %scan3A_12 iter_args(%scan3A_1463 = %scan3A_8) -> (i32)  : i32 {
      %swap3A_1464 = arith.index_cast %scan3A_1462 : i32 to index
      %swap3A_1465 = arith.constant 16 : index
      %swap3A_1466 = tpu.vector_load %arg23[%swap3A_1464, %swap3A_1465] {strides = array<i32>} : memref<32x64xf32, #tpu.memory_space<vmem>>, vector<16xf32>,
      tpu.vector_store %arg23[%swap3A_1464, %swap3A_1465], %broadcast_in_dim3A_1 {strides = array<i32>} : memref<32x64xf32, #tpu.memory_space<vmem>>, vector<16xf32>,
      %scan3A_1467 = arith.constant 0 : i32
      scf.yield %scan3A_1467 : i32
    }
    %scan3A_14 = arith.constant 32 : i32
    %scan3A_15 = arith.constant 0 : i32
    %scan3A_16 = arith.constant 0 : i32
    %scan3A_17 = arith.constant 32 : i32
    %scan3A_18 = arith.addi %scan3A_16, %scan3A_17 : i32
    %scan3A_19 = arith.constant 1 : i32
    %scan3A_20 = scf.for %scan3A_1462 = %scan3A_16 to %scan3A_18 step %scan3A_19 iter_args(%scan3A_1463 = %scan3A_15) -> (i32)  : i32 {
      %swap3A_1464 = arith.index_cast %scan3A_1462 : i32 to index
      %swap3A_1465 = arith.constant 32 : index
      %swap3A_1466 = tpu.vector_load %arg23[%swap3A_1464, %swap3A_1465] {strides = array<i32>} : memref<32x64xf32, #tpu.memory_space<vmem>>, vector<16xf32>,
      tpu.vector_store %arg23[%swap3A_1464, %swap3A_1465], %broadcast_in_dim3A_1 {strides = array<i32>} : memref<32x64xf32, #tpu.memory_space<vmem>>, vector<16xf32>,
      %scan3A_1467 = arith.constant 0 : i32
      scf.yield %scan3A_1467 : i32
    }
    %scan3A_21 = arith.constant 32 : i32
    %scan3A_22 = arith.constant 0 : i32
    %scan3A_23 = arith.constant 0 : i32
    %scan3A_24 = arith.constant 32 : i32
    %scan3A_25 = arith.addi %scan3A_23, %scan3A_24 : i32
    %scan3A_26 = arith.constant 1 : i32
    %scan3A_27 = scf.for %scan3A_1462 = %scan3A_23 to %scan3A_25 step %scan3A_26 iter_args(%scan3A_1463 = %scan3A_22) -> (i32)  : i32 {
      %swap3A_1464 = arith.index_cast %scan3A_1462 : i32 to index
      %swap3A_1465 = arith.constant 48 : index
      %swap3A_1466 = tpu.vector_load %arg23[%swap3A_1464, %swap3A_1465] {strides = array<i32>} : memref<32x64xf32, #tpu.memory_space<vmem>>, vector<16xf32>,
      tpu.vector_store %arg23[%swap3A_1464, %swap3A_1465], %broadcast_in_dim3A_1 {strides = array<i32>} : memref<32x64xf32, #tpu.memory_space<vmem>>, vector<16xf32>,
      %scan3A_1467 = arith.constant 0 : i32
      scf.yield %scan3A_1467 : i32
    }
    %scan3A_28 = arith.constant 32 : i32
    %scan3A_29 = arith.constant 0 : i32
    %scan3A_30 = arith.constant 0 : i32
    %scan3A_31 = arith.constant 32 : i32
    %scan3A_32 = arith.addi %scan3A_30, %scan3A_31 : i32
    %scan3A_33 = arith.constant 1 : i32
    %scan3A_34 = scf.for %scan3A_1462 = %scan3A_30 to %scan3A_32 step %scan3A_33 iter_args(%scan3A_1463 = %scan3A_29) -> (i32)  : i32 {
      %swap3A_1464 = arith.index_cast %scan3A_1462 : i32 to index
      %swap3A_1465 = arith.constant 0 : index
      %swap3A_1466 = tpu.vector_load %arg24[%swap3A_1464, %swap3A_1465] {strides = array<i32>} : memref<32x128xf32, #tpu.memory_space<vmem>>, vector<16xf32>,
      tpu.vector_store %arg24[%swap3A_1464, %swap3A_1465], %broadcast_in_dim3A_1 {strides = array<i32>} : memref<32x128xf32, #tpu.memory_space<vmem>>, vector<16xf32>,
      %scan3A_1467 = arith.constant 0 : i32
      scf.yield %scan3A_1467 : i32
    }
    %scan3A_35 = arith.constant 32 : i32
    %scan3A_36 = arith.constant 0 : i32
    %scan3A_37 = arith.constant 0 : i32
    %scan3A_38 = arith.constant 32 : i32
    %scan3A_39 = arith.addi %scan3A_37, %scan3A_38 : i32
    %scan3A_40 = arith.constant 1 : i32
    %scan3A_41 = scf.for %scan3A_1462 = %scan3A_37 to %scan3A_39 step %scan3A_40 iter_args(%scan3A_1463 = %scan3A_36) -> (i32)  : i32 {
      %swap3A_1464 = arith.index_cast %scan3A_1462 : i32 to index
      %swap3A_1465 = arith.constant 16 : index
      %swap3A_1466 = tpu.vector_load %arg24[%swap3A_1464, %swap3A_1465] {strides = array<i32>} : memref<32x128xf32, #tpu.memory_space<vmem>>, vector<16xf32>,
      tpu.vector_store %arg24[%swap3A_1464, %swap3A_1465], %broadcast_in_dim3A_1 {strides = array<i32>} : memref<32x128xf32, #tpu.memory_space<vmem>>, vector<16xf32>,
      %scan3A_1467 = arith.constant 0 : i32
      scf.yield %scan3A_1467 : i32
    }
    %scan3A_42 = arith.constant 32 : i32
    %scan3A_43 = arith.constant 0 : i32
    %scan3A_44 = arith.constant 0 : i32
    %scan3A_45 = arith.constant 32 : i32
    %scan3A_46 = arith.addi %scan3A_44, %scan3A_45 : i32
    %scan3A_47 = arith.constant 1 : i32
    %scan3A_48 = scf.for %scan3A_1462 = %scan3A_44 to %scan3A_46 step %scan3A_47 iter_args(%scan3A_1463 = %scan3A_43) -> (i32)  : i32 {
      %swap3A_1464 = arith.index_cast %scan3A_1462 : i32 to index
      %swap3A_1465 = arith.constant 32 : index
      %swap3A_1466 = tpu.vector_load %arg24[%swap3A_1464, %swap3A_1465] {strides = array<i32>} : memref<32x128xf32, #tpu.memory_space<vmem>>, vector<16xf32>,
      tpu.vector_store %arg24[%swap3A_1464, %swap3A_1465], %broadcast_in_dim3A_1 {strides = array<i32>} : memref<32x128xf32, #tpu.memory_space<vmem>>, vector<16xf32>,
      %scan3A_1467 = arith.constant 0 : i32
      scf.yield %scan3A_1467 : i32
    }
    %scan3A_49 = arith.constant 32 : i32
    %scan3A_50 = arith.constant 0 : i32
    %scan3A_51 = arith.constant 0 : i32
    %scan3A_52 = arith.constant 32 : i32
    %scan3A_53 = arith.addi %scan3A_51, %scan3A_52 : i32
    %scan3A_54 = arith.constant 1 : i32
    %scan3A_55 = scf.for %scan3A_1462 = %scan3A_51 to %scan3A_53 step %scan3A_54 iter_args(%scan3A_1463 = %scan3A_50) -> (i32)  : i32 {
      %swap3A_1464 = arith.index_cast %scan3A_1462 : i32 to index
      %swap3A_1465 = arith.constant 48 : index
      %swap3A_1466 = tpu.vector_load %arg24[%swap3A_1464, %swap3A_1465] {strides = array<i32>} : memref<32x128xf32, #tpu.memory_space<vmem>>, vector<16xf32>,
      tpu.vector_store %arg24[%swap3A_1464, %swap3A_1465], %broadcast_in_dim3A_1 {strides = array<i32>} : memref<32x128xf32, #tpu.memory_space<vmem>>, vector<16xf32>,
      %scan3A_1467 = arith.constant 0 : i32
      scf.yield %scan3A_1467 : i32
    }
    %scan3A_56 = arith.constant 32 : i32
    %scan3A_57 = arith.constant 0 : i32
    %scan3A_58 = arith.constant 0 : i32
    %scan3A_59 = arith.constant 32 : i32
    %scan3A_60 = arith.addi %scan3A_58, %scan3A_59 : i32
    %scan3A_61 = arith.constant 1 : i32
    %scan3A_62 = scf.for %scan3A_1462 = %scan3A_58 to %scan3A_60 step %scan3A_61 iter_args(%scan3A_1463 = %scan3A_57) -> (i32)  : i32 {
      %swap3A_1464 = arith.index_cast %scan3A_1462 : i32 to index
      %swap3A_1465 = arith.constant 64 : index
      %swap3A_1466 = tpu.vector_load %arg24[%swap3A_1464, %swap3A_1465] {strides = array<i32>} : memref<32x128xf32, #tpu.memory_space<vmem>>, vector<16xf32>,
      tpu.vector_store %arg24[%swap3A_1464, %swap3A_1465], %broadcast_in_dim3A_1 {strides = array<i32>} : memref<32x128xf32, #tpu.memory_space<vmem>>, vector<16xf32>,
      %scan3A_1467 = arith.constant 0 : i32
      scf.yield %scan3A_1467 : i32
    }
    %scan3A_63 = arith.constant 32 : i32
    %scan3A_64 = arith.constant 0 : i32
    %scan3A_65 = arith.constant 0 : i32
    %scan3A_66 = arith.constant 32 : i32
    %scan3A_67 = arith.addi %scan3A_65, %scan3A_66 : i32
    %scan3A_68 = arith.constant 1 : i32
    %scan3A_69 = scf.for %scan3A_1462 = %scan3A_65 to %scan3A_67 step %scan3A_68 iter_args(%scan3A_1463 = %scan3A_64) -> (i32)  : i32 {
      %swap3A_1464 = arith.index_cast %scan3A_1462 : i32 to index
      %swap3A_1465 = arith.constant 80 : index
      %swap3A_1466 = tpu.vector_load %arg24[%swap3A_1464, %swap3A_1465] {strides = array<i32>} : memref<32x128xf32, #tpu.memory_space<vmem>>, vector<16xf32>,
      tpu.vector_store %arg24[%swap3A_1464, %swap3A_1465], %broadcast_in_dim3A_1 {strides = array<i32>} : memref<32x128xf32, #tpu.memory_space<vmem>>, vector<16xf32>,
      %scan3A_1467 = arith.constant 0 : i32
      scf.yield %scan3A_1467 : i32
    }
    %scan3A_70 = arith.constant 32 : i32
    %scan3A_71 = arith.constant 0 : i32
    %scan3A_72 = arith.constant 0 : i32
    %scan3A_73 = arith.constant 32 : i32
    %scan3A_74 = arith.addi %scan3A_72, %scan3A_73 : i32
    %scan3A_75 = arith.constant 1 : i32
    %scan3A_76 = scf.for %scan3A_1462 = %scan3A_72 to %scan3A_74 step %scan3A_75 iter_args(%scan3A_1463 = %scan3A_71) -> (i32)  : i32 {
      %swap3A_1464 = arith.index_cast %scan3A_1462 : i32 to index
      %swap3A_1465 = arith.constant 96 : index
      %swap3A_1466 = tpu.vector_load %arg24[%swap3A_1464, %swap3A_1465] {strides = array<i32>} : memref<32x128xf32, #tpu.memory_space<vmem>>, vector<16xf32>,
      tpu.vector_store %arg24[%swap3A_1464, %swap3A_1465], %broadcast_in_dim3A_1 {strides = array<i32>} : memref<32x128xf32, #tpu.memory_space<vmem>>, vector<16xf32>,
      %scan3A_1467 = arith.constant 0 : i32
      scf.yield %scan3A_1467 : i32
    }
    %scan3A_77 = arith.constant 32 : i32
    %scan3A_78 = arith.constant 0 : i32
    %scan3A_79 = arith.constant 0 : i32
    %scan3A_80 = arith.constant 32 : i32
    %scan3A_81 = arith.addi %scan3A_79, %scan3A_80 : i32
    %scan3A_82 = arith.constant 1 : i32
    %scan3A_83 = scf.for %scan3A_1462 = %scan3A_79 to %scan3A_81 step %scan3A_82 iter_args(%scan3A_1463 = %scan3A_78) -> (i32)  : i32 {
      %swap3A_1464 = arith.index_cast %scan3A_1462 : i32 to index
      %swap3A_1465 = arith.constant 112 : index
      %swap3A_1466 = tpu.vector_load %arg24[%swap3A_1464, %swap3A_1465] {strides = array<i32>} : memref<32x128xf32, #tpu.memory_space<vmem>>, vector<16xf32>,
      tpu.vector_store %arg24[%swap3A_1464, %swap3A_1465], %broadcast_in_dim3A_1 {strides = array<i32>} : memref<32x128xf32, #tpu.memory_space<vmem>>, vector<16xf32>,
      %scan3A_1467 = arith.constant 0 : i32
      scf.yield %scan3A_1467 : i32
    }
    %scan3A_84 = arith.constant 32 : i32
    %iota3A = tpu.iota {dimensions = array<i32: 0>} : vector<16xi32>
    %broadcast_in_dim3A_85 = arith.constant 0 : i32
    %broadcast_in_dim3A_86 = vector.broadcast %broadcast_in_dim3A_85 : i32 to vector<16xi32>
    "tpu.region"() ({
      %run_scoped3A_1462 = tpu.sem_alloc : memref<!tpu.dma_semaphore, #tpu.memory_space<semaphore_mem>>
      tpu.enqueue_dma source(%arg2 : memref<64x128xi32, #tpu.memory_space<hbm>>) target(%arg11 : memref<64x128xi32, #tpu.memory_space<vmem>>) target_semaphore(%run_scoped3A_1462 : memref<!tpu.dma_semaphore, #tpu.memory_space<semaphore_mem>>)
      tpu.wait_dma2 semaphore(%run_scoped3A_1462 : memref<!tpu.dma_semaphore, #tpu.memory_space<semaphore_mem>>) src(%arg2 : memref<64x128xi32, #tpu.memory_space<hbm>>) dst(%arg11 : memref<64x128xi32, #tpu.memory_space<vmem>>)
      tpu.yield
    }) : () -> ()
    "tpu.region"() ({
      %run_scoped3A_1462 = tpu.sem_alloc : memref<!tpu.dma_semaphore, #tpu.memory_space<semaphore_mem>>
      tpu.enqueue_dma source(%arg3 : memref<64x128xi32, #tpu.memory_space<hbm>>) target(%arg12 : memref<64x128xi32, #tpu.memory_space<vmem>>) target_semaphore(%run_scoped3A_1462 : memref<!tpu.dma_semaphore, #tpu.memory_space<semaphore_mem>>)
      tpu.wait_dma2 semaphore(%run_scoped3A_1462 : memref<!tpu.dma_semaphore, #tpu.memory_space<semaphore_mem>>) src(%arg3 : memref<64x128xi32, #tpu.memory_space<hbm>>) dst(%arg12 : memref<64x128xi32, #tpu.memory_space<vmem>>)
      tpu.yield
    }) : () -> ()
    %mul3A_87 = arith.constant 512 : i32
    %mul3A_88 = arith.muli %arg0, %mul3A_87 : i32
    %mul3A_89 = arith.constant 4 : i32
    %mul3A_90 = arith.muli %arg1, %mul3A_89 : i32
    %add3A = arith.constant 0 : i32
    %add3A_91 = arith.addi %mul3A_90, %add3A : i32
    %get3A = arith.index_cast %add3A_91 : i32 to index
    %get3A_92 = arith.constant 0 : index
    %get3A_93 = tpu.vector_load %arg11[%get3A, %get3A_92] {strides = array<i32>} : memref<64x128xi32, #tpu.memory_space<vmem>>, vector<16xi32>,
    %add3A_94 = vector.broadcast %mul3A_88 : i32 to vector<16xi32>
    %add3A_95 = arith.addi %add3A_94, %get3A_93 : vector<16xi32>
    %swap3A = arith.constant 0 : i32
    %swap3A_96 = arith.index_cast %swap3A : i32 to index
    %swap3A_97 = arith.constant 0 : index
    %swap3A_98 = tpu.vector_load %arg13[%swap3A_96, %swap3A_97] {strides = array<i32>} : memref<4x128xi32, #tpu.memory_space<vmem>>, vector<16xi32>,
    tpu.vector_store %arg13[%swap3A_96, %swap3A_97], %add3A_95 {strides = array<i32>} : memref<4x128xi32, #tpu.memory_space<vmem>>, vector<16xi32>,
    %mul3A_99 = arith.constant 512 : i32
    %mul3A_100 = arith.muli %arg0, %mul3A_99 : i32
    %mul3A_101 = arith.constant 4 : i32
    %mul3A_102 = arith.muli %arg1, %mul3A_101 : i32
    %add3A_103 = arith.constant 0 : i32
    %add3A_104 = arith.addi %mul3A_102, %add3A_103 : i32
    %get3A_105 = arith.index_cast %add3A_104 : i32 to index
    %get3A_106 = arith.constant 0 : index
    %get3A_107 = tpu.vector_load %arg12[%get3A_105, %get3A_106] {strides = array<i32>} : memref<64x128xi32, #tpu.memory_space<vmem>>, vector<16xi32>,
    %add3A_108 = vector.broadcast %mul3A_100 : i32 to vector<16xi32>
    %add3A_109 = arith.addi %add3A_108, %get3A_107 : vector<16xi32>
    %swap3A_110 = arith.constant 0 : i32
    %swap3A_111 = arith.index_cast %swap3A_110 : i32 to index
    %swap3A_112 = arith.constant 0 : index
    %swap3A_113 = tpu.vector_load %arg14[%swap3A_111, %swap3A_112] {strides = array<i32>} : memref<4x128xi32, #tpu.memory_space<vmem>>, vector<16xi32>,
    tpu.vector_store %arg14[%swap3A_111, %swap3A_112], %add3A_109 {strides = array<i32>} : memref<4x128xi32, #tpu.memory_space<vmem>>, vector<16xi32>,
    %swap3A_114 = arith.constant 0 : i32
    %swap3A_115 = arith.index_cast %swap3A_114 : i32 to index
    %swap3A_116 = arith.constant 0 : index
    %swap3A_117 = tpu.vector_load %arg15[%swap3A_115, %swap3A_116] {strides = array<i32>} : memref<4x128xi32, #tpu.memory_space<vmem>>, vector<16xi32>,
    tpu.vector_store %arg15[%swap3A_115, %swap3A_116], %broadcast_in_dim3A_86 {strides = array<i32>} : memref<4x128xi32, #tpu.memory_space<vmem>>, vector<16xi32>,
    %mul3A_118 = arith.constant 512 : i32
    %mul3A_119 = arith.muli %arg0, %mul3A_118 : i32
    %mul3A_120 = arith.constant 4 : i32
    %mul3A_121 = arith.muli %arg1, %mul3A_120 : i32
    %add3A_122 = arith.constant 0 : i32
    %add3A_123 = arith.addi %mul3A_121, %add3A_122 : i32
    %get3A_124 = arith.index_cast %add3A_123 : i32 to index
    %get3A_125 = arith.constant 16 : index
    %get3A_126 = tpu.vector_load %arg11[%get3A_124, %get3A_125] {strides = array<i32>} : memref<64x128xi32, #tpu.memory_space<vmem>>, vector<16xi32>,
    %add3A_127 = vector.broadcast %mul3A_119 : i32 to vector<16xi32>
    %add3A_128 = arith.addi %add3A_127, %get3A_126 : vector<16xi32>
    %swap3A_129 = arith.constant 0 : i32
    %swap3A_130 = arith.index_cast %swap3A_129 : i32 to index
    %swap3A_131 = arith.constant 16 : index
    %swap3A_132 = tpu.vector_load %arg13[%swap3A_130, %swap3A_131] {strides = array<i32>} : memref<4x128xi32, #tpu.memory_space<vmem>>, vector<16xi32>,
    tpu.vector_store %arg13[%swap3A_130, %swap3A_131], %add3A_128 {strides = array<i32>} : memref<4x128xi32, #tpu.memory_space<vmem>>, vector<16xi32>,
    %mul3A_133 = arith.constant 512 : i32
    %mul3A_134 = arith.muli %arg0, %mul3A_133 : i32
    %mul3A_135 = arith.constant 4 : i32
    %mul3A_136 = arith.muli %arg1, %mul3A_135 : i32
    %add3A_137 = arith.constant 0 : i32
    %add3A_138 = arith.addi %mul3A_136, %add3A_137 : i32
    %get3A_139 = arith.index_cast %add3A_138 : i32 to index
    %get3A_140 = arith.constant 16 : index
    %get3A_141 = tpu.vector_load %arg12[%get3A_139, %get3A_140] {strides = array<i32>} : memref<64x128xi32, #tpu.memory_space<vmem>>, vector<16xi32>,
    %add3A_142 = vector.broadcast %mul3A_134 : i32 to vector<16xi32>
    %add3A_143 = arith.addi %add3A_142, %get3A_141 : vector<16xi32>
    %swap3A_144 = arith.constant 0 : i32
    %swap3A_145 = arith.index_cast %swap3A_144 : i32 to index
    %swap3A_146 = arith.constant 16 : index
    %swap3A_147 = tpu.vector_load %arg14[%swap3A_145, %swap3A_146] {strides = array<i32>} : memref<4x128xi32, #tpu.memory_space<vmem>>, vector<16xi32>,
    tpu.vector_store %arg14[%swap3A_145, %swap3A_146], %add3A_143 {strides = array<i32>} : memref<4x128xi32, #tpu.memory_space<vmem>>, vector<16xi32>,
    %swap3A_148 = arith.constant 0 : i32
    %swap3A_149 = arith.index_cast %swap3A_148 : i32 to index
    %swap3A_150 = arith.constant 16 : index
    %swap3A_151 = tpu.vector_load %arg15[%swap3A_149, %swap3A_150] {strides = array<i32>} : memref<4x128xi32, #tpu.memory_space<vmem>>, vector<16xi32>,
    tpu.vector_store %arg15[%swap3A_149, %swap3A_150], %broadcast_in_dim3A_86 {strides = array<i32>} : memref<4x128xi32, #tpu.memory_space<vmem>>, vector<16xi32>,
    %mul3A_152 = arith.constant 512 : i32
    %mul3A_153 = arith.muli %arg0, %mul3A_152 : i32
    %mul3A_154 = arith.constant 4 : i32
    %mul3A_155 = arith.muli %arg1, %mul3A_154 : i32
    %add3A_156 = arith.constant 0 : i32
    %add3A_157 = arith.addi %mul3A_155, %add3A_156 : i32
    %get3A_158 = arith.index_cast %add3A_157 : i32 to index
    %get3A_159 = arith.constant 32 : index
    %get3A_160 = tpu.vector_load %arg11[%get3A_158, %get3A_159] {strides = array<i32>} : memref<64x128xi32, #tpu.memory_space<vmem>>, vector<16xi32>,
    %add3A_161 = vector.broadcast %mul3A_153 : i32 to vector<16xi32>
    %add3A_162 = arith.addi %add3A_161, %get3A_160 : vector<16xi32>
    %swap3A_163 = arith.constant 0 : i32
    %swap3A_164 = arith.index_cast %swap3A_163 : i32 to index
    %swap3A_165 = arith.constant 32 : index
    %swap3A_166 = tpu.vector_load %arg13[%swap3A_164, %swap3A_165] {strides = array<i32>} : memref<4x128xi32, #tpu.memory_space<vmem>>, vector<16xi32>,
    tpu.vector_store %arg13[%swap3A_164, %swap3A_165], %add3A_162 {strides = array<i32>} : memref<4x128xi32, #tpu.memory_space<vmem>>, vector<16xi32>,
    %mul3A_167 = arith.constant 512 : i32
    %mul3A_168 = arith.muli %arg0, %mul3A_167 : i32
    %mul3A_169 = arith.constant 4 : i32
    %mul3A_170 = arith.muli %arg1, %mul3A_169 : i32
    %add3A_171 = arith.constant 0 : i32
    %add3A_172 = arith.addi %mul3A_170, %add3A_171 : i32
    %get3A_173 = arith.index_cast %add3A_172 : i32 to index
    %get3A_174 = arith.constant 32 : index
    %get3A_175 = tpu.vector_load %arg12[%get3A_173, %get3A_174] {strides = array<i32>} : memref<64x128xi32, #tpu.memory_space<vmem>>, vector<16xi32>,
    %add3A_176 = vector.broadcast %mul3A_168 : i32 to vector<16xi32>
    %add3A_177 = arith.addi %add3A_176, %get3A_175 : vector<16xi32>
    %swap3A_178 = arith.constant 0 : i32
    %swap3A_179 = arith.index_cast %swap3A_178 : i32 to index
    %swap3A_180 = arith.constant 32 : index
    %swap3A_181 = tpu.vector_load %arg14[%swap3A_179, %swap3A_180] {strides = array<i32>} : memref<4x128xi32, #tpu.memory_space<vmem>>, vector<16xi32>,
    tpu.vector_store %arg14[%swap3A_179, %swap3A_180], %add3A_177 {strides = array<i32>} : memref<4x128xi32, #tpu.memory_space<vmem>>, vector<16xi32>,
    %swap3A_182 = arith.constant 0 : i32
    %swap3A_183 = arith.index_cast %swap3A_182 : i32 to index
    %swap3A_184 = arith.constant 32 : index
    %swap3A_185 = tpu.vector_load %arg15[%swap3A_183, %swap3A_184] {strides = array<i32>} : memref<4x128xi32, #tpu.memory_space<vmem>>, vector<16xi32>,
    tpu.vector_store %arg15[%swap3A_183, %swap3A_184], %broadcast_in_dim3A_86 {strides = array<i32>} : memref<4x128xi32, #tpu.memory_space<vmem>>, vector<16xi32>,
    %mul3A_186 = arith.constant 512 : i32
    %mul3A_187 = arith.muli %arg0, %mul3A_186 : i32
    %mul3A_188 = arith.constant 4 : i32
    %mul3A_189 = arith.muli %arg1, %mul3A_188 : i32
    %add3A_190 = arith.constant 0 : i32
    %add3A_191 = arith.addi %mul3A_189, %add3A_190 : i32
    %get3A_192 = arith.index_cast %add3A_191 : i32 to index
    %get3A_193 = arith.constant 48 : index
    %get3A_194 = tpu.vector_load %arg11[%get3A_192, %get3A_193] {strides = array<i32>} : memref<64x128xi32, #tpu.memory_space<vmem>>, vector<16xi32>,
    %add3A_195 = vector.broadcast %mul3A_187 : i32 to vector<16xi32>
    %add3A_196 = arith.addi %add3A_195, %get3A_194 : vector<16xi32>
    %swap3A_197 = arith.constant 0 : i32
    %swap3A_198 = arith.index_cast %swap3A_197 : i32 to index
    %swap3A_199 = arith.constant 48 : index
    %swap3A_200 = tpu.vector_load %arg13[%swap3A_198, %swap3A_199] {strides = array<i32>} : memref<4x128xi32, #tpu.memory_space<vmem>>, vector<16xi32>,
    tpu.vector_store %arg13[%swap3A_198, %swap3A_199], %add3A_196 {strides = array<i32>} : memref<4x128xi32, #tpu.memory_space<vmem>>, vector<16xi32>,
    %mul3A_201 = arith.constant 512 : i32
    %mul3A_202 = arith.muli %arg0, %mul3A_201 : i32
    %mul3A_203 = arith.constant 4 : i32
    %mul3A_204 = arith.muli %arg1, %mul3A_203 : i32
    %add3A_205 = arith.constant 0 : i32
    %add3A_206 = arith.addi %mul3A_204, %add3A_205 : i32
    %get3A_207 = arith.index_cast %add3A_206 : i32 to index
    %get3A_208 = arith.constant 48 : index
    %get3A_209 = tpu.vector_load %arg12[%get3A_207, %get3A_208] {strides = array<i32>} : memref<64x128xi32, #tpu.memory_space<vmem>>, vector<16xi32>,
    %add3A_210 = vector.broadcast %mul3A_202 : i32 to vector<16xi32>
    %add3A_211 = arith.addi %add3A_210, %get3A_209 : vector<16xi32>
    %swap3A_212 = arith.constant 0 : i32
    %swap3A_213 = arith.index_cast %swap3A_212 : i32 to index
    %swap3A_214 = arith.constant 48 : index
    %swap3A_215 = tpu.vector_load %arg14[%swap3A_213, %swap3A_214] {strides = array<i32>} : memref<4x128xi32, #tpu.memory_space<vmem>>, vector<16xi32>,
    tpu.vector_store %arg14[%swap3A_213, %swap3A_214], %add3A_211 {strides = array<i32>} : memref<4x128xi32, #tpu.memory_space<vmem>>, vector<16xi32>,
    %swap3A_216 = arith.constant 0 : i32
    %swap3A_217 = arith.index_cast %swap3A_216 : i32 to index
    %swap3A_218 = arith.constant 48 : index
    %swap3A_219 = tpu.vector_load %arg15[%swap3A_217, %swap3A_218] {strides = array<i32>} : memref<4x128xi32, #tpu.memory_space<vmem>>, vector<16xi32>,
    tpu.vector_store %arg15[%swap3A_217, %swap3A_218], %broadcast_in_dim3A_86 {strides = array<i32>} : memref<4x128xi32, #tpu.memory_space<vmem>>, vector<16xi32>,
    %mul3A_220 = arith.constant 512 : i32
    %mul3A_221 = arith.muli %arg0, %mul3A_220 : i32
    %mul3A_222 = arith.constant 4 : i32
    %mul3A_223 = arith.muli %arg1, %mul3A_222 : i32
    %add3A_224 = arith.constant 0 : i32
    %add3A_225 = arith.addi %mul3A_223, %add3A_224 : i32
    %get3A_226 = arith.index_cast %add3A_225 : i32 to index
    %get3A_227 = arith.constant 64 : index
    %get3A_228 = tpu.vector_load %arg11[%get3A_226, %get3A_227] {strides = array<i32>} : memref<64x128xi32, #tpu.memory_space<vmem>>, vector<16xi32>,
    %add3A_229 = vector.broadcast %mul3A_221 : i32 to vector<16xi32>
    %add3A_230 = arith.addi %add3A_229, %get3A_228 : vector<16xi32>
    %swap3A_231 = arith.constant 0 : i32
    %swap3A_232 = arith.index_cast %swap3A_231 : i32 to index
    %swap3A_233 = arith.constant 64 : index
    %swap3A_234 = tpu.vector_load %arg13[%swap3A_232, %swap3A_233] {strides = array<i32>} : memref<4x128xi32, #tpu.memory_space<vmem>>, vector<16xi32>,
    tpu.vector_store %arg13[%swap3A_232, %swap3A_233], %add3A_230 {strides = array<i32>} : memref<4x128xi32, #tpu.memory_space<vmem>>, vector<16xi32>,
    %mul3A_235 = arith.constant 512 : i32
    %mul3A_236 = arith.muli %arg0, %mul3A_235 : i32
    %mul3A_237 = arith.constant 4 : i32
    %mul3A_238 = arith.muli %arg1, %mul3A_237 : i32
    %add3A_239 = arith.constant 0 : i32
    %add3A_240 = arith.addi %mul3A_238, %add3A_239 : i32
    %get3A_241 = arith.index_cast %add3A_240 : i32 to index
    %get3A_242 = arith.constant 64 : index
    %get3A_243 = tpu.vector_load %arg12[%get3A_241, %get3A_242] {strides = array<i32>} : memref<64x128xi32, #tpu.memory_space<vmem>>, vector<16xi32>,
    %add3A_244 = vector.broadcast %mul3A_236 : i32 to vector<16xi32>
    %add3A_245 = arith.addi %add3A_244, %get3A_243 : vector<16xi32>
    %swap3A_246 = arith.constant 0 : i32
    %swap3A_247 = arith.index_cast %swap3A_246 : i32 to index
    %swap3A_248 = arith.constant 64 : index
    %swap3A_249 = tpu.vector_load %arg14[%swap3A_247, %swap3A_248] {strides = array<i32>} : memref<4x128xi32, #tpu.memory_space<vmem>>, vector<16xi32>,
    tpu.vector_store %arg14[%swap3A_247, %swap3A_248], %add3A_245 {strides = array<i32>} : memref<4x128xi32, #tpu.memory_space<vmem>>, vector<16xi32>,
    %swap3A_250 = arith.constant 0 : i32
    %swap3A_251 = arith.index_cast %swap3A_250 : i32 to index
    %swap3A_252 = arith.constant 64 : index
    %swap3A_253 = tpu.vector_load %arg15[%swap3A_251, %swap3A_252] {strides = array<i32>} : memref<4x128xi32, #tpu.memory_space<vmem>>, vector<16xi32>,
    tpu.vector_store %arg15[%swap3A_251, %swap3A_252], %broadcast_in_dim3A_86 {strides = array<i32>} : memref<4x128xi32, #tpu.memory_space<vmem>>, vector<16xi32>,
    %mul3A_254 = arith.constant 512 : i32
    %mul3A_255 = arith.muli %arg0, %mul3A_254 : i32
    %mul3A_256 = arith.constant 4 : i32
    %mul3A_257 = arith.muli %arg1, %mul3A_256 : i32
    %add3A_258 = arith.constant 0 : i32
    %add3A_259 = arith.addi %mul3A_257, %add3A_258 : i32
    %get3A_260 = arith.index_cast %add3A_259 : i32 to index
    %get3A_261 = arith.constant 80 : index
    %get3A_262 = tpu.vector_load %arg11[%get3A_260, %get3A_261] {strides = array<i32>} : memref<64x128xi32, #tpu.memory_space<vmem>>, vector<16xi32>,
    %add3A_263 = vector.broadcast %mul3A_255 : i32 to vector<16xi32>
    %add3A_264 = arith.addi %add3A_263, %get3A_262 : vector<16xi32>
    %swap3A_265 = arith.constant 0 : i32
    %swap3A_266 = arith.index_cast %swap3A_265 : i32 to index
    %swap3A_267 = arith.constant 80 : index
    %swap3A_268 = tpu.vector_load %arg13[%swap3A_266, %swap3A_267] {strides = array<i32>} : memref<4x128xi32, #tpu.memory_space<vmem>>, vector<16xi32>,
    tpu.vector_store %arg13[%swap3A_266, %swap3A_267], %add3A_264 {strides = array<i32>} : memref<4x128xi32, #tpu.memory_space<vmem>>, vector<16xi32>,
    %mul3A_269 = arith.constant 512 : i32
    %mul3A_270 = arith.muli %arg0, %mul3A_269 : i32
    %mul3A_271 = arith.constant 4 : i32
    %mul3A_272 = arith.muli %arg1, %mul3A_271 : i32
    %add3A_273 = arith.constant 0 : i32
    %add3A_274 = arith.addi %mul3A_272, %add3A_273 : i32
    %get3A_275 = arith.index_cast %add3A_274 : i32 to index
    %get3A_276 = arith.constant 80 : index
    %get3A_277 = tpu.vector_load %arg12[%get3A_275, %get3A_276] {strides = array<i32>} : memref<64x128xi32, #tpu.memory_space<vmem>>, vector<16xi32>,
    %add3A_278 = vector.broadcast %mul3A_270 : i32 to vector<16xi32>
    %add3A_279 = arith.addi %add3A_278, %get3A_277 : vector<16xi32>
    %swap3A_280 = arith.constant 0 : i32
    %swap3A_281 = arith.index_cast %swap3A_280 : i32 to index
    %swap3A_282 = arith.constant 80 : index
    %swap3A_283 = tpu.vector_load %arg14[%swap3A_281, %swap3A_282] {strides = array<i32>} : memref<4x128xi32, #tpu.memory_space<vmem>>, vector<16xi32>,
    tpu.vector_store %arg14[%swap3A_281, %swap3A_282], %add3A_279 {strides = array<i32>} : memref<4x128xi32, #tpu.memory_space<vmem>>, vector<16xi32>,
    %swap3A_284 = arith.constant 0 : i32
    %swap3A_285 = arith.index_cast %swap3A_284 : i32 to index
    %swap3A_286 = arith.constant 80 : index
    %swap3A_287 = tpu.vector_load %arg15[%swap3A_285, %swap3A_286] {strides = array<i32>} : memref<4x128xi32, #tpu.memory_space<vmem>>, vector<16xi32>,
    tpu.vector_store %arg15[%swap3A_285, %swap3A_286], %broadcast_in_dim3A_86 {strides = array<i32>} : memref<4x128xi32, #tpu.memory_space<vmem>>, vector<16xi32>,
    %mul3A_288 = arith.constant 512 : i32
    %mul3A_289 = arith.muli %arg0, %mul3A_288 : i32
    %mul3A_290 = arith.constant 4 : i32
    %mul3A_291 = arith.muli %arg1, %mul3A_290 : i32
    %add3A_292 = arith.constant 0 : i32
    %add3A_293 = arith.addi %mul3A_291, %add3A_292 : i32
    %get3A_294 = arith.index_cast %add3A_293 : i32 to index
    %get3A_295 = arith.constant 96 : index
    %get3A_296 = tpu.vector_load %arg11[%get3A_294, %get3A_295] {strides = array<i32>} : memref<64x128xi32, #tpu.memory_space<vmem>>, vector<16xi32>,
    %add3A_297 = vector.broadcast %mul3A_289 : i32 to vector<16xi32>
    %add3A_298 = arith.addi %add3A_297, %get3A_296 : vector<16xi32>
    %swap3A_299 = arith.constant 0 : i32
    %swap3A_300 = arith.index_cast %swap3A_299 : i32 to index
    %swap3A_301 = arith.constant 96 : index
    %swap3A_302 = tpu.vector_load %arg13[%swap3A_300, %swap3A_301] {strides = array<i32>} : memref<4x128xi32, #tpu.memory_space<vmem>>, vector<16xi32>,
    tpu.vector_store %arg13[%swap3A_300, %swap3A_301], %add3A_298 {strides = array<i32>} : memref<4x128xi32, #tpu.memory_space<vmem>>, vector<16xi32>,
    %mul3A_303 = arith.constant 512 : i32
    %mul3A_304 = arith.muli %arg0, %mul3A_303 : i32
    %mul3A_305 = arith.constant 4 : i32
    %mul3A_306 = arith.muli %arg1, %mul3A_305 : i32
    %add3A_307 = arith.constant 0 : i32
    %add3A_308 = arith.addi %mul3A_306, %add3A_307 : i32
    %get3A_309 = arith.index_cast %add3A_308 : i32 to index
    %get3A_310 = arith.constant 96 : index
    %get3A_311 = tpu.vector_load %arg12[%get3A_309, %get3A_310] {strides = array<i32>} : memref<64x128xi32, #tpu.memory_space<vmem>>, vector<16xi32>,
    %add3A_312 = vector.broadcast %mul3A_304 : i32 to vector<16xi32>
    %add3A_313 = arith.addi %add3A_312, %get3A_311 : vector<16xi32>
    %swap3A_314 = arith.constant 0 : i32
    %swap3A_315 = arith.index_cast %swap3A_314 : i32 to index
    %swap3A_316 = arith.constant 96 : index
    %swap3A_317 = tpu.vector_load %arg14[%swap3A_315, %swap3A_316] {strides = array<i32>} : memref<4x128xi32, #tpu.memory_space<vmem>>, vector<16xi32>,
    tpu.vector_store %arg14[%swap3A_315, %swap3A_316], %add3A_313 {strides = array<i32>} : memref<4x128xi32, #tpu.memory_space<vmem>>, vector<16xi32>,
    %swap3A_318 = arith.constant 0 : i32
    %swap3A_319 = arith.index_cast %swap3A_318 : i32 to index
    %swap3A_320 = arith.constant 96 : index
    %swap3A_321 = tpu.vector_load %arg15[%swap3A_319, %swap3A_320] {strides = array<i32>} : memref<4x128xi32, #tpu.memory_space<vmem>>, vector<16xi32>,
    tpu.vector_store %arg15[%swap3A_319, %swap3A_320], %broadcast_in_dim3A_86 {strides = array<i32>} : memref<4x128xi32, #tpu.memory_space<vmem>>, vector<16xi32>,
    %mul3A_322 = arith.constant 512 : i32
    %mul3A_323 = arith.muli %arg0, %mul3A_322 : i32
    %mul3A_324 = arith.constant 4 : i32
    %mul3A_325 = arith.muli %arg1, %mul3A_324 : i32
    %add3A_326 = arith.constant 0 : i32
    %add3A_327 = arith.addi %mul3A_325, %add3A_326 : i32
    %get3A_328 = arith.index_cast %add3A_327 : i32 to index
    %get3A_329 = arith.constant 112 : index
    %get3A_330 = tpu.vector_load %arg11[%get3A_328, %get3A_329] {strides = array<i32>} : memref<64x128xi32, #tpu.memory_space<vmem>>, vector<16xi32>,
    %add3A_331 = vector.broadcast %mul3A_323 : i32 to vector<16xi32>
    %add3A_332 = arith.addi %add3A_331, %get3A_330 : vector<16xi32>
    %swap3A_333 = arith.constant 0 : i32
    %swap3A_334 = arith.index_cast %swap3A_333 : i32 to index
    %swap3A_335 = arith.constant 112 : index
    %swap3A_336 = tpu.vector_load %arg13[%swap3A_334, %swap3A_335] {strides = array<i32>} : memref<4x128xi32, #tpu.memory_space<vmem>>, vector<16xi32>,
    tpu.vector_store %arg13[%swap3A_334, %swap3A_335], %add3A_332 {strides = array<i32>} : memref<4x128xi32, #tpu.memory_space<vmem>>, vector<16xi32>,
    %mul3A_337 = arith.constant 512 : i32
    %mul3A_338 = arith.muli %arg0, %mul3A_337 : i32
    %mul3A_339 = arith.constant 4 : i32
    %mul3A_340 = arith.muli %arg1, %mul3A_339 : i32
    %add3A_341 = arith.constant 0 : i32
    %add3A_342 = arith.addi %mul3A_340, %add3A_341 : i32
    %get3A_343 = arith.index_cast %add3A_342 : i32 to index
    %get3A_344 = arith.constant 112 : index
    %get3A_345 = tpu.vector_load %arg12[%get3A_343, %get3A_344] {strides = array<i32>} : memref<64x128xi32, #tpu.memory_space<vmem>>, vector<16xi32>,
    %add3A_346 = vector.broadcast %mul3A_338 : i32 to vector<16xi32>
    %add3A_347 = arith.addi %add3A_346, %get3A_345 : vector<16xi32>
    %swap3A_348 = arith.constant 0 : i32
    %swap3A_349 = arith.index_cast %swap3A_348 : i32 to index
    %swap3A_350 = arith.constant 112 : index
    %swap3A_351 = tpu.vector_load %arg14[%swap3A_349, %swap3A_350] {strides = array<i32>} : memref<4x128xi32, #tpu.memory_space<vmem>>, vector<16xi32>,
    tpu.vector_store %arg14[%swap3A_349, %swap3A_350], %add3A_347 {strides = array<i32>} : memref<4x128xi32, #tpu.memory_space<vmem>>, vector<16xi32>,
    %swap3A_352 = arith.constant 0 : i32
    %swap3A_353 = arith.index_cast %swap3A_352 : i32 to index
    %swap3A_354 = arith.constant 112 : index
    %swap3A_355 = tpu.vector_load %arg15[%swap3A_353, %swap3A_354] {strides = array<i32>} : memref<4x128xi32, #tpu.memory_space<vmem>>, vector<16xi32>,
    tpu.vector_store %arg15[%swap3A_353, %swap3A_354], %broadcast_in_dim3A_86 {strides = array<i32>} : memref<4x128xi32, #tpu.memory_space<vmem>>, vector<16xi32>,
    %mul3A_356 = arith.constant 512 : i32
    %mul3A_357 = arith.muli %arg0, %mul3A_356 : i32
    %mul3A_358 = arith.constant 4 : i32
    %mul3A_359 = arith.muli %arg1, %mul3A_358 : i32
    %add3A_360 = arith.constant 1 : i32
    %add3A_361 = arith.addi %mul3A_359, %add3A_360 : i32
    %get3A_362 = arith.index_cast %add3A_361 : i32 to index
    %get3A_363 = arith.constant 0 : index
    %get3A_364 = tpu.vector_load %arg11[%get3A_362, %get3A_363] {strides = array<i32>} : memref<64x128xi32, #tpu.memory_space<vmem>>, vector<16xi32>,
    %add3A_365 = vector.broadcast %mul3A_357 : i32 to vector<16xi32>
    %add3A_366 = arith.addi %add3A_365, %get3A_364 : vector<16xi32>
    %swap3A_367 = arith.constant 1 : i32
    %swap3A_368 = arith.index_cast %swap3A_367 : i32 to index
    %swap3A_369 = arith.constant 0 : index
    %swap3A_370 = tpu.vector_load %arg13[%swap3A_368, %swap3A_369] {strides = array<i32>} : memref<4x128xi32, #tpu.memory_space<vmem>>, vector<16xi32>,
    tpu.vector_store %arg13[%swap3A_368, %swap3A_369], %add3A_366 {strides = array<i32>} : memref<4x128xi32, #tpu.memory_space<vmem>>, vector<16xi32>,
    %mul3A_371 = arith.constant 512 : i32
    %mul3A_372 = arith.muli %arg0, %mul3A_371 : i32
    %mul3A_373 = arith.constant 4 : i32
    %mul3A_374 = arith.muli %arg1, %mul3A_373 : i32
    %add3A_375 = arith.constant 1 : i32
    %add3A_376 = arith.addi %mul3A_374, %add3A_375 : i32
    %get3A_377 = arith.index_cast %add3A_376 : i32 to index
    %get3A_378 = arith.constant 0 : index
    %get3A_379 = tpu.vector_load %arg12[%get3A_377, %get3A_378] {strides = array<i32>} : memref<64x128xi32, #tpu.memory_space<vmem>>, vector<16xi32>,
    %add3A_380 = vector.broadcast %mul3A_372 : i32 to vector<16xi32>
    %add3A_381 = arith.addi %add3A_380, %get3A_379 : vector<16xi32>
    %swap3A_382 = arith.constant 1 : i32
    %swap3A_383 = arith.index_cast %swap3A_382 : i32 to index
    %swap3A_384 = arith.constant 0 : index
    %swap3A_385 = tpu.vector_load %arg14[%swap3A_383, %swap3A_384] {strides = array<i32>} : memref<4x128xi32, #tpu.memory_space<vmem>>, vector<16xi32>,
    tpu.vector_store %arg14[%swap3A_383, %swap3A_384], %add3A_381 {strides = array<i32>} : memref<4x128xi32, #tpu.memory_space<vmem>>, vector<16xi32>,
    %swap3A_386 = arith.constant 1 : i32
    %swap3A_387 = arith.index_cast %swap3A_386 : i32 to index
    %swap3A_388 = arith.constant 0 : index
    %swap3A_389 = tpu.vector_load %arg15[%swap3A_387, %swap3A_388] {strides = array<i32>} : memref<4x128xi32, #tpu.memory_space<vmem>>, vector<16xi32>,
    tpu.vector_store %arg15[%swap3A_387, %swap3A_388], %broadcast_in_dim3A_86 {strides = array<i32>} : memref<4x128xi32, #tpu.memory_space<vmem>>, vector<16xi32>,
    %mul3A_390 = arith.constant 512 : i32
    %mul3A_391 = arith.muli %arg0, %mul3A_390 : i32
    %mul3A_392 = arith.constant 4 : i32
    %mul3A_393 = arith.muli %arg1, %mul3A_392 : i32
    %add3A_394 = arith.constant 1 : i32
    %add3A_395 = arith.addi %mul3A_393, %add3A_394 : i32
    %get3A_396 = arith.index_cast %add3A_395 : i32 to index
    %get3A_397 = arith.constant 16 : index
    %get3A_398 = tpu.vector_load %arg11[%get3A_396, %get3A_397] {strides = array<i32>} : memref<64x128xi32, #tpu.memory_space<vmem>>, vector<16xi32>,
    %add3A_399 = vector.broadcast %mul3A_391 : i32 to vector<16xi32>
    %add3A_400 = arith.addi %add3A_399, %get3A_398 : vector<16xi32>
    %swap3A_401 = arith.constant 1 : i32
    %swap3A_402 = arith.index_cast %swap3A_401 : i32 to index
    %swap3A_403 = arith.constant 16 : index
    %swap3A_404 = tpu.vector_load %arg13[%swap3A_402, %swap3A_403] {strides = array<i32>} : memref<4x128xi32, #tpu.memory_space<vmem>>, vector<16xi32>,
    tpu.vector_store %arg13[%swap3A_402, %swap3A_403], %add3A_400 {strides = array<i32>} : memref<4x128xi32, #tpu.memory_space<vmem>>, vector<16xi32>,
    %mul3A_405 = arith.constant 512 : i32
    %mul3A_406 = arith.muli %arg0, %mul3A_405 : i32
    %mul3A_407 = arith.constant 4 : i32
    %mul3A_408 = arith.muli %arg1, %mul3A_407 : i32
    %add3A_409 = arith.constant 1 : i32
    %add3A_410 = arith.addi %mul3A_408, %add3A_409 : i32
    %get3A_411 = arith.index_cast %add3A_410 : i32 to index
    %get3A_412 = arith.constant 16 : index
    %get3A_413 = tpu.vector_load %arg12[%get3A_411, %get3A_412] {strides = array<i32>} : memref<64x128xi32, #tpu.memory_space<vmem>>, vector<16xi32>,
    %add3A_414 = vector.broadcast %mul3A_406 : i32 to vector<16xi32>
    %add3A_415 = arith.addi %add3A_414, %get3A_413 : vector<16xi32>
    %swap3A_416 = arith.constant 1 : i32
    %swap3A_417 = arith.index_cast %swap3A_416 : i32 to index
    %swap3A_418 = arith.constant 16 : index
    %swap3A_419 = tpu.vector_load %arg14[%swap3A_417, %swap3A_418] {strides = array<i32>} : memref<4x128xi32, #tpu.memory_space<vmem>>, vector<16xi32>,
    tpu.vector_store %arg14[%swap3A_417, %swap3A_418], %add3A_415 {strides = array<i32>} : memref<4x128xi32, #tpu.memory_space<vmem>>, vector<16xi32>,
    %swap3A_420 = arith.constant 1 : i32
    %swap3A_421 = arith.index_cast %swap3A_420 : i32 to index
    %swap3A_422 = arith.constant 16 : index
    %swap3A_423 = tpu.vector_load %arg15[%swap3A_421, %swap3A_422] {strides = array<i32>} : memref<4x128xi32, #tpu.memory_space<vmem>>, vector<16xi32>,
    tpu.vector_store %arg15[%swap3A_421, %swap3A_422], %broadcast_in_dim3A_86 {strides = array<i32>} : memref<4x128xi32, #tpu.memory_space<vmem>>, vector<16xi32>,
    %mul3A_424 = arith.constant 512 : i32
    %mul3A_425 = arith.muli %arg0, %mul3A_424 : i32
    %mul3A_426 = arith.constant 4 : i32
    %mul3A_427 = arith.muli %arg1, %mul3A_426 : i32
    %add3A_428 = arith.constant 1 : i32
    %add3A_429 = arith.addi %mul3A_427, %add3A_428 : i32
    %get3A_430 = arith.index_cast %add3A_429 : i32 to index
    %get3A_431 = arith.constant 32 : index
    %get3A_432 = tpu.vector_load %arg11[%get3A_430, %get3A_431] {strides = array<i32>} : memref<64x128xi32, #tpu.memory_space<vmem>>, vector<16xi32>,
    %add3A_433 = vector.broadcast %mul3A_425 : i32 to vector<16xi32>
    %add3A_434 = arith.addi %add3A_433, %get3A_432 : vector<16xi32>
    %swap3A_435 = arith.constant 1 : i32
    %swap3A_436 = arith.index_cast %swap3A_435 : i32 to index
    %swap3A_437 = arith.constant 32 : index
    %swap3A_438 = tpu.vector_load %arg13[%swap3A_436, %swap3A_437] {strides = array<i32>} : memref<4x128xi32, #tpu.memory_space<vmem>>, vector<16xi32>,
    tpu.vector_store %arg13[%swap3A_436, %swap3A_437], %add3A_434 {strides = array<i32>} : memref<4x128xi32, #tpu.memory_space<vmem>>, vector<16xi32>,
    %mul3A_439 = arith.constant 512 : i32
    %mul3A_440 = arith.muli %arg0, %mul3A_439 : i32
    %mul3A_441 = arith.constant 4 : i32
    %mul3A_442 = arith.muli %arg1, %mul3A_441 : i32
    %add3A_443 = arith.constant 1 : i32
    %add3A_444 = arith.addi %mul3A_442, %add3A_443 : i32
    %get3A_445 = arith.index_cast %add3A_444 : i32 to index
    %get3A_446 = arith.constant 32 : index
    %get3A_447 = tpu.vector_load %arg12[%get3A_445, %get3A_446] {strides = array<i32>} : memref<64x128xi32, #tpu.memory_space<vmem>>, vector<16xi32>,
    %add3A_448 = vector.broadcast %mul3A_440 : i32 to vector<16xi32>
    %add3A_449 = arith.addi %add3A_448, %get3A_447 : vector<16xi32>
    %swap3A_450 = arith.constant 1 : i32
    %swap3A_451 = arith.index_cast %swap3A_450 : i32 to index
    %swap3A_452 = arith.constant 32 : index
    %swap3A_453 = tpu.vector_load %arg14[%swap3A_451, %swap3A_452] {strides = array<i32>} : memref<4x128xi32, #tpu.memory_space<vmem>>, vector<16xi32>,
    tpu.vector_store %arg14[%swap3A_451, %swap3A_452], %add3A_449 {strides = array<i32>} : memref<4x128xi32, #tpu.memory_space<vmem>>, vector<16xi32>,
    %swap3A_454 = arith.constant 1 : i32
    %swap3A_455 = arith.index_cast %swap3A_454 : i32 to index
    %swap3A_456 = arith.constant 32 : index
    %swap3A_457 = tpu.vector_load %arg15[%swap3A_455, %swap3A_456] {strides = array<i32>} : memref<4x128xi32, #tpu.memory_space<vmem>>, vector<16xi32>,
    tpu.vector_store %arg15[%swap3A_455, %swap3A_456], %broadcast_in_dim3A_86 {strides = array<i32>} : memref<4x128xi32, #tpu.memory_space<vmem>>, vector<16xi32>,
    %mul3A_458 = arith.constant 512 : i32
    %mul3A_459 = arith.muli %arg0, %mul3A_458 : i32
    %mul3A_460 = arith.constant 4 : i32
    %mul3A_461 = arith.muli %arg1, %mul3A_460 : i32
    %add3A_462 = arith.constant 1 : i32
    %add3A_463 = arith.addi %mul3A_461, %add3A_462 : i32
    %get3A_464 = arith.index_cast %add3A_463 : i32 to index
    %get3A_465 = arith.constant 48 : index
    %get3A_466 = tpu.vector_load %arg11[%get3A_464, %get3A_465] {strides = array<i32>} : memref<64x128xi32, #tpu.memory_space<vmem>>, vector<16xi32>,
    %add3A_467 = vector.broadcast %mul3A_459 : i32 to vector<16xi32>
    %add3A_468 = arith.addi %add3A_467, %get3A_466 : vector<16xi32>
    %swap3A_469 = arith.constant 1 : i32
    %swap3A_470 = arith.index_cast %swap3A_469 : i32 to index
    %swap3A_471 = arith.constant 48 : index
    %swap3A_472 = tpu.vector_load %arg13[%swap3A_470, %swap3A_471] {strides = array<i32>} : memref<4x128xi32, #tpu.memory_space<vmem>>, vector<16xi32>,
    tpu.vector_store %arg13[%swap3A_470, %swap3A_471], %add3A_468 {strides = array<i32>} : memref<4x128xi32, #tpu.memory_space<vmem>>, vector<16xi32>,
    %mul3A_473 = arith.constant 512 : i32
    %mul3A_474 = arith.muli %arg0, %mul3A_473 : i32
    %mul3A_475 = arith.constant 4 : i32
    %mul3A_476 = arith.muli %arg1, %mul3A_475 : i32
    %add3A_477 = arith.constant 1 : i32
    %add3A_478 = arith.addi %mul3A_476, %add3A_477 : i32
    %get3A_479 = arith.index_cast %add3A_478 : i32 to index
    %get3A_480 = arith.constant 48 : index
    %get3A_481 = tpu.vector_load %arg12[%get3A_479, %get3A_480] {strides = array<i32>} : memref<64x128xi32, #tpu.memory_space<vmem>>, vector<16xi32>,
    %add3A_482 = vector.broadcast %mul3A_474 : i32 to vector<16xi32>
    %add3A_483 = arith.addi %add3A_482, %get3A_481 : vector<16xi32>
    %swap3A_484 = arith.constant 1 : i32
    %swap3A_485 = arith.index_cast %swap3A_484 : i32 to index
    %swap3A_486 = arith.constant 48 : index
    %swap3A_487 = tpu.vector_load %arg14[%swap3A_485, %swap3A_486] {strides = array<i32>} : memref<4x128xi32, #tpu.memory_space<vmem>>, vector<16xi32>,
    tpu.vector_store %arg14[%swap3A_485, %swap3A_486], %add3A_483 {strides = array<i32>} : memref<4x128xi32, #tpu.memory_space<vmem>>, vector<16xi32>,
    %swap3A_488 = arith.constant 1 : i32
    %swap3A_489 = arith.index_cast %swap3A_488 : i32 to index
    %swap3A_490 = arith.constant 48 : index
    %swap3A_491 = tpu.vector_load %arg15[%swap3A_489, %swap3A_490] {strides = array<i32>} : memref<4x128xi32, #tpu.memory_space<vmem>>, vector<16xi32>,
    tpu.vector_store %arg15[%swap3A_489, %swap3A_490], %broadcast_in_dim3A_86 {strides = array<i32>} : memref<4x128xi32, #tpu.memory_space<vmem>>, vector<16xi32>,
    %mul3A_492 = arith.constant 512 : i32
    %mul3A_493 = arith.muli %arg0, %mul3A_492 : i32
    %mul3A_494 = arith.constant 4 : i32
    %mul3A_495 = arith.muli %arg1, %mul3A_494 : i32
    %add3A_496 = arith.constant 1 : i32
    %add3A_497 = arith.addi %mul3A_495, %add3A_496 : i32
    %get3A_498 = arith.index_cast %add3A_497 : i32 to index
    %get3A_499 = arith.constant 64 : index
    %get3A_500 = tpu.vector_load %arg11[%get3A_498, %get3A_499] {strides = array<i32>} : memref<64x128xi32, #tpu.memory_space<vmem>>, vector<16xi32>,
    %add3A_501 = vector.broadcast %mul3A_493 : i32 to vector<16xi32>
    %add3A_502 = arith.addi %add3A_501, %get3A_500 : vector<16xi32>
    %swap3A_503 = arith.constant 1 : i32
    %swap3A_504 = arith.index_cast %swap3A_503 : i32 to index
    %swap3A_505 = arith.constant 64 : index
    %swap3A_506 = tpu.vector_load %arg13[%swap3A_504, %swap3A_505] {strides = array<i32>} : memref<4x128xi32, #tpu.memory_space<vmem>>, vector<16xi32>,
    tpu.vector_store %arg13[%swap3A_504, %swap3A_505], %add3A_502 {strides = array<i32>} : memref<4x128xi32, #tpu.memory_space<vmem>>, vector<16xi32>,
    %mul3A_507 = arith.constant 512 : i32
    %mul3A_508 = arith.muli %arg0, %mul3A_507 : i32
    %mul3A_509 = arith.constant 4 : i32
    %mul3A_510 = arith.muli %arg1, %mul3A_509 : i32
    %add3A_511 = arith.constant 1 : i32
    %add3A_512 = arith.addi %mul3A_510, %add3A_511 : i32
    %get3A_513 = arith.index_cast %add3A_512 : i32 to index
    %get3A_514 = arith.constant 64 : index
    %get3A_515 = tpu.vector_load %arg12[%get3A_513, %get3A_514] {strides = array<i32>} : memref<64x128xi32, #tpu.memory_space<vmem>>, vector<16xi32>,
    %add3A_516 = vector.broadcast %mul3A_508 : i32 to vector<16xi32>
    %add3A_517 = arith.addi %add3A_516, %get3A_515 : vector<16xi32>
    %swap3A_518 = arith.constant 1 : i32
    %swap3A_519 = arith.index_cast %swap3A_518 : i32 to index
    %swap3A_520 = arith.constant 64 : index
    %swap3A_521 = tpu.vector_load %arg14[%swap3A_519, %swap3A_520] {strides = array<i32>} : memref<4x128xi32, #tpu.memory_space<vmem>>, vector<16xi32>,
    tpu.vector_store %arg14[%swap3A_519, %swap3A_520], %add3A_517 {strides = array<i32>} : memref<4x128xi32, #tpu.memory_space<vmem>>, vector<16xi32>,
    %swap3A_522 = arith.constant 1 : i32
    %swap3A_523 = arith.index_cast %swap3A_522 : i32 to index
    %swap3A_524 = arith.constant 64 : index
    %swap3A_525 = tpu.vector_load %arg15[%swap3A_523, %swap3A_524] {strides = array<i32>} : memref<4x128xi32, #tpu.memory_space<vmem>>, vector<16xi32>,
    tpu.vector_store %arg15[%swap3A_523, %swap3A_524], %broadcast_in_dim3A_86 {strides = array<i32>} : memref<4x128xi32, #tpu.memory_space<vmem>>, vector<16xi32>,
    %mul3A_526 = arith.constant 512 : i32
    %mul3A_527 = arith.muli %arg0, %mul3A_526 : i32
    %mul3A_528 = arith.constant 4 : i32
    %mul3A_529 = arith.muli %arg1, %mul3A_528 : i32
    %add3A_530 = arith.constant 1 : i32
    %add3A_531 = arith.addi %mul3A_529, %add3A_530 : i32
    %get3A_532 = arith.index_cast %add3A_531 : i32 to index
    %get3A_533 = arith.constant 80 : index
    %get3A_534 = tpu.vector_load %arg11[%get3A_532, %get3A_533] {strides = array<i32>} : memref<64x128xi32, #tpu.memory_space<vmem>>, vector<16xi32>,
    %add3A_535 = vector.broadcast %mul3A_527 : i32 to vector<16xi32>
    %add3A_536 = arith.addi %add3A_535, %get3A_534 : vector<16xi32>
    %swap3A_537 = arith.constant 1 : i32
    %swap3A_538 = arith.index_cast %swap3A_537 : i32 to index
    %swap3A_539 = arith.constant 80 : index
    %swap3A_540 = tpu.vector_load %arg13[%swap3A_538, %swap3A_539] {strides = array<i32>} : memref<4x128xi32, #tpu.memory_space<vmem>>, vector<16xi32>,
    tpu.vector_store %arg13[%swap3A_538, %swap3A_539], %add3A_536 {strides = array<i32>} : memref<4x128xi32, #tpu.memory_space<vmem>>, vector<16xi32>,
    %mul3A_541 = arith.constant 512 : i32
    %mul3A_542 = arith.muli %arg0, %mul3A_541 : i32
    %mul3A_543 = arith.constant 4 : i32
    %mul3A_544 = arith.muli %arg1, %mul3A_543 : i32
    %add3A_545 = arith.constant 1 : i32
    %add3A_546 = arith.addi %mul3A_544, %add3A_545 : i32
    %get3A_547 = arith.index_cast %add3A_546 : i32 to index
    %get3A_548 = arith.constant 80 : index
    %get3A_549 = tpu.vector_load %arg12[%get3A_547, %get3A_548] {strides = array<i32>} : memref<64x128xi32, #tpu.memory_space<vmem>>, vector<16xi32>,
    %add3A_550 = vector.broadcast %mul3A_542 : i32 to vector<16xi32>
    %add3A_551 = arith.addi %add3A_550, %get3A_549 : vector<16xi32>
    %swap3A_552 = arith.constant 1 : i32
    %swap3A_553 = arith.index_cast %swap3A_552 : i32 to index
    %swap3A_554 = arith.constant 80 : index
    %swap3A_555 = tpu.vector_load %arg14[%swap3A_553, %swap3A_554] {strides = array<i32>} : memref<4x128xi32, #tpu.memory_space<vmem>>, vector<16xi32>,
    tpu.vector_store %arg14[%swap3A_553, %swap3A_554], %add3A_551 {strides = array<i32>} : memref<4x128xi32, #tpu.memory_space<vmem>>, vector<16xi32>,
    %swap3A_556 = arith.constant 1 : i32
    %swap3A_557 = arith.index_cast %swap3A_556 : i32 to index
    %swap3A_558 = arith.constant 80 : index
    %swap3A_559 = tpu.vector_load %arg15[%swap3A_557, %swap3A_558] {strides = array<i32>} : memref<4x128xi32, #tpu.memory_space<vmem>>, vector<16xi32>,
    tpu.vector_store %arg15[%swap3A_557, %swap3A_558], %broadcast_in_dim3A_86 {strides = array<i32>} : memref<4x128xi32, #tpu.memory_space<vmem>>, vector<16xi32>,
    %mul3A_560 = arith.constant 512 : i32
    %mul3A_561 = arith.muli %arg0, %mul3A_560 : i32
    %mul3A_562 = arith.constant 4 : i32
    %mul3A_563 = arith.muli %arg1, %mul3A_562 : i32
    %add3A_564 = arith.constant 1 : i32
    %add3A_565 = arith.addi %mul3A_563, %add3A_564 : i32
    %get3A_566 = arith.index_cast %add3A_565 : i32 to index
    %get3A_567 = arith.constant 96 : index
    %get3A_568 = tpu.vector_load %arg11[%get3A_566, %get3A_567] {strides = array<i32>} : memref<64x128xi32, #tpu.memory_space<vmem>>, vector<16xi32>,
    %add3A_569 = vector.broadcast %mul3A_561 : i32 to vector<16xi32>
    %add3A_570 = arith.addi %add3A_569, %get3A_568 : vector<16xi32>
    %swap3A_571 = arith.constant 1 : i32
    %swap3A_572 = arith.index_cast %swap3A_571 : i32 to index
    %swap3A_573 = arith.constant 96 : index
    %swap3A_574 = tpu.vector_load %arg13[%swap3A_572, %swap3A_573] {strides = array<i32>} : memref<4x128xi32, #tpu.memory_space<vmem>>, vector<16xi32>,
    tpu.vector_store %arg13[%swap3A_572, %swap3A_573], %add3A_570 {strides = array<i32>} : memref<4x128xi32, #tpu.memory_space<vmem>>, vector<16xi32>,
    %mul3A_575 = arith.constant 512 : i32
    %mul3A_576 = arith.muli %arg0, %mul3A_575 : i32
    %mul3A_577 = arith.constant 4 : i32
    %mul3A_578 = arith.muli %arg1, %mul3A_577 : i32
    %add3A_579 = arith.constant 1 : i32
    %add3A_580 = arith.addi %mul3A_578, %add3A_579 : i32
    %get3A_581 = arith.index_cast %add3A_580 : i32 to index
    %get3A_582 = arith.constant 96 : index
    %get3A_583 = tpu.vector_load %arg12[%get3A_581, %get3A_582] {strides = array<i32>} : memref<64x128xi32, #tpu.memory_space<vmem>>, vector<16xi32>,
    %add3A_584 = vector.broadcast %mul3A_576 : i32 to vector<16xi32>
    %add3A_585 = arith.addi %add3A_584, %get3A_583 : vector<16xi32>
    %swap3A_586 = arith.constant 1 : i32
    %swap3A_587 = arith.index_cast %swap3A_586 : i32 to index
    %swap3A_588 = arith.constant 96 : index
    %swap3A_589 = tpu.vector_load %arg14[%swap3A_587, %swap3A_588] {strides = array<i32>} : memref<4x128xi32, #tpu.memory_space<vmem>>, vector<16xi32>,
    tpu.vector_store %arg14[%swap3A_587, %swap3A_588], %add3A_585 {strides = array<i32>} : memref<4x128xi32, #tpu.memory_space<vmem>>, vector<16xi32>,
    %swap3A_590 = arith.constant 1 : i32
    %swap3A_591 = arith.index_cast %swap3A_590 : i32 to index
    %swap3A_592 = arith.constant 96 : index
    %swap3A_593 = tpu.vector_load %arg15[%swap3A_591, %swap3A_592] {strides = array<i32>} : memref<4x128xi32, #tpu.memory_space<vmem>>, vector<16xi32>,
    tpu.vector_store %arg15[%swap3A_591, %swap3A_592], %broadcast_in_dim3A_86 {strides = array<i32>} : memref<4x128xi32, #tpu.memory_space<vmem>>, vector<16xi32>,
    %mul3A_594 = arith.constant 512 : i32
    %mul3A_595 = arith.muli %arg0, %mul3A_594 : i32
    %mul3A_596 = arith.constant 4 : i32
    %mul3A_597 = arith.muli %arg1, %mul3A_596 : i32
    %add3A_598 = arith.constant 1 : i32
    %add3A_599 = arith.addi %mul3A_597, %add3A_598 : i32
    %get3A_600 = arith.index_cast %add3A_599 : i32 to index
    %get3A_601 = arith.constant 112 : index
    %get3A_602 = tpu.vector_load %arg11[%get3A_600, %get3A_601] {strides = array<i32>} : memref<64x128xi32, #tpu.memory_space<vmem>>, vector<16xi32>,
    %add3A_603 = vector.broadcast %mul3A_595 : i32 to vector<16xi32>
    %add3A_604 = arith.addi %add3A_603, %get3A_602 : vector<16xi32>
    %swap3A_605 = arith.constant 1 : i32
    %swap3A_606 = arith.index_cast %swap3A_605 : i32 to index
    %swap3A_607 = arith.constant 112 : index
    %swap3A_608 = tpu.vector_load %arg13[%swap3A_606, %swap3A_607] {strides = array<i32>} : memref<4x128xi32, #tpu.memory_space<vmem>>, vector<16xi32>,
    tpu.vector_store %arg13[%swap3A_606, %swap3A_607], %add3A_604 {strides = array<i32>} : memref<4x128xi32, #tpu.memory_space<vmem>>, vector<16xi32>,
    %mul3A_609 = arith.constant 512 : i32
    %mul3A_610 = arith.muli %arg0, %mul3A_609 : i32
    %mul3A_611 = arith.constant 4 : i32
    %mul3A_612 = arith.muli %arg1, %mul3A_611 : i32
    %add3A_613 = arith.constant 1 : i32
    %add3A_614 = arith.addi %mul3A_612, %add3A_613 : i32
    %get3A_615 = arith.index_cast %add3A_614 : i32 to index
    %get3A_616 = arith.constant 112 : index
    %get3A_617 = tpu.vector_load %arg12[%get3A_615, %get3A_616] {strides = array<i32>} : memref<64x128xi32, #tpu.memory_space<vmem>>, vector<16xi32>,
    %add3A_618 = vector.broadcast %mul3A_610 : i32 to vector<16xi32>
    %add3A_619 = arith.addi %add3A_618, %get3A_617 : vector<16xi32>
    %swap3A_620 = arith.constant 1 : i32
    %swap3A_621 = arith.index_cast %swap3A_620 : i32 to index
    %swap3A_622 = arith.constant 112 : index
    %swap3A_623 = tpu.vector_load %arg14[%swap3A_621, %swap3A_622] {strides = array<i32>} : memref<4x128xi32, #tpu.memory_space<vmem>>, vector<16xi32>,
    tpu.vector_store %arg14[%swap3A_621, %swap3A_622], %add3A_619 {strides = array<i32>} : memref<4x128xi32, #tpu.memory_space<vmem>>, vector<16xi32>,
    %swap3A_624 = arith.constant 1 : i32
    %swap3A_625 = arith.index_cast %swap3A_624 : i32 to index
    %swap3A_626 = arith.constant 112 : index
    %swap3A_627 = tpu.vector_load %arg15[%swap3A_625, %swap3A_626] {strides = array<i32>} : memref<4x128xi32, #tpu.memory_space<vmem>>, vector<16xi32>,
    tpu.vector_store %arg15[%swap3A_625, %swap3A_626], %broadcast_in_dim3A_86 {strides = array<i32>} : memref<4x128xi32, #tpu.memory_space<vmem>>, vector<16xi32>,
    %mul3A_628 = arith.constant 512 : i32
    %mul3A_629 = arith.muli %arg0, %mul3A_628 : i32
    %mul3A_630 = arith.constant 4 : i32
    %mul3A_631 = arith.muli %arg1, %mul3A_630 : i32
    %add3A_632 = arith.constant 2 : i32
    %add3A_633 = arith.addi %mul3A_631, %add3A_632 : i32
    %get3A_634 = arith.index_cast %add3A_633 : i32 to index
    %get3A_635 = arith.constant 0 : index
    %get3A_636 = tpu.vector_load %arg11[%get3A_634, %get3A_635] {strides = array<i32>} : memref<64x128xi32, #tpu.memory_space<vmem>>, vector<16xi32>,
    %add3A_637 = vector.broadcast %mul3A_629 : i32 to vector<16xi32>
    %add3A_638 = arith.addi %add3A_637, %get3A_636 : vector<16xi32>
    %swap3A_639 = arith.constant 2 : i32
    %swap3A_640 = arith.index_cast %swap3A_639 : i32 to index
    %swap3A_641 = arith.constant 0 : index
    %swap3A_642 = tpu.vector_load %arg13[%swap3A_640, %swap3A_641] {strides = array<i32>} : memref<4x128xi32, #tpu.memory_space<vmem>>, vector<16xi32>,
    tpu.vector_store %arg13[%swap3A_640, %swap3A_641], %add3A_638 {strides = array<i32>} : memref<4x128xi32, #tpu.memory_space<vmem>>, vector<16xi32>,
    %mul3A_643 = arith.constant 512 : i32
    %mul3A_644 = arith.muli %arg0, %mul3A_643 : i32
    %mul3A_645 = arith.constant 4 : i32
    %mul3A_646 = arith.muli %arg1, %mul3A_645 : i32
    %add3A_647 = arith.constant 2 : i32
    %add3A_648 = arith.addi %mul3A_646, %add3A_647 : i32
    %get3A_649 = arith.index_cast %add3A_648 : i32 to index
    %get3A_650 = arith.constant 0 : index
    %get3A_651 = tpu.vector_load %arg12[%get3A_649, %get3A_650] {strides = array<i32>} : memref<64x128xi32, #tpu.memory_space<vmem>>, vector<16xi32>,
    %add3A_652 = vector.broadcast %mul3A_644 : i32 to vector<16xi32>
    %add3A_653 = arith.addi %add3A_652, %get3A_651 : vector<16xi32>
    %swap3A_654 = arith.constant 2 : i32
    %swap3A_655 = arith.index_cast %swap3A_654 : i32 to index
    %swap3A_656 = arith.constant 0 : index
    %swap3A_657 = tpu.vector_load %arg14[%swap3A_655, %swap3A_656] {strides = array<i32>} : memref<4x128xi32, #tpu.memory_space<vmem>>, vector<16xi32>,
    tpu.vector_store %arg14[%swap3A_655, %swap3A_656], %add3A_653 {strides = array<i32>} : memref<4x128xi32, #tpu.memory_space<vmem>>, vector<16xi32>,
    %swap3A_658 = arith.constant 2 : i32
    %swap3A_659 = arith.index_cast %swap3A_658 : i32 to index
    %swap3A_660 = arith.constant 0 : index
    %swap3A_661 = tpu.vector_load %arg15[%swap3A_659, %swap3A_660] {strides = array<i32>} : memref<4x128xi32, #tpu.memory_space<vmem>>, vector<16xi32>,
    tpu.vector_store %arg15[%swap3A_659, %swap3A_660], %broadcast_in_dim3A_86 {strides = array<i32>} : memref<4x128xi32, #tpu.memory_space<vmem>>, vector<16xi32>,
    %mul3A_662 = arith.constant 512 : i32
    %mul3A_663 = arith.muli %arg0, %mul3A_662 : i32
    %mul3A_664 = arith.constant 4 : i32
    %mul3A_665 = arith.muli %arg1, %mul3A_664 : i32
    %add3A_666 = arith.constant 2 : i32
    %add3A_667 = arith.addi %mul3A_665, %add3A_666 : i32
    %get3A_668 = arith.index_cast %add3A_667 : i32 to index
    %get3A_669 = arith.constant 16 : index
    %get3A_670 = tpu.vector_load %arg11[%get3A_668, %get3A_669] {strides = array<i32>} : memref<64x128xi32, #tpu.memory_space<vmem>>, vector<16xi32>,
    %add3A_671 = vector.broadcast %mul3A_663 : i32 to vector<16xi32>
    %add3A_672 = arith.addi %add3A_671, %get3A_670 : vector<16xi32>
    %swap3A_673 = arith.constant 2 : i32
    %swap3A_674 = arith.index_cast %swap3A_673 : i32 to index
    %swap3A_675 = arith.constant 16 : index
    %swap3A_676 = tpu.vector_load %arg13[%swap3A_674, %swap3A_675] {strides = array<i32>} : memref<4x128xi32, #tpu.memory_space<vmem>>, vector<16xi32>,
    tpu.vector_store %arg13[%swap3A_674, %swap3A_675], %add3A_672 {strides = array<i32>} : memref<4x128xi32, #tpu.memory_space<vmem>>, vector<16xi32>,
    %mul3A_677 = arith.constant 512 : i32
    %mul3A_678 = arith.muli %arg0, %mul3A_677 : i32
    %mul3A_679 = arith.constant 4 : i32
    %mul3A_680 = arith.muli %arg1, %mul3A_679 : i32
    %add3A_681 = arith.constant 2 : i32
    %add3A_682 = arith.addi %mul3A_680, %add3A_681 : i32
    %get3A_683 = arith.index_cast %add3A_682 : i32 to index
    %get3A_684 = arith.constant 16 : index
    %get3A_685 = tpu.vector_load %arg12[%get3A_683, %get3A_684] {strides = array<i32>} : memref<64x128xi32, #tpu.memory_space<vmem>>, vector<16xi32>,
    %add3A_686 = vector.broadcast %mul3A_678 : i32 to vector<16xi32>
    %add3A_687 = arith.addi %add3A_686, %get3A_685 : vector<16xi32>
    %swap3A_688 = arith.constant 2 : i32
    %swap3A_689 = arith.index_cast %swap3A_688 : i32 to index
    %swap3A_690 = arith.constant 16 : index
    %swap3A_691 = tpu.vector_load %arg14[%swap3A_689, %swap3A_690] {strides = array<i32>} : memref<4x128xi32, #tpu.memory_space<vmem>>, vector<16xi32>,
    tpu.vector_store %arg14[%swap3A_689, %swap3A_690], %add3A_687 {strides = array<i32>} : memref<4x128xi32, #tpu.memory_space<vmem>>, vector<16xi32>,
    %swap3A_692 = arith.constant 2 : i32
    %swap3A_693 = arith.index_cast %swap3A_692 : i32 to index
    %swap3A_694 = arith.constant 16 : index
    %swap3A_695 = tpu.vector_load %arg15[%swap3A_693, %swap3A_694] {strides = array<i32>} : memref<4x128xi32, #tpu.memory_space<vmem>>, vector<16xi32>,
    tpu.vector_store %arg15[%swap3A_693, %swap3A_694], %broadcast_in_dim3A_86 {strides = array<i32>} : memref<4x128xi32, #tpu.memory_space<vmem>>, vector<16xi32>,
    %mul3A_696 = arith.constant 512 : i32
    %mul3A_697 = arith.muli %arg0, %mul3A_696 : i32
    %mul3A_698 = arith.constant 4 : i32
    %mul3A_699 = arith.muli %arg1, %mul3A_698 : i32
    %add3A_700 = arith.constant 2 : i32
    %add3A_701 = arith.addi %mul3A_699, %add3A_700 : i32
    %get3A_702 = arith.index_cast %add3A_701 : i32 to index
    %get3A_703 = arith.constant 32 : index
    %get3A_704 = tpu.vector_load %arg11[%get3A_702, %get3A_703] {strides = array<i32>} : memref<64x128xi32, #tpu.memory_space<vmem>>, vector<16xi32>,
    %add3A_705 = vector.broadcast %mul3A_697 : i32 to vector<16xi32>
    %add3A_706 = arith.addi %add3A_705, %get3A_704 : vector<16xi32>
    %swap3A_707 = arith.constant 2 : i32
    %swap3A_708 = arith.index_cast %swap3A_707 : i32 to index
    %swap3A_709 = arith.constant 32 : index
    %swap3A_710 = tpu.vector_load %arg13[%swap3A_708, %swap3A_709] {strides = array<i32>} : memref<4x128xi32, #tpu.memory_space<vmem>>, vector<16xi32>,
    tpu.vector_store %arg13[%swap3A_708, %swap3A_709], %add3A_706 {strides = array<i32>} : memref<4x128xi32, #tpu.memory_space<vmem>>, vector<16xi32>,
    %mul3A_711 = arith.constant 512 : i32
    %mul3A_712 = arith.muli %arg0, %mul3A_711 : i32
    %mul3A_713 = arith.constant 4 : i32
    %mul3A_714 = arith.muli %arg1, %mul3A_713 : i32
    %add3A_715 = arith.constant 2 : i32
    %add3A_716 = arith.addi %mul3A_714, %add3A_715 : i32
    %get3A_717 = arith.index_cast %add3A_716 : i32 to index
    %get3A_718 = arith.constant 32 : index
    %get3A_719 = tpu.vector_load %arg12[%get3A_717, %get3A_718] {strides = array<i32>} : memref<64x128xi32, #tpu.memory_space<vmem>>, vector<16xi32>,
    %add3A_720 = vector.broadcast %mul3A_712 : i32 to vector<16xi32>
    %add3A_721 = arith.addi %add3A_720, %get3A_719 : vector<16xi32>
    %swap3A_722 = arith.constant 2 : i32
    %swap3A_723 = arith.index_cast %swap3A_722 : i32 to index
    %swap3A_724 = arith.constant 32 : index
    %swap3A_725 = tpu.vector_load %arg14[%swap3A_723, %swap3A_724] {strides = array<i32>} : memref<4x128xi32, #tpu.memory_space<vmem>>, vector<16xi32>,
    tpu.vector_store %arg14[%swap3A_723, %swap3A_724], %add3A_721 {strides = array<i32>} : memref<4x128xi32, #tpu.memory_space<vmem>>, vector<16xi32>,
    %swap3A_726 = arith.constant 2 : i32
    %swap3A_727 = arith.index_cast %swap3A_726 : i32 to index
    %swap3A_728 = arith.constant 32 : index
    %swap3A_729 = tpu.vector_load %arg15[%swap3A_727, %swap3A_728] {strides = array<i32>} : memref<4x128xi32, #tpu.memory_space<vmem>>, vector<16xi32>,
    tpu.vector_store %arg15[%swap3A_727, %swap3A_728], %broadcast_in_dim3A_86 {strides = array<i32>} : memref<4x128xi32, #tpu.memory_space<vmem>>, vector<16xi32>,
    %mul3A_730 = arith.constant 512 : i32
    %mul3A_731 = arith.muli %arg0, %mul3A_730 : i32
    %mul3A_732 = arith.constant 4 : i32
    %mul3A_733 = arith.muli %arg1, %mul3A_732 : i32
    %add3A_734 = arith.constant 2 : i32
    %add3A_735 = arith.addi %mul3A_733, %add3A_734 : i32
    %get3A_736 = arith.index_cast %add3A_735 : i32 to index
    %get3A_737 = arith.constant 48 : index
    %get3A_738 = tpu.vector_load %arg11[%get3A_736, %get3A_737] {strides = array<i32>} : memref<64x128xi32, #tpu.memory_space<vmem>>, vector<16xi32>,
    %add3A_739 = vector.broadcast %mul3A_731 : i32 to vector<16xi32>
    %add3A_740 = arith.addi %add3A_739, %get3A_738 : vector<16xi32>
    %swap3A_741 = arith.constant 2 : i32
    %swap3A_742 = arith.index_cast %swap3A_741 : i32 to index
    %swap3A_743 = arith.constant 48 : index
    %swap3A_744 = tpu.vector_load %arg13[%swap3A_742, %swap3A_743] {strides = array<i32>} : memref<4x128xi32, #tpu.memory_space<vmem>>, vector<16xi32>,
    tpu.vector_store %arg13[%swap3A_742, %swap3A_743], %add3A_740 {strides = array<i32>} : memref<4x128xi32, #tpu.memory_space<vmem>>, vector<16xi32>,
    %mul3A_745 = arith.constant 512 : i32
    %mul3A_746 = arith.muli %arg0, %mul3A_745 : i32
    %mul3A_747 = arith.constant 4 : i32
    %mul3A_748 = arith.muli %arg1, %mul3A_747 : i32
    %add3A_749 = arith.constant 2 : i32
    %add3A_750 = arith.addi %mul3A_748, %add3A_749 : i32
    %get3A_751 = arith.index_cast %add3A_750 : i32 to index
    %get3A_752 = arith.constant 48 : index
    %get3A_753 = tpu.vector_load %arg12[%get3A_751, %get3A_752] {strides = array<i32>} : memref<64x128xi32, #tpu.memory_space<vmem>>, vector<16xi32>,
    %add3A_754 = vector.broadcast %mul3A_746 : i32 to vector<16xi32>
    %add3A_755 = arith.addi %add3A_754, %get3A_753 : vector<16xi32>
    %swap3A_756 = arith.constant 2 : i32
    %swap3A_757 = arith.index_cast %swap3A_756 : i32 to index
    %swap3A_758 = arith.constant 48 : index
    %swap3A_759 = tpu.vector_load %arg14[%swap3A_757, %swap3A_758] {strides = array<i32>} : memref<4x128xi32, #tpu.memory_space<vmem>>, vector<16xi32>,
    tpu.vector_store %arg14[%swap3A_757, %swap3A_758], %add3A_755 {strides = array<i32>} : memref<4x128xi32, #tpu.memory_space<vmem>>, vector<16xi32>,
    %swap3A_760 = arith.constant 2 : i32
    %swap3A_761 = arith.index_cast %swap3A_760 : i32 to index
    %swap3A_762 = arith.constant 48 : index
    %swap3A_763 = tpu.vector_load %arg15[%swap3A_761, %swap3A_762] {strides = array<i32>} : memref<4x128xi32, #tpu.memory_space<vmem>>, vector<16xi32>,
    tpu.vector_store %arg15[%swap3A_761, %swap3A_762], %broadcast_in_dim3A_86 {strides = array<i32>} : memref<4x128xi32, #tpu.memory_space<vmem>>, vector<16xi32>,
    %mul3A_764 = arith.constant 512 : i32
    %mul3A_765 = arith.muli %arg0, %mul3A_764 : i32
    %mul3A_766 = arith.constant 4 : i32
    %mul3A_767 = arith.muli %arg1, %mul3A_766 : i32
    %add3A_768 = arith.constant 2 : i32
    %add3A_769 = arith.addi %mul3A_767, %add3A_768 : i32
    %get3A_770 = arith.index_cast %add3A_769 : i32 to index
    %get3A_771 = arith.constant 64 : index
    %get3A_772 = tpu.vector_load %arg11[%get3A_770, %get3A_771] {strides = array<i32>} : memref<64x128xi32, #tpu.memory_space<vmem>>, vector<16xi32>,
    %add3A_773 = vector.broadcast %mul3A_765 : i32 to vector<16xi32>
    %add3A_774 = arith.addi %add3A_773, %get3A_772 : vector<16xi32>
    %swap3A_775 = arith.constant 2 : i32
    %swap3A_776 = arith.index_cast %swap3A_775 : i32 to index
    %swap3A_777 = arith.constant 64 : index
    %swap3A_778 = tpu.vector_load %arg13[%swap3A_776, %swap3A_777] {strides = array<i32>} : memref<4x128xi32, #tpu.memory_space<vmem>>, vector<16xi32>,
    tpu.vector_store %arg13[%swap3A_776, %swap3A_777], %add3A_774 {strides = array<i32>} : memref<4x128xi32, #tpu.memory_space<vmem>>, vector<16xi32>,
    %mul3A_779 = arith.constant 512 : i32
    %mul3A_780 = arith.muli %arg0, %mul3A_779 : i32
    %mul3A_781 = arith.constant 4 : i32
    %mul3A_782 = arith.muli %arg1, %mul3A_781 : i32
    %add3A_783 = arith.constant 2 : i32
    %add3A_784 = arith.addi %mul3A_782, %add3A_783 : i32
    %get3A_785 = arith.index_cast %add3A_784 : i32 to index
    %get3A_786 = arith.constant 64 : index
    %get3A_787 = tpu.vector_load %arg12[%get3A_785, %get3A_786] {strides = array<i32>} : memref<64x128xi32, #tpu.memory_space<vmem>>, vector<16xi32>,
    %add3A_788 = vector.broadcast %mul3A_780 : i32 to vector<16xi32>
    %add3A_789 = arith.addi %add3A_788, %get3A_787 : vector<16xi32>
    %swap3A_790 = arith.constant 2 : i32
    %swap3A_791 = arith.index_cast %swap3A_790 : i32 to index
    %swap3A_792 = arith.constant 64 : index
    %swap3A_793 = tpu.vector_load %arg14[%swap3A_791, %swap3A_792] {strides = array<i32>} : memref<4x128xi32, #tpu.memory_space<vmem>>, vector<16xi32>,
    tpu.vector_store %arg14[%swap3A_791, %swap3A_792], %add3A_789 {strides = array<i32>} : memref<4x128xi32, #tpu.memory_space<vmem>>, vector<16xi32>,
    %swap3A_794 = arith.constant 2 : i32
    %swap3A_795 = arith.index_cast %swap3A_794 : i32 to index
    %swap3A_796 = arith.constant 64 : index
    %swap3A_797 = tpu.vector_load %arg15[%swap3A_795, %swap3A_796] {strides = array<i32>} : memref<4x128xi32, #tpu.memory_space<vmem>>, vector<16xi32>,
    tpu.vector_store %arg15[%swap3A_795, %swap3A_796], %broadcast_in_dim3A_86 {strides = array<i32>} : memref<4x128xi32, #tpu.memory_space<vmem>>, vector<16xi32>,
    %mul3A_798 = arith.constant 512 : i32
    %mul3A_799 = arith.muli %arg0, %mul3A_798 : i32
    %mul3A_800 = arith.constant 4 : i32
    %mul3A_801 = arith.muli %arg1, %mul3A_800 : i32
    %add3A_802 = arith.constant 2 : i32
    %add3A_803 = arith.addi %mul3A_801, %add3A_802 : i32
    %get3A_804 = arith.index_cast %add3A_803 : i32 to index
    %get3A_805 = arith.constant 80 : index
    %get3A_806 = tpu.vector_load %arg11[%get3A_804, %get3A_805] {strides = array<i32>} : memref<64x128xi32, #tpu.memory_space<vmem>>, vector<16xi32>,
    %add3A_807 = vector.broadcast %mul3A_799 : i32 to vector<16xi32>
    %add3A_808 = arith.addi %add3A_807, %get3A_806 : vector<16xi32>
    %swap3A_809 = arith.constant 2 : i32
    %swap3A_810 = arith.index_cast %swap3A_809 : i32 to index
    %swap3A_811 = arith.constant 80 : index
    %swap3A_812 = tpu.vector_load %arg13[%swap3A_810, %swap3A_811] {strides = array<i32>} : memref<4x128xi32, #tpu.memory_space<vmem>>, vector<16xi32>,
    tpu.vector_store %arg13[%swap3A_810, %swap3A_811], %add3A_808 {strides = array<i32>} : memref<4x128xi32, #tpu.memory_space<vmem>>, vector<16xi32>,
    %mul3A_813 = arith.constant 512 : i32
    %mul3A_814 = arith.muli %arg0, %mul3A_813 : i32
    %mul3A_815 = arith.constant 4 : i32
    %mul3A_816 = arith.muli %arg1, %mul3A_815 : i32
    %add3A_817 = arith.constant 2 : i32
    %add3A_818 = arith.addi %mul3A_816, %add3A_817 : i32
    %get3A_819 = arith.index_cast %add3A_818 : i32 to index
    %get3A_820 = arith.constant 80 : index
    %get3A_821 = tpu.vector_load %arg12[%get3A_819, %get3A_820] {strides = array<i32>} : memref<64x128xi32, #tpu.memory_space<vmem>>, vector<16xi32>,
    %add3A_822 = vector.broadcast %mul3A_814 : i32 to vector<16xi32>
    %add3A_823 = arith.addi %add3A_822, %get3A_821 : vector<16xi32>
    %swap3A_824 = arith.constant 2 : i32
    %swap3A_825 = arith.index_cast %swap3A_824 : i32 to index
    %swap3A_826 = arith.constant 80 : index
    %swap3A_827 = tpu.vector_load %arg14[%swap3A_825, %swap3A_826] {strides = array<i32>} : memref<4x128xi32, #tpu.memory_space<vmem>>, vector<16xi32>,
    tpu.vector_store %arg14[%swap3A_825, %swap3A_826], %add3A_823 {strides = array<i32>} : memref<4x128xi32, #tpu.memory_space<vmem>>, vector<16xi32>,
    %swap3A_828 = arith.constant 2 : i32
    %swap3A_829 = arith.index_cast %swap3A_828 : i32 to index
    %swap3A_830 = arith.constant 80 : index
    %swap3A_831 = tpu.vector_load %arg15[%swap3A_829, %swap3A_830] {strides = array<i32>} : memref<4x128xi32, #tpu.memory_space<vmem>>, vector<16xi32>,
    tpu.vector_store %arg15[%swap3A_829, %swap3A_830], %broadcast_in_dim3A_86 {strides = array<i32>} : memref<4x128xi32, #tpu.memory_space<vmem>>, vector<16xi32>,
    %mul3A_832 = arith.constant 512 : i32
    %mul3A_833 = arith.muli %arg0, %mul3A_832 : i32
    %mul3A_834 = arith.constant 4 : i32
    %mul3A_835 = arith.muli %arg1, %mul3A_834 : i32
    %add3A_836 = arith.constant 2 : i32
    %add3A_837 = arith.addi %mul3A_835, %add3A_836 : i32
    %get3A_838 = arith.index_cast %add3A_837 : i32 to index
    %get3A_839 = arith.constant 96 : index
    %get3A_840 = tpu.vector_load %arg11[%get3A_838, %get3A_839] {strides = array<i32>} : memref<64x128xi32, #tpu.memory_space<vmem>>, vector<16xi32>,
    %add3A_841 = vector.broadcast %mul3A_833 : i32 to vector<16xi32>
    %add3A_842 = arith.addi %add3A_841, %get3A_840 : vector<16xi32>
    %swap3A_843 = arith.constant 2 : i32
    %swap3A_844 = arith.index_cast %swap3A_843 : i32 to index
    %swap3A_845 = arith.constant 96 : index
    %swap3A_846 = tpu.vector_load %arg13[%swap3A_844, %swap3A_845] {strides = array<i32>} : memref<4x128xi32, #tpu.memory_space<vmem>>, vector<16xi32>,
    tpu.vector_store %arg13[%swap3A_844, %swap3A_845], %add3A_842 {strides = array<i32>} : memref<4x128xi32, #tpu.memory_space<vmem>>, vector<16xi32>,
    %mul3A_847 = arith.constant 512 : i32
    %mul3A_848 = arith.muli %arg0, %mul3A_847 : i32
    %mul3A_849 = arith.constant 4 : i32
    %mul3A_850 = arith.muli %arg1, %mul3A_849 : i32
    %add3A_851 = arith.constant 2 : i32
    %add3A_852 = arith.addi %mul3A_850, %add3A_851 : i32
    %get3A_853 = arith.index_cast %add3A_852 : i32 to index
    %get3A_854 = arith.constant 96 : index
    %get3A_855 = tpu.vector_load %arg12[%get3A_853, %get3A_854] {strides = array<i32>} : memref<64x128xi32, #tpu.memory_space<vmem>>, vector<16xi32>,
    %add3A_856 = vector.broadcast %mul3A_848 : i32 to vector<16xi32>
    %add3A_857 = arith.addi %add3A_856, %get3A_855 : vector<16xi32>
    %swap3A_858 = arith.constant 2 : i32
    %swap3A_859 = arith.index_cast %swap3A_858 : i32 to index
    %swap3A_860 = arith.constant 96 : index
    %swap3A_861 = tpu.vector_load %arg14[%swap3A_859, %swap3A_860] {strides = array<i32>} : memref<4x128xi32, #tpu.memory_space<vmem>>, vector<16xi32>,
    tpu.vector_store %arg14[%swap3A_859, %swap3A_860], %add3A_857 {strides = array<i32>} : memref<4x128xi32, #tpu.memory_space<vmem>>, vector<16xi32>,
    %swap3A_862 = arith.constant 2 : i32
    %swap3A_863 = arith.index_cast %swap3A_862 : i32 to index
    %swap3A_864 = arith.constant 96 : index
    %swap3A_865 = tpu.vector_load %arg15[%swap3A_863, %swap3A_864] {strides = array<i32>} : memref<4x128xi32, #tpu.memory_space<vmem>>, vector<16xi32>,
    tpu.vector_store %arg15[%swap3A_863, %swap3A_864], %broadcast_in_dim3A_86 {strides = array<i32>} : memref<4x128xi32, #tpu.memory_space<vmem>>, vector<16xi32>,
    %mul3A_866 = arith.constant 512 : i32
    %mul3A_867 = arith.muli %arg0, %mul3A_866 : i32
    %mul3A_868 = arith.constant 4 : i32
    %mul3A_869 = arith.muli %arg1, %mul3A_868 : i32
    %add3A_870 = arith.constant 2 : i32
    %add3A_871 = arith.addi %mul3A_869, %add3A_870 : i32
    %get3A_872 = arith.index_cast %add3A_871 : i32 to index
    %get3A_873 = arith.constant 112 : index
    %get3A_874 = tpu.vector_load %arg11[%get3A_872, %get3A_873] {strides = array<i32>} : memref<64x128xi32, #tpu.memory_space<vmem>>, vector<16xi32>,
    %add3A_875 = vector.broadcast %mul3A_867 : i32 to vector<16xi32>
    %add3A_876 = arith.addi %add3A_875, %get3A_874 : vector<16xi32>
    %swap3A_877 = arith.constant 2 : i32
    %swap3A_878 = arith.index_cast %swap3A_877 : i32 to index
    %swap3A_879 = arith.constant 112 : index
    %swap3A_880 = tpu.vector_load %arg13[%swap3A_878, %swap3A_879] {strides = array<i32>} : memref<4x128xi32, #tpu.memory_space<vmem>>, vector<16xi32>,
    tpu.vector_store %arg13[%swap3A_878, %swap3A_879], %add3A_876 {strides = array<i32>} : memref<4x128xi32, #tpu.memory_space<vmem>>, vector<16xi32>,
    %mul3A_881 = arith.constant 512 : i32
    %mul3A_882 = arith.muli %arg0, %mul3A_881 : i32
    %mul3A_883 = arith.constant 4 : i32
    %mul3A_884 = arith.muli %arg1, %mul3A_883 : i32
    %add3A_885 = arith.constant 2 : i32
    %add3A_886 = arith.addi %mul3A_884, %add3A_885 : i32
    %get3A_887 = arith.index_cast %add3A_886 : i32 to index
    %get3A_888 = arith.constant 112 : index
    %get3A_889 = tpu.vector_load %arg12[%get3A_887, %get3A_888] {strides = array<i32>} : memref<64x128xi32, #tpu.memory_space<vmem>>, vector<16xi32>,
    %add3A_890 = vector.broadcast %mul3A_882 : i32 to vector<16xi32>
    %add3A_891 = arith.addi %add3A_890, %get3A_889 : vector<16xi32>
    %swap3A_892 = arith.constant 2 : i32
    %swap3A_893 = arith.index_cast %swap3A_892 : i32 to index
    %swap3A_894 = arith.constant 112 : index
    %swap3A_895 = tpu.vector_load %arg14[%swap3A_893, %swap3A_894] {strides = array<i32>} : memref<4x128xi32, #tpu.memory_space<vmem>>, vector<16xi32>,
    tpu.vector_store %arg14[%swap3A_893, %swap3A_894], %add3A_891 {strides = array<i32>} : memref<4x128xi32, #tpu.memory_space<vmem>>, vector<16xi32>,
    %swap3A_896 = arith.constant 2 : i32
    %swap3A_897 = arith.index_cast %swap3A_896 : i32 to index
    %swap3A_898 = arith.constant 112 : index
    %swap3A_899 = tpu.vector_load %arg15[%swap3A_897, %swap3A_898] {strides = array<i32>} : memref<4x128xi32, #tpu.memory_space<vmem>>, vector<16xi32>,
    tpu.vector_store %arg15[%swap3A_897, %swap3A_898], %broadcast_in_dim3A_86 {strides = array<i32>} : memref<4x128xi32, #tpu.memory_space<vmem>>, vector<16xi32>,
    %mul3A_900 = arith.constant 512 : i32
    %mul3A_901 = arith.muli %arg0, %mul3A_900 : i32
    %mul3A_902 = arith.constant 4 : i32
    %mul3A_903 = arith.muli %arg1, %mul3A_902 : i32
    %add3A_904 = arith.constant 3 : i32
    %add3A_905 = arith.addi %mul3A_903, %add3A_904 : i32
    %get3A_906 = arith.index_cast %add3A_905 : i32 to index
    %get3A_907 = arith.constant 0 : index
    %get3A_908 = tpu.vector_load %arg11[%get3A_906, %get3A_907] {strides = array<i32>} : memref<64x128xi32, #tpu.memory_space<vmem>>, vector<16xi32>,
    %add3A_909 = vector.broadcast %mul3A_901 : i32 to vector<16xi32>
    %add3A_910 = arith.addi %add3A_909, %get3A_908 : vector<16xi32>
    %swap3A_911 = arith.constant 3 : i32
    %swap3A_912 = arith.index_cast %swap3A_911 : i32 to index
    %swap3A_913 = arith.constant 0 : index
    %swap3A_914 = tpu.vector_load %arg13[%swap3A_912, %swap3A_913] {strides = array<i32>} : memref<4x128xi32, #tpu.memory_space<vmem>>, vector<16xi32>,
    tpu.vector_store %arg13[%swap3A_912, %swap3A_913], %add3A_910 {strides = array<i32>} : memref<4x128xi32, #tpu.memory_space<vmem>>, vector<16xi32>,
    %mul3A_915 = arith.constant 512 : i32
    %mul3A_916 = arith.muli %arg0, %mul3A_915 : i32
    %mul3A_917 = arith.constant 4 : i32
    %mul3A_918 = arith.muli %arg1, %mul3A_917 : i32
    %add3A_919 = arith.constant 3 : i32
    %add3A_920 = arith.addi %mul3A_918, %add3A_919 : i32
    %get3A_921 = arith.index_cast %add3A_920 : i32 to index
    %get3A_922 = arith.constant 0 : index
    %get3A_923 = tpu.vector_load %arg12[%get3A_921, %get3A_922] {strides = array<i32>} : memref<64x128xi32, #tpu.memory_space<vmem>>, vector<16xi32>,
    %add3A_924 = vector.broadcast %mul3A_916 : i32 to vector<16xi32>
    %add3A_925 = arith.addi %add3A_924, %get3A_923 : vector<16xi32>
    %swap3A_926 = arith.constant 3 : i32
    %swap3A_927 = arith.index_cast %swap3A_926 : i32 to index
    %swap3A_928 = arith.constant 0 : index
    %swap3A_929 = tpu.vector_load %arg14[%swap3A_927, %swap3A_928] {strides = array<i32>} : memref<4x128xi32, #tpu.memory_space<vmem>>, vector<16xi32>,
    tpu.vector_store %arg14[%swap3A_927, %swap3A_928], %add3A_925 {strides = array<i32>} : memref<4x128xi32, #tpu.memory_space<vmem>>, vector<16xi32>,
    %swap3A_930 = arith.constant 3 : i32
    %swap3A_931 = arith.index_cast %swap3A_930 : i32 to index
    %swap3A_932 = arith.constant 0 : index
    %swap3A_933 = tpu.vector_load %arg15[%swap3A_931, %swap3A_932] {strides = array<i32>} : memref<4x128xi32, #tpu.memory_space<vmem>>, vector<16xi32>,
    tpu.vector_store %arg15[%swap3A_931, %swap3A_932], %broadcast_in_dim3A_86 {strides = array<i32>} : memref<4x128xi32, #tpu.memory_space<vmem>>, vector<16xi32>,
    %mul3A_934 = arith.constant 512 : i32
    %mul3A_935 = arith.muli %arg0, %mul3A_934 : i32
    %mul3A_936 = arith.constant 4 : i32
    %mul3A_937 = arith.muli %arg1, %mul3A_936 : i32
    %add3A_938 = arith.constant 3 : i32
    %add3A_939 = arith.addi %mul3A_937, %add3A_938 : i32
    %get3A_940 = arith.index_cast %add3A_939 : i32 to index
    %get3A_941 = arith.constant 16 : index
    %get3A_942 = tpu.vector_load %arg11[%get3A_940, %get3A_941] {strides = array<i32>} : memref<64x128xi32, #tpu.memory_space<vmem>>, vector<16xi32>,
    %add3A_943 = vector.broadcast %mul3A_935 : i32 to vector<16xi32>
    %add3A_944 = arith.addi %add3A_943, %get3A_942 : vector<16xi32>
    %swap3A_945 = arith.constant 3 : i32
    %swap3A_946 = arith.index_cast %swap3A_945 : i32 to index
    %swap3A_947 = arith.constant 16 : index
    %swap3A_948 = tpu.vector_load %arg13[%swap3A_946, %swap3A_947] {strides = array<i32>} : memref<4x128xi32, #tpu.memory_space<vmem>>, vector<16xi32>,
    tpu.vector_store %arg13[%swap3A_946, %swap3A_947], %add3A_944 {strides = array<i32>} : memref<4x128xi32, #tpu.memory_space<vmem>>, vector<16xi32>,
    %mul3A_949 = arith.constant 512 : i32
    %mul3A_950 = arith.muli %arg0, %mul3A_949 : i32
    %mul3A_951 = arith.constant 4 : i32
    %mul3A_952 = arith.muli %arg1, %mul3A_951 : i32
    %add3A_953 = arith.constant 3 : i32
    %add3A_954 = arith.addi %mul3A_952, %add3A_953 : i32
    %get3A_955 = arith.index_cast %add3A_954 : i32 to index
    %get3A_956 = arith.constant 16 : index
    %get3A_957 = tpu.vector_load %arg12[%get3A_955, %get3A_956] {strides = array<i32>} : memref<64x128xi32, #tpu.memory_space<vmem>>, vector<16xi32>,
    %add3A_958 = vector.broadcast %mul3A_950 : i32 to vector<16xi32>
    %add3A_959 = arith.addi %add3A_958, %get3A_957 : vector<16xi32>
    %swap3A_960 = arith.constant 3 : i32
    %swap3A_961 = arith.index_cast %swap3A_960 : i32 to index
    %swap3A_962 = arith.constant 16 : index
    %swap3A_963 = tpu.vector_load %arg14[%swap3A_961, %swap3A_962] {strides = array<i32>} : memref<4x128xi32, #tpu.memory_space<vmem>>, vector<16xi32>,
    tpu.vector_store %arg14[%swap3A_961, %swap3A_962], %add3A_959 {strides = array<i32>} : memref<4x128xi32, #tpu.memory_space<vmem>>, vector<16xi32>,
    %swap3A_964 = arith.constant 3 : i32
    %swap3A_965 = arith.index_cast %swap3A_964 : i32 to index
    %swap3A_966 = arith.constant 16 : index
    %swap3A_967 = tpu.vector_load %arg15[%swap3A_965, %swap3A_966] {strides = array<i32>} : memref<4x128xi32, #tpu.memory_space<vmem>>, vector<16xi32>,
    tpu.vector_store %arg15[%swap3A_965, %swap3A_966], %broadcast_in_dim3A_86 {strides = array<i32>} : memref<4x128xi32, #tpu.memory_space<vmem>>, vector<16xi32>,
    %mul3A_968 = arith.constant 512 : i32
    %mul3A_969 = arith.muli %arg0, %mul3A_968 : i32
    %mul3A_970 = arith.constant 4 : i32
    %mul3A_971 = arith.muli %arg1, %mul3A_970 : i32
    %add3A_972 = arith.constant 3 : i32
    %add3A_973 = arith.addi %mul3A_971, %add3A_972 : i32
    %get3A_974 = arith.index_cast %add3A_973 : i32 to index
    %get3A_975 = arith.constant 32 : index
    %get3A_976 = tpu.vector_load %arg11[%get3A_974, %get3A_975] {strides = array<i32>} : memref<64x128xi32, #tpu.memory_space<vmem>>, vector<16xi32>,
    %add3A_977 = vector.broadcast %mul3A_969 : i32 to vector<16xi32>
    %add3A_978 = arith.addi %add3A_977, %get3A_976 : vector<16xi32>
    %swap3A_979 = arith.constant 3 : i32
    %swap3A_980 = arith.index_cast %swap3A_979 : i32 to index
    %swap3A_981 = arith.constant 32 : index
    %swap3A_982 = tpu.vector_load %arg13[%swap3A_980, %swap3A_981] {strides = array<i32>} : memref<4x128xi32, #tpu.memory_space<vmem>>, vector<16xi32>,
    tpu.vector_store %arg13[%swap3A_980, %swap3A_981], %add3A_978 {strides = array<i32>} : memref<4x128xi32, #tpu.memory_space<vmem>>, vector<16xi32>,
    %mul3A_983 = arith.constant 512 : i32
    %mul3A_984 = arith.muli %arg0, %mul3A_983 : i32
    %mul3A_985 = arith.constant 4 : i32
    %mul3A_986 = arith.muli %arg1, %mul3A_985 : i32
    %add3A_987 = arith.constant 3 : i32
    %add3A_988 = arith.addi %mul3A_986, %add3A_987 : i32
    %get3A_989 = arith.index_cast %add3A_988 : i32 to index
    %get3A_990 = arith.constant 32 : index
    %get3A_991 = tpu.vector_load %arg12[%get3A_989, %get3A_990] {strides = array<i32>} : memref<64x128xi32, #tpu.memory_space<vmem>>, vector<16xi32>,
    %add3A_992 = vector.broadcast %mul3A_984 : i32 to vector<16xi32>
    %add3A_993 = arith.addi %add3A_992, %get3A_991 : vector<16xi32>
    %swap3A_994 = arith.constant 3 : i32
    %swap3A_995 = arith.index_cast %swap3A_994 : i32 to index
    %swap3A_996 = arith.constant 32 : index
    %swap3A_997 = tpu.vector_load %arg14[%swap3A_995, %swap3A_996] {strides = array<i32>} : memref<4x128xi32, #tpu.memory_space<vmem>>, vector<16xi32>,
    tpu.vector_store %arg14[%swap3A_995, %swap3A_996], %add3A_993 {strides = array<i32>} : memref<4x128xi32, #tpu.memory_space<vmem>>, vector<16xi32>,
    %swap3A_998 = arith.constant 3 : i32
    %swap3A_999 = arith.index_cast %swap3A_998 : i32 to index
    %swap3A_1000 = arith.constant 32 : index
    %swap3A_1001 = tpu.vector_load %arg15[%swap3A_999, %swap3A_1000] {strides = array<i32>} : memref<4x128xi32, #tpu.memory_space<vmem>>, vector<16xi32>,
    tpu.vector_store %arg15[%swap3A_999, %swap3A_1000], %broadcast_in_dim3A_86 {strides = array<i32>} : memref<4x128xi32, #tpu.memory_space<vmem>>, vector<16xi32>,
    %mul3A_1002 = arith.constant 512 : i32
    %mul3A_1003 = arith.muli %arg0, %mul3A_1002 : i32
    %mul3A_1004 = arith.constant 4 : i32
    %mul3A_1005 = arith.muli %arg1, %mul3A_1004 : i32
    %add3A_1006 = arith.constant 3 : i32
    %add3A_1007 = arith.addi %mul3A_1005, %add3A_1006 : i32
    %get3A_1008 = arith.index_cast %add3A_1007 : i32 to index
    %get3A_1009 = arith.constant 48 : index
    %get3A_1010 = tpu.vector_load %arg11[%get3A_1008, %get3A_1009] {strides = array<i32>} : memref<64x128xi32, #tpu.memory_space<vmem>>, vector<16xi32>,
    %add3A_1011 = vector.broadcast %mul3A_1003 : i32 to vector<16xi32>
    %add3A_1012 = arith.addi %add3A_1011, %get3A_1010 : vector<16xi32>
    %swap3A_1013 = arith.constant 3 : i32
    %swap3A_1014 = arith.index_cast %swap3A_1013 : i32 to index
    %swap3A_1015 = arith.constant 48 : index
    %swap3A_1016 = tpu.vector_load %arg13[%swap3A_1014, %swap3A_1015] {strides = array<i32>} : memref<4x128xi32, #tpu.memory_space<vmem>>, vector<16xi32>,
    tpu.vector_store %arg13[%swap3A_1014, %swap3A_1015], %add3A_1012 {strides = array<i32>} : memref<4x128xi32, #tpu.memory_space<vmem>>, vector<16xi32>,
    %mul3A_1017 = arith.constant 512 : i32
    %mul3A_1018 = arith.muli %arg0, %mul3A_1017 : i32
    %mul3A_1019 = arith.constant 4 : i32
    %mul3A_1020 = arith.muli %arg1, %mul3A_1019 : i32
    %add3A_1021 = arith.constant 3 : i32
    %add3A_1022 = arith.addi %mul3A_1020, %add3A_1021 : i32
    %get3A_1023 = arith.index_cast %add3A_1022 : i32 to index
    %get3A_1024 = arith.constant 48 : index
    %get3A_1025 = tpu.vector_load %arg12[%get3A_1023, %get3A_1024] {strides = array<i32>} : memref<64x128xi32, #tpu.memory_space<vmem>>, vector<16xi32>,
    %add3A_1026 = vector.broadcast %mul3A_1018 : i32 to vector<16xi32>
    %add3A_1027 = arith.addi %add3A_1026, %get3A_1025 : vector<16xi32>
    %swap3A_1028 = arith.constant 3 : i32
    %swap3A_1029 = arith.index_cast %swap3A_1028 : i32 to index
    %swap3A_1030 = arith.constant 48 : index
    %swap3A_1031 = tpu.vector_load %arg14[%swap3A_1029, %swap3A_1030] {strides = array<i32>} : memref<4x128xi32, #tpu.memory_space<vmem>>, vector<16xi32>,
    tpu.vector_store %arg14[%swap3A_1029, %swap3A_1030], %add3A_1027 {strides = array<i32>} : memref<4x128xi32, #tpu.memory_space<vmem>>, vector<16xi32>,
    %swap3A_1032 = arith.constant 3 : i32
    %swap3A_1033 = arith.index_cast %swap3A_1032 : i32 to index
    %swap3A_1034 = arith.constant 48 : index
    %swap3A_1035 = tpu.vector_load %arg15[%swap3A_1033, %swap3A_1034] {strides = array<i32>} : memref<4x128xi32, #tpu.memory_space<vmem>>, vector<16xi32>,
    tpu.vector_store %arg15[%swap3A_1033, %swap3A_1034], %broadcast_in_dim3A_86 {strides = array<i32>} : memref<4x128xi32, #tpu.memory_space<vmem>>, vector<16xi32>,
    %mul3A_1036 = arith.constant 512 : i32
    %mul3A_1037 = arith.muli %arg0, %mul3A_1036 : i32
    %mul3A_1038 = arith.constant 4 : i32
    %mul3A_1039 = arith.muli %arg1, %mul3A_1038 : i32
    %add3A_1040 = arith.constant 3 : i32
    %add3A_1041 = arith.addi %mul3A_1039, %add3A_1040 : i32
    %get3A_1042 = arith.index_cast %add3A_1041 : i32 to index
    %get3A_1043 = arith.constant 64 : index
    %get3A_1044 = tpu.vector_load %arg11[%get3A_1042, %get3A_1043] {strides = array<i32>} : memref<64x128xi32, #tpu.memory_space<vmem>>, vector<16xi32>,
    %add3A_1045 = vector.broadcast %mul3A_1037 : i32 to vector<16xi32>
    %add3A_1046 = arith.addi %add3A_1045, %get3A_1044 : vector<16xi32>
    %swap3A_1047 = arith.constant 3 : i32
    %swap3A_1048 = arith.index_cast %swap3A_1047 : i32 to index
    %swap3A_1049 = arith.constant 64 : index
    %swap3A_1050 = tpu.vector_load %arg13[%swap3A_1048, %swap3A_1049] {strides = array<i32>} : memref<4x128xi32, #tpu.memory_space<vmem>>, vector<16xi32>,
    tpu.vector_store %arg13[%swap3A_1048, %swap3A_1049], %add3A_1046 {strides = array<i32>} : memref<4x128xi32, #tpu.memory_space<vmem>>, vector<16xi32>,
    %mul3A_1051 = arith.constant 512 : i32
    %mul3A_1052 = arith.muli %arg0, %mul3A_1051 : i32
    %mul3A_1053 = arith.constant 4 : i32
    %mul3A_1054 = arith.muli %arg1, %mul3A_1053 : i32
    %add3A_1055 = arith.constant 3 : i32
    %add3A_1056 = arith.addi %mul3A_1054, %add3A_1055 : i32
    %get3A_1057 = arith.index_cast %add3A_1056 : i32 to index
    %get3A_1058 = arith.constant 64 : index
    %get3A_1059 = tpu.vector_load %arg12[%get3A_1057, %get3A_1058] {strides = array<i32>} : memref<64x128xi32, #tpu.memory_space<vmem>>, vector<16xi32>,
    %add3A_1060 = vector.broadcast %mul3A_1052 : i32 to vector<16xi32>
    %add3A_1061 = arith.addi %add3A_1060, %get3A_1059 : vector<16xi32>
    %swap3A_1062 = arith.constant 3 : i32
    %swap3A_1063 = arith.index_cast %swap3A_1062 : i32 to index
    %swap3A_1064 = arith.constant 64 : index
    %swap3A_1065 = tpu.vector_load %arg14[%swap3A_1063, %swap3A_1064] {strides = array<i32>} : memref<4x128xi32, #tpu.memory_space<vmem>>, vector<16xi32>,
    tpu.vector_store %arg14[%swap3A_1063, %swap3A_1064], %add3A_1061 {strides = array<i32>} : memref<4x128xi32, #tpu.memory_space<vmem>>, vector<16xi32>,
    %swap3A_1066 = arith.constant 3 : i32
    %swap3A_1067 = arith.index_cast %swap3A_1066 : i32 to index
    %swap3A_1068 = arith.constant 64 : index
    %swap3A_1069 = tpu.vector_load %arg15[%swap3A_1067, %swap3A_1068] {strides = array<i32>} : memref<4x128xi32, #tpu.memory_space<vmem>>, vector<16xi32>,
    tpu.vector_store %arg15[%swap3A_1067, %swap3A_1068], %broadcast_in_dim3A_86 {strides = array<i32>} : memref<4x128xi32, #tpu.memory_space<vmem>>, vector<16xi32>,
    %mul3A_1070 = arith.constant 512 : i32
    %mul3A_1071 = arith.muli %arg0, %mul3A_1070 : i32
    %mul3A_1072 = arith.constant 4 : i32
    %mul3A_1073 = arith.muli %arg1, %mul3A_1072 : i32
    %add3A_1074 = arith.constant 3 : i32
    %add3A_1075 = arith.addi %mul3A_1073, %add3A_1074 : i32
    %get3A_1076 = arith.index_cast %add3A_1075 : i32 to index
    %get3A_1077 = arith.constant 80 : index
    %get3A_1078 = tpu.vector_load %arg11[%get3A_1076, %get3A_1077] {strides = array<i32>} : memref<64x128xi32, #tpu.memory_space<vmem>>, vector<16xi32>,
    %add3A_1079 = vector.broadcast %mul3A_1071 : i32 to vector<16xi32>
    %add3A_1080 = arith.addi %add3A_1079, %get3A_1078 : vector<16xi32>
    %swap3A_1081 = arith.constant 3 : i32
    %swap3A_1082 = arith.index_cast %swap3A_1081 : i32 to index
    %swap3A_1083 = arith.constant 80 : index
    %swap3A_1084 = tpu.vector_load %arg13[%swap3A_1082, %swap3A_1083] {strides = array<i32>} : memref<4x128xi32, #tpu.memory_space<vmem>>, vector<16xi32>,
    tpu.vector_store %arg13[%swap3A_1082, %swap3A_1083], %add3A_1080 {strides = array<i32>} : memref<4x128xi32, #tpu.memory_space<vmem>>, vector<16xi32>,
    %mul3A_1085 = arith.constant 512 : i32
    %mul3A_1086 = arith.muli %arg0, %mul3A_1085 : i32
    %mul3A_1087 = arith.constant 4 : i32
    %mul3A_1088 = arith.muli %arg1, %mul3A_1087 : i32
    %add3A_1089 = arith.constant 3 : i32
    %add3A_1090 = arith.addi %mul3A_1088, %add3A_1089 : i32
    %get3A_1091 = arith.index_cast %add3A_1090 : i32 to index
    %get3A_1092 = arith.constant 80 : index
    %get3A_1093 = tpu.vector_load %arg12[%get3A_1091, %get3A_1092] {strides = array<i32>} : memref<64x128xi32, #tpu.memory_space<vmem>>, vector<16xi32>,
    %add3A_1094 = vector.broadcast %mul3A_1086 : i32 to vector<16xi32>
    %add3A_1095 = arith.addi %add3A_1094, %get3A_1093 : vector<16xi32>
    %swap3A_1096 = arith.constant 3 : i32
    %swap3A_1097 = arith.index_cast %swap3A_1096 : i32 to index
    %swap3A_1098 = arith.constant 80 : index
    %swap3A_1099 = tpu.vector_load %arg14[%swap3A_1097, %swap3A_1098] {strides = array<i32>} : memref<4x128xi32, #tpu.memory_space<vmem>>, vector<16xi32>,
    tpu.vector_store %arg14[%swap3A_1097, %swap3A_1098], %add3A_1095 {strides = array<i32>} : memref<4x128xi32, #tpu.memory_space<vmem>>, vector<16xi32>,
    %swap3A_1100 = arith.constant 3 : i32
    %swap3A_1101 = arith.index_cast %swap3A_1100 : i32 to index
    %swap3A_1102 = arith.constant 80 : index
    %swap3A_1103 = tpu.vector_load %arg15[%swap3A_1101, %swap3A_1102] {strides = array<i32>} : memref<4x128xi32, #tpu.memory_space<vmem>>, vector<16xi32>,
    tpu.vector_store %arg15[%swap3A_1101, %swap3A_1102], %broadcast_in_dim3A_86 {strides = array<i32>} : memref<4x128xi32, #tpu.memory_space<vmem>>, vector<16xi32>,
    %mul3A_1104 = arith.constant 512 : i32
    %mul3A_1105 = arith.muli %arg0, %mul3A_1104 : i32
    %mul3A_1106 = arith.constant 4 : i32
    %mul3A_1107 = arith.muli %arg1, %mul3A_1106 : i32
    %add3A_1108 = arith.constant 3 : i32
    %add3A_1109 = arith.addi %mul3A_1107, %add3A_1108 : i32
    %get3A_1110 = arith.index_cast %add3A_1109 : i32 to index
    %get3A_1111 = arith.constant 96 : index
    %get3A_1112 = tpu.vector_load %arg11[%get3A_1110, %get3A_1111] {strides = array<i32>} : memref<64x128xi32, #tpu.memory_space<vmem>>, vector<16xi32>,
    %add3A_1113 = vector.broadcast %mul3A_1105 : i32 to vector<16xi32>
    %add3A_1114 = arith.addi %add3A_1113, %get3A_1112 : vector<16xi32>
    %swap3A_1115 = arith.constant 3 : i32
    %swap3A_1116 = arith.index_cast %swap3A_1115 : i32 to index
    %swap3A_1117 = arith.constant 96 : index
    %swap3A_1118 = tpu.vector_load %arg13[%swap3A_1116, %swap3A_1117] {strides = array<i32>} : memref<4x128xi32, #tpu.memory_space<vmem>>, vector<16xi32>,
    tpu.vector_store %arg13[%swap3A_1116, %swap3A_1117], %add3A_1114 {strides = array<i32>} : memref<4x128xi32, #tpu.memory_space<vmem>>, vector<16xi32>,
    %mul3A_1119 = arith.constant 512 : i32
    %mul3A_1120 = arith.muli %arg0, %mul3A_1119 : i32
    %mul3A_1121 = arith.constant 4 : i32
    %mul3A_1122 = arith.muli %arg1, %mul3A_1121 : i32
    %add3A_1123 = arith.constant 3 : i32
    %add3A_1124 = arith.addi %mul3A_1122, %add3A_1123 : i32
    %get3A_1125 = arith.index_cast %add3A_1124 : i32 to index
    %get3A_1126 = arith.constant 96 : index
    %get3A_1127 = tpu.vector_load %arg12[%get3A_1125, %get3A_1126] {strides = array<i32>} : memref<64x128xi32, #tpu.memory_space<vmem>>, vector<16xi32>,
    %add3A_1128 = vector.broadcast %mul3A_1120 : i32 to vector<16xi32>
    %add3A_1129 = arith.addi %add3A_1128, %get3A_1127 : vector<16xi32>
    %swap3A_1130 = arith.constant 3 : i32
    %swap3A_1131 = arith.index_cast %swap3A_1130 : i32 to index
    %swap3A_1132 = arith.constant 96 : index
    %swap3A_1133 = tpu.vector_load %arg14[%swap3A_1131, %swap3A_1132] {strides = array<i32>} : memref<4x128xi32, #tpu.memory_space<vmem>>, vector<16xi32>,
    tpu.vector_store %arg14[%swap3A_1131, %swap3A_1132], %add3A_1129 {strides = array<i32>} : memref<4x128xi32, #tpu.memory_space<vmem>>, vector<16xi32>,
    %swap3A_1134 = arith.constant 3 : i32
    %swap3A_1135 = arith.index_cast %swap3A_1134 : i32 to index
    %swap3A_1136 = arith.constant 96 : index
    %swap3A_1137 = tpu.vector_load %arg15[%swap3A_1135, %swap3A_1136] {strides = array<i32>} : memref<4x128xi32, #tpu.memory_space<vmem>>, vector<16xi32>,
    tpu.vector_store %arg15[%swap3A_1135, %swap3A_1136], %broadcast_in_dim3A_86 {strides = array<i32>} : memref<4x128xi32, #tpu.memory_space<vmem>>, vector<16xi32>,
    %mul3A_1138 = arith.constant 512 : i32
    %mul3A_1139 = arith.muli %arg0, %mul3A_1138 : i32
    %mul3A_1140 = arith.constant 4 : i32
    %mul3A_1141 = arith.muli %arg1, %mul3A_1140 : i32
    %add3A_1142 = arith.constant 3 : i32
    %add3A_1143 = arith.addi %mul3A_1141, %add3A_1142 : i32
    %get3A_1144 = arith.index_cast %add3A_1143 : i32 to index
    %get3A_1145 = arith.constant 112 : index
    %get3A_1146 = tpu.vector_load %arg11[%get3A_1144, %get3A_1145] {strides = array<i32>} : memref<64x128xi32, #tpu.memory_space<vmem>>, vector<16xi32>,
    %add3A_1147 = vector.broadcast %mul3A_1139 : i32 to vector<16xi32>
    %add3A_1148 = arith.addi %add3A_1147, %get3A_1146 : vector<16xi32>
    %swap3A_1149 = arith.constant 3 : i32
    %swap3A_1150 = arith.index_cast %swap3A_1149 : i32 to index
    %swap3A_1151 = arith.constant 112 : index
    %swap3A_1152 = tpu.vector_load %arg13[%swap3A_1150, %swap3A_1151] {strides = array<i32>} : memref<4x128xi32, #tpu.memory_space<vmem>>, vector<16xi32>,
    tpu.vector_store %arg13[%swap3A_1150, %swap3A_1151], %add3A_1148 {strides = array<i32>} : memref<4x128xi32, #tpu.memory_space<vmem>>, vector<16xi32>,
    %mul3A_1153 = arith.constant 512 : i32
    %mul3A_1154 = arith.muli %arg0, %mul3A_1153 : i32
    %mul3A_1155 = arith.constant 4 : i32
    %mul3A_1156 = arith.muli %arg1, %mul3A_1155 : i32
    %add3A_1157 = arith.constant 3 : i32
    %add3A_1158 = arith.addi %mul3A_1156, %add3A_1157 : i32
    %get3A_1159 = arith.index_cast %add3A_1158 : i32 to index
    %get3A_1160 = arith.constant 112 : index
    %get3A_1161 = tpu.vector_load %arg12[%get3A_1159, %get3A_1160] {strides = array<i32>} : memref<64x128xi32, #tpu.memory_space<vmem>>, vector<16xi32>,
    %add3A_1162 = vector.broadcast %mul3A_1154 : i32 to vector<16xi32>
    %add3A_1163 = arith.addi %add3A_1162, %get3A_1161 : vector<16xi32>
    %swap3A_1164 = arith.constant 3 : i32
    %swap3A_1165 = arith.index_cast %swap3A_1164 : i32 to index
    %swap3A_1166 = arith.constant 112 : index
    %swap3A_1167 = tpu.vector_load %arg14[%swap3A_1165, %swap3A_1166] {strides = array<i32>} : memref<4x128xi32, #tpu.memory_space<vmem>>, vector<16xi32>,
    tpu.vector_store %arg14[%swap3A_1165, %swap3A_1166], %add3A_1163 {strides = array<i32>} : memref<4x128xi32, #tpu.memory_space<vmem>>, vector<16xi32>,
    %swap3A_1168 = arith.constant 3 : i32
    %swap3A_1169 = arith.index_cast %swap3A_1168 : i32 to index
    %swap3A_1170 = arith.constant 112 : index
    %swap3A_1171 = tpu.vector_load %arg15[%swap3A_1169, %swap3A_1170] {strides = array<i32>} : memref<4x128xi32, #tpu.memory_space<vmem>>, vector<16xi32>,
    tpu.vector_store %arg15[%swap3A_1169, %swap3A_1170], %broadcast_in_dim3A_86 {strides = array<i32>} : memref<4x128xi32, #tpu.memory_space<vmem>>, vector<16xi32>,
    %mul3A_1172 = arith.constant 4 : i32
    %mul3A_1173 = arith.muli %arg1, %mul3A_1172 : i32
    "tpu.region"() ({
      %run_scoped3A_1462 = tpu.sem_alloc : memref<!tpu.dma_semaphore, #tpu.memory_space<semaphore_mem>>
      %dma_start3A_1463 = arith.constant 0 : i32
      %dma_start3A_1464 = tpu.memref_slice %arg10[%mul3A_1173, %dma_start3A_1463] : memref<64x128xi32, #tpu.memory_space<vmem_shared>> -> memref<4x128xi32, #tpu.memory_space<vmem_shared>>
      %dma_start3A_1465 = arith.constant 0 : i32
      %dma_start3A_1466 = tpu.memref_slice %arg10[%mul3A_1173, %dma_start3A_1465] : memref<64x128xi32, #tpu.memory_space<vmem_shared>> -> memref<4x128xi32, #tpu.memory_space<vmem_shared>>
      tpu.enqueue_dma source(%arg15 : memref<4x128xi32, #tpu.memory_space<vmem>>) target(%dma_start3A_1466 : memref<4x128xi32, #tpu.memory_space<vmem_shared>>) target_semaphore(%run_scoped3A_1462 : memref<!tpu.dma_semaphore, #tpu.memory_space<semaphore_mem>>)
      %dma_wait3A_1467 = arith.constant 0 : i32
      %dma_wait3A_1468 = tpu.memref_slice %arg10[%mul3A_1173, %dma_wait3A_1467] : memref<64x128xi32, #tpu.memory_space<vmem_shared>> -> memref<4x128xi32, #tpu.memory_space<vmem_shared>>
      %dma_wait3A_1469 = arith.constant 0 : i32
      %dma_wait3A_1470 = tpu.memref_slice %arg10[%mul3A_1173, %dma_wait3A_1469] : memref<64x128xi32, #tpu.memory_space<vmem_shared>> -> memref<4x128xi32, #tpu.memory_space<vmem_shared>>
      tpu.wait_dma2 semaphore(%run_scoped3A_1462 : memref<!tpu.dma_semaphore, #tpu.memory_space<semaphore_mem>>) src(%arg15 : memref<4x128xi32, #tpu.memory_space<vmem>>) dst(%dma_wait3A_1470 : memref<4x128xi32, #tpu.memory_space<vmem_shared>>)
      tpu.yield
    }) : () -> ()
    %scan3A_1174 = arith.constant 0 : i32
    %scan3A_1175 = arith.constant 0 : i32
    %scan3A_1176 = arith.constant 16 : i32
    %scan3A_1177 = arith.addi %scan3A_1175, %scan3A_1176 : i32
    %scan3A_1178 = arith.constant 1 : i32
    %scan3A_1179 = scf.for %scan3A_1462 = %scan3A_1175 to %scan3A_1177 step %scan3A_1178 iter_args(%scan3A_1463 = %scan3A_1174) -> (i32)  : i32 {
      %mul3A_1464 = arith.constant 32 : i32
      %mul3A_1465 = arith.muli %scan3A_1462, %mul3A_1464 : i32
      %add3A_1466 = arith.addi %mul3A_0, %mul3A_1465 : i32
      "tpu.region"() ({
        %run_scoped3A_1468 = tpu.sem_alloc : memref<!tpu.dma_semaphore, #tpu.memory_space<semaphore_mem>>
        %dma_start3A_1469 = arith.constant 0 : i32
        %dma_start3A_1470 = tpu.memref_slice %arg8[%add3A_1466, %dma_start3A_1469] : memref<8192x64xf32, #tpu.memory_space<vmem_shared>> -> memref<32x64xf32, #tpu.memory_space<vmem_shared>>
        %dma_start3A_1471 = arith.constant 0 : i32
        %dma_start3A_1472 = tpu.memref_slice %arg8[%add3A_1466, %dma_start3A_1471] : memref<8192x64xf32, #tpu.memory_space<vmem_shared>> -> memref<32x64xf32, #tpu.memory_space<vmem_shared>>
        tpu.enqueue_dma source(%arg23 : memref<32x64xf32, #tpu.memory_space<vmem>>) target(%dma_start3A_1472 : memref<32x64xf32, #tpu.memory_space<vmem_shared>>) target_semaphore(%run_scoped3A_1468 : memref<!tpu.dma_semaphore, #tpu.memory_space<semaphore_mem>>)
        %dma_wait3A_1473 = arith.constant 0 : i32
        %dma_wait3A_1474 = tpu.memref_slice %arg8[%add3A_1466, %dma_wait3A_1473] : memref<8192x64xf32, #tpu.memory_space<vmem_shared>> -> memref<32x64xf32, #tpu.memory_space<vmem_shared>>
        %dma_wait3A_1475 = arith.constant 0 : i32
        %dma_wait3A_1476 = tpu.memref_slice %arg8[%add3A_1466, %dma_wait3A_1475] : memref<8192x64xf32, #tpu.memory_space<vmem_shared>> -> memref<32x64xf32, #tpu.memory_space<vmem_shared>>
        tpu.wait_dma2 semaphore(%run_scoped3A_1468 : memref<!tpu.dma_semaphore, #tpu.memory_space<semaphore_mem>>) src(%arg23 : memref<32x64xf32, #tpu.memory_space<vmem>>) dst(%dma_wait3A_1476 : memref<32x64xf32, #tpu.memory_space<vmem_shared>>)
        tpu.yield
      }) : () -> ()
      %scan3A_1467 = arith.constant 0 : i32
      scf.yield %scan3A_1467 : i32
    }
    %scan3A_1180 = arith.constant 16 : i32
    %mul3A_1181 = arith.constant 32 : i32
    %mul3A_1182 = arith.muli %arg1, %mul3A_1181 : i32
    "tpu.region"() ({
      %run_scoped3A_1462 = tpu.sem_alloc : memref<!tpu.dma_semaphore, #tpu.memory_space<semaphore_mem>>
      %dma_start3A_1463 = arith.constant 0 : i32
      %dma_start3A_1464 = tpu.memref_slice %arg9[%mul3A_1182, %dma_start3A_1463] : memref<512x128xf32, #tpu.memory_space<vmem_shared>> -> memref<32x128xf32, #tpu.memory_space<vmem_shared>>
      %dma_start3A_1465 = arith.constant 0 : i32
      %dma_start3A_1466 = tpu.memref_slice %arg9[%mul3A_1182, %dma_start3A_1465] : memref<512x128xf32, #tpu.memory_space<vmem_shared>> -> memref<32x128xf32, #tpu.memory_space<vmem_shared>>
      tpu.enqueue_dma source(%arg24 : memref<32x128xf32, #tpu.memory_space<vmem>>) target(%dma_start3A_1466 : memref<32x128xf32, #tpu.memory_space<vmem_shared>>) target_semaphore(%run_scoped3A_1462 : memref<!tpu.dma_semaphore, #tpu.memory_space<semaphore_mem>>)
      %dma_wait3A_1467 = arith.constant 0 : i32
      %dma_wait3A_1468 = tpu.memref_slice %arg9[%mul3A_1182, %dma_wait3A_1467] : memref<512x128xf32, #tpu.memory_space<vmem_shared>> -> memref<32x128xf32, #tpu.memory_space<vmem_shared>>
      %dma_wait3A_1469 = arith.constant 0 : i32
      %dma_wait3A_1470 = tpu.memref_slice %arg9[%mul3A_1182, %dma_wait3A_1469] : memref<512x128xf32, #tpu.memory_space<vmem_shared>> -> memref<32x128xf32, #tpu.memory_space<vmem_shared>>
      tpu.wait_dma2 semaphore(%run_scoped3A_1462 : memref<!tpu.dma_semaphore, #tpu.memory_space<semaphore_mem>>) src(%arg24 : memref<32x128xf32, #tpu.memory_space<vmem>>) dst(%dma_wait3A_1470 : memref<32x128xf32, #tpu.memory_space<vmem_shared>>)
      tpu.yield
    }) : () -> ()
    %barrier3A = arith.constant 0 : index
    tpu.barrier barrier_id(%barrier3A)
    %scan3A_1183 = arith.constant 0 : i32
    %scan3A_1184 = arith.constant 0 : i32
    %scan3A_1185 = arith.constant 512 : i32
    %scan3A_1186 = arith.addi %scan3A_1184, %scan3A_1185 : i32
    %scan3A_1187 = arith.constant 1 : i32
    %scan3A_1188 = scf.for %scan3A_1462 = %scan3A_1184 to %scan3A_1186 step %scan3A_1187 iter_args(%scan3A_1463 = %scan3A_1183) -> (i32)  : i32 {
      %jit3A = arith.constant 8 : i32
      %div3A = arith.divsi %scan3A_1462, %jit3A : i32
      %sign3A = arith.constant 0 : i32
      %sign3A_1464 = arith.cmpi sgt, %scan3A_1462, %sign3A : i32
      %sign3A_1465 = arith.extui %sign3A_1464 : i1 to i32
      %sign3A_1466 = arith.constant 0 : i32
      %sign3A_1467 = arith.cmpi slt, %scan3A_1462, %sign3A_1466 : i32
      %sign3A_1468 = arith.extui %sign3A_1467 : i1 to i32
      %sign3A_1469 = arith.subi %sign3A_1465, %sign3A_1468 : i32
      %sign3A_1470 = arith.constant 0 : i32
      %sign3A_1471 = arith.cmpi sgt, %jit3A, %sign3A_1470 : i32
      %sign3A_1472 = arith.extui %sign3A_1471 : i1 to i32
      %sign3A_1473 = arith.constant 0 : i32
      %sign3A_1474 = arith.cmpi slt, %jit3A, %sign3A_1473 : i32
      %sign3A_1475 = arith.extui %sign3A_1474 : i1 to i32
      %sign3A_1476 = arith.subi %sign3A_1472, %sign3A_1475 : i32
      %ne3A = arith.cmpi ne, %sign3A_1469, %sign3A_1476 : i32
      %rem3A = arith.remsi %scan3A_1462, %jit3A : i32
      %ne3A_1477 = arith.constant 0 : i32
      %ne3A_1478 = arith.cmpi ne, %rem3A, %ne3A_1477 : i32
      %and3A = arith.andi %ne3A, %ne3A_1478 : i1
      %sub3A = arith.constant 1 : i32
      %sub3A_1479 = arith.subi %div3A, %sub3A : i32
      %select_n3A = arith.select %and3A, %sub3A_1479, %div3A : i32
      %rem3A_1480 = arith.constant 8 : i32
      %rem3A_1481 = arith.remsi %scan3A_1462, %rem3A_1480 : i32
      %mul3A_1482 = arith.constant 16 : i32
      %mul3A_1483 = arith.muli %rem3A_1481, %mul3A_1482 : i32
      %get3A_1484 = arith.index_cast %select_n3A : i32 to index
      %get3A_1485 = arith.index_cast %mul3A_1483 : i32 to index
      %get3A_1486 = tpu.vector_load %arg11[%get3A_1484, %get3A_1485] {strides = array<i32>} : memref<64x128xi32, #tpu.memory_space<vmem>>, vector<16xi32>,
      %mul3A_1487 = arith.constant 512 : i32
      %mul3A_1488 = vector.broadcast %mul3A_1487 : i32 to vector<16xi32>
      %mul3A_1489 = arith.muli %get3A_1486, %mul3A_1488 : vector<16xi32>
      %get3A_1490 = arith.index_cast %select_n3A : i32 to index
      %get3A_1491 = arith.index_cast %mul3A_1483 : i32 to index
      %get3A_1492 = tpu.vector_load %arg12[%get3A_1490, %get3A_1491] {strides = array<i32>} : memref<64x128xi32, #tpu.memory_space<vmem>>, vector<16xi32>,
      %add3A_1493 = arith.addi %mul3A_1489, %get3A_1492 : vector<16xi32>
      %shift_right_logical3A = arith.constant 14 : i32
      %shift_right_logical3A_1494 = vector.broadcast %shift_right_logical3A : i32 to vector<16xi32>
      %shift_right_logical3A_1495 = arith.shrui %add3A_1493, %shift_right_logical3A_1494 : vector<16xi32>
      %eq3A = vector.broadcast %arg1 : i32 to vector<16xi32>
      %eq3A_1496 = arith.cmpi eq, %shift_right_logical3A_1495, %eq3A : vector<16xi32>
      %and3A_1497 = arith.constant 16383 : i32
      %and3A_1498 = vector.broadcast %and3A_1497 : i32 to vector<16xi32>
      %and3A_1499 = arith.andi %add3A_1493, %and3A_1498 : vector<16xi32>
      %mul3A_1500 = arith.constant 16 : i32
      %mul3A_1501 = arith.muli %scan3A_1462, %mul3A_1500 : i32
      %add3A_1502 = vector.broadcast %mul3A_1501 : i32 to vector<16xi32>
      %add3A_1503 = arith.addi %add3A_1502, %iota3A : vector<16xi32>
      tpu.vector_store_idx %arg16[%and3A_1499], %add3A_1503 masked %eq3A_1496 : memref<16384xi32, #tpu.memory_space<vmem>>[vector<16xi32>], vector<16xi32>, vector<16xi1>
      %scan3A_1504 = arith.constant 0 : i32
      scf.yield %scan3A_1504 : i32
    }
    %scan3A_1189 = arith.constant 512 : i32
    %scan3A_1190 = arith.constant 0 : i32
    %scan3A_1191 = arith.constant 0 : i32
    %scan3A_1192 = arith.constant 512 : i32
    %scan3A_1193 = arith.addi %scan3A_1191, %scan3A_1192 : i32
    %scan3A_1194 = arith.constant 1 : i32
    %scan3A_1195 = scf.for %scan3A_1462 = %scan3A_1191 to %scan3A_1193 step %scan3A_1194 iter_args(%scan3A_1463 = %scan3A_1190) -> (i32)  : i32 {
      %jit3A = arith.constant 8 : i32
      %div3A = arith.divsi %scan3A_1462, %jit3A : i32
      %sign3A = arith.constant 0 : i32
      %sign3A_1464 = arith.cmpi sgt, %scan3A_1462, %sign3A : i32
      %sign3A_1465 = arith.extui %sign3A_1464 : i1 to i32
      %sign3A_1466 = arith.constant 0 : i32
      %sign3A_1467 = arith.cmpi slt, %scan3A_1462, %sign3A_1466 : i32
      %sign3A_1468 = arith.extui %sign3A_1467 : i1 to i32
      %sign3A_1469 = arith.subi %sign3A_1465, %sign3A_1468 : i32
      %sign3A_1470 = arith.constant 0 : i32
      %sign3A_1471 = arith.cmpi sgt, %jit3A, %sign3A_1470 : i32
      %sign3A_1472 = arith.extui %sign3A_1471 : i1 to i32
      %sign3A_1473 = arith.constant 0 : i32
      %sign3A_1474 = arith.cmpi slt, %jit3A, %sign3A_1473 : i32
      %sign3A_1475 = arith.extui %sign3A_1474 : i1 to i32
      %sign3A_1476 = arith.subi %sign3A_1472, %sign3A_1475 : i32
      %ne3A = arith.cmpi ne, %sign3A_1469, %sign3A_1476 : i32
      %rem3A = arith.remsi %scan3A_1462, %jit3A : i32
      %ne3A_1477 = arith.constant 0 : i32
      %ne3A_1478 = arith.cmpi ne, %rem3A, %ne3A_1477 : i32
      %and3A = arith.andi %ne3A, %ne3A_1478 : i1
      %sub3A = arith.constant 1 : i32
      %sub3A_1479 = arith.subi %div3A, %sub3A : i32
      %select_n3A = arith.select %and3A, %sub3A_1479, %div3A : i32
      %rem3A_1480 = arith.constant 8 : i32
      %rem3A_1481 = arith.remsi %scan3A_1462, %rem3A_1480 : i32
      %mul3A_1482 = arith.constant 16 : i32
      %mul3A_1483 = arith.muli %rem3A_1481, %mul3A_1482 : i32
      %get3A_1484 = arith.index_cast %select_n3A : i32 to index
      %get3A_1485 = arith.index_cast %mul3A_1483 : i32 to index
      %get3A_1486 = tpu.vector_load %arg11[%get3A_1484, %get3A_1485] {strides = array<i32>} : memref<64x128xi32, #tpu.memory_space<vmem>>, vector<16xi32>,
      %mul3A_1487 = arith.constant 512 : i32
      %mul3A_1488 = vector.broadcast %mul3A_1487 : i32 to vector<16xi32>
      %mul3A_1489 = arith.muli %get3A_1486, %mul3A_1488 : vector<16xi32>
      %get3A_1490 = arith.index_cast %select_n3A : i32 to index
      %get3A_1491 = arith.index_cast %mul3A_1483 : i32 to index
      %get3A_1492 = tpu.vector_load %arg12[%get3A_1490, %get3A_1491] {strides = array<i32>} : memref<64x128xi32, #tpu.memory_space<vmem>>, vector<16xi32>,
      %add3A_1493 = arith.addi %mul3A_1489, %get3A_1492 : vector<16xi32>
      %shift_right_logical3A = arith.constant 14 : i32
      %shift_right_logical3A_1494 = vector.broadcast %shift_right_logical3A : i32 to vector<16xi32>
      %shift_right_logical3A_1495 = arith.shrui %add3A_1493, %shift_right_logical3A_1494 : vector<16xi32>
      %eq3A = vector.broadcast %arg1 : i32 to vector<16xi32>
      %eq3A_1496 = arith.cmpi eq, %shift_right_logical3A_1495, %eq3A : vector<16xi32>
      %and3A_1497 = arith.constant 16383 : i32
      %and3A_1498 = vector.broadcast %and3A_1497 : i32 to vector<16xi32>
      %and3A_1499 = arith.andi %add3A_1493, %and3A_1498 : vector<16xi32>
      %gather3A = tpu.vector_load_idx %arg16[%and3A_1499] masked %eq3A_1496 : memref<16384xi32, #tpu.memory_space<vmem>>[vector<16xi32>], vector<16xi32>, vector<16xi1>
      %jit3A_1500 = arith.constant 0 : i32
      %broadcast_in_dim3A_1501 = vector.broadcast %jit3A_1500 : i32 to vector<16xi32>
      %select_n3A_1502 = arith.select %eq3A_1496, %gather3A, %broadcast_in_dim3A_1501 : vector<16xi1>, vector<16xi32>
      %swap3A_1503 = arith.index_cast %select_n3A : i32 to index
      %swap3A_1504 = arith.index_cast %mul3A_1483 : i32 to index
      %swap3A_1505 = tpu.vector_load %arg17[%swap3A_1503, %swap3A_1504] {strides = array<i32>} : memref<64x128xi32, #tpu.memory_space<vmem>>, vector<16xi32>,
      tpu.vector_store %arg17[%swap3A_1503, %swap3A_1504], %select_n3A_1502 {strides = array<i32>} : memref<64x128xi32, #tpu.memory_space<vmem>>, vector<16xi32>,
      %scan3A_1506 = arith.constant 0 : i32
      scf.yield %scan3A_1506 : i32
    }
    %scan3A_1196 = arith.constant 512 : i32
    %add3A_1197 = arith.constant 0 : i32
    %add3A_1198 = vector.broadcast %add3A_1197 : i32 to vector<16xi32>
    %add3A_1199 = arith.addi %add3A_1198, %iota3A : vector<16xi32>
    %swap3A_1200 = arith.constant 0 : i32
    %swap3A_1201 = arith.index_cast %swap3A_1200 : i32 to index
    %swap3A_1202 = arith.constant 0 : index
    %swap3A_1203 = tpu.vector_load %arg18[%swap3A_1201, %swap3A_1202] {strides = array<i32>} : memref<1x64xi32, #tpu.memory_space<vmem>>, vector<16xi32>,
    tpu.vector_store %arg18[%swap3A_1201, %swap3A_1202], %add3A_1199 {strides = array<i32>} : memref<1x64xi32, #tpu.memory_space<vmem>>, vector<16xi32>,
    %add3A_1204 = arith.constant 16 : i32
    %add3A_1205 = vector.broadcast %add3A_1204 : i32 to vector<16xi32>
    %add3A_1206 = arith.addi %add3A_1205, %iota3A : vector<16xi32>
    %swap3A_1207 = arith.constant 0 : i32
    %swap3A_1208 = arith.index_cast %swap3A_1207 : i32 to index
    %swap3A_1209 = arith.constant 16 : index
    %swap3A_1210 = tpu.vector_load %arg18[%swap3A_1208, %swap3A_1209] {strides = array<i32>} : memref<1x64xi32, #tpu.memory_space<vmem>>, vector<16xi32>,
    tpu.vector_store %arg18[%swap3A_1208, %swap3A_1209], %add3A_1206 {strides = array<i32>} : memref<1x64xi32, #tpu.memory_space<vmem>>, vector<16xi32>,
    %add3A_1211 = arith.constant 32 : i32
    %add3A_1212 = vector.broadcast %add3A_1211 : i32 to vector<16xi32>
    %add3A_1213 = arith.addi %add3A_1212, %iota3A : vector<16xi32>
    %swap3A_1214 = arith.constant 0 : i32
    %swap3A_1215 = arith.index_cast %swap3A_1214 : i32 to index
    %swap3A_1216 = arith.constant 32 : index
    %swap3A_1217 = tpu.vector_load %arg18[%swap3A_1215, %swap3A_1216] {strides = array<i32>} : memref<1x64xi32, #tpu.memory_space<vmem>>, vector<16xi32>,
    tpu.vector_store %arg18[%swap3A_1215, %swap3A_1216], %add3A_1213 {strides = array<i32>} : memref<1x64xi32, #tpu.memory_space<vmem>>, vector<16xi32>,
    %add3A_1218 = arith.constant 48 : i32
    %add3A_1219 = vector.broadcast %add3A_1218 : i32 to vector<16xi32>
    %add3A_1220 = arith.addi %add3A_1219, %iota3A : vector<16xi32>
    %swap3A_1221 = arith.constant 0 : i32
    %swap3A_1222 = arith.index_cast %swap3A_1221 : i32 to index
    %swap3A_1223 = arith.constant 48 : index
    %swap3A_1224 = tpu.vector_load %arg18[%swap3A_1222, %swap3A_1223] {strides = array<i32>} : memref<1x64xi32, #tpu.memory_space<vmem>>, vector<16xi32>,
    tpu.vector_store %arg18[%swap3A_1222, %swap3A_1223], %add3A_1220 {strides = array<i32>} : memref<1x64xi32, #tpu.memory_space<vmem>>, vector<16xi32>,
    %run_scoped3A = arith.constant 0 : i32
    "tpu.region"() ({
      %run_scoped3A_1462 = tpu.sem_alloc : memref<!tpu.dma_semaphore, #tpu.memory_space<semaphore_mem>>
      %dma_start3A_1463 = arith.constant 0 : i32
      %dma_start3A_1464 = tpu.memref_slice %arg18[%run_scoped3A, %dma_start3A_1463] : memref<1x64xi32, #tpu.memory_space<vmem>> -> memref<1x64xi32, #tpu.memory_space<vmem>>
      %dma_start3A_1465 = tpu.memref_squeeze %dma_start3A_1464 : memref<1x64xi32, #tpu.memory_space<vmem>> -> memref<64xi32, #tpu.memory_space<vmem>>
      %dma_start3A_1466 = arith.constant 0 : i32
      %dma_start3A_1467 = arith.constant 0 : i32
      %dma_start3A_1468 = tpu.memref_slice %arg10[%dma_start3A_1466, %dma_start3A_1467] : memref<64x128xi32, #tpu.memory_space<vmem_shared>> -> memref<64x128xi32, #tpu.memory_space<vmem_shared>>
      tpu.enqueue_indirect_dma source(%arg17 : memref<64x128xi32, #tpu.memory_space<vmem>>) target(%dma_start3A_1468 : memref<64x128xi32, #tpu.memory_space<vmem_shared>>) offsets(%dma_start3A_1465 : memref<64xi32, #tpu.memory_space<vmem>>) semaphore(%run_scoped3A_1462 : memref<!tpu.dma_semaphore, #tpu.memory_space<semaphore_mem>>) {add = true}
      %dma_wait3A_1469 = arith.constant 0 : i32
      %dma_wait3A_1470 = tpu.memref_slice %arg18[%run_scoped3A, %dma_wait3A_1469] : memref<1x64xi32, #tpu.memory_space<vmem>> -> memref<1x64xi32, #tpu.memory_space<vmem>>
      %dma_wait3A_1471 = tpu.memref_squeeze %dma_wait3A_1470 : memref<1x64xi32, #tpu.memory_space<vmem>> -> memref<64xi32, #tpu.memory_space<vmem>>
      %dma_wait3A_1472 = arith.constant 0 : i32
      %dma_wait3A_1473 = arith.constant 0 : i32
      %dma_wait3A_1474 = tpu.memref_slice %arg10[%dma_wait3A_1472, %dma_wait3A_1473] : memref<64x128xi32, #tpu.memory_space<vmem_shared>> -> memref<64x128xi32, #tpu.memory_space<vmem_shared>>
      tpu.wait_indirect_dma semaphore(%run_scoped3A_1462 : memref<!tpu.dma_semaphore, #tpu.memory_space<semaphore_mem>>) src(%arg17 : memref<64x128xi32, #tpu.memory_space<vmem>>) dst(%dma_wait3A_1474 : memref<64x128xi32, #tpu.memory_space<vmem_shared>>)
      tpu.yield
    }) : () -> ()
    %barrier3A_1225 = arith.constant 0 : index
    tpu.barrier barrier_id(%barrier3A_1225)
    %mul3A_1226 = arith.constant 4 : i32
    %mul3A_1227 = arith.muli %arg1, %mul3A_1226 : i32
    "tpu.region"() ({
      %run_scoped3A_1462 = tpu.sem_alloc : memref<!tpu.dma_semaphore, #tpu.memory_space<semaphore_mem>>
      %dma_start3A_1463 = arith.constant 0 : i32
      %dma_start3A_1464 = tpu.memref_slice %arg10[%mul3A_1227, %dma_start3A_1463] : memref<64x128xi32, #tpu.memory_space<vmem_shared>> -> memref<4x128xi32, #tpu.memory_space<vmem_shared>>
      %dma_start3A_1465 = arith.constant 0 : i32
      %dma_start3A_1466 = tpu.memref_slice %arg10[%mul3A_1227, %dma_start3A_1465] : memref<64x128xi32, #tpu.memory_space<vmem_shared>> -> memref<4x128xi32, #tpu.memory_space<vmem_shared>>
      tpu.enqueue_dma source(%dma_start3A_1466 : memref<4x128xi32, #tpu.memory_space<vmem_shared>>) target(%arg15 : memref<4x128xi32, #tpu.memory_space<vmem>>) target_semaphore(%run_scoped3A_1462 : memref<!tpu.dma_semaphore, #tpu.memory_space<semaphore_mem>>)
      %dma_wait3A_1467 = arith.constant 0 : i32
      %dma_wait3A_1468 = tpu.memref_slice %arg10[%mul3A_1227, %dma_wait3A_1467] : memref<64x128xi32, #tpu.memory_space<vmem_shared>> -> memref<4x128xi32, #tpu.memory_space<vmem_shared>>
      %dma_wait3A_1469 = arith.constant 0 : i32
      %dma_wait3A_1470 = tpu.memref_slice %arg10[%mul3A_1227, %dma_wait3A_1469] : memref<64x128xi32, #tpu.memory_space<vmem_shared>> -> memref<4x128xi32, #tpu.memory_space<vmem_shared>>
      tpu.wait_dma2 semaphore(%run_scoped3A_1462 : memref<!tpu.dma_semaphore, #tpu.memory_space<semaphore_mem>>) src(%dma_wait3A_1470 : memref<4x128xi32, #tpu.memory_space<vmem_shared>>) dst(%arg15 : memref<4x128xi32, #tpu.memory_space<vmem>>)
      tpu.yield
    }) : () -> ()
    %add3A_1228 = arith.constant 0 : i32
    %add3A_1229 = arith.addi %mul3A_0, %add3A_1228 : i32
    %mul3A_1230 = arith.constant 8192 : i32
    %mul3A_1231 = arith.muli %arg0, %mul3A_1230 : i32
    %add3A_1232 = arith.addi %mul3A_1231, %add3A_1229 : i32
    "tpu.region"() ({
      %run_scoped3A_1462 = tpu.sem_alloc : memref<!tpu.dma_semaphore, #tpu.memory_space<semaphore_mem>>
      %dma_start3A_1463 = arith.constant 0 : i32
      %dma_start3A_1464 = tpu.memref_slice %arg6[%add3A_1232, %dma_start3A_1463] : memref<16384x64xf32, #tpu.memory_space<hbm>> -> memref<128x64xf32, #tpu.memory_space<hbm>>
      %dma_start3A_1465 = arith.constant 0 : i32
      %dma_start3A_1466 = tpu.memref_slice %arg6[%add3A_1232, %dma_start3A_1465] : memref<16384x64xf32, #tpu.memory_space<hbm>> -> memref<128x64xf32, #tpu.memory_space<hbm>>
      tpu.enqueue_dma source(%dma_start3A_1466 : memref<128x64xf32, #tpu.memory_space<hbm>>) target(%arg19 : memref<128x64xf32, #tpu.memory_space<vmem>>) target_semaphore(%run_scoped3A_1462 : memref<!tpu.dma_semaphore, #tpu.memory_space<semaphore_mem>>)
      %dma_wait3A_1467 = arith.constant 0 : i32
      %dma_wait3A_1468 = tpu.memref_slice %arg6[%add3A_1232, %dma_wait3A_1467] : memref<16384x64xf32, #tpu.memory_space<hbm>> -> memref<128x64xf32, #tpu.memory_space<hbm>>
      %dma_wait3A_1469 = arith.constant 0 : i32
      %dma_wait3A_1470 = tpu.memref_slice %arg6[%add3A_1232, %dma_wait3A_1469] : memref<16384x64xf32, #tpu.memory_space<hbm>> -> memref<128x64xf32, #tpu.memory_space<hbm>>
      tpu.wait_dma2 semaphore(%run_scoped3A_1462 : memref<!tpu.dma_semaphore, #tpu.memory_space<semaphore_mem>>) src(%dma_wait3A_1470 : memref<128x64xf32, #tpu.memory_space<hbm>>) dst(%arg19 : memref<128x64xf32, #tpu.memory_space<vmem>>)
      tpu.yield
    }) : () -> ()
    %run_scoped3A_1233 = arith.constant 0 : i32
    "tpu.region"() ({
      %run_scoped3A_1462 = tpu.sem_alloc : memref<!tpu.dma_semaphore, #tpu.memory_space<semaphore_mem>>
      %dma_start3A_1463 = arith.constant 0 : i32
      %dma_start3A_1464 = tpu.memref_slice %arg15[%run_scoped3A_1233, %dma_start3A_1463] : memref<4x128xi32, #tpu.memory_space<vmem>> -> memref<1x128xi32, #tpu.memory_space<vmem>>
      %dma_start3A_1465 = tpu.memref_squeeze %dma_start3A_1464 : memref<1x128xi32, #tpu.memory_space<vmem>> -> memref<128xi32, #tpu.memory_space<vmem>>
      %dma_start3A_1466 = arith.constant 0 : i32
      %dma_start3A_1467 = arith.constant 0 : i32
      %dma_start3A_1468 = tpu.memref_slice %arg8[%dma_start3A_1466, %dma_start3A_1467] : memref<8192x64xf32, #tpu.memory_space<vmem_shared>> -> memref<8192x64xf32, #tpu.memory_space<vmem_shared>>
      tpu.enqueue_indirect_dma source(%arg19 : memref<128x64xf32, #tpu.memory_space<vmem>>) target(%dma_start3A_1468 : memref<8192x64xf32, #tpu.memory_space<vmem_shared>>) offsets(%dma_start3A_1465 : memref<128xi32, #tpu.memory_space<vmem>>) semaphore(%run_scoped3A_1462 : memref<!tpu.dma_semaphore, #tpu.memory_space<semaphore_mem>>) {add = true}
      %dma_wait3A_1469 = arith.constant 0 : i32
      %dma_wait3A_1470 = tpu.memref_slice %arg15[%run_scoped3A_1233, %dma_wait3A_1469] : memref<4x128xi32, #tpu.memory_space<vmem>> -> memref<1x128xi32, #tpu.memory_space<vmem>>
      %dma_wait3A_1471 = tpu.memref_squeeze %dma_wait3A_1470 : memref<1x128xi32, #tpu.memory_space<vmem>> -> memref<128xi32, #tpu.memory_space<vmem>>
      %dma_wait3A_1472 = arith.constant 0 : i32
      %dma_wait3A_1473 = arith.constant 0 : i32
      %dma_wait3A_1474 = tpu.memref_slice %arg8[%dma_wait3A_1472, %dma_wait3A_1473] : memref<8192x64xf32, #tpu.memory_space<vmem_shared>> -> memref<8192x64xf32, #tpu.memory_space<vmem_shared>>
      tpu.wait_indirect_dma semaphore(%run_scoped3A_1462 : memref<!tpu.dma_semaphore, #tpu.memory_space<semaphore_mem>>) src(%arg19 : memref<128x64xf32, #tpu.memory_space<vmem>>) dst(%dma_wait3A_1474 : memref<8192x64xf32, #tpu.memory_space<vmem_shared>>)
      tpu.yield
    }) : () -> ()
    %add3A_1234 = arith.constant 128 : i32
    %add3A_1235 = arith.addi %mul3A_0, %add3A_1234 : i32
    %mul3A_1236 = arith.constant 8192 : i32
    %mul3A_1237 = arith.muli %arg0, %mul3A_1236 : i32
    %add3A_1238 = arith.addi %mul3A_1237, %add3A_1235 : i32
    "tpu.region"() ({
      %run_scoped3A_1462 = tpu.sem_alloc : memref<!tpu.dma_semaphore, #tpu.memory_space<semaphore_mem>>
      %dma_start3A_1463 = arith.constant 0 : i32
      %dma_start3A_1464 = tpu.memref_slice %arg6[%add3A_1238, %dma_start3A_1463] : memref<16384x64xf32, #tpu.memory_space<hbm>> -> memref<128x64xf32, #tpu.memory_space<hbm>>
      %dma_start3A_1465 = arith.constant 0 : i32
      %dma_start3A_1466 = tpu.memref_slice %arg6[%add3A_1238, %dma_start3A_1465] : memref<16384x64xf32, #tpu.memory_space<hbm>> -> memref<128x64xf32, #tpu.memory_space<hbm>>
      tpu.enqueue_dma source(%dma_start3A_1466 : memref<128x64xf32, #tpu.memory_space<hbm>>) target(%arg19 : memref<128x64xf32, #tpu.memory_space<vmem>>) target_semaphore(%run_scoped3A_1462 : memref<!tpu.dma_semaphore, #tpu.memory_space<semaphore_mem>>)
      %dma_wait3A_1467 = arith.constant 0 : i32
      %dma_wait3A_1468 = tpu.memref_slice %arg6[%add3A_1238, %dma_wait3A_1467] : memref<16384x64xf32, #tpu.memory_space<hbm>> -> memref<128x64xf32, #tpu.memory_space<hbm>>
      %dma_wait3A_1469 = arith.constant 0 : i32
      %dma_wait3A_1470 = tpu.memref_slice %arg6[%add3A_1238, %dma_wait3A_1469] : memref<16384x64xf32, #tpu.memory_space<hbm>> -> memref<128x64xf32, #tpu.memory_space<hbm>>
      tpu.wait_dma2 semaphore(%run_scoped3A_1462 : memref<!tpu.dma_semaphore, #tpu.memory_space<semaphore_mem>>) src(%dma_wait3A_1470 : memref<128x64xf32, #tpu.memory_space<hbm>>) dst(%arg19 : memref<128x64xf32, #tpu.memory_space<vmem>>)
      tpu.yield
    }) : () -> ()
    %run_scoped3A_1239 = arith.constant 1 : i32
    "tpu.region"() ({
      %run_scoped3A_1462 = tpu.sem_alloc : memref<!tpu.dma_semaphore, #tpu.memory_space<semaphore_mem>>
      %dma_start3A_1463 = arith.constant 0 : i32
      %dma_start3A_1464 = tpu.memref_slice %arg15[%run_scoped3A_1239, %dma_start3A_1463] : memref<4x128xi32, #tpu.memory_space<vmem>> -> memref<1x128xi32, #tpu.memory_space<vmem>>
      %dma_start3A_1465 = tpu.memref_squeeze %dma_start3A_1464 : memref<1x128xi32, #tpu.memory_space<vmem>> -> memref<128xi32, #tpu.memory_space<vmem>>
      %dma_start3A_1466 = arith.constant 0 : i32
      %dma_start3A_1467 = arith.constant 0 : i32
      %dma_start3A_1468 = tpu.memref_slice %arg8[%dma_start3A_1466, %dma_start3A_1467] : memref<8192x64xf32, #tpu.memory_space<vmem_shared>> -> memref<8192x64xf32, #tpu.memory_space<vmem_shared>>
      tpu.enqueue_indirect_dma source(%arg19 : memref<128x64xf32, #tpu.memory_space<vmem>>) target(%dma_start3A_1468 : memref<8192x64xf32, #tpu.memory_space<vmem_shared>>) offsets(%dma_start3A_1465 : memref<128xi32, #tpu.memory_space<vmem>>) semaphore(%run_scoped3A_1462 : memref<!tpu.dma_semaphore, #tpu.memory_space<semaphore_mem>>) {add = true}
      %dma_wait3A_1469 = arith.constant 0 : i32
      %dma_wait3A_1470 = tpu.memref_slice %arg15[%run_scoped3A_1239, %dma_wait3A_1469] : memref<4x128xi32, #tpu.memory_space<vmem>> -> memref<1x128xi32, #tpu.memory_space<vmem>>
      %dma_wait3A_1471 = tpu.memref_squeeze %dma_wait3A_1470 : memref<1x128xi32, #tpu.memory_space<vmem>> -> memref<128xi32, #tpu.memory_space<vmem>>
      %dma_wait3A_1472 = arith.constant 0 : i32
      %dma_wait3A_1473 = arith.constant 0 : i32
      %dma_wait3A_1474 = tpu.memref_slice %arg8[%dma_wait3A_1472, %dma_wait3A_1473] : memref<8192x64xf32, #tpu.memory_space<vmem_shared>> -> memref<8192x64xf32, #tpu.memory_space<vmem_shared>>
      tpu.wait_indirect_dma semaphore(%run_scoped3A_1462 : memref<!tpu.dma_semaphore, #tpu.memory_space<semaphore_mem>>) src(%arg19 : memref<128x64xf32, #tpu.memory_space<vmem>>) dst(%dma_wait3A_1474 : memref<8192x64xf32, #tpu.memory_space<vmem_shared>>)
      tpu.yield
    }) : () -> ()
    %add3A_1240 = arith.constant 256 : i32
    %add3A_1241 = arith.addi %mul3A_0, %add3A_1240 : i32
    %mul3A_1242 = arith.constant 8192 : i32
    %mul3A_1243 = arith.muli %arg0, %mul3A_1242 : i32
    %add3A_1244 = arith.addi %mul3A_1243, %add3A_1241 : i32
    "tpu.region"() ({
      %run_scoped3A_1462 = tpu.sem_alloc : memref<!tpu.dma_semaphore, #tpu.memory_space<semaphore_mem>>
      %dma_start3A_1463 = arith.constant 0 : i32
      %dma_start3A_1464 = tpu.memref_slice %arg6[%add3A_1244, %dma_start3A_1463] : memref<16384x64xf32, #tpu.memory_space<hbm>> -> memref<128x64xf32, #tpu.memory_space<hbm>>
      %dma_start3A_1465 = arith.constant 0 : i32
      %dma_start3A_1466 = tpu.memref_slice %arg6[%add3A_1244, %dma_start3A_1465] : memref<16384x64xf32, #tpu.memory_space<hbm>> -> memref<128x64xf32, #tpu.memory_space<hbm>>
      tpu.enqueue_dma source(%dma_start3A_1466 : memref<128x64xf32, #tpu.memory_space<hbm>>) target(%arg19 : memref<128x64xf32, #tpu.memory_space<vmem>>) target_semaphore(%run_scoped3A_1462 : memref<!tpu.dma_semaphore, #tpu.memory_space<semaphore_mem>>)
      %dma_wait3A_1467 = arith.constant 0 : i32
      %dma_wait3A_1468 = tpu.memref_slice %arg6[%add3A_1244, %dma_wait3A_1467] : memref<16384x64xf32, #tpu.memory_space<hbm>> -> memref<128x64xf32, #tpu.memory_space<hbm>>
      %dma_wait3A_1469 = arith.constant 0 : i32
      %dma_wait3A_1470 = tpu.memref_slice %arg6[%add3A_1244, %dma_wait3A_1469] : memref<16384x64xf32, #tpu.memory_space<hbm>> -> memref<128x64xf32, #tpu.memory_space<hbm>>
      tpu.wait_dma2 semaphore(%run_scoped3A_1462 : memref<!tpu.dma_semaphore, #tpu.memory_space<semaphore_mem>>) src(%dma_wait3A_1470 : memref<128x64xf32, #tpu.memory_space<hbm>>) dst(%arg19 : memref<128x64xf32, #tpu.memory_space<vmem>>)
      tpu.yield
    }) : () -> ()
    %run_scoped3A_1245 = arith.constant 2 : i32
    "tpu.region"() ({
      %run_scoped3A_1462 = tpu.sem_alloc : memref<!tpu.dma_semaphore, #tpu.memory_space<semaphore_mem>>
      %dma_start3A_1463 = arith.constant 0 : i32
      %dma_start3A_1464 = tpu.memref_slice %arg15[%run_scoped3A_1245, %dma_start3A_1463] : memref<4x128xi32, #tpu.memory_space<vmem>> -> memref<1x128xi32, #tpu.memory_space<vmem>>
      %dma_start3A_1465 = tpu.memref_squeeze %dma_start3A_1464 : memref<1x128xi32, #tpu.memory_space<vmem>> -> memref<128xi32, #tpu.memory_space<vmem>>
      %dma_start3A_1466 = arith.constant 0 : i32
      %dma_start3A_1467 = arith.constant 0 : i32
      %dma_start3A_1468 = tpu.memref_slice %arg8[%dma_start3A_1466, %dma_start3A_1467] : memref<8192x64xf32, #tpu.memory_space<vmem_shared>> -> memref<8192x64xf32, #tpu.memory_space<vmem_shared>>
      tpu.enqueue_indirect_dma source(%arg19 : memref<128x64xf32, #tpu.memory_space<vmem>>) target(%dma_start3A_1468 : memref<8192x64xf32, #tpu.memory_space<vmem_shared>>) offsets(%dma_start3A_1465 : memref<128xi32, #tpu.memory_space<vmem>>) semaphore(%run_scoped3A_1462 : memref<!tpu.dma_semaphore, #tpu.memory_space<semaphore_mem>>) {add = true}
      %dma_wait3A_1469 = arith.constant 0 : i32
      %dma_wait3A_1470 = tpu.memref_slice %arg15[%run_scoped3A_1245, %dma_wait3A_1469] : memref<4x128xi32, #tpu.memory_space<vmem>> -> memref<1x128xi32, #tpu.memory_space<vmem>>
      %dma_wait3A_1471 = tpu.memref_squeeze %dma_wait3A_1470 : memref<1x128xi32, #tpu.memory_space<vmem>> -> memref<128xi32, #tpu.memory_space<vmem>>
      %dma_wait3A_1472 = arith.constant 0 : i32
      %dma_wait3A_1473 = arith.constant 0 : i32
      %dma_wait3A_1474 = tpu.memref_slice %arg8[%dma_wait3A_1472, %dma_wait3A_1473] : memref<8192x64xf32, #tpu.memory_space<vmem_shared>> -> memref<8192x64xf32, #tpu.memory_space<vmem_shared>>
      tpu.wait_indirect_dma semaphore(%run_scoped3A_1462 : memref<!tpu.dma_semaphore, #tpu.memory_space<semaphore_mem>>) src(%arg19 : memref<128x64xf32, #tpu.memory_space<vmem>>) dst(%dma_wait3A_1474 : memref<8192x64xf32, #tpu.memory_space<vmem_shared>>)
      tpu.yield
    }) : () -> ()
    %add3A_1246 = arith.constant 384 : i32
    %add3A_1247 = arith.addi %mul3A_0, %add3A_1246 : i32
    %mul3A_1248 = arith.constant 8192 : i32
    %mul3A_1249 = arith.muli %arg0, %mul3A_1248 : i32
    %add3A_1250 = arith.addi %mul3A_1249, %add3A_1247 : i32
    "tpu.region"() ({
      %run_scoped3A_1462 = tpu.sem_alloc : memref<!tpu.dma_semaphore, #tpu.memory_space<semaphore_mem>>
      %dma_start3A_1463 = arith.constant 0 : i32
      %dma_start3A_1464 = tpu.memref_slice %arg6[%add3A_1250, %dma_start3A_1463] : memref<16384x64xf32, #tpu.memory_space<hbm>> -> memref<128x64xf32, #tpu.memory_space<hbm>>
      %dma_start3A_1465 = arith.constant 0 : i32
      %dma_start3A_1466 = tpu.memref_slice %arg6[%add3A_1250, %dma_start3A_1465] : memref<16384x64xf32, #tpu.memory_space<hbm>> -> memref<128x64xf32, #tpu.memory_space<hbm>>
      tpu.enqueue_dma source(%dma_start3A_1466 : memref<128x64xf32, #tpu.memory_space<hbm>>) target(%arg19 : memref<128x64xf32, #tpu.memory_space<vmem>>) target_semaphore(%run_scoped3A_1462 : memref<!tpu.dma_semaphore, #tpu.memory_space<semaphore_mem>>)
      %dma_wait3A_1467 = arith.constant 0 : i32
      %dma_wait3A_1468 = tpu.memref_slice %arg6[%add3A_1250, %dma_wait3A_1467] : memref<16384x64xf32, #tpu.memory_space<hbm>> -> memref<128x64xf32, #tpu.memory_space<hbm>>
      %dma_wait3A_1469 = arith.constant 0 : i32
      %dma_wait3A_1470 = tpu.memref_slice %arg6[%add3A_1250, %dma_wait3A_1469] : memref<16384x64xf32, #tpu.memory_space<hbm>> -> memref<128x64xf32, #tpu.memory_space<hbm>>
      tpu.wait_dma2 semaphore(%run_scoped3A_1462 : memref<!tpu.dma_semaphore, #tpu.memory_space<semaphore_mem>>) src(%dma_wait3A_1470 : memref<128x64xf32, #tpu.memory_space<hbm>>) dst(%arg19 : memref<128x64xf32, #tpu.memory_space<vmem>>)
      tpu.yield
    }) : () -> ()
    %run_scoped3A_1251 = arith.constant 3 : i32
    "tpu.region"() ({
      %run_scoped3A_1462 = tpu.sem_alloc : memref<!tpu.dma_semaphore, #tpu.memory_space<semaphore_mem>>
      %dma_start3A_1463 = arith.constant 0 : i32
      %dma_start3A_1464 = tpu.memref_slice %arg15[%run_scoped3A_1251, %dma_start3A_1463] : memref<4x128xi32, #tpu.memory_space<vmem>> -> memref<1x128xi32, #tpu.memory_space<vmem>>
      %dma_start3A_1465 = tpu.memref_squeeze %dma_start3A_1464 : memref<1x128xi32, #tpu.memory_space<vmem>> -> memref<128xi32, #tpu.memory_space<vmem>>
      %dma_start3A_1466 = arith.constant 0 : i32
      %dma_start3A_1467 = arith.constant 0 : i32
      %dma_start3A_1468 = tpu.memref_slice %arg8[%dma_start3A_1466, %dma_start3A_1467] : memref<8192x64xf32, #tpu.memory_space<vmem_shared>> -> memref<8192x64xf32, #tpu.memory_space<vmem_shared>>
      tpu.enqueue_indirect_dma source(%arg19 : memref<128x64xf32, #tpu.memory_space<vmem>>) target(%dma_start3A_1468 : memref<8192x64xf32, #tpu.memory_space<vmem_shared>>) offsets(%dma_start3A_1465 : memref<128xi32, #tpu.memory_space<vmem>>) semaphore(%run_scoped3A_1462 : memref<!tpu.dma_semaphore, #tpu.memory_space<semaphore_mem>>) {add = true}
      %dma_wait3A_1469 = arith.constant 0 : i32
      %dma_wait3A_1470 = tpu.memref_slice %arg15[%run_scoped3A_1251, %dma_wait3A_1469] : memref<4x128xi32, #tpu.memory_space<vmem>> -> memref<1x128xi32, #tpu.memory_space<vmem>>
      %dma_wait3A_1471 = tpu.memref_squeeze %dma_wait3A_1470 : memref<1x128xi32, #tpu.memory_space<vmem>> -> memref<128xi32, #tpu.memory_space<vmem>>
      %dma_wait3A_1472 = arith.constant 0 : i32
      %dma_wait3A_1473 = arith.constant 0 : i32
      %dma_wait3A_1474 = tpu.memref_slice %arg8[%dma_wait3A_1472, %dma_wait3A_1473] : memref<8192x64xf32, #tpu.memory_space<vmem_shared>> -> memref<8192x64xf32, #tpu.memory_space<vmem_shared>>
      tpu.wait_indirect_dma semaphore(%run_scoped3A_1462 : memref<!tpu.dma_semaphore, #tpu.memory_space<semaphore_mem>>) src(%arg19 : memref<128x64xf32, #tpu.memory_space<vmem>>) dst(%dma_wait3A_1474 : memref<8192x64xf32, #tpu.memory_space<vmem_shared>>)
      tpu.yield
    }) : () -> ()
    %barrier3A_1252 = arith.constant 0 : index
    tpu.barrier barrier_id(%barrier3A_1252)
    %scan3A_1253 = arith.constant 0 : i32
    %scan3A_1254 = arith.constant 0 : i32
    %scan3A_1255 = arith.constant 128 : i32
    %scan3A_1256 = arith.addi %scan3A_1254, %scan3A_1255 : i32
    %scan3A_1257 = arith.constant 1 : i32
    %scan3A_1258 = scf.for %scan3A_1462 = %scan3A_1254 to %scan3A_1256 step %scan3A_1257 iter_args(%scan3A_1463 = %scan3A_1253) -> (i32)  : i32 {
      %swap3A_1464 = arith.index_cast %scan3A_1462 : i32 to index
      %swap3A_1465 = arith.constant 64 : index
      %swap3A_1466 = tpu.vector_load %arg22[%swap3A_1464, %swap3A_1465] {strides = array<i32>} : memref<128x128xf32, #tpu.memory_space<vmem>>, vector<16xf32>,
      tpu.vector_store %arg22[%swap3A_1464, %swap3A_1465], %broadcast_in_dim3A_1 {strides = array<i32>} : memref<128x128xf32, #tpu.memory_space<vmem>>, vector<16xf32>,
      %swap3A_1467 = arith.index_cast %scan3A_1462 : i32 to index
      %swap3A_1468 = arith.constant 80 : index
      %swap3A_1469 = tpu.vector_load %arg22[%swap3A_1467, %swap3A_1468] {strides = array<i32>} : memref<128x128xf32, #tpu.memory_space<vmem>>, vector<16xf32>,
      tpu.vector_store %arg22[%swap3A_1467, %swap3A_1468], %broadcast_in_dim3A_1 {strides = array<i32>} : memref<128x128xf32, #tpu.memory_space<vmem>>, vector<16xf32>,
      %swap3A_1470 = arith.index_cast %scan3A_1462 : i32 to index
      %swap3A_1471 = arith.constant 96 : index
      %swap3A_1472 = tpu.vector_load %arg22[%swap3A_1470, %swap3A_1471] {strides = array<i32>} : memref<128x128xf32, #tpu.memory_space<vmem>>, vector<16xf32>,
      tpu.vector_store %arg22[%swap3A_1470, %swap3A_1471], %broadcast_in_dim3A_1 {strides = array<i32>} : memref<128x128xf32, #tpu.memory_space<vmem>>, vector<16xf32>,
      %swap3A_1473 = arith.index_cast %scan3A_1462 : i32 to index
      %swap3A_1474 = arith.constant 112 : index
      %swap3A_1475 = tpu.vector_load %arg22[%swap3A_1473, %swap3A_1474] {strides = array<i32>} : memref<128x128xf32, #tpu.memory_space<vmem>>, vector<16xf32>,
      tpu.vector_store %arg22[%swap3A_1473, %swap3A_1474], %broadcast_in_dim3A_1 {strides = array<i32>} : memref<128x128xf32, #tpu.memory_space<vmem>>, vector<16xf32>,
      %scan3A_1476 = arith.constant 0 : i32
      scf.yield %scan3A_1476 : i32
    }
    %scan3A_1259 = arith.constant 128 : i32
    %add3A_1260 = arith.constant 0 : i32
    %add3A_1261 = arith.addi %mul3A_0, %add3A_1260 : i32
    %dma_start3A = arith.constant 0 : i32
    %dma_start3A_1262 = tpu.memref_slice %arg8[%add3A_1261, %dma_start3A] : memref<8192x64xf32, #tpu.memory_space<vmem_shared>> -> memref<128x64xf32, #tpu.memory_space<vmem_shared>>
    %dma_start3A_1263 = arith.constant 0 : i32
    %dma_start3A_1264 = tpu.memref_slice %arg8[%add3A_1261, %dma_start3A_1263] : memref<8192x64xf32, #tpu.memory_space<vmem_shared>> -> memref<128x64xf32, #tpu.memory_space<vmem_shared>>
    tpu.enqueue_dma source(%dma_start3A_1264 : memref<128x64xf32, #tpu.memory_space<vmem_shared>>) target(%arg21 : memref<128x64xf32, #tpu.memory_space<vmem>>) target_semaphore(%arg27 : memref<!tpu.dma_semaphore, #tpu.memory_space<semaphore_mem>>)
    %dma_start3A_1265 = arith.constant 0 : i32
    %dma_start3A_1266 = arith.constant 0 : i32
    %dma_start3A_1267 = tpu.memref_slice %arg13[%dma_start3A_1265, %dma_start3A_1266] : memref<4x128xi32, #tpu.memory_space<vmem>> -> memref<1x128xi32, #tpu.memory_space<vmem>>
    %dma_start3A_1268 = tpu.memref_squeeze %dma_start3A_1267 : memref<1x128xi32, #tpu.memory_space<vmem>> -> memref<128xi32, #tpu.memory_space<vmem>>
    %dma_start3A_1269 = arith.constant 0 : i32
    %dma_start3A_1270 = arith.constant 0 : i32
    %dma_start3A_1271 = tpu.memref_slice %arg4[%dma_start3A_1269, %dma_start3A_1270] : memref<1024x64xf32, #tpu.memory_space<hbm>> -> memref<1024x64xf32, #tpu.memory_space<hbm>>
    tpu.enqueue_indirect_dma source(%dma_start3A_1271 : memref<1024x64xf32, #tpu.memory_space<hbm>>) target(%arg19 : memref<128x64xf32, #tpu.memory_space<vmem>>) offsets(%dma_start3A_1268 : memref<128xi32, #tpu.memory_space<vmem>>) semaphore(%arg25 : memref<!tpu.dma_semaphore, #tpu.memory_space<semaphore_mem>>)
    %dma_start3A_1272 = arith.constant 0 : i32
    %dma_start3A_1273 = arith.constant 0 : i32
    %dma_start3A_1274 = tpu.memref_slice %arg14[%dma_start3A_1272, %dma_start3A_1273] : memref<4x128xi32, #tpu.memory_space<vmem>> -> memref<1x128xi32, #tpu.memory_space<vmem>>
    %dma_start3A_1275 = tpu.memref_squeeze %dma_start3A_1274 : memref<1x128xi32, #tpu.memory_space<vmem>> -> memref<128xi32, #tpu.memory_space<vmem>>
    %dma_start3A_1276 = arith.constant 0 : i32
    %dma_start3A_1277 = arith.constant 0 : i32
    %dma_start3A_1278 = tpu.memref_slice %arg5[%dma_start3A_1276, %dma_start3A_1277] : memref<1024x64xf32, #tpu.memory_space<hbm>> -> memref<1024x64xf32, #tpu.memory_space<hbm>>
    tpu.enqueue_indirect_dma source(%dma_start3A_1278 : memref<1024x64xf32, #tpu.memory_space<hbm>>) target(%arg20 : memref<128x64xf32, #tpu.memory_space<vmem>>) offsets(%dma_start3A_1275 : memref<128xi32, #tpu.memory_space<vmem>>) semaphore(%arg26 : memref<!tpu.dma_semaphore, #tpu.memory_space<semaphore_mem>>)
    %dma_wait3A = arith.constant 0 : i32
    %dma_wait3A_1279 = tpu.memref_slice %arg8[%add3A_1261, %dma_wait3A] : memref<8192x64xf32, #tpu.memory_space<vmem_shared>> -> memref<128x64xf32, #tpu.memory_space<vmem_shared>>
    %dma_wait3A_1280 = arith.constant 0 : i32
    %dma_wait3A_1281 = tpu.memref_slice %arg8[%add3A_1261, %dma_wait3A_1280] : memref<8192x64xf32, #tpu.memory_space<vmem_shared>> -> memref<128x64xf32, #tpu.memory_space<vmem_shared>>
    tpu.wait_dma2 semaphore(%arg27 : memref<!tpu.dma_semaphore, #tpu.memory_space<semaphore_mem>>) src(%dma_wait3A_1281 : memref<128x64xf32, #tpu.memory_space<vmem_shared>>) dst(%arg21 : memref<128x64xf32, #tpu.memory_space<vmem>>)
    %dma_wait3A_1282 = arith.constant 0 : i32
    %dma_wait3A_1283 = arith.constant 0 : i32
    %dma_wait3A_1284 = tpu.memref_slice %arg13[%dma_wait3A_1282, %dma_wait3A_1283] : memref<4x128xi32, #tpu.memory_space<vmem>> -> memref<1x128xi32, #tpu.memory_space<vmem>>
    %dma_wait3A_1285 = tpu.memref_squeeze %dma_wait3A_1284 : memref<1x128xi32, #tpu.memory_space<vmem>> -> memref<128xi32, #tpu.memory_space<vmem>>
    %dma_wait3A_1286 = arith.constant 0 : i32
    %dma_wait3A_1287 = arith.constant 0 : i32
    %dma_wait3A_1288 = tpu.memref_slice %arg4[%dma_wait3A_1286, %dma_wait3A_1287] : memref<1024x64xf32, #tpu.memory_space<hbm>> -> memref<1024x64xf32, #tpu.memory_space<hbm>>
    tpu.wait_indirect_dma semaphore(%arg25 : memref<!tpu.dma_semaphore, #tpu.memory_space<semaphore_mem>>) src(%dma_wait3A_1288 : memref<1024x64xf32, #tpu.memory_space<hbm>>) dst(%arg19 : memref<128x64xf32, #tpu.memory_space<vmem>>)
    %dma_wait3A_1289 = arith.constant 0 : i32
    %dma_wait3A_1290 = arith.constant 0 : i32
    %dma_wait3A_1291 = tpu.memref_slice %arg14[%dma_wait3A_1289, %dma_wait3A_1290] : memref<4x128xi32, #tpu.memory_space<vmem>> -> memref<1x128xi32, #tpu.memory_space<vmem>>
    %dma_wait3A_1292 = tpu.memref_squeeze %dma_wait3A_1291 : memref<1x128xi32, #tpu.memory_space<vmem>> -> memref<128xi32, #tpu.memory_space<vmem>>
    %dma_wait3A_1293 = arith.constant 0 : i32
    %dma_wait3A_1294 = arith.constant 0 : i32
    %dma_wait3A_1295 = tpu.memref_slice %arg5[%dma_wait3A_1293, %dma_wait3A_1294] : memref<1024x64xf32, #tpu.memory_space<hbm>> -> memref<1024x64xf32, #tpu.memory_space<hbm>>
    tpu.wait_indirect_dma semaphore(%arg26 : memref<!tpu.dma_semaphore, #tpu.memory_space<semaphore_mem>>) src(%dma_wait3A_1295 : memref<1024x64xf32, #tpu.memory_space<hbm>>) dst(%arg20 : memref<128x64xf32, #tpu.memory_space<vmem>>)
    %scan3A_1296 = arith.constant 0 : i32
    %scan3A_1297 = arith.constant 0 : i32
    %scan3A_1298 = arith.constant 128 : i32
    %scan3A_1299 = arith.addi %scan3A_1297, %scan3A_1298 : i32
    %scan3A_1300 = arith.constant 1 : i32
    %scan3A_1301 = scf.for %scan3A_1462 = %scan3A_1297 to %scan3A_1299 step %scan3A_1300 iter_args(%scan3A_1463 = %scan3A_1296) -> (i32)  : i32 {
      %get3A_1464 = arith.index_cast %scan3A_1462 : i32 to index
      %get3A_1465 = arith.constant 0 : index
      %get3A_1466 = tpu.vector_load %arg19[%get3A_1464, %get3A_1465] {strides = array<i32>} : memref<128x64xf32, #tpu.memory_space<vmem>>, vector<16xf32>,
      %get3A_1467 = arith.index_cast %scan3A_1462 : i32 to index
      %get3A_1468 = arith.constant 0 : index
      %get3A_1469 = tpu.vector_load %arg20[%get3A_1467, %get3A_1468] {strides = array<i32>} : memref<128x64xf32, #tpu.memory_space<vmem>>, vector<16xf32>,
      %add3A_1470 = arith.addf %get3A_1466, %get3A_1469 : vector<16xf32>
      %get3A_1471 = arith.index_cast %scan3A_1462 : i32 to index
      %get3A_1472 = arith.constant 0 : index
      %get3A_1473 = tpu.vector_load %arg21[%get3A_1471, %get3A_1472] {strides = array<i32>} : memref<128x64xf32, #tpu.memory_space<vmem>>, vector<16xf32>,
      %add3A_1474 = arith.addf %add3A_1470, %get3A_1473 : vector<16xf32>
      %max3A = arith.constant 0.000000e+00 : f32
      %max3A_1475 = vector.broadcast %max3A : f32 to vector<16xf32>
      %max3A_1476 = arith.maximumf %add3A_1474, %max3A_1475 : vector<16xf32>
      %max3A_1477 = arith.constant 0.000000e+00 : f32
      %max3A_1478 = vector.broadcast %max3A_1477 : f32 to vector<16xf32>
      %max3A_1479 = arith.maximumf %add3A_1470, %max3A_1478 : vector<16xf32>
      %sub3A = arith.subf %max3A_1476, %max3A_1479 : vector<16xf32>
      %swap3A_1480 = arith.index_cast %scan3A_1462 : i32 to index
      %swap3A_1481 = arith.constant 0 : index
      %swap3A_1482 = tpu.vector_load %arg22[%swap3A_1480, %swap3A_1481] {strides = array<i32>} : memref<128x128xf32, #tpu.memory_space<vmem>>, vector<16xf32>,
      tpu.vector_store %arg22[%swap3A_1480, %swap3A_1481], %sub3A {strides = array<i32>} : memref<128x128xf32, #tpu.memory_space<vmem>>, vector<16xf32>,
      %get3A_1483 = arith.index_cast %scan3A_1462 : i32 to index
      %get3A_1484 = arith.constant 16 : index
      %get3A_1485 = tpu.vector_load %arg19[%get3A_1483, %get3A_1484] {strides = array<i32>} : memref<128x64xf32, #tpu.memory_space<vmem>>, vector<16xf32>,
      %get3A_1486 = arith.index_cast %scan3A_1462 : i32 to index
      %get3A_1487 = arith.constant 16 : index
      %get3A_1488 = tpu.vector_load %arg20[%get3A_1486, %get3A_1487] {strides = array<i32>} : memref<128x64xf32, #tpu.memory_space<vmem>>, vector<16xf32>,
      %add3A_1489 = arith.addf %get3A_1485, %get3A_1488 : vector<16xf32>
      %get3A_1490 = arith.index_cast %scan3A_1462 : i32 to index
      %get3A_1491 = arith.constant 16 : index
      %get3A_1492 = tpu.vector_load %arg21[%get3A_1490, %get3A_1491] {strides = array<i32>} : memref<128x64xf32, #tpu.memory_space<vmem>>, vector<16xf32>,
      %add3A_1493 = arith.addf %add3A_1489, %get3A_1492 : vector<16xf32>
      %max3A_1494 = arith.constant 0.000000e+00 : f32
      %max3A_1495 = vector.broadcast %max3A_1494 : f32 to vector<16xf32>
      %max3A_1496 = arith.maximumf %add3A_1493, %max3A_1495 : vector<16xf32>
      %max3A_1497 = arith.constant 0.000000e+00 : f32
      %max3A_1498 = vector.broadcast %max3A_1497 : f32 to vector<16xf32>
      %max3A_1499 = arith.maximumf %add3A_1489, %max3A_1498 : vector<16xf32>
      %sub3A_1500 = arith.subf %max3A_1496, %max3A_1499 : vector<16xf32>
      %swap3A_1501 = arith.index_cast %scan3A_1462 : i32 to index
      %swap3A_1502 = arith.constant 16 : index
      %swap3A_1503 = tpu.vector_load %arg22[%swap3A_1501, %swap3A_1502] {strides = array<i32>} : memref<128x128xf32, #tpu.memory_space<vmem>>, vector<16xf32>,
      tpu.vector_store %arg22[%swap3A_1501, %swap3A_1502], %sub3A_1500 {strides = array<i32>} : memref<128x128xf32, #tpu.memory_space<vmem>>, vector<16xf32>,
      %get3A_1504 = arith.index_cast %scan3A_1462 : i32 to index
      %get3A_1505 = arith.constant 32 : index
      %get3A_1506 = tpu.vector_load %arg19[%get3A_1504, %get3A_1505] {strides = array<i32>} : memref<128x64xf32, #tpu.memory_space<vmem>>, vector<16xf32>,
      %get3A_1507 = arith.index_cast %scan3A_1462 : i32 to index
      %get3A_1508 = arith.constant 32 : index
      %get3A_1509 = tpu.vector_load %arg20[%get3A_1507, %get3A_1508] {strides = array<i32>} : memref<128x64xf32, #tpu.memory_space<vmem>>, vector<16xf32>,
      %add3A_1510 = arith.addf %get3A_1506, %get3A_1509 : vector<16xf32>
      %get3A_1511 = arith.index_cast %scan3A_1462 : i32 to index
      %get3A_1512 = arith.constant 32 : index
      %get3A_1513 = tpu.vector_load %arg21[%get3A_1511, %get3A_1512] {strides = array<i32>} : memref<128x64xf32, #tpu.memory_space<vmem>>, vector<16xf32>,
      %add3A_1514 = arith.addf %add3A_1510, %get3A_1513 : vector<16xf32>
      %max3A_1515 = arith.constant 0.000000e+00 : f32
      %max3A_1516 = vector.broadcast %max3A_1515 : f32 to vector<16xf32>
      %max3A_1517 = arith.maximumf %add3A_1514, %max3A_1516 : vector<16xf32>
      %max3A_1518 = arith.constant 0.000000e+00 : f32
      %max3A_1519 = vector.broadcast %max3A_1518 : f32 to vector<16xf32>
      %max3A_1520 = arith.maximumf %add3A_1510, %max3A_1519 : vector<16xf32>
      %sub3A_1521 = arith.subf %max3A_1517, %max3A_1520 : vector<16xf32>
      %swap3A_1522 = arith.index_cast %scan3A_1462 : i32 to index
      %swap3A_1523 = arith.constant 32 : index
      %swap3A_1524 = tpu.vector_load %arg22[%swap3A_1522, %swap3A_1523] {strides = array<i32>} : memref<128x128xf32, #tpu.memory_space<vmem>>, vector<16xf32>,
      tpu.vector_store %arg22[%swap3A_1522, %swap3A_1523], %sub3A_1521 {strides = array<i32>} : memref<128x128xf32, #tpu.memory_space<vmem>>, vector<16xf32>,
      %get3A_1525 = arith.index_cast %scan3A_1462 : i32 to index
      %get3A_1526 = arith.constant 48 : index
      %get3A_1527 = tpu.vector_load %arg19[%get3A_1525, %get3A_1526] {strides = array<i32>} : memref<128x64xf32, #tpu.memory_space<vmem>>, vector<16xf32>,
      %get3A_1528 = arith.index_cast %scan3A_1462 : i32 to index
      %get3A_1529 = arith.constant 48 : index
      %get3A_1530 = tpu.vector_load %arg20[%get3A_1528, %get3A_1529] {strides = array<i32>} : memref<128x64xf32, #tpu.memory_space<vmem>>, vector<16xf32>,
      %add3A_1531 = arith.addf %get3A_1527, %get3A_1530 : vector<16xf32>
      %get3A_1532 = arith.index_cast %scan3A_1462 : i32 to index
      %get3A_1533 = arith.constant 48 : index
      %get3A_1534 = tpu.vector_load %arg21[%get3A_1532, %get3A_1533] {strides = array<i32>} : memref<128x64xf32, #tpu.memory_space<vmem>>, vector<16xf32>,
      %add3A_1535 = arith.addf %add3A_1531, %get3A_1534 : vector<16xf32>
      %max3A_1536 = arith.constant 0.000000e+00 : f32
      %max3A_1537 = vector.broadcast %max3A_1536 : f32 to vector<16xf32>
      %max3A_1538 = arith.maximumf %add3A_1535, %max3A_1537 : vector<16xf32>
      %max3A_1539 = arith.constant 0.000000e+00 : f32
      %max3A_1540 = vector.broadcast %max3A_1539 : f32 to vector<16xf32>
      %max3A_1541 = arith.maximumf %add3A_1531, %max3A_1540 : vector<16xf32>
      %sub3A_1542 = arith.subf %max3A_1538, %max3A_1541 : vector<16xf32>
      %swap3A_1543 = arith.index_cast %scan3A_1462 : i32 to index
      %swap3A_1544 = arith.constant 48 : index
      %swap3A_1545 = tpu.vector_load %arg22[%swap3A_1543, %swap3A_1544] {strides = array<i32>} : memref<128x128xf32, #tpu.memory_space<vmem>>, vector<16xf32>,
      tpu.vector_store %arg22[%swap3A_1543, %swap3A_1544], %sub3A_1542 {strides = array<i32>} : memref<128x128xf32, #tpu.memory_space<vmem>>, vector<16xf32>,
      %scan3A_1546 = arith.constant 0 : i32
      scf.yield %scan3A_1546 : i32
    }
    %scan3A_1302 = arith.constant 128 : i32
    %mul3A_1303 = arith.constant 4 : i32
    %mul3A_1304 = arith.muli %arg1, %mul3A_1303 : i32
    %add3A_1305 = arith.constant 0 : i32
    %add3A_1306 = arith.addi %mul3A_1304, %add3A_1305 : i32
    "tpu.region"() ({
      %run_scoped3A_1462 = tpu.sem_alloc : memref<!tpu.dma_semaphore, #tpu.memory_space<semaphore_mem>>
      %dma_start3A_1463 = arith.constant 0 : i32
      %dma_start3A_1464 = tpu.memref_slice %arg11[%add3A_1306, %dma_start3A_1463] : memref<64x128xi32, #tpu.memory_space<vmem>> -> memref<1x128xi32, #tpu.memory_space<vmem>>
      %dma_start3A_1465 = tpu.memref_squeeze %dma_start3A_1464 : memref<1x128xi32, #tpu.memory_space<vmem>> -> memref<128xi32, #tpu.memory_space<vmem>>
      %dma_start3A_1466 = arith.constant 0 : i32
      %dma_start3A_1467 = arith.constant 0 : i32
      %dma_start3A_1468 = tpu.memref_slice %arg9[%dma_start3A_1466, %dma_start3A_1467] : memref<512x128xf32, #tpu.memory_space<vmem_shared>> -> memref<512x128xf32, #tpu.memory_space<vmem_shared>>
      tpu.enqueue_indirect_dma source(%arg22 : memref<128x128xf32, #tpu.memory_space<vmem>>) target(%dma_start3A_1468 : memref<512x128xf32, #tpu.memory_space<vmem_shared>>) offsets(%dma_start3A_1465 : memref<128xi32, #tpu.memory_space<vmem>>) semaphore(%run_scoped3A_1462 : memref<!tpu.dma_semaphore, #tpu.memory_space<semaphore_mem>>) {add = true}
      %dma_wait3A_1469 = arith.constant 0 : i32
      %dma_wait3A_1470 = tpu.memref_slice %arg11[%add3A_1306, %dma_wait3A_1469] : memref<64x128xi32, #tpu.memory_space<vmem>> -> memref<1x128xi32, #tpu.memory_space<vmem>>
      %dma_wait3A_1471 = tpu.memref_squeeze %dma_wait3A_1470 : memref<1x128xi32, #tpu.memory_space<vmem>> -> memref<128xi32, #tpu.memory_space<vmem>>
      %dma_wait3A_1472 = arith.constant 0 : i32
      %dma_wait3A_1473 = arith.constant 0 : i32
      %dma_wait3A_1474 = tpu.memref_slice %arg9[%dma_wait3A_1472, %dma_wait3A_1473] : memref<512x128xf32, #tpu.memory_space<vmem_shared>> -> memref<512x128xf32, #tpu.memory_space<vmem_shared>>
      tpu.wait_indirect_dma semaphore(%run_scoped3A_1462 : memref<!tpu.dma_semaphore, #tpu.memory_space<semaphore_mem>>) src(%arg22 : memref<128x128xf32, #tpu.memory_space<vmem>>) dst(%dma_wait3A_1474 : memref<512x128xf32, #tpu.memory_space<vmem_shared>>)
      tpu.yield
    }) : () -> ()
    %add3A_1307 = arith.constant 128 : i32
    %add3A_1308 = arith.addi %mul3A_0, %add3A_1307 : i32
    %dma_start3A_1309 = arith.constant 0 : i32
    %dma_start3A_1310 = tpu.memref_slice %arg8[%add3A_1308, %dma_start3A_1309] : memref<8192x64xf32, #tpu.memory_space<vmem_shared>> -> memref<128x64xf32, #tpu.memory_space<vmem_shared>>
    %dma_start3A_1311 = arith.constant 0 : i32
    %dma_start3A_1312 = tpu.memref_slice %arg8[%add3A_1308, %dma_start3A_1311] : memref<8192x64xf32, #tpu.memory_space<vmem_shared>> -> memref<128x64xf32, #tpu.memory_space<vmem_shared>>
    tpu.enqueue_dma source(%dma_start3A_1312 : memref<128x64xf32, #tpu.memory_space<vmem_shared>>) target(%arg21 : memref<128x64xf32, #tpu.memory_space<vmem>>) target_semaphore(%arg27 : memref<!tpu.dma_semaphore, #tpu.memory_space<semaphore_mem>>)
    %dma_start3A_1313 = arith.constant 1 : i32
    %dma_start3A_1314 = arith.constant 0 : i32
    %dma_start3A_1315 = tpu.memref_slice %arg13[%dma_start3A_1313, %dma_start3A_1314] : memref<4x128xi32, #tpu.memory_space<vmem>> -> memref<1x128xi32, #tpu.memory_space<vmem>>
    %dma_start3A_1316 = tpu.memref_squeeze %dma_start3A_1315 : memref<1x128xi32, #tpu.memory_space<vmem>> -> memref<128xi32, #tpu.memory_space<vmem>>
    %dma_start3A_1317 = arith.constant 0 : i32
    %dma_start3A_1318 = arith.constant 0 : i32
    %dma_start3A_1319 = tpu.memref_slice %arg4[%dma_start3A_1317, %dma_start3A_1318] : memref<1024x64xf32, #tpu.memory_space<hbm>> -> memref<1024x64xf32, #tpu.memory_space<hbm>>
    tpu.enqueue_indirect_dma source(%dma_start3A_1319 : memref<1024x64xf32, #tpu.memory_space<hbm>>) target(%arg19 : memref<128x64xf32, #tpu.memory_space<vmem>>) offsets(%dma_start3A_1316 : memref<128xi32, #tpu.memory_space<vmem>>) semaphore(%arg25 : memref<!tpu.dma_semaphore, #tpu.memory_space<semaphore_mem>>)
    %dma_start3A_1320 = arith.constant 1 : i32
    %dma_start3A_1321 = arith.constant 0 : i32
    %dma_start3A_1322 = tpu.memref_slice %arg14[%dma_start3A_1320, %dma_start3A_1321] : memref<4x128xi32, #tpu.memory_space<vmem>> -> memref<1x128xi32, #tpu.memory_space<vmem>>
    %dma_start3A_1323 = tpu.memref_squeeze %dma_start3A_1322 : memref<1x128xi32, #tpu.memory_space<vmem>> -> memref<128xi32, #tpu.memory_space<vmem>>
    %dma_start3A_1324 = arith.constant 0 : i32
    %dma_start3A_1325 = arith.constant 0 : i32
    %dma_start3A_1326 = tpu.memref_slice %arg5[%dma_start3A_1324, %dma_start3A_1325] : memref<1024x64xf32, #tpu.memory_space<hbm>> -> memref<1024x64xf32, #tpu.memory_space<hbm>>
    tpu.enqueue_indirect_dma source(%dma_start3A_1326 : memref<1024x64xf32, #tpu.memory_space<hbm>>) target(%arg20 : memref<128x64xf32, #tpu.memory_space<vmem>>) offsets(%dma_start3A_1323 : memref<128xi32, #tpu.memory_space<vmem>>) semaphore(%arg26 : memref<!tpu.dma_semaphore, #tpu.memory_space<semaphore_mem>>)
    %dma_wait3A_1327 = arith.constant 0 : i32
    %dma_wait3A_1328 = tpu.memref_slice %arg8[%add3A_1308, %dma_wait3A_1327] : memref<8192x64xf32, #tpu.memory_space<vmem_shared>> -> memref<128x64xf32, #tpu.memory_space<vmem_shared>>
    %dma_wait3A_1329 = arith.constant 0 : i32
    %dma_wait3A_1330 = tpu.memref_slice %arg8[%add3A_1308, %dma_wait3A_1329] : memref<8192x64xf32, #tpu.memory_space<vmem_shared>> -> memref<128x64xf32, #tpu.memory_space<vmem_shared>>
    tpu.wait_dma2 semaphore(%arg27 : memref<!tpu.dma_semaphore, #tpu.memory_space<semaphore_mem>>) src(%dma_wait3A_1330 : memref<128x64xf32, #tpu.memory_space<vmem_shared>>) dst(%arg21 : memref<128x64xf32, #tpu.memory_space<vmem>>)
    %dma_wait3A_1331 = arith.constant 1 : i32
    %dma_wait3A_1332 = arith.constant 0 : i32
    %dma_wait3A_1333 = tpu.memref_slice %arg13[%dma_wait3A_1331, %dma_wait3A_1332] : memref<4x128xi32, #tpu.memory_space<vmem>> -> memref<1x128xi32, #tpu.memory_space<vmem>>
    %dma_wait3A_1334 = tpu.memref_squeeze %dma_wait3A_1333 : memref<1x128xi32, #tpu.memory_space<vmem>> -> memref<128xi32, #tpu.memory_space<vmem>>
    %dma_wait3A_1335 = arith.constant 0 : i32
    %dma_wait3A_1336 = arith.constant 0 : i32
    %dma_wait3A_1337 = tpu.memref_slice %arg4[%dma_wait3A_1335, %dma_wait3A_1336] : memref<1024x64xf32, #tpu.memory_space<hbm>> -> memref<1024x64xf32, #tpu.memory_space<hbm>>
    tpu.wait_indirect_dma semaphore(%arg25 : memref<!tpu.dma_semaphore, #tpu.memory_space<semaphore_mem>>) src(%dma_wait3A_1337 : memref<1024x64xf32, #tpu.memory_space<hbm>>) dst(%arg19 : memref<128x64xf32, #tpu.memory_space<vmem>>)
    %dma_wait3A_1338 = arith.constant 1 : i32
    %dma_wait3A_1339 = arith.constant 0 : i32
    %dma_wait3A_1340 = tpu.memref_slice %arg14[%dma_wait3A_1338, %dma_wait3A_1339] : memref<4x128xi32, #tpu.memory_space<vmem>> -> memref<1x128xi32, #tpu.memory_space<vmem>>
    %dma_wait3A_1341 = tpu.memref_squeeze %dma_wait3A_1340 : memref<1x128xi32, #tpu.memory_space<vmem>> -> memref<128xi32, #tpu.memory_space<vmem>>
    %dma_wait3A_1342 = arith.constant 0 : i32
    %dma_wait3A_1343 = arith.constant 0 : i32
    %dma_wait3A_1344 = tpu.memref_slice %arg5[%dma_wait3A_1342, %dma_wait3A_1343] : memref<1024x64xf32, #tpu.memory_space<hbm>> -> memref<1024x64xf32, #tpu.memory_space<hbm>>
    tpu.wait_indirect_dma semaphore(%arg26 : memref<!tpu.dma_semaphore, #tpu.memory_space<semaphore_mem>>) src(%dma_wait3A_1344 : memref<1024x64xf32, #tpu.memory_space<hbm>>) dst(%arg20 : memref<128x64xf32, #tpu.memory_space<vmem>>)
    %scan3A_1345 = arith.constant 0 : i32
    %scan3A_1346 = arith.constant 0 : i32
    %scan3A_1347 = arith.constant 128 : i32
    %scan3A_1348 = arith.addi %scan3A_1346, %scan3A_1347 : i32
    %scan3A_1349 = arith.constant 1 : i32
    %scan3A_1350 = scf.for %scan3A_1462 = %scan3A_1346 to %scan3A_1348 step %scan3A_1349 iter_args(%scan3A_1463 = %scan3A_1345) -> (i32)  : i32 {
      %get3A_1464 = arith.index_cast %scan3A_1462 : i32 to index
      %get3A_1465 = arith.constant 0 : index
      %get3A_1466 = tpu.vector_load %arg19[%get3A_1464, %get3A_1465] {strides = array<i32>} : memref<128x64xf32, #tpu.memory_space<vmem>>, vector<16xf32>,
      %get3A_1467 = arith.index_cast %scan3A_1462 : i32 to index
      %get3A_1468 = arith.constant 0 : index
      %get3A_1469 = tpu.vector_load %arg20[%get3A_1467, %get3A_1468] {strides = array<i32>} : memref<128x64xf32, #tpu.memory_space<vmem>>, vector<16xf32>,
      %add3A_1470 = arith.addf %get3A_1466, %get3A_1469 : vector<16xf32>
      %get3A_1471 = arith.index_cast %scan3A_1462 : i32 to index
      %get3A_1472 = arith.constant 0 : index
      %get3A_1473 = tpu.vector_load %arg21[%get3A_1471, %get3A_1472] {strides = array<i32>} : memref<128x64xf32, #tpu.memory_space<vmem>>, vector<16xf32>,
      %add3A_1474 = arith.addf %add3A_1470, %get3A_1473 : vector<16xf32>
      %max3A = arith.constant 0.000000e+00 : f32
      %max3A_1475 = vector.broadcast %max3A : f32 to vector<16xf32>
      %max3A_1476 = arith.maximumf %add3A_1474, %max3A_1475 : vector<16xf32>
      %max3A_1477 = arith.constant 0.000000e+00 : f32
      %max3A_1478 = vector.broadcast %max3A_1477 : f32 to vector<16xf32>
      %max3A_1479 = arith.maximumf %add3A_1470, %max3A_1478 : vector<16xf32>
      %sub3A = arith.subf %max3A_1476, %max3A_1479 : vector<16xf32>
      %swap3A_1480 = arith.index_cast %scan3A_1462 : i32 to index
      %swap3A_1481 = arith.constant 0 : index
      %swap3A_1482 = tpu.vector_load %arg22[%swap3A_1480, %swap3A_1481] {strides = array<i32>} : memref<128x128xf32, #tpu.memory_space<vmem>>, vector<16xf32>,
      tpu.vector_store %arg22[%swap3A_1480, %swap3A_1481], %sub3A {strides = array<i32>} : memref<128x128xf32, #tpu.memory_space<vmem>>, vector<16xf32>,
      %get3A_1483 = arith.index_cast %scan3A_1462 : i32 to index
      %get3A_1484 = arith.constant 16 : index
      %get3A_1485 = tpu.vector_load %arg19[%get3A_1483, %get3A_1484] {strides = array<i32>} : memref<128x64xf32, #tpu.memory_space<vmem>>, vector<16xf32>,
      %get3A_1486 = arith.index_cast %scan3A_1462 : i32 to index
      %get3A_1487 = arith.constant 16 : index
      %get3A_1488 = tpu.vector_load %arg20[%get3A_1486, %get3A_1487] {strides = array<i32>} : memref<128x64xf32, #tpu.memory_space<vmem>>, vector<16xf32>,
      %add3A_1489 = arith.addf %get3A_1485, %get3A_1488 : vector<16xf32>
      %get3A_1490 = arith.index_cast %scan3A_1462 : i32 to index
      %get3A_1491 = arith.constant 16 : index
      %get3A_1492 = tpu.vector_load %arg21[%get3A_1490, %get3A_1491] {strides = array<i32>} : memref<128x64xf32, #tpu.memory_space<vmem>>, vector<16xf32>,
      %add3A_1493 = arith.addf %add3A_1489, %get3A_1492 : vector<16xf32>
      %max3A_1494 = arith.constant 0.000000e+00 : f32
      %max3A_1495 = vector.broadcast %max3A_1494 : f32 to vector<16xf32>
      %max3A_1496 = arith.maximumf %add3A_1493, %max3A_1495 : vector<16xf32>
      %max3A_1497 = arith.constant 0.000000e+00 : f32
      %max3A_1498 = vector.broadcast %max3A_1497 : f32 to vector<16xf32>
      %max3A_1499 = arith.maximumf %add3A_1489, %max3A_1498 : vector<16xf32>
      %sub3A_1500 = arith.subf %max3A_1496, %max3A_1499 : vector<16xf32>
      %swap3A_1501 = arith.index_cast %scan3A_1462 : i32 to index
      %swap3A_1502 = arith.constant 16 : index
      %swap3A_1503 = tpu.vector_load %arg22[%swap3A_1501, %swap3A_1502] {strides = array<i32>} : memref<128x128xf32, #tpu.memory_space<vmem>>, vector<16xf32>,
      tpu.vector_store %arg22[%swap3A_1501, %swap3A_1502], %sub3A_1500 {strides = array<i32>} : memref<128x128xf32, #tpu.memory_space<vmem>>, vector<16xf32>,
      %get3A_1504 = arith.index_cast %scan3A_1462 : i32 to index
      %get3A_1505 = arith.constant 32 : index
      %get3A_1506 = tpu.vector_load %arg19[%get3A_1504, %get3A_1505] {strides = array<i32>} : memref<128x64xf32, #tpu.memory_space<vmem>>, vector<16xf32>,
      %get3A_1507 = arith.index_cast %scan3A_1462 : i32 to index
      %get3A_1508 = arith.constant 32 : index
      %get3A_1509 = tpu.vector_load %arg20[%get3A_1507, %get3A_1508] {strides = array<i32>} : memref<128x64xf32, #tpu.memory_space<vmem>>, vector<16xf32>,
      %add3A_1510 = arith.addf %get3A_1506, %get3A_1509 : vector<16xf32>
      %get3A_1511 = arith.index_cast %scan3A_1462 : i32 to index
      %get3A_1512 = arith.constant 32 : index
      %get3A_1513 = tpu.vector_load %arg21[%get3A_1511, %get3A_1512] {strides = array<i32>} : memref<128x64xf32, #tpu.memory_space<vmem>>, vector<16xf32>,
      %add3A_1514 = arith.addf %add3A_1510, %get3A_1513 : vector<16xf32>
      %max3A_1515 = arith.constant 0.000000e+00 : f32
      %max3A_1516 = vector.broadcast %max3A_1515 : f32 to vector<16xf32>
      %max3A_1517 = arith.maximumf %add3A_1514, %max3A_1516 : vector<16xf32>
      %max3A_1518 = arith.constant 0.000000e+00 : f32
      %max3A_1519 = vector.broadcast %max3A_1518 : f32 to vector<16xf32>
      %max3A_1520 = arith.maximumf %add3A_1510, %max3A_1519 : vector<16xf32>
      %sub3A_1521 = arith.subf %max3A_1517, %max3A_1520 : vector<16xf32>
      %swap3A_1522 = arith.index_cast %scan3A_1462 : i32 to index
      %swap3A_1523 = arith.constant 32 : index
      %swap3A_1524 = tpu.vector_load %arg22[%swap3A_1522, %swap3A_1523] {strides = array<i32>} : memref<128x128xf32, #tpu.memory_space<vmem>>, vector<16xf32>,
      tpu.vector_store %arg22[%swap3A_1522, %swap3A_1523], %sub3A_1521 {strides = array<i32>} : memref<128x128xf32, #tpu.memory_space<vmem>>, vector<16xf32>,
      %get3A_1525 = arith.index_cast %scan3A_1462 : i32 to index
      %get3A_1526 = arith.constant 48 : index
      %get3A_1527 = tpu.vector_load %arg19[%get3A_1525, %get3A_1526] {strides = array<i32>} : memref<128x64xf32, #tpu.memory_space<vmem>>, vector<16xf32>,
      %get3A_1528 = arith.index_cast %scan3A_1462 : i32 to index
      %get3A_1529 = arith.constant 48 : index
      %get3A_1530 = tpu.vector_load %arg20[%get3A_1528, %get3A_1529] {strides = array<i32>} : memref<128x64xf32, #tpu.memory_space<vmem>>, vector<16xf32>,
      %add3A_1531 = arith.addf %get3A_1527, %get3A_1530 : vector<16xf32>
      %get3A_1532 = arith.index_cast %scan3A_1462 : i32 to index
      %get3A_1533 = arith.constant 48 : index
      %get3A_1534 = tpu.vector_load %arg21[%get3A_1532, %get3A_1533] {strides = array<i32>} : memref<128x64xf32, #tpu.memory_space<vmem>>, vector<16xf32>,
      %add3A_1535 = arith.addf %add3A_1531, %get3A_1534 : vector<16xf32>
      %max3A_1536 = arith.constant 0.000000e+00 : f32
      %max3A_1537 = vector.broadcast %max3A_1536 : f32 to vector<16xf32>
      %max3A_1538 = arith.maximumf %add3A_1535, %max3A_1537 : vector<16xf32>
      %max3A_1539 = arith.constant 0.000000e+00 : f32
      %max3A_1540 = vector.broadcast %max3A_1539 : f32 to vector<16xf32>
      %max3A_1541 = arith.maximumf %add3A_1531, %max3A_1540 : vector<16xf32>
      %sub3A_1542 = arith.subf %max3A_1538, %max3A_1541 : vector<16xf32>
      %swap3A_1543 = arith.index_cast %scan3A_1462 : i32 to index
      %swap3A_1544 = arith.constant 48 : index
      %swap3A_1545 = tpu.vector_load %arg22[%swap3A_1543, %swap3A_1544] {strides = array<i32>} : memref<128x128xf32, #tpu.memory_space<vmem>>, vector<16xf32>,
      tpu.vector_store %arg22[%swap3A_1543, %swap3A_1544], %sub3A_1542 {strides = array<i32>} : memref<128x128xf32, #tpu.memory_space<vmem>>, vector<16xf32>,
      %scan3A_1546 = arith.constant 0 : i32
      scf.yield %scan3A_1546 : i32
    }
    %scan3A_1351 = arith.constant 128 : i32
    %mul3A_1352 = arith.constant 4 : i32
    %mul3A_1353 = arith.muli %arg1, %mul3A_1352 : i32
    %add3A_1354 = arith.constant 1 : i32
    %add3A_1355 = arith.addi %mul3A_1353, %add3A_1354 : i32
    "tpu.region"() ({
      %run_scoped3A_1462 = tpu.sem_alloc : memref<!tpu.dma_semaphore, #tpu.memory_space<semaphore_mem>>
      %dma_start3A_1463 = arith.constant 0 : i32
      %dma_start3A_1464 = tpu.memref_slice %arg11[%add3A_1355, %dma_start3A_1463] : memref<64x128xi32, #tpu.memory_space<vmem>> -> memref<1x128xi32, #tpu.memory_space<vmem>>
      %dma_start3A_1465 = tpu.memref_squeeze %dma_start3A_1464 : memref<1x128xi32, #tpu.memory_space<vmem>> -> memref<128xi32, #tpu.memory_space<vmem>>
      %dma_start3A_1466 = arith.constant 0 : i32
      %dma_start3A_1467 = arith.constant 0 : i32
      %dma_start3A_1468 = tpu.memref_slice %arg9[%dma_start3A_1466, %dma_start3A_1467] : memref<512x128xf32, #tpu.memory_space<vmem_shared>> -> memref<512x128xf32, #tpu.memory_space<vmem_shared>>
      tpu.enqueue_indirect_dma source(%arg22 : memref<128x128xf32, #tpu.memory_space<vmem>>) target(%dma_start3A_1468 : memref<512x128xf32, #tpu.memory_space<vmem_shared>>) offsets(%dma_start3A_1465 : memref<128xi32, #tpu.memory_space<vmem>>) semaphore(%run_scoped3A_1462 : memref<!tpu.dma_semaphore, #tpu.memory_space<semaphore_mem>>) {add = true}
      %dma_wait3A_1469 = arith.constant 0 : i32
      %dma_wait3A_1470 = tpu.memref_slice %arg11[%add3A_1355, %dma_wait3A_1469] : memref<64x128xi32, #tpu.memory_space<vmem>> -> memref<1x128xi32, #tpu.memory_space<vmem>>
      %dma_wait3A_1471 = tpu.memref_squeeze %dma_wait3A_1470 : memref<1x128xi32, #tpu.memory_space<vmem>> -> memref<128xi32, #tpu.memory_space<vmem>>
      %dma_wait3A_1472 = arith.constant 0 : i32
      %dma_wait3A_1473 = arith.constant 0 : i32
      %dma_wait3A_1474 = tpu.memref_slice %arg9[%dma_wait3A_1472, %dma_wait3A_1473] : memref<512x128xf32, #tpu.memory_space<vmem_shared>> -> memref<512x128xf32, #tpu.memory_space<vmem_shared>>
      tpu.wait_indirect_dma semaphore(%run_scoped3A_1462 : memref<!tpu.dma_semaphore, #tpu.memory_space<semaphore_mem>>) src(%arg22 : memref<128x128xf32, #tpu.memory_space<vmem>>) dst(%dma_wait3A_1474 : memref<512x128xf32, #tpu.memory_space<vmem_shared>>)
      tpu.yield
    }) : () -> ()
    %add3A_1356 = arith.constant 256 : i32
    %add3A_1357 = arith.addi %mul3A_0, %add3A_1356 : i32
    %dma_start3A_1358 = arith.constant 0 : i32
    %dma_start3A_1359 = tpu.memref_slice %arg8[%add3A_1357, %dma_start3A_1358] : memref<8192x64xf32, #tpu.memory_space<vmem_shared>> -> memref<128x64xf32, #tpu.memory_space<vmem_shared>>
    %dma_start3A_1360 = arith.constant 0 : i32
    %dma_start3A_1361 = tpu.memref_slice %arg8[%add3A_1357, %dma_start3A_1360] : memref<8192x64xf32, #tpu.memory_space<vmem_shared>> -> memref<128x64xf32, #tpu.memory_space<vmem_shared>>
    tpu.enqueue_dma source(%dma_start3A_1361 : memref<128x64xf32, #tpu.memory_space<vmem_shared>>) target(%arg21 : memref<128x64xf32, #tpu.memory_space<vmem>>) target_semaphore(%arg27 : memref<!tpu.dma_semaphore, #tpu.memory_space<semaphore_mem>>)
    %dma_start3A_1362 = arith.constant 2 : i32
    %dma_start3A_1363 = arith.constant 0 : i32
    %dma_start3A_1364 = tpu.memref_slice %arg13[%dma_start3A_1362, %dma_start3A_1363] : memref<4x128xi32, #tpu.memory_space<vmem>> -> memref<1x128xi32, #tpu.memory_space<vmem>>
    %dma_start3A_1365 = tpu.memref_squeeze %dma_start3A_1364 : memref<1x128xi32, #tpu.memory_space<vmem>> -> memref<128xi32, #tpu.memory_space<vmem>>
    %dma_start3A_1366 = arith.constant 0 : i32
    %dma_start3A_1367 = arith.constant 0 : i32
    %dma_start3A_1368 = tpu.memref_slice %arg4[%dma_start3A_1366, %dma_start3A_1367] : memref<1024x64xf32, #tpu.memory_space<hbm>> -> memref<1024x64xf32, #tpu.memory_space<hbm>>
    tpu.enqueue_indirect_dma source(%dma_start3A_1368 : memref<1024x64xf32, #tpu.memory_space<hbm>>) target(%arg19 : memref<128x64xf32, #tpu.memory_space<vmem>>) offsets(%dma_start3A_1365 : memref<128xi32, #tpu.memory_space<vmem>>) semaphore(%arg25 : memref<!tpu.dma_semaphore, #tpu.memory_space<semaphore_mem>>)
    %dma_start3A_1369 = arith.constant 2 : i32
    %dma_start3A_1370 = arith.constant 0 : i32
    %dma_start3A_1371 = tpu.memref_slice %arg14[%dma_start3A_1369, %dma_start3A_1370] : memref<4x128xi32, #tpu.memory_space<vmem>> -> memref<1x128xi32, #tpu.memory_space<vmem>>
    %dma_start3A_1372 = tpu.memref_squeeze %dma_start3A_1371 : memref<1x128xi32, #tpu.memory_space<vmem>> -> memref<128xi32, #tpu.memory_space<vmem>>
    %dma_start3A_1373 = arith.constant 0 : i32
    %dma_start3A_1374 = arith.constant 0 : i32
    %dma_start3A_1375 = tpu.memref_slice %arg5[%dma_start3A_1373, %dma_start3A_1374] : memref<1024x64xf32, #tpu.memory_space<hbm>> -> memref<1024x64xf32, #tpu.memory_space<hbm>>
    tpu.enqueue_indirect_dma source(%dma_start3A_1375 : memref<1024x64xf32, #tpu.memory_space<hbm>>) target(%arg20 : memref<128x64xf32, #tpu.memory_space<vmem>>) offsets(%dma_start3A_1372 : memref<128xi32, #tpu.memory_space<vmem>>) semaphore(%arg26 : memref<!tpu.dma_semaphore, #tpu.memory_space<semaphore_mem>>)
    %dma_wait3A_1376 = arith.constant 0 : i32
    %dma_wait3A_1377 = tpu.memref_slice %arg8[%add3A_1357, %dma_wait3A_1376] : memref<8192x64xf32, #tpu.memory_space<vmem_shared>> -> memref<128x64xf32, #tpu.memory_space<vmem_shared>>
    %dma_wait3A_1378 = arith.constant 0 : i32
    %dma_wait3A_1379 = tpu.memref_slice %arg8[%add3A_1357, %dma_wait3A_1378] : memref<8192x64xf32, #tpu.memory_space<vmem_shared>> -> memref<128x64xf32, #tpu.memory_space<vmem_shared>>
    tpu.wait_dma2 semaphore(%arg27 : memref<!tpu.dma_semaphore, #tpu.memory_space<semaphore_mem>>) src(%dma_wait3A_1379 : memref<128x64xf32, #tpu.memory_space<vmem_shared>>) dst(%arg21 : memref<128x64xf32, #tpu.memory_space<vmem>>)
    %dma_wait3A_1380 = arith.constant 2 : i32
    %dma_wait3A_1381 = arith.constant 0 : i32
    %dma_wait3A_1382 = tpu.memref_slice %arg13[%dma_wait3A_1380, %dma_wait3A_1381] : memref<4x128xi32, #tpu.memory_space<vmem>> -> memref<1x128xi32, #tpu.memory_space<vmem>>
    %dma_wait3A_1383 = tpu.memref_squeeze %dma_wait3A_1382 : memref<1x128xi32, #tpu.memory_space<vmem>> -> memref<128xi32, #tpu.memory_space<vmem>>
    %dma_wait3A_1384 = arith.constant 0 : i32
    %dma_wait3A_1385 = arith.constant 0 : i32
    %dma_wait3A_1386 = tpu.memref_slice %arg4[%dma_wait3A_1384, %dma_wait3A_1385] : memref<1024x64xf32, #tpu.memory_space<hbm>> -> memref<1024x64xf32, #tpu.memory_space<hbm>>
    tpu.wait_indirect_dma semaphore(%arg25 : memref<!tpu.dma_semaphore, #tpu.memory_space<semaphore_mem>>) src(%dma_wait3A_1386 : memref<1024x64xf32, #tpu.memory_space<hbm>>) dst(%arg19 : memref<128x64xf32, #tpu.memory_space<vmem>>)
    %dma_wait3A_1387 = arith.constant 2 : i32
    %dma_wait3A_1388 = arith.constant 0 : i32
    %dma_wait3A_1389 = tpu.memref_slice %arg14[%dma_wait3A_1387, %dma_wait3A_1388] : memref<4x128xi32, #tpu.memory_space<vmem>> -> memref<1x128xi32, #tpu.memory_space<vmem>>
    %dma_wait3A_1390 = tpu.memref_squeeze %dma_wait3A_1389 : memref<1x128xi32, #tpu.memory_space<vmem>> -> memref<128xi32, #tpu.memory_space<vmem>>
    %dma_wait3A_1391 = arith.constant 0 : i32
    %dma_wait3A_1392 = arith.constant 0 : i32
    %dma_wait3A_1393 = tpu.memref_slice %arg5[%dma_wait3A_1391, %dma_wait3A_1392] : memref<1024x64xf32, #tpu.memory_space<hbm>> -> memref<1024x64xf32, #tpu.memory_space<hbm>>
    tpu.wait_indirect_dma semaphore(%arg26 : memref<!tpu.dma_semaphore, #tpu.memory_space<semaphore_mem>>) src(%dma_wait3A_1393 : memref<1024x64xf32, #tpu.memory_space<hbm>>) dst(%arg20 : memref<128x64xf32, #tpu.memory_space<vmem>>)
    %scan3A_1394 = arith.constant 0 : i32
    %scan3A_1395 = arith.constant 0 : i32
    %scan3A_1396 = arith.constant 128 : i32
    %scan3A_1397 = arith.addi %scan3A_1395, %scan3A_1396 : i32
    %scan3A_1398 = arith.constant 1 : i32
    %scan3A_1399 = scf.for %scan3A_1462 = %scan3A_1395 to %scan3A_1397 step %scan3A_1398 iter_args(%scan3A_1463 = %scan3A_1394) -> (i32)  : i32 {
      %get3A_1464 = arith.index_cast %scan3A_1462 : i32 to index
      %get3A_1465 = arith.constant 0 : index
      %get3A_1466 = tpu.vector_load %arg19[%get3A_1464, %get3A_1465] {strides = array<i32>} : memref<128x64xf32, #tpu.memory_space<vmem>>, vector<16xf32>,
      %get3A_1467 = arith.index_cast %scan3A_1462 : i32 to index
      %get3A_1468 = arith.constant 0 : index
      %get3A_1469 = tpu.vector_load %arg20[%get3A_1467, %get3A_1468] {strides = array<i32>} : memref<128x64xf32, #tpu.memory_space<vmem>>, vector<16xf32>,
      %add3A_1470 = arith.addf %get3A_1466, %get3A_1469 : vector<16xf32>
      %get3A_1471 = arith.index_cast %scan3A_1462 : i32 to index
      %get3A_1472 = arith.constant 0 : index
      %get3A_1473 = tpu.vector_load %arg21[%get3A_1471, %get3A_1472] {strides = array<i32>} : memref<128x64xf32, #tpu.memory_space<vmem>>, vector<16xf32>,
      %add3A_1474 = arith.addf %add3A_1470, %get3A_1473 : vector<16xf32>
      %max3A = arith.constant 0.000000e+00 : f32
      %max3A_1475 = vector.broadcast %max3A : f32 to vector<16xf32>
      %max3A_1476 = arith.maximumf %add3A_1474, %max3A_1475 : vector<16xf32>
      %max3A_1477 = arith.constant 0.000000e+00 : f32
      %max3A_1478 = vector.broadcast %max3A_1477 : f32 to vector<16xf32>
      %max3A_1479 = arith.maximumf %add3A_1470, %max3A_1478 : vector<16xf32>
      %sub3A = arith.subf %max3A_1476, %max3A_1479 : vector<16xf32>
      %swap3A_1480 = arith.index_cast %scan3A_1462 : i32 to index
      %swap3A_1481 = arith.constant 0 : index
      %swap3A_1482 = tpu.vector_load %arg22[%swap3A_1480, %swap3A_1481] {strides = array<i32>} : memref<128x128xf32, #tpu.memory_space<vmem>>, vector<16xf32>,
      tpu.vector_store %arg22[%swap3A_1480, %swap3A_1481], %sub3A {strides = array<i32>} : memref<128x128xf32, #tpu.memory_space<vmem>>, vector<16xf32>,
      %get3A_1483 = arith.index_cast %scan3A_1462 : i32 to index
      %get3A_1484 = arith.constant 16 : index
      %get3A_1485 = tpu.vector_load %arg19[%get3A_1483, %get3A_1484] {strides = array<i32>} : memref<128x64xf32, #tpu.memory_space<vmem>>, vector<16xf32>,
      %get3A_1486 = arith.index_cast %scan3A_1462 : i32 to index
      %get3A_1487 = arith.constant 16 : index
      %get3A_1488 = tpu.vector_load %arg20[%get3A_1486, %get3A_1487] {strides = array<i32>} : memref<128x64xf32, #tpu.memory_space<vmem>>, vector<16xf32>,
      %add3A_1489 = arith.addf %get3A_1485, %get3A_1488 : vector<16xf32>
      %get3A_1490 = arith.index_cast %scan3A_1462 : i32 to index
      %get3A_1491 = arith.constant 16 : index
      %get3A_1492 = tpu.vector_load %arg21[%get3A_1490, %get3A_1491] {strides = array<i32>} : memref<128x64xf32, #tpu.memory_space<vmem>>, vector<16xf32>,
      %add3A_1493 = arith.addf %add3A_1489, %get3A_1492 : vector<16xf32>
      %max3A_1494 = arith.constant 0.000000e+00 : f32
      %max3A_1495 = vector.broadcast %max3A_1494 : f32 to vector<16xf32>
      %max3A_1496 = arith.maximumf %add3A_1493, %max3A_1495 : vector<16xf32>
      %max3A_1497 = arith.constant 0.000000e+00 : f32
      %max3A_1498 = vector.broadcast %max3A_1497 : f32 to vector<16xf32>
      %max3A_1499 = arith.maximumf %add3A_1489, %max3A_1498 : vector<16xf32>
      %sub3A_1500 = arith.subf %max3A_1496, %max3A_1499 : vector<16xf32>
      %swap3A_1501 = arith.index_cast %scan3A_1462 : i32 to index
      %swap3A_1502 = arith.constant 16 : index
      %swap3A_1503 = tpu.vector_load %arg22[%swap3A_1501, %swap3A_1502] {strides = array<i32>} : memref<128x128xf32, #tpu.memory_space<vmem>>, vector<16xf32>,
      tpu.vector_store %arg22[%swap3A_1501, %swap3A_1502], %sub3A_1500 {strides = array<i32>} : memref<128x128xf32, #tpu.memory_space<vmem>>, vector<16xf32>,
      %get3A_1504 = arith.index_cast %scan3A_1462 : i32 to index
      %get3A_1505 = arith.constant 32 : index
      %get3A_1506 = tpu.vector_load %arg19[%get3A_1504, %get3A_1505] {strides = array<i32>} : memref<128x64xf32, #tpu.memory_space<vmem>>, vector<16xf32>,
      %get3A_1507 = arith.index_cast %scan3A_1462 : i32 to index
      %get3A_1508 = arith.constant 32 : index
      %get3A_1509 = tpu.vector_load %arg20[%get3A_1507, %get3A_1508] {strides = array<i32>} : memref<128x64xf32, #tpu.memory_space<vmem>>, vector<16xf32>,
      %add3A_1510 = arith.addf %get3A_1506, %get3A_1509 : vector<16xf32>
      %get3A_1511 = arith.index_cast %scan3A_1462 : i32 to index
      %get3A_1512 = arith.constant 32 : index
      %get3A_1513 = tpu.vector_load %arg21[%get3A_1511, %get3A_1512] {strides = array<i32>} : memref<128x64xf32, #tpu.memory_space<vmem>>, vector<16xf32>,
      %add3A_1514 = arith.addf %add3A_1510, %get3A_1513 : vector<16xf32>
      %max3A_1515 = arith.constant 0.000000e+00 : f32
      %max3A_1516 = vector.broadcast %max3A_1515 : f32 to vector<16xf32>
      %max3A_1517 = arith.maximumf %add3A_1514, %max3A_1516 : vector<16xf32>
      %max3A_1518 = arith.constant 0.000000e+00 : f32
      %max3A_1519 = vector.broadcast %max3A_1518 : f32 to vector<16xf32>
      %max3A_1520 = arith.maximumf %add3A_1510, %max3A_1519 : vector<16xf32>
      %sub3A_1521 = arith.subf %max3A_1517, %max3A_1520 : vector<16xf32>
      %swap3A_1522 = arith.index_cast %scan3A_1462 : i32 to index
      %swap3A_1523 = arith.constant 32 : index
      %swap3A_1524 = tpu.vector_load %arg22[%swap3A_1522, %swap3A_1523] {strides = array<i32>} : memref<128x128xf32, #tpu.memory_space<vmem>>, vector<16xf32>,
      tpu.vector_store %arg22[%swap3A_1522, %swap3A_1523], %sub3A_1521 {strides = array<i32>} : memref<128x128xf32, #tpu.memory_space<vmem>>, vector<16xf32>,
      %get3A_1525 = arith.index_cast %scan3A_1462 : i32 to index
      %get3A_1526 = arith.constant 48 : index
      %get3A_1527 = tpu.vector_load %arg19[%get3A_1525, %get3A_1526] {strides = array<i32>} : memref<128x64xf32, #tpu.memory_space<vmem>>, vector<16xf32>,
      %get3A_1528 = arith.index_cast %scan3A_1462 : i32 to index
      %get3A_1529 = arith.constant 48 : index
      %get3A_1530 = tpu.vector_load %arg20[%get3A_1528, %get3A_1529] {strides = array<i32>} : memref<128x64xf32, #tpu.memory_space<vmem>>, vector<16xf32>,
      %add3A_1531 = arith.addf %get3A_1527, %get3A_1530 : vector<16xf32>
      %get3A_1532 = arith.index_cast %scan3A_1462 : i32 to index
      %get3A_1533 = arith.constant 48 : index
      %get3A_1534 = tpu.vector_load %arg21[%get3A_1532, %get3A_1533] {strides = array<i32>} : memref<128x64xf32, #tpu.memory_space<vmem>>, vector<16xf32>,
      %add3A_1535 = arith.addf %add3A_1531, %get3A_1534 : vector<16xf32>
      %max3A_1536 = arith.constant 0.000000e+00 : f32
      %max3A_1537 = vector.broadcast %max3A_1536 : f32 to vector<16xf32>
      %max3A_1538 = arith.maximumf %add3A_1535, %max3A_1537 : vector<16xf32>
      %max3A_1539 = arith.constant 0.000000e+00 : f32
      %max3A_1540 = vector.broadcast %max3A_1539 : f32 to vector<16xf32>
      %max3A_1541 = arith.maximumf %add3A_1531, %max3A_1540 : vector<16xf32>
      %sub3A_1542 = arith.subf %max3A_1538, %max3A_1541 : vector<16xf32>
      %swap3A_1543 = arith.index_cast %scan3A_1462 : i32 to index
      %swap3A_1544 = arith.constant 48 : index
      %swap3A_1545 = tpu.vector_load %arg22[%swap3A_1543, %swap3A_1544] {strides = array<i32>} : memref<128x128xf32, #tpu.memory_space<vmem>>, vector<16xf32>,
      tpu.vector_store %arg22[%swap3A_1543, %swap3A_1544], %sub3A_1542 {strides = array<i32>} : memref<128x128xf32, #tpu.memory_space<vmem>>, vector<16xf32>,
      %scan3A_1546 = arith.constant 0 : i32
      scf.yield %scan3A_1546 : i32
    }
    %scan3A_1400 = arith.constant 128 : i32
    %mul3A_1401 = arith.constant 4 : i32
    %mul3A_1402 = arith.muli %arg1, %mul3A_1401 : i32
    %add3A_1403 = arith.constant 2 : i32
    %add3A_1404 = arith.addi %mul3A_1402, %add3A_1403 : i32
    "tpu.region"() ({
      %run_scoped3A_1462 = tpu.sem_alloc : memref<!tpu.dma_semaphore, #tpu.memory_space<semaphore_mem>>
      %dma_start3A_1463 = arith.constant 0 : i32
      %dma_start3A_1464 = tpu.memref_slice %arg11[%add3A_1404, %dma_start3A_1463] : memref<64x128xi32, #tpu.memory_space<vmem>> -> memref<1x128xi32, #tpu.memory_space<vmem>>
      %dma_start3A_1465 = tpu.memref_squeeze %dma_start3A_1464 : memref<1x128xi32, #tpu.memory_space<vmem>> -> memref<128xi32, #tpu.memory_space<vmem>>
      %dma_start3A_1466 = arith.constant 0 : i32
      %dma_start3A_1467 = arith.constant 0 : i32
      %dma_start3A_1468 = tpu.memref_slice %arg9[%dma_start3A_1466, %dma_start3A_1467] : memref<512x128xf32, #tpu.memory_space<vmem_shared>> -> memref<512x128xf32, #tpu.memory_space<vmem_shared>>
      tpu.enqueue_indirect_dma source(%arg22 : memref<128x128xf32, #tpu.memory_space<vmem>>) target(%dma_start3A_1468 : memref<512x128xf32, #tpu.memory_space<vmem_shared>>) offsets(%dma_start3A_1465 : memref<128xi32, #tpu.memory_space<vmem>>) semaphore(%run_scoped3A_1462 : memref<!tpu.dma_semaphore, #tpu.memory_space<semaphore_mem>>) {add = true}
      %dma_wait3A_1469 = arith.constant 0 : i32
      %dma_wait3A_1470 = tpu.memref_slice %arg11[%add3A_1404, %dma_wait3A_1469] : memref<64x128xi32, #tpu.memory_space<vmem>> -> memref<1x128xi32, #tpu.memory_space<vmem>>
      %dma_wait3A_1471 = tpu.memref_squeeze %dma_wait3A_1470 : memref<1x128xi32, #tpu.memory_space<vmem>> -> memref<128xi32, #tpu.memory_space<vmem>>
      %dma_wait3A_1472 = arith.constant 0 : i32
      %dma_wait3A_1473 = arith.constant 0 : i32
      %dma_wait3A_1474 = tpu.memref_slice %arg9[%dma_wait3A_1472, %dma_wait3A_1473] : memref<512x128xf32, #tpu.memory_space<vmem_shared>> -> memref<512x128xf32, #tpu.memory_space<vmem_shared>>
      tpu.wait_indirect_dma semaphore(%run_scoped3A_1462 : memref<!tpu.dma_semaphore, #tpu.memory_space<semaphore_mem>>) src(%arg22 : memref<128x128xf32, #tpu.memory_space<vmem>>) dst(%dma_wait3A_1474 : memref<512x128xf32, #tpu.memory_space<vmem_shared>>)
      tpu.yield
    }) : () -> ()
    %add3A_1405 = arith.constant 384 : i32
    %add3A_1406 = arith.addi %mul3A_0, %add3A_1405 : i32
    %dma_start3A_1407 = arith.constant 0 : i32
    %dma_start3A_1408 = tpu.memref_slice %arg8[%add3A_1406, %dma_start3A_1407] : memref<8192x64xf32, #tpu.memory_space<vmem_shared>> -> memref<128x64xf32, #tpu.memory_space<vmem_shared>>
    %dma_start3A_1409 = arith.constant 0 : i32
    %dma_start3A_1410 = tpu.memref_slice %arg8[%add3A_1406, %dma_start3A_1409] : memref<8192x64xf32, #tpu.memory_space<vmem_shared>> -> memref<128x64xf32, #tpu.memory_space<vmem_shared>>
    tpu.enqueue_dma source(%dma_start3A_1410 : memref<128x64xf32, #tpu.memory_space<vmem_shared>>) target(%arg21 : memref<128x64xf32, #tpu.memory_space<vmem>>) target_semaphore(%arg27 : memref<!tpu.dma_semaphore, #tpu.memory_space<semaphore_mem>>)
    %dma_start3A_1411 = arith.constant 3 : i32
    %dma_start3A_1412 = arith.constant 0 : i32
    %dma_start3A_1413 = tpu.memref_slice %arg13[%dma_start3A_1411, %dma_start3A_1412] : memref<4x128xi32, #tpu.memory_space<vmem>> -> memref<1x128xi32, #tpu.memory_space<vmem>>
    %dma_start3A_1414 = tpu.memref_squeeze %dma_start3A_1413 : memref<1x128xi32, #tpu.memory_space<vmem>> -> memref<128xi32, #tpu.memory_space<vmem>>
    %dma_start3A_1415 = arith.constant 0 : i32
    %dma_start3A_1416 = arith.constant 0 : i32
    %dma_start3A_1417 = tpu.memref_slice %arg4[%dma_start3A_1415, %dma_start3A_1416] : memref<1024x64xf32, #tpu.memory_space<hbm>> -> memref<1024x64xf32, #tpu.memory_space<hbm>>
    tpu.enqueue_indirect_dma source(%dma_start3A_1417 : memref<1024x64xf32, #tpu.memory_space<hbm>>) target(%arg19 : memref<128x64xf32, #tpu.memory_space<vmem>>) offsets(%dma_start3A_1414 : memref<128xi32, #tpu.memory_space<vmem>>) semaphore(%arg25 : memref<!tpu.dma_semaphore, #tpu.memory_space<semaphore_mem>>)
    %dma_start3A_1418 = arith.constant 3 : i32
    %dma_start3A_1419 = arith.constant 0 : i32
    %dma_start3A_1420 = tpu.memref_slice %arg14[%dma_start3A_1418, %dma_start3A_1419] : memref<4x128xi32, #tpu.memory_space<vmem>> -> memref<1x128xi32, #tpu.memory_space<vmem>>
    %dma_start3A_1421 = tpu.memref_squeeze %dma_start3A_1420 : memref<1x128xi32, #tpu.memory_space<vmem>> -> memref<128xi32, #tpu.memory_space<vmem>>
    %dma_start3A_1422 = arith.constant 0 : i32
    %dma_start3A_1423 = arith.constant 0 : i32
    %dma_start3A_1424 = tpu.memref_slice %arg5[%dma_start3A_1422, %dma_start3A_1423] : memref<1024x64xf32, #tpu.memory_space<hbm>> -> memref<1024x64xf32, #tpu.memory_space<hbm>>
    tpu.enqueue_indirect_dma source(%dma_start3A_1424 : memref<1024x64xf32, #tpu.memory_space<hbm>>) target(%arg20 : memref<128x64xf32, #tpu.memory_space<vmem>>) offsets(%dma_start3A_1421 : memref<128xi32, #tpu.memory_space<vmem>>) semaphore(%arg26 : memref<!tpu.dma_semaphore, #tpu.memory_space<semaphore_mem>>)
    %dma_wait3A_1425 = arith.constant 0 : i32
    %dma_wait3A_1426 = tpu.memref_slice %arg8[%add3A_1406, %dma_wait3A_1425] : memref<8192x64xf32, #tpu.memory_space<vmem_shared>> -> memref<128x64xf32, #tpu.memory_space<vmem_shared>>
    %dma_wait3A_1427 = arith.constant 0 : i32
    %dma_wait3A_1428 = tpu.memref_slice %arg8[%add3A_1406, %dma_wait3A_1427] : memref<8192x64xf32, #tpu.memory_space<vmem_shared>> -> memref<128x64xf32, #tpu.memory_space<vmem_shared>>
    tpu.wait_dma2 semaphore(%arg27 : memref<!tpu.dma_semaphore, #tpu.memory_space<semaphore_mem>>) src(%dma_wait3A_1428 : memref<128x64xf32, #tpu.memory_space<vmem_shared>>) dst(%arg21 : memref<128x64xf32, #tpu.memory_space<vmem>>)
    %dma_wait3A_1429 = arith.constant 3 : i32
    %dma_wait3A_1430 = arith.constant 0 : i32
    %dma_wait3A_1431 = tpu.memref_slice %arg13[%dma_wait3A_1429, %dma_wait3A_1430] : memref<4x128xi32, #tpu.memory_space<vmem>> -> memref<1x128xi32, #tpu.memory_space<vmem>>
    %dma_wait3A_1432 = tpu.memref_squeeze %dma_wait3A_1431 : memref<1x128xi32, #tpu.memory_space<vmem>> -> memref<128xi32, #tpu.memory_space<vmem>>
    %dma_wait3A_1433 = arith.constant 0 : i32
    %dma_wait3A_1434 = arith.constant 0 : i32
    %dma_wait3A_1435 = tpu.memref_slice %arg4[%dma_wait3A_1433, %dma_wait3A_1434] : memref<1024x64xf32, #tpu.memory_space<hbm>> -> memref<1024x64xf32, #tpu.memory_space<hbm>>
    tpu.wait_indirect_dma semaphore(%arg25 : memref<!tpu.dma_semaphore, #tpu.memory_space<semaphore_mem>>) src(%dma_wait3A_1435 : memref<1024x64xf32, #tpu.memory_space<hbm>>) dst(%arg19 : memref<128x64xf32, #tpu.memory_space<vmem>>)
    %dma_wait3A_1436 = arith.constant 3 : i32
    %dma_wait3A_1437 = arith.constant 0 : i32
    %dma_wait3A_1438 = tpu.memref_slice %arg14[%dma_wait3A_1436, %dma_wait3A_1437] : memref<4x128xi32, #tpu.memory_space<vmem>> -> memref<1x128xi32, #tpu.memory_space<vmem>>
    %dma_wait3A_1439 = tpu.memref_squeeze %dma_wait3A_1438 : memref<1x128xi32, #tpu.memory_space<vmem>> -> memref<128xi32, #tpu.memory_space<vmem>>
    %dma_wait3A_1440 = arith.constant 0 : i32
    %dma_wait3A_1441 = arith.constant 0 : i32
    %dma_wait3A_1442 = tpu.memref_slice %arg5[%dma_wait3A_1440, %dma_wait3A_1441] : memref<1024x64xf32, #tpu.memory_space<hbm>> -> memref<1024x64xf32, #tpu.memory_space<hbm>>
    tpu.wait_indirect_dma semaphore(%arg26 : memref<!tpu.dma_semaphore, #tpu.memory_space<semaphore_mem>>) src(%dma_wait3A_1442 : memref<1024x64xf32, #tpu.memory_space<hbm>>) dst(%arg20 : memref<128x64xf32, #tpu.memory_space<vmem>>)
    %scan3A_1443 = arith.constant 0 : i32
    %scan3A_1444 = arith.constant 0 : i32
    %scan3A_1445 = arith.constant 128 : i32
    %scan3A_1446 = arith.addi %scan3A_1444, %scan3A_1445 : i32
    %scan3A_1447 = arith.constant 1 : i32
    %scan3A_1448 = scf.for %scan3A_1462 = %scan3A_1444 to %scan3A_1446 step %scan3A_1447 iter_args(%scan3A_1463 = %scan3A_1443) -> (i32)  : i32 {
      %get3A_1464 = arith.index_cast %scan3A_1462 : i32 to index
      %get3A_1465 = arith.constant 0 : index
      %get3A_1466 = tpu.vector_load %arg19[%get3A_1464, %get3A_1465] {strides = array<i32>} : memref<128x64xf32, #tpu.memory_space<vmem>>, vector<16xf32>,
      %get3A_1467 = arith.index_cast %scan3A_1462 : i32 to index
      %get3A_1468 = arith.constant 0 : index
      %get3A_1469 = tpu.vector_load %arg20[%get3A_1467, %get3A_1468] {strides = array<i32>} : memref<128x64xf32, #tpu.memory_space<vmem>>, vector<16xf32>,
      %add3A_1470 = arith.addf %get3A_1466, %get3A_1469 : vector<16xf32>
      %get3A_1471 = arith.index_cast %scan3A_1462 : i32 to index
      %get3A_1472 = arith.constant 0 : index
      %get3A_1473 = tpu.vector_load %arg21[%get3A_1471, %get3A_1472] {strides = array<i32>} : memref<128x64xf32, #tpu.memory_space<vmem>>, vector<16xf32>,
      %add3A_1474 = arith.addf %add3A_1470, %get3A_1473 : vector<16xf32>
      %max3A = arith.constant 0.000000e+00 : f32
      %max3A_1475 = vector.broadcast %max3A : f32 to vector<16xf32>
      %max3A_1476 = arith.maximumf %add3A_1474, %max3A_1475 : vector<16xf32>
      %max3A_1477 = arith.constant 0.000000e+00 : f32
      %max3A_1478 = vector.broadcast %max3A_1477 : f32 to vector<16xf32>
      %max3A_1479 = arith.maximumf %add3A_1470, %max3A_1478 : vector<16xf32>
      %sub3A = arith.subf %max3A_1476, %max3A_1479 : vector<16xf32>
      %swap3A_1480 = arith.index_cast %scan3A_1462 : i32 to index
      %swap3A_1481 = arith.constant 0 : index
      %swap3A_1482 = tpu.vector_load %arg22[%swap3A_1480, %swap3A_1481] {strides = array<i32>} : memref<128x128xf32, #tpu.memory_space<vmem>>, vector<16xf32>,
      tpu.vector_store %arg22[%swap3A_1480, %swap3A_1481], %sub3A {strides = array<i32>} : memref<128x128xf32, #tpu.memory_space<vmem>>, vector<16xf32>,
      %get3A_1483 = arith.index_cast %scan3A_1462 : i32 to index
      %get3A_1484 = arith.constant 16 : index
      %get3A_1485 = tpu.vector_load %arg19[%get3A_1483, %get3A_1484] {strides = array<i32>} : memref<128x64xf32, #tpu.memory_space<vmem>>, vector<16xf32>,
      %get3A_1486 = arith.index_cast %scan3A_1462 : i32 to index
      %get3A_1487 = arith.constant 16 : index
      %get3A_1488 = tpu.vector_load %arg20[%get3A_1486, %get3A_1487] {strides = array<i32>} : memref<128x64xf32, #tpu.memory_space<vmem>>, vector<16xf32>,
      %add3A_1489 = arith.addf %get3A_1485, %get3A_1488 : vector<16xf32>
      %get3A_1490 = arith.index_cast %scan3A_1462 : i32 to index
      %get3A_1491 = arith.constant 16 : index
      %get3A_1492 = tpu.vector_load %arg21[%get3A_1490, %get3A_1491] {strides = array<i32>} : memref<128x64xf32, #tpu.memory_space<vmem>>, vector<16xf32>,
      %add3A_1493 = arith.addf %add3A_1489, %get3A_1492 : vector<16xf32>
      %max3A_1494 = arith.constant 0.000000e+00 : f32
      %max3A_1495 = vector.broadcast %max3A_1494 : f32 to vector<16xf32>
      %max3A_1496 = arith.maximumf %add3A_1493, %max3A_1495 : vector<16xf32>
      %max3A_1497 = arith.constant 0.000000e+00 : f32
      %max3A_1498 = vector.broadcast %max3A_1497 : f32 to vector<16xf32>
      %max3A_1499 = arith.maximumf %add3A_1489, %max3A_1498 : vector<16xf32>
      %sub3A_1500 = arith.subf %max3A_1496, %max3A_1499 : vector<16xf32>
      %swap3A_1501 = arith.index_cast %scan3A_1462 : i32 to index
      %swap3A_1502 = arith.constant 16 : index
      %swap3A_1503 = tpu.vector_load %arg22[%swap3A_1501, %swap3A_1502] {strides = array<i32>} : memref<128x128xf32, #tpu.memory_space<vmem>>, vector<16xf32>,
      tpu.vector_store %arg22[%swap3A_1501, %swap3A_1502], %sub3A_1500 {strides = array<i32>} : memref<128x128xf32, #tpu.memory_space<vmem>>, vector<16xf32>,
      %get3A_1504 = arith.index_cast %scan3A_1462 : i32 to index
      %get3A_1505 = arith.constant 32 : index
      %get3A_1506 = tpu.vector_load %arg19[%get3A_1504, %get3A_1505] {strides = array<i32>} : memref<128x64xf32, #tpu.memory_space<vmem>>, vector<16xf32>,
      %get3A_1507 = arith.index_cast %scan3A_1462 : i32 to index
      %get3A_1508 = arith.constant 32 : index
      %get3A_1509 = tpu.vector_load %arg20[%get3A_1507, %get3A_1508] {strides = array<i32>} : memref<128x64xf32, #tpu.memory_space<vmem>>, vector<16xf32>,
      %add3A_1510 = arith.addf %get3A_1506, %get3A_1509 : vector<16xf32>
      %get3A_1511 = arith.index_cast %scan3A_1462 : i32 to index
      %get3A_1512 = arith.constant 32 : index
      %get3A_1513 = tpu.vector_load %arg21[%get3A_1511, %get3A_1512] {strides = array<i32>} : memref<128x64xf32, #tpu.memory_space<vmem>>, vector<16xf32>,
      %add3A_1514 = arith.addf %add3A_1510, %get3A_1513 : vector<16xf32>
      %max3A_1515 = arith.constant 0.000000e+00 : f32
      %max3A_1516 = vector.broadcast %max3A_1515 : f32 to vector<16xf32>
      %max3A_1517 = arith.maximumf %add3A_1514, %max3A_1516 : vector<16xf32>
      %max3A_1518 = arith.constant 0.000000e+00 : f32
      %max3A_1519 = vector.broadcast %max3A_1518 : f32 to vector<16xf32>
      %max3A_1520 = arith.maximumf %add3A_1510, %max3A_1519 : vector<16xf32>
      %sub3A_1521 = arith.subf %max3A_1517, %max3A_1520 : vector<16xf32>
      %swap3A_1522 = arith.index_cast %scan3A_1462 : i32 to index
      %swap3A_1523 = arith.constant 32 : index
      %swap3A_1524 = tpu.vector_load %arg22[%swap3A_1522, %swap3A_1523] {strides = array<i32>} : memref<128x128xf32, #tpu.memory_space<vmem>>, vector<16xf32>,
      tpu.vector_store %arg22[%swap3A_1522, %swap3A_1523], %sub3A_1521 {strides = array<i32>} : memref<128x128xf32, #tpu.memory_space<vmem>>, vector<16xf32>,
      %get3A_1525 = arith.index_cast %scan3A_1462 : i32 to index
      %get3A_1526 = arith.constant 48 : index
      %get3A_1527 = tpu.vector_load %arg19[%get3A_1525, %get3A_1526] {strides = array<i32>} : memref<128x64xf32, #tpu.memory_space<vmem>>, vector<16xf32>,
      %get3A_1528 = arith.index_cast %scan3A_1462 : i32 to index
      %get3A_1529 = arith.constant 48 : index
      %get3A_1530 = tpu.vector_load %arg20[%get3A_1528, %get3A_1529] {strides = array<i32>} : memref<128x64xf32, #tpu.memory_space<vmem>>, vector<16xf32>,
      %add3A_1531 = arith.addf %get3A_1527, %get3A_1530 : vector<16xf32>
      %get3A_1532 = arith.index_cast %scan3A_1462 : i32 to index
      %get3A_1533 = arith.constant 48 : index
      %get3A_1534 = tpu.vector_load %arg21[%get3A_1532, %get3A_1533] {strides = array<i32>} : memref<128x64xf32, #tpu.memory_space<vmem>>, vector<16xf32>,
      %add3A_1535 = arith.addf %add3A_1531, %get3A_1534 : vector<16xf32>
      %max3A_1536 = arith.constant 0.000000e+00 : f32
      %max3A_1537 = vector.broadcast %max3A_1536 : f32 to vector<16xf32>
      %max3A_1538 = arith.maximumf %add3A_1535, %max3A_1537 : vector<16xf32>
      %max3A_1539 = arith.constant 0.000000e+00 : f32
      %max3A_1540 = vector.broadcast %max3A_1539 : f32 to vector<16xf32>
      %max3A_1541 = arith.maximumf %add3A_1531, %max3A_1540 : vector<16xf32>
      %sub3A_1542 = arith.subf %max3A_1538, %max3A_1541 : vector<16xf32>
      %swap3A_1543 = arith.index_cast %scan3A_1462 : i32 to index
      %swap3A_1544 = arith.constant 48 : index
      %swap3A_1545 = tpu.vector_load %arg22[%swap3A_1543, %swap3A_1544] {strides = array<i32>} : memref<128x128xf32, #tpu.memory_space<vmem>>, vector<16xf32>,
      tpu.vector_store %arg22[%swap3A_1543, %swap3A_1544], %sub3A_1542 {strides = array<i32>} : memref<128x128xf32, #tpu.memory_space<vmem>>, vector<16xf32>,
      %scan3A_1546 = arith.constant 0 : i32
      scf.yield %scan3A_1546 : i32
    }
    %scan3A_1449 = arith.constant 128 : i32
    %mul3A_1450 = arith.constant 4 : i32
    %mul3A_1451 = arith.muli %arg1, %mul3A_1450 : i32
    %add3A_1452 = arith.constant 3 : i32
    %add3A_1453 = arith.addi %mul3A_1451, %add3A_1452 : i32
    "tpu.region"() ({
      %run_scoped3A_1462 = tpu.sem_alloc : memref<!tpu.dma_semaphore, #tpu.memory_space<semaphore_mem>>
      %dma_start3A_1463 = arith.constant 0 : i32
      %dma_start3A_1464 = tpu.memref_slice %arg11[%add3A_1453, %dma_start3A_1463] : memref<64x128xi32, #tpu.memory_space<vmem>> -> memref<1x128xi32, #tpu.memory_space<vmem>>
      %dma_start3A_1465 = tpu.memref_squeeze %dma_start3A_1464 : memref<1x128xi32, #tpu.memory_space<vmem>> -> memref<128xi32, #tpu.memory_space<vmem>>
      %dma_start3A_1466 = arith.constant 0 : i32
      %dma_start3A_1467 = arith.constant 0 : i32
      %dma_start3A_1468 = tpu.memref_slice %arg9[%dma_start3A_1466, %dma_start3A_1467] : memref<512x128xf32, #tpu.memory_space<vmem_shared>> -> memref<512x128xf32, #tpu.memory_space<vmem_shared>>
      tpu.enqueue_indirect_dma source(%arg22 : memref<128x128xf32, #tpu.memory_space<vmem>>) target(%dma_start3A_1468 : memref<512x128xf32, #tpu.memory_space<vmem_shared>>) offsets(%dma_start3A_1465 : memref<128xi32, #tpu.memory_space<vmem>>) semaphore(%run_scoped3A_1462 : memref<!tpu.dma_semaphore, #tpu.memory_space<semaphore_mem>>) {add = true}
      %dma_wait3A_1469 = arith.constant 0 : i32
      %dma_wait3A_1470 = tpu.memref_slice %arg11[%add3A_1453, %dma_wait3A_1469] : memref<64x128xi32, #tpu.memory_space<vmem>> -> memref<1x128xi32, #tpu.memory_space<vmem>>
      %dma_wait3A_1471 = tpu.memref_squeeze %dma_wait3A_1470 : memref<1x128xi32, #tpu.memory_space<vmem>> -> memref<128xi32, #tpu.memory_space<vmem>>
      %dma_wait3A_1472 = arith.constant 0 : i32
      %dma_wait3A_1473 = arith.constant 0 : i32
      %dma_wait3A_1474 = tpu.memref_slice %arg9[%dma_wait3A_1472, %dma_wait3A_1473] : memref<512x128xf32, #tpu.memory_space<vmem_shared>> -> memref<512x128xf32, #tpu.memory_space<vmem_shared>>
      tpu.wait_indirect_dma semaphore(%run_scoped3A_1462 : memref<!tpu.dma_semaphore, #tpu.memory_space<semaphore_mem>>) src(%arg22 : memref<128x128xf32, #tpu.memory_space<vmem>>) dst(%dma_wait3A_1474 : memref<512x128xf32, #tpu.memory_space<vmem_shared>>)
      tpu.yield
    }) : () -> ()
    %barrier3A_1454 = arith.constant 0 : index
    tpu.barrier barrier_id(%barrier3A_1454)
    %mul3A_1455 = arith.constant 32 : i32
    %mul3A_1456 = arith.muli %arg1, %mul3A_1455 : i32
    %mul3A_1457 = arith.constant 512 : i32
    %mul3A_1458 = arith.muli %arg0, %mul3A_1457 : i32
    %mul3A_1459 = arith.constant 32 : i32
    %mul3A_1460 = arith.muli %arg1, %mul3A_1459 : i32
    %add3A_1461 = arith.addi %mul3A_1458, %mul3A_1460 : i32
    "tpu.region"() ({
      %run_scoped3A_1462 = tpu.sem_alloc : memref<!tpu.dma_semaphore, #tpu.memory_space<semaphore_mem>>
      %dma_start3A_1463 = arith.constant 0 : i32
      %dma_start3A_1464 = tpu.memref_slice %arg7[%add3A_1461, %dma_start3A_1463] : memref<1024x128xf32, #tpu.memory_space<hbm>> -> memref<32x128xf32, #tpu.memory_space<hbm>>
      %dma_start3A_1465 = arith.constant 0 : i32
      %dma_start3A_1466 = tpu.memref_slice %arg9[%mul3A_1456, %dma_start3A_1465] : memref<512x128xf32, #tpu.memory_space<vmem_shared>> -> memref<32x128xf32, #tpu.memory_space<vmem_shared>>
      tpu.enqueue_dma source(%dma_start3A_1466 : memref<32x128xf32, #tpu.memory_space<vmem_shared>>) target(%dma_start3A_1464 : memref<32x128xf32, #tpu.memory_space<hbm>>) target_semaphore(%run_scoped3A_1462 : memref<!tpu.dma_semaphore, #tpu.memory_space<semaphore_mem>>)
      %dma_wait3A_1467 = arith.constant 0 : i32
      %dma_wait3A_1468 = tpu.memref_slice %arg7[%add3A_1461, %dma_wait3A_1467] : memref<1024x128xf32, #tpu.memory_space<hbm>> -> memref<32x128xf32, #tpu.memory_space<hbm>>
      %dma_wait3A_1469 = arith.constant 0 : i32
      %dma_wait3A_1470 = tpu.memref_slice %arg9[%mul3A_1456, %dma_wait3A_1469] : memref<512x128xf32, #tpu.memory_space<vmem_shared>> -> memref<32x128xf32, #tpu.memory_space<vmem_shared>>
      tpu.wait_dma2 semaphore(%run_scoped3A_1462 : memref<!tpu.dma_semaphore, #tpu.memory_space<semaphore_mem>>) src(%dma_wait3A_1470 : memref<32x128xf32, #tpu.memory_space<vmem_shared>>) dst(%dma_wait3A_1468 : memref<32x128xf32, #tpu.memory_space<hbm>>)
      tpu.yield
    }) : () -> ()
    return
  }
}

module attributes {stable_mosaic.version = 14 : i64} {
  func.func @_prep_body(%arg0: memref<512x512xf32, #tpu.memory_space<vmem>>, %arg1: memref<8192x512xf32, #tpu.memory_space<vmem>>, %arg2: memref<512x9xf32, #tpu.memory_space<vmem>>, %arg3: memref<512x151xf32, #tpu.memory_space<vmem>>, %arg4: memref<8192x51xf32, #tpu.memory_space<vmem>>, %arg5: memref<9x32xf32, #tpu.memory_space<vmem>>, %arg6: memref<1x32xf32, #tpu.memory_space<vmem>>, %arg7: memref<1x32xf32, #tpu.memory_space<vmem>>, %arg8: memref<1x32xf32, #tpu.memory_space<vmem>>, %arg9: memref<32x128xf32, #tpu.memory_space<vmem>>, %arg10: memref<1x128xf32, #tpu.memory_space<vmem>>, %arg11: memref<512x256xf32, #tpu.memory_space<vmem>>, %arg12: memref<1x256xf32, #tpu.memory_space<vmem>>, %arg13: memref<151x256xf32, #tpu.memory_space<vmem>>, %arg14: memref<128x256xf32, #tpu.memory_space<vmem>>, %arg15: memref<1x256xf32, #tpu.memory_space<vmem>>, %arg16: memref<512x64xf32, #tpu.memory_space<vmem>>, %arg17: memref<1x64xf32, #tpu.memory_space<vmem>>, %arg18: memref<51x64xf32, #tpu.memory_space<vmem>>, %arg19: memref<1x64xf32, #tpu.memory_space<vmem>>, %arg20: memref<256x64xf32, #tpu.memory_space<vmem>>, %arg21: memref<256x64xf32, #tpu.memory_space<vmem>>, %arg22: memref<256x256xf32, #tpu.memory_space<vmem>>, %arg23: memref<1x64xf32, #tpu.memory_space<vmem>>, %arg24: memref<1x256xf32, #tpu.memory_space<vmem>>, %arg25: memref<64x64xf32, #tpu.memory_space<vmem>>, %arg26: memref<256x64xf32, #tpu.memory_space<vmem>>, %arg27: memref<256x64xf32, #tpu.memory_space<vmem>>, %arg28: memref<256x256xf32, #tpu.memory_space<vmem>>, %arg29: memref<1x64xf32, #tpu.memory_space<vmem>>, %arg30: memref<1x256xf32, #tpu.memory_space<vmem>>, %arg31: memref<64x64xf32, #tpu.memory_space<vmem>>, %arg32: memref<2x512x64xf32, #tpu.memory_space<vmem>>, %arg33: memref<2x512x64xf32, #tpu.memory_space<vmem>>, %arg34: memref<2x512x256xf32, #tpu.memory_space<vmem>>, %arg35: memref<2x8192x64xf32, #tpu.memory_space<vmem>>) attributes {dimension_semantics = [], scalar_prefetch = 0 : i64, scratch_operands = 0 : i64, tpu.core_type = #tpu.core_type<tc>} {
    %get3A = arith.constant 0 : index
    %get3A_0 = arith.constant 0 : index
    %get3A_1 = vector.load %arg2[%get3A, %get3A_0] : memref<512x9xf32, #tpu.memory_space<vmem>>, vector<512x9xf32>
    %get3A_2 = arith.constant 0 : index
    %get3A_3 = arith.constant 0 : index
    %get3A_4 = vector.load %arg5[%get3A_2, %get3A_3] : memref<9x32xf32, #tpu.memory_space<vmem>>, vector<9x32xf32>
    %dot_general3A = arith.constant dense<0.000000e+00> : vector<512x32xf32>
    %dot_general3A_5 = tpu.matmul %get3A_1, %get3A_4, %dot_general3A {dimension_numbers = #tpu.dot_dimension_numbers<[1], [0], [0], [1], [0, 0, 1, 1], [], []>, transpose_lhs_hint = false} : vector<512x9xf32>, vector<9x32xf32>, vector<512x32xf32> -> vector<512x32xf32>
    %get3A_6 = arith.constant 0 : index
    %get3A_7 = arith.constant 0 : index
    %get3A_8 = vector.load %arg6[%get3A_6, %get3A_7] : memref<1x32xf32, #tpu.memory_space<vmem>>, vector<1x32xf32>
    %add3A = vector.broadcast %get3A_8 : vector<1x32xf32> to vector<512x32xf32>
    %add3A_9 = arith.addf %dot_general3A_5, %add3A : vector<512x32xf32>
    %reduce_sum3A = arith.constant dense<0.000000e+00> : vector<32xf32>
    %reduce_sum3A_10 = vector.multi_reduction <add>, %add3A_9, %reduce_sum3A [0] : vector<512x32xf32> to vector<32xf32>
    %broadcast_in_dim3A = vector.shape_cast %reduce_sum3A_10 : vector<32xf32> to vector<1x32xf32>
    %div3A = arith.constant 5.120000e+02 : f32
    %div3A_11 = vector.broadcast %div3A : f32 to vector<1x32xf32>
    %div3A_12 = arith.divf %broadcast_in_dim3A, %div3A_11 : vector<1x32xf32>
    %sub3A = vector.broadcast %div3A_12 : vector<1x32xf32> to vector<512x32xf32>
    %sub3A_13 = arith.subf %add3A_9, %sub3A : vector<512x32xf32>
    %integer_pow3A = arith.mulf %sub3A_13, %sub3A_13 : vector<512x32xf32>
    %reduce_sum3A_14 = arith.constant dense<0.000000e+00> : vector<32xf32>
    %reduce_sum3A_15 = vector.multi_reduction <add>, %integer_pow3A, %reduce_sum3A_14 [0] : vector<512x32xf32> to vector<32xf32>
    %broadcast_in_dim3A_16 = vector.shape_cast %reduce_sum3A_15 : vector<32xf32> to vector<1x32xf32>
    %div3A_17 = arith.constant 5.120000e+02 : f32
    %div3A_18 = vector.broadcast %div3A_17 : f32 to vector<1x32xf32>
    %div3A_19 = arith.divf %broadcast_in_dim3A_16, %div3A_18 : vector<1x32xf32>
    %get3A_20 = arith.constant 0 : index
    %get3A_21 = arith.constant 0 : index
    %get3A_22 = vector.load %arg7[%get3A_20, %get3A_21] : memref<1x32xf32, #tpu.memory_space<vmem>>, vector<1x32xf32>
    %sub3A_23 = vector.broadcast %div3A_12 : vector<1x32xf32> to vector<512x32xf32>
    %sub3A_24 = arith.subf %add3A_9, %sub3A_23 : vector<512x32xf32>
    %mul3A = vector.broadcast %get3A_22 : vector<1x32xf32> to vector<512x32xf32>
    %mul3A_25 = arith.mulf %mul3A, %sub3A_24 : vector<512x32xf32>
    %add3A_26 = arith.constant 9.99999974E-6 : f32
    %add3A_27 = vector.broadcast %add3A_26 : f32 to vector<1x32xf32>
    %add3A_28 = arith.addf %div3A_19, %add3A_27 : vector<1x32xf32>
    %sqrt3A = math.sqrt %add3A_28 : vector<1x32xf32>
    %div3A_29 = vector.broadcast %sqrt3A : vector<1x32xf32> to vector<512x32xf32>
    %div3A_30 = arith.divf %mul3A_25, %div3A_29 : vector<512x32xf32>
    %get3A_31 = arith.constant 0 : index
    %get3A_32 = arith.constant 0 : index
    %get3A_33 = vector.load %arg8[%get3A_31, %get3A_32] : memref<1x32xf32, #tpu.memory_space<vmem>>, vector<1x32xf32>
    %add3A_34 = vector.broadcast %get3A_33 : vector<1x32xf32> to vector<512x32xf32>
    %add3A_35 = arith.addf %div3A_30, %add3A_34 : vector<512x32xf32>
    %get3A_36 = arith.constant 0 : index
    %get3A_37 = arith.constant 0 : index
    %get3A_38 = vector.load %arg9[%get3A_36, %get3A_37] : memref<32x128xf32, #tpu.memory_space<vmem>>, vector<32x128xf32>
    %dot_general3A_39 = arith.constant dense<0.000000e+00> : vector<512x128xf32>
    %dot_general3A_40 = tpu.matmul %add3A_35, %get3A_38, %dot_general3A_39 {dimension_numbers = #tpu.dot_dimension_numbers<[1], [0], [0], [1], [0, 0, 1, 1], [], []>, transpose_lhs_hint = false} : vector<512x32xf32>, vector<32x128xf32>, vector<512x128xf32> -> vector<512x128xf32>
    %get3A_41 = arith.constant 0 : index
    %get3A_42 = arith.constant 0 : index
    %get3A_43 = vector.load %arg10[%get3A_41, %get3A_42] : memref<1x128xf32, #tpu.memory_space<vmem>>, vector<1x128xf32>
    %add3A_44 = vector.broadcast %get3A_43 : vector<1x128xf32> to vector<512x128xf32>
    %add3A_45 = arith.addf %dot_general3A_40, %add3A_44 : vector<512x128xf32>
    %max3A = arith.constant 0.000000e+00 : f32
    %max3A_46 = vector.broadcast %max3A : f32 to vector<512x128xf32>
    %max3A_47 = arith.maximumf %add3A_45, %max3A_46 : vector<512x128xf32>
    %get3A_48 = arith.constant 0 : index
    %get3A_49 = arith.constant 0 : index
    %get3A_50 = vector.load %arg0[%get3A_48, %get3A_49] : memref<512x512xf32, #tpu.memory_space<vmem>>, vector<512x512xf32>
    %get3A_51 = arith.constant 0 : index
    %get3A_52 = arith.constant 0 : index
    %get3A_53 = vector.load %arg11[%get3A_51, %get3A_52] : memref<512x256xf32, #tpu.memory_space<vmem>>, vector<512x256xf32>
    %dot_general3A_54 = arith.constant dense<0.000000e+00> : vector<512x256xf32>
    %dot_general3A_55 = tpu.matmul %get3A_50, %get3A_53, %dot_general3A_54 {dimension_numbers = #tpu.dot_dimension_numbers<[1], [0], [0], [1], [0, 0, 1, 1], [], []>, transpose_lhs_hint = false} : vector<512x512xf32>, vector<512x256xf32>, vector<512x256xf32> -> vector<512x256xf32>
    %get3A_56 = arith.constant 0 : index
    %get3A_57 = arith.constant 0 : index
    %get3A_58 = vector.load %arg12[%get3A_56, %get3A_57] : memref<1x256xf32, #tpu.memory_space<vmem>>, vector<1x256xf32>
    %add3A_59 = vector.broadcast %get3A_58 : vector<1x256xf32> to vector<512x256xf32>
    %add3A_60 = arith.addf %dot_general3A_55, %add3A_59 : vector<512x256xf32>
    %get3A_61 = arith.constant 0 : index
    %get3A_62 = arith.constant 0 : index
    %get3A_63 = vector.load %arg3[%get3A_61, %get3A_62] : memref<512x151xf32, #tpu.memory_space<vmem>>, vector<512x151xf32>
    %get3A_64 = arith.constant 0 : index
    %get3A_65 = arith.constant 0 : index
    %get3A_66 = vector.load %arg13[%get3A_64, %get3A_65] : memref<151x256xf32, #tpu.memory_space<vmem>>, vector<151x256xf32>
    %dot_general3A_67 = arith.constant dense<0.000000e+00> : vector<512x256xf32>
    %dot_general3A_68 = tpu.matmul %get3A_63, %get3A_66, %dot_general3A_67 {dimension_numbers = #tpu.dot_dimension_numbers<[1], [0], [0], [1], [0, 0, 1, 1], [], []>, transpose_lhs_hint = false} : vector<512x151xf32>, vector<151x256xf32>, vector<512x256xf32> -> vector<512x256xf32>
    %get3A_69 = arith.constant 0 : index
    %get3A_70 = arith.constant 0 : index
    %get3A_71 = vector.load %arg14[%get3A_69, %get3A_70] : memref<128x256xf32, #tpu.memory_space<vmem>>, vector<128x256xf32>
    %dot_general3A_72 = arith.constant dense<0.000000e+00> : vector<512x256xf32>
    %dot_general3A_73 = tpu.matmul %max3A_47, %get3A_71, %dot_general3A_72 {dimension_numbers = #tpu.dot_dimension_numbers<[1], [0], [0], [1], [0, 0, 1, 1], [], []>, transpose_lhs_hint = false} : vector<512x128xf32>, vector<128x256xf32>, vector<512x256xf32> -> vector<512x256xf32>
    %add3A_74 = arith.addf %dot_general3A_68, %dot_general3A_73 : vector<512x256xf32>
    %get3A_75 = arith.constant 0 : index
    %get3A_76 = arith.constant 0 : index
    %get3A_77 = vector.load %arg15[%get3A_75, %get3A_76] : memref<1x256xf32, #tpu.memory_space<vmem>>, vector<1x256xf32>
    %add3A_78 = vector.broadcast %get3A_77 : vector<1x256xf32> to vector<512x256xf32>
    %add3A_79 = arith.addf %add3A_74, %add3A_78 : vector<512x256xf32>
    %get3A_80 = arith.constant 0 : index
    %get3A_81 = arith.constant 0 : index
    %get3A_82 = vector.load %arg20[%get3A_80, %get3A_81] : memref<256x64xf32, #tpu.memory_space<vmem>>, vector<256x64xf32>
    %dot_general3A_83 = arith.constant dense<0.000000e+00> : vector<512x64xf32>
    %dot_general3A_84 = tpu.matmul %add3A_60, %get3A_82, %dot_general3A_83 {dimension_numbers = #tpu.dot_dimension_numbers<[1], [0], [0], [1], [0, 0, 1, 1], [], []>, transpose_lhs_hint = false} : vector<512x256xf32>, vector<256x64xf32>, vector<512x64xf32> -> vector<512x64xf32>
    %get3A_85 = arith.constant 0 : index
    %get3A_86 = arith.constant 0 : index
    %get3A_87 = vector.load %arg23[%get3A_85, %get3A_86] : memref<1x64xf32, #tpu.memory_space<vmem>>, vector<1x64xf32>
    %add3A_88 = vector.broadcast %get3A_87 : vector<1x64xf32> to vector<512x64xf32>
    %add3A_89 = arith.addf %dot_general3A_84, %add3A_88 : vector<512x64xf32>
    %swap3A = arith.constant 0 : index
    %swap3A_90 = arith.constant 0 : index
    %swap3A_91 = arith.constant 0 : index
    %swap3A_92 = vector.load %arg32[%swap3A, %swap3A_90, %swap3A_91] : memref<2x512x64xf32, #tpu.memory_space<vmem>>, vector<1x512x64xf32>
    %swap3A_93 = vector.shape_cast %swap3A_92 : vector<1x512x64xf32> to vector<512x64xf32>
    %swap3A_94 = vector.shape_cast %add3A_89 : vector<512x64xf32> to vector<1x512x64xf32>
    tpu.vector_store %arg32[%swap3A, %swap3A_90, %swap3A_91], %swap3A_94 {strides = array<i32>} : memref<2x512x64xf32, #tpu.memory_space<vmem>>, vector<1x512x64xf32>,
    %get3A_95 = arith.constant 0 : index
    %get3A_96 = arith.constant 0 : index
    %get3A_97 = vector.load %arg26[%get3A_95, %get3A_96] : memref<256x64xf32, #tpu.memory_space<vmem>>, vector<256x64xf32>
    %dot_general3A_98 = arith.constant dense<0.000000e+00> : vector<512x64xf32>
    %dot_general3A_99 = tpu.matmul %add3A_79, %get3A_97, %dot_general3A_98 {dimension_numbers = #tpu.dot_dimension_numbers<[1], [0], [0], [1], [0, 0, 1, 1], [], []>, transpose_lhs_hint = false} : vector<512x256xf32>, vector<256x64xf32>, vector<512x64xf32> -> vector<512x64xf32>
    %get3A_100 = arith.constant 0 : index
    %get3A_101 = arith.constant 0 : index
    %get3A_102 = vector.load %arg29[%get3A_100, %get3A_101] : memref<1x64xf32, #tpu.memory_space<vmem>>, vector<1x64xf32>
    %add3A_103 = vector.broadcast %get3A_102 : vector<1x64xf32> to vector<512x64xf32>
    %add3A_104 = arith.addf %dot_general3A_99, %add3A_103 : vector<512x64xf32>
    %swap3A_105 = arith.constant 1 : index
    %swap3A_106 = arith.constant 0 : index
    %swap3A_107 = arith.constant 0 : index
    %swap3A_108 = vector.load %arg32[%swap3A_105, %swap3A_106, %swap3A_107] : memref<2x512x64xf32, #tpu.memory_space<vmem>>, vector<1x512x64xf32>
    %swap3A_109 = vector.shape_cast %swap3A_108 : vector<1x512x64xf32> to vector<512x64xf32>
    %swap3A_110 = vector.shape_cast %add3A_104 : vector<512x64xf32> to vector<1x512x64xf32>
    tpu.vector_store %arg32[%swap3A_105, %swap3A_106, %swap3A_107], %swap3A_110 {strides = array<i32>} : memref<2x512x64xf32, #tpu.memory_space<vmem>>, vector<1x512x64xf32>,
    %get3A_111 = arith.constant 0 : index
    %get3A_112 = arith.constant 0 : index
    %get3A_113 = vector.load %arg21[%get3A_111, %get3A_112] : memref<256x64xf32, #tpu.memory_space<vmem>>, vector<256x64xf32>
    %dot_general3A_114 = arith.constant dense<0.000000e+00> : vector<512x64xf32>
    %dot_general3A_115 = tpu.matmul %add3A_60, %get3A_113, %dot_general3A_114 {dimension_numbers = #tpu.dot_dimension_numbers<[1], [0], [0], [1], [0, 0, 1, 1], [], []>, transpose_lhs_hint = false} : vector<512x256xf32>, vector<256x64xf32>, vector<512x64xf32> -> vector<512x64xf32>
    %swap3A_116 = arith.constant 0 : index
    %swap3A_117 = arith.constant 0 : index
    %swap3A_118 = arith.constant 0 : index
    %swap3A_119 = vector.load %arg33[%swap3A_116, %swap3A_117, %swap3A_118] : memref<2x512x64xf32, #tpu.memory_space<vmem>>, vector<1x512x64xf32>
    %swap3A_120 = vector.shape_cast %swap3A_119 : vector<1x512x64xf32> to vector<512x64xf32>
    %swap3A_121 = vector.shape_cast %dot_general3A_115 : vector<512x64xf32> to vector<1x512x64xf32>
    tpu.vector_store %arg33[%swap3A_116, %swap3A_117, %swap3A_118], %swap3A_121 {strides = array<i32>} : memref<2x512x64xf32, #tpu.memory_space<vmem>>, vector<1x512x64xf32>,
    %get3A_122 = arith.constant 0 : index
    %get3A_123 = arith.constant 0 : index
    %get3A_124 = vector.load %arg27[%get3A_122, %get3A_123] : memref<256x64xf32, #tpu.memory_space<vmem>>, vector<256x64xf32>
    %dot_general3A_125 = arith.constant dense<0.000000e+00> : vector<512x64xf32>
    %dot_general3A_126 = tpu.matmul %add3A_79, %get3A_124, %dot_general3A_125 {dimension_numbers = #tpu.dot_dimension_numbers<[1], [0], [0], [1], [0, 0, 1, 1], [], []>, transpose_lhs_hint = false} : vector<512x256xf32>, vector<256x64xf32>, vector<512x64xf32> -> vector<512x64xf32>
    %swap3A_127 = arith.constant 1 : index
    %swap3A_128 = arith.constant 0 : index
    %swap3A_129 = arith.constant 0 : index
    %swap3A_130 = vector.load %arg33[%swap3A_127, %swap3A_128, %swap3A_129] : memref<2x512x64xf32, #tpu.memory_space<vmem>>, vector<1x512x64xf32>
    %swap3A_131 = vector.shape_cast %swap3A_130 : vector<1x512x64xf32> to vector<512x64xf32>
    %swap3A_132 = vector.shape_cast %dot_general3A_126 : vector<512x64xf32> to vector<1x512x64xf32>
    tpu.vector_store %arg33[%swap3A_127, %swap3A_128, %swap3A_129], %swap3A_132 {strides = array<i32>} : memref<2x512x64xf32, #tpu.memory_space<vmem>>, vector<1x512x64xf32>,
    %get3A_133 = arith.constant 0 : index
    %get3A_134 = arith.constant 0 : index
    %get3A_135 = vector.load %arg22[%get3A_133, %get3A_134] : memref<256x256xf32, #tpu.memory_space<vmem>>, vector<256x256xf32>
    %dot_general3A_136 = arith.constant dense<0.000000e+00> : vector<512x256xf32>
    %dot_general3A_137 = tpu.matmul %add3A_60, %get3A_135, %dot_general3A_136 {dimension_numbers = #tpu.dot_dimension_numbers<[1], [0], [0], [1], [0, 0, 1, 1], [], []>, transpose_lhs_hint = false} : vector<512x256xf32>, vector<256x256xf32>, vector<512x256xf32> -> vector<512x256xf32>
    %get3A_138 = arith.constant 0 : index
    %get3A_139 = arith.constant 0 : index
    %get3A_140 = vector.load %arg24[%get3A_138, %get3A_139] : memref<1x256xf32, #tpu.memory_space<vmem>>, vector<1x256xf32>
    %add3A_141 = vector.broadcast %get3A_140 : vector<1x256xf32> to vector<512x256xf32>
    %add3A_142 = arith.addf %dot_general3A_137, %add3A_141 : vector<512x256xf32>
    %swap3A_143 = arith.constant 0 : index
    %swap3A_144 = arith.constant 0 : index
    %swap3A_145 = arith.constant 0 : index
    %swap3A_146 = vector.load %arg34[%swap3A_143, %swap3A_144, %swap3A_145] : memref<2x512x256xf32, #tpu.memory_space<vmem>>, vector<1x512x256xf32>
    %swap3A_147 = vector.shape_cast %swap3A_146 : vector<1x512x256xf32> to vector<512x256xf32>
    %swap3A_148 = vector.shape_cast %add3A_142 : vector<512x256xf32> to vector<1x512x256xf32>
    tpu.vector_store %arg34[%swap3A_143, %swap3A_144, %swap3A_145], %swap3A_148 {strides = array<i32>} : memref<2x512x256xf32, #tpu.memory_space<vmem>>, vector<1x512x256xf32>,
    %get3A_149 = arith.constant 0 : index
    %get3A_150 = arith.constant 0 : index
    %get3A_151 = vector.load %arg28[%get3A_149, %get3A_150] : memref<256x256xf32, #tpu.memory_space<vmem>>, vector<256x256xf32>
    %dot_general3A_152 = arith.constant dense<0.000000e+00> : vector<512x256xf32>
    %dot_general3A_153 = tpu.matmul %add3A_79, %get3A_151, %dot_general3A_152 {dimension_numbers = #tpu.dot_dimension_numbers<[1], [0], [0], [1], [0, 0, 1, 1], [], []>, transpose_lhs_hint = false} : vector<512x256xf32>, vector<256x256xf32>, vector<512x256xf32> -> vector<512x256xf32>
    %get3A_154 = arith.constant 0 : index
    %get3A_155 = arith.constant 0 : index
    %get3A_156 = vector.load %arg30[%get3A_154, %get3A_155] : memref<1x256xf32, #tpu.memory_space<vmem>>, vector<1x256xf32>
    %add3A_157 = vector.broadcast %get3A_156 : vector<1x256xf32> to vector<512x256xf32>
    %add3A_158 = arith.addf %dot_general3A_153, %add3A_157 : vector<512x256xf32>
    %swap3A_159 = arith.constant 1 : index
    %swap3A_160 = arith.constant 0 : index
    %swap3A_161 = arith.constant 0 : index
    %swap3A_162 = vector.load %arg34[%swap3A_159, %swap3A_160, %swap3A_161] : memref<2x512x256xf32, #tpu.memory_space<vmem>>, vector<1x512x256xf32>
    %swap3A_163 = vector.shape_cast %swap3A_162 : vector<1x512x256xf32> to vector<512x256xf32>
    %swap3A_164 = vector.shape_cast %add3A_158 : vector<512x256xf32> to vector<1x512x256xf32>
    tpu.vector_store %arg34[%swap3A_159, %swap3A_160, %swap3A_161], %swap3A_164 {strides = array<i32>} : memref<2x512x256xf32, #tpu.memory_space<vmem>>, vector<1x512x256xf32>,
    %get3A_165 = arith.constant 0 : index
    %get3A_166 = arith.constant 0 : index
    %get3A_167 = vector.load %arg16[%get3A_165, %get3A_166] : memref<512x64xf32, #tpu.memory_space<vmem>>, vector<512x64xf32>
    %get3A_168 = arith.constant 0 : index
    %get3A_169 = arith.constant 0 : index
    %get3A_170 = vector.load %arg25[%get3A_168, %get3A_169] : memref<64x64xf32, #tpu.memory_space<vmem>>, vector<64x64xf32>
    %dot_general3A_171 = arith.constant dense<0.000000e+00> : vector<512x64xf32>
    %dot_general3A_172 = tpu.matmul %get3A_167, %get3A_170, %dot_general3A_171 {dimension_numbers = #tpu.dot_dimension_numbers<[1], [0], [0], [1], [0, 0, 1, 1], [], []>, transpose_lhs_hint = false} : vector<512x64xf32>, vector<64x64xf32>, vector<512x64xf32> -> vector<512x64xf32>
    %get3A_173 = arith.constant 0 : index
    %get3A_174 = arith.constant 0 : index
    %get3A_175 = vector.load %arg17[%get3A_173, %get3A_174] : memref<1x64xf32, #tpu.memory_space<vmem>>, vector<1x64xf32>
    %get3A_176 = arith.constant 0 : index
    %get3A_177 = arith.constant 0 : index
    %get3A_178 = vector.load %arg25[%get3A_176, %get3A_177] : memref<64x64xf32, #tpu.memory_space<vmem>>, vector<64x64xf32>
    %dot_general3A_179 = arith.constant dense<0.000000e+00> : vector<1x64xf32>
    %dot_general3A_180 = tpu.matmul %get3A_175, %get3A_178, %dot_general3A_179 {dimension_numbers = #tpu.dot_dimension_numbers<[1], [0], [0], [1], [0, 0, 1, 1], [], []>, transpose_lhs_hint = false} : vector<1x64xf32>, vector<64x64xf32>, vector<1x64xf32> -> vector<1x64xf32>
    %get3A_181 = arith.constant 0 : index
    %get3A_182 = arith.constant 0 : index
    %get3A_183 = vector.load %arg1[%get3A_181, %get3A_182] : memref<8192x512xf32, #tpu.memory_space<vmem>>, vector<8192x512xf32>
    %dot_general3A_184 = arith.constant dense<0.000000e+00> : vector<8192x64xf32>
    %dot_general3A_185 = tpu.matmul %get3A_183, %dot_general3A_172, %dot_general3A_184 {dimension_numbers = #tpu.dot_dimension_numbers<[1], [0], [0], [1], [0, 0, 1, 1], [], []>, transpose_lhs_hint = false} : vector<8192x512xf32>, vector<512x64xf32>, vector<8192x64xf32> -> vector<8192x64xf32>
    %add3A_186 = vector.broadcast %dot_general3A_180 : vector<1x64xf32> to vector<8192x64xf32>
    %add3A_187 = arith.addf %dot_general3A_185, %add3A_186 : vector<8192x64xf32>
    %swap3A_188 = arith.constant 0 : index
    %swap3A_189 = arith.constant 0 : index
    %swap3A_190 = arith.constant 0 : index
    %swap3A_191 = vector.load %arg35[%swap3A_188, %swap3A_189, %swap3A_190] : memref<2x8192x64xf32, #tpu.memory_space<vmem>>, vector<1x8192x64xf32>
    %swap3A_192 = vector.shape_cast %swap3A_191 : vector<1x8192x64xf32> to vector<8192x64xf32>
    %swap3A_193 = vector.shape_cast %add3A_187 : vector<8192x64xf32> to vector<1x8192x64xf32>
    tpu.vector_store %arg35[%swap3A_188, %swap3A_189, %swap3A_190], %swap3A_193 {strides = array<i32>} : memref<2x8192x64xf32, #tpu.memory_space<vmem>>, vector<1x8192x64xf32>,
    %get3A_194 = arith.constant 0 : index
    %get3A_195 = arith.constant 0 : index
    %get3A_196 = vector.load %arg18[%get3A_194, %get3A_195] : memref<51x64xf32, #tpu.memory_space<vmem>>, vector<51x64xf32>
    %get3A_197 = arith.constant 0 : index
    %get3A_198 = arith.constant 0 : index
    %get3A_199 = vector.load %arg31[%get3A_197, %get3A_198] : memref<64x64xf32, #tpu.memory_space<vmem>>, vector<64x64xf32>
    %dot_general3A_200 = arith.constant dense<0.000000e+00> : vector<51x64xf32>
    %dot_general3A_201 = tpu.matmul %get3A_196, %get3A_199, %dot_general3A_200 {dimension_numbers = #tpu.dot_dimension_numbers<[1], [0], [0], [1], [0, 0, 1, 1], [], []>, transpose_lhs_hint = false} : vector<51x64xf32>, vector<64x64xf32>, vector<51x64xf32> -> vector<51x64xf32>
    %get3A_202 = arith.constant 0 : index
    %get3A_203 = arith.constant 0 : index
    %get3A_204 = vector.load %arg19[%get3A_202, %get3A_203] : memref<1x64xf32, #tpu.memory_space<vmem>>, vector<1x64xf32>
    %get3A_205 = arith.constant 0 : index
    %get3A_206 = arith.constant 0 : index
    %get3A_207 = vector.load %arg31[%get3A_205, %get3A_206] : memref<64x64xf32, #tpu.memory_space<vmem>>, vector<64x64xf32>
    %dot_general3A_208 = arith.constant dense<0.000000e+00> : vector<1x64xf32>
    %dot_general3A_209 = tpu.matmul %get3A_204, %get3A_207, %dot_general3A_208 {dimension_numbers = #tpu.dot_dimension_numbers<[1], [0], [0], [1], [0, 0, 1, 1], [], []>, transpose_lhs_hint = false} : vector<1x64xf32>, vector<64x64xf32>, vector<1x64xf32> -> vector<1x64xf32>
    %get3A_210 = arith.constant 0 : index
    %get3A_211 = arith.constant 0 : index
    %get3A_212 = vector.load %arg4[%get3A_210, %get3A_211] : memref<8192x51xf32, #tpu.memory_space<vmem>>, vector<8192x51xf32>
    %dot_general3A_213 = arith.constant dense<0.000000e+00> : vector<8192x64xf32>
    %dot_general3A_214 = tpu.matmul %get3A_212, %dot_general3A_201, %dot_general3A_213 {dimension_numbers = #tpu.dot_dimension_numbers<[1], [0], [0], [1], [0, 0, 1, 1], [], []>, transpose_lhs_hint = false} : vector<8192x51xf32>, vector<51x64xf32>, vector<8192x64xf32> -> vector<8192x64xf32>
    %add3A_215 = vector.broadcast %dot_general3A_209 : vector<1x64xf32> to vector<8192x64xf32>
    %add3A_216 = arith.addf %dot_general3A_214, %add3A_215 : vector<8192x64xf32>
    %swap3A_217 = arith.constant 1 : index
    %swap3A_218 = arith.constant 0 : index
    %swap3A_219 = arith.constant 0 : index
    %swap3A_220 = vector.load %arg35[%swap3A_217, %swap3A_218, %swap3A_219] : memref<2x8192x64xf32, #tpu.memory_space<vmem>>, vector<1x8192x64xf32>
    %swap3A_221 = vector.shape_cast %swap3A_220 : vector<1x8192x64xf32> to vector<8192x64xf32>
    %swap3A_222 = vector.shape_cast %add3A_216 : vector<8192x64xf32> to vector<1x8192x64xf32>
    tpu.vector_store %arg35[%swap3A_217, %swap3A_218, %swap3A_219], %swap3A_222 {strides = array<i32>} : memref<2x8192x64xf32, #tpu.memory_space<vmem>>, vector<1x8192x64xf32>,
    return
  }
}

module attributes {stable_mosaic.version = 14 : i64} {
  func.func @_finale_body(%arg0: memref<2x512x64xf32, #tpu.memory_space<vmem>>, %arg1: memref<2x512x64xf32, #tpu.memory_space<vmem>>, %arg2: memref<2x512x64xf32, #tpu.memory_space<vmem>>, %arg3: memref<2x512x256xf32, #tpu.memory_space<vmem>>, %arg4: memref<2x64x256xf32, #tpu.memory_space<vmem>>, %arg5: memref<2x1x256xf32, #tpu.memory_space<vmem>>, %arg6: memref<2x256x512xf32, #tpu.memory_space<vmem>>, %arg7: memref<2x1x64xf32, #tpu.memory_space<vmem>>, %arg8: memref<2x64x512xf32, #tpu.memory_space<vmem>>, %arg9: memref<1024x512xf32, #tpu.memory_space<vmem>>, %arg10: memref<1x512xf32, #tpu.memory_space<vmem>>, %arg11: memref<512x1xf32, #tpu.memory_space<vmem>>, %arg12: memref<1x1xf32, #tpu.memory_space<vmem>>, %arg13: memref<1x1xf32, #tpu.memory_space<vmem>>) attributes {dimension_semantics = [], scalar_prefetch = 0 : i64, scratch_operands = 0 : i64, tpu.core_type = #tpu.core_type<tc>} {
    %get3A = arith.constant 0 : index
    %get3A_0 = arith.constant 0 : index
    %get3A_1 = arith.constant 0 : index
    %get3A_2 = vector.load %arg0[%get3A, %get3A_0, %get3A_1] : memref<2x512x64xf32, #tpu.memory_space<vmem>>, vector<1x512x64xf32>
    %get3A_3 = vector.shape_cast %get3A_2 : vector<1x512x64xf32> to vector<512x64xf32>
    %get3A_4 = arith.constant 1 : index
    %get3A_5 = arith.constant 0 : index
    %get3A_6 = arith.constant 0 : index
    %get3A_7 = vector.load %arg0[%get3A_4, %get3A_5, %get3A_6] : memref<2x512x64xf32, #tpu.memory_space<vmem>>, vector<1x512x64xf32>
    %get3A_8 = vector.shape_cast %get3A_7 : vector<1x512x64xf32> to vector<512x64xf32>
    %concatenate3A = tpu.concatenate %get3A_3, %get3A_8 in 1 : vector<512x64xf32>, vector<512x64xf32> -> vector<512x128xf32>
    %slice3A = vector.extract_strided_slice %concatenate3A {offsets = [0, 0], sizes = [128, 128], strides = [1, 1]} : vector<512x128xf32> to vector<128x128xf32>
    %broadcast_in_dim3A = arith.constant 0.000000e+00 : f32
    %broadcast_in_dim3A_9 = vector.broadcast %broadcast_in_dim3A : f32 to vector<128x128xf32>
    %scan3A = arith.constant 0 : i32
    %scan3A_10 = arith.constant 64 : i32
    %scan3A_11 = arith.addi %scan3A, %scan3A_10 : i32
    %scan3A_12 = arith.constant 1 : i32
    %scan3A_13 = scf.for %scan3A_221 = %scan3A to %scan3A_11 step %scan3A_12 iter_args(%scan3A_222 = %broadcast_in_dim3A_9) -> (vector<128x128xf32>)  : i32 {
      %mul3A_223 = arith.constant 8 : i32
      %mul3A_224 = arith.muli %scan3A_221, %mul3A_223 : i32
      %get3A_225 = arith.constant 0 : index
      %get3A_226 = arith.index_cast %mul3A_224 : i32 to index
      %get3A_227 = arith.constant 0 : index
      %get3A_228 = vector.load %arg1[%get3A_225, %get3A_226, %get3A_227] : memref<2x512x64xf32, #tpu.memory_space<vmem>>, vector<1x8x64xf32>
      %get3A_229 = vector.shape_cast %get3A_228 : vector<1x8x64xf32> to vector<8x64xf32>
      %mul3A_230 = arith.constant 8 : i32
      %mul3A_231 = arith.muli %scan3A_221, %mul3A_230 : i32
      %get3A_232 = arith.constant 1 : index
      %get3A_233 = arith.index_cast %mul3A_231 : i32 to index
      %get3A_234 = arith.constant 0 : index
      %get3A_235 = vector.load %arg1[%get3A_232, %get3A_233, %get3A_234] : memref<2x512x64xf32, #tpu.memory_space<vmem>>, vector<1x8x64xf32>
      %get3A_236 = vector.shape_cast %get3A_235 : vector<1x8x64xf32> to vector<8x64xf32>
      %concatenate3A_237 = tpu.concatenate %get3A_229, %get3A_236 in 1 : vector<8x64xf32>, vector<8x64xf32> -> vector<8x128xf32>
      %slice3A_238 = vector.extract_strided_slice %concatenate3A_237 {offsets = [0, 0], sizes = [1, 128], strides = [1, 1]} : vector<8x128xf32> to vector<1x128xf32>
      %add3A_239 = vector.broadcast %slice3A_238 : vector<1x128xf32> to vector<128x128xf32>
      %add3A_240 = arith.addf %slice3A, %add3A_239 : vector<128x128xf32>
      %max3A_241 = arith.constant 0.000000e+00 : f32
      %max3A_242 = vector.broadcast %max3A_241 : f32 to vector<128x128xf32>
      %max3A_243 = arith.maximumf %add3A_240, %max3A_242 : vector<128x128xf32>
      %add3A_244 = arith.addf %scan3A_222, %max3A_243 : vector<128x128xf32>
      %slice3A_245 = vector.extract_strided_slice %concatenate3A_237 {offsets = [1, 0], sizes = [1, 128], strides = [1, 1]} : vector<8x128xf32> to vector<1x128xf32>
      %add3A_246 = vector.broadcast %slice3A_245 : vector<1x128xf32> to vector<128x128xf32>
      %add3A_247 = arith.addf %slice3A, %add3A_246 : vector<128x128xf32>
      %max3A_248 = arith.constant 0.000000e+00 : f32
      %max3A_249 = vector.broadcast %max3A_248 : f32 to vector<128x128xf32>
      %max3A_250 = arith.maximumf %add3A_247, %max3A_249 : vector<128x128xf32>
      %add3A_251 = arith.addf %add3A_244, %max3A_250 : vector<128x128xf32>
      %slice3A_252 = vector.extract_strided_slice %concatenate3A_237 {offsets = [2, 0], sizes = [1, 128], strides = [1, 1]} : vector<8x128xf32> to vector<1x128xf32>
      %add3A_253 = vector.broadcast %slice3A_252 : vector<1x128xf32> to vector<128x128xf32>
      %add3A_254 = arith.addf %slice3A, %add3A_253 : vector<128x128xf32>
      %max3A_255 = arith.constant 0.000000e+00 : f32
      %max3A_256 = vector.broadcast %max3A_255 : f32 to vector<128x128xf32>
      %max3A_257 = arith.maximumf %add3A_254, %max3A_256 : vector<128x128xf32>
      %add3A_258 = arith.addf %add3A_251, %max3A_257 : vector<128x128xf32>
      %slice3A_259 = vector.extract_strided_slice %concatenate3A_237 {offsets = [3, 0], sizes = [1, 128], strides = [1, 1]} : vector<8x128xf32> to vector<1x128xf32>
      %add3A_260 = vector.broadcast %slice3A_259 : vector<1x128xf32> to vector<128x128xf32>
      %add3A_261 = arith.addf %slice3A, %add3A_260 : vector<128x128xf32>
      %max3A_262 = arith.constant 0.000000e+00 : f32
      %max3A_263 = vector.broadcast %max3A_262 : f32 to vector<128x128xf32>
      %max3A_264 = arith.maximumf %add3A_261, %max3A_263 : vector<128x128xf32>
      %add3A_265 = arith.addf %add3A_258, %max3A_264 : vector<128x128xf32>
      %slice3A_266 = vector.extract_strided_slice %concatenate3A_237 {offsets = [4, 0], sizes = [1, 128], strides = [1, 1]} : vector<8x128xf32> to vector<1x128xf32>
      %add3A_267 = vector.broadcast %slice3A_266 : vector<1x128xf32> to vector<128x128xf32>
      %add3A_268 = arith.addf %slice3A, %add3A_267 : vector<128x128xf32>
      %max3A_269 = arith.constant 0.000000e+00 : f32
      %max3A_270 = vector.broadcast %max3A_269 : f32 to vector<128x128xf32>
      %max3A_271 = arith.maximumf %add3A_268, %max3A_270 : vector<128x128xf32>
      %add3A_272 = arith.addf %add3A_265, %max3A_271 : vector<128x128xf32>
      %slice3A_273 = vector.extract_strided_slice %concatenate3A_237 {offsets = [5, 0], sizes = [1, 128], strides = [1, 1]} : vector<8x128xf32> to vector<1x128xf32>
      %add3A_274 = vector.broadcast %slice3A_273 : vector<1x128xf32> to vector<128x128xf32>
      %add3A_275 = arith.addf %slice3A, %add3A_274 : vector<128x128xf32>
      %max3A_276 = arith.constant 0.000000e+00 : f32
      %max3A_277 = vector.broadcast %max3A_276 : f32 to vector<128x128xf32>
      %max3A_278 = arith.maximumf %add3A_275, %max3A_277 : vector<128x128xf32>
      %add3A_279 = arith.addf %add3A_272, %max3A_278 : vector<128x128xf32>
      %slice3A_280 = vector.extract_strided_slice %concatenate3A_237 {offsets = [6, 0], sizes = [1, 128], strides = [1, 1]} : vector<8x128xf32> to vector<1x128xf32>
      %add3A_281 = vector.broadcast %slice3A_280 : vector<1x128xf32> to vector<128x128xf32>
      %add3A_282 = arith.addf %slice3A, %add3A_281 : vector<128x128xf32>
      %max3A_283 = arith.constant 0.000000e+00 : f32
      %max3A_284 = vector.broadcast %max3A_283 : f32 to vector<128x128xf32>
      %max3A_285 = arith.maximumf %add3A_282, %max3A_284 : vector<128x128xf32>
      %add3A_286 = arith.addf %add3A_279, %max3A_285 : vector<128x128xf32>
      %slice3A_287 = vector.extract_strided_slice %concatenate3A_237 {offsets = [7, 0], sizes = [1, 128], strides = [1, 1]} : vector<8x128xf32> to vector<1x128xf32>
      %add3A_288 = vector.broadcast %slice3A_287 : vector<1x128xf32> to vector<128x128xf32>
      %add3A_289 = arith.addf %slice3A, %add3A_288 : vector<128x128xf32>
      %max3A_290 = arith.constant 0.000000e+00 : f32
      %max3A_291 = vector.broadcast %max3A_290 : f32 to vector<128x128xf32>
      %max3A_292 = arith.maximumf %add3A_289, %max3A_291 : vector<128x128xf32>
      %add3A_293 = arith.addf %add3A_286, %max3A_292 : vector<128x128xf32>
      scf.yield %add3A_293 : vector<128x128xf32>
    }
    %scan3A_14 = arith.constant 64 : i32
    %slice3A_15 = vector.extract_strided_slice %concatenate3A {offsets = [128, 0], sizes = [128, 128], strides = [1, 1]} : vector<512x128xf32> to vector<128x128xf32>
    %broadcast_in_dim3A_16 = arith.constant 0.000000e+00 : f32
    %broadcast_in_dim3A_17 = vector.broadcast %broadcast_in_dim3A_16 : f32 to vector<128x128xf32>
    %scan3A_18 = arith.constant 0 : i32
    %scan3A_19 = arith.constant 64 : i32
    %scan3A_20 = arith.addi %scan3A_18, %scan3A_19 : i32
    %scan3A_21 = arith.constant 1 : i32
    %scan3A_22 = scf.for %scan3A_221 = %scan3A_18 to %scan3A_20 step %scan3A_21 iter_args(%scan3A_222 = %broadcast_in_dim3A_17) -> (vector<128x128xf32>)  : i32 {
      %mul3A_223 = arith.constant 8 : i32
      %mul3A_224 = arith.muli %scan3A_221, %mul3A_223 : i32
      %get3A_225 = arith.constant 0 : index
      %get3A_226 = arith.index_cast %mul3A_224 : i32 to index
      %get3A_227 = arith.constant 0 : index
      %get3A_228 = vector.load %arg1[%get3A_225, %get3A_226, %get3A_227] : memref<2x512x64xf32, #tpu.memory_space<vmem>>, vector<1x8x64xf32>
      %get3A_229 = vector.shape_cast %get3A_228 : vector<1x8x64xf32> to vector<8x64xf32>
      %mul3A_230 = arith.constant 8 : i32
      %mul3A_231 = arith.muli %scan3A_221, %mul3A_230 : i32
      %get3A_232 = arith.constant 1 : index
      %get3A_233 = arith.index_cast %mul3A_231 : i32 to index
      %get3A_234 = arith.constant 0 : index
      %get3A_235 = vector.load %arg1[%get3A_232, %get3A_233, %get3A_234] : memref<2x512x64xf32, #tpu.memory_space<vmem>>, vector<1x8x64xf32>
      %get3A_236 = vector.shape_cast %get3A_235 : vector<1x8x64xf32> to vector<8x64xf32>
      %concatenate3A_237 = tpu.concatenate %get3A_229, %get3A_236 in 1 : vector<8x64xf32>, vector<8x64xf32> -> vector<8x128xf32>
      %slice3A_238 = vector.extract_strided_slice %concatenate3A_237 {offsets = [0, 0], sizes = [1, 128], strides = [1, 1]} : vector<8x128xf32> to vector<1x128xf32>
      %add3A_239 = vector.broadcast %slice3A_238 : vector<1x128xf32> to vector<128x128xf32>
      %add3A_240 = arith.addf %slice3A_15, %add3A_239 : vector<128x128xf32>
      %max3A_241 = arith.constant 0.000000e+00 : f32
      %max3A_242 = vector.broadcast %max3A_241 : f32 to vector<128x128xf32>
      %max3A_243 = arith.maximumf %add3A_240, %max3A_242 : vector<128x128xf32>
      %add3A_244 = arith.addf %scan3A_222, %max3A_243 : vector<128x128xf32>
      %slice3A_245 = vector.extract_strided_slice %concatenate3A_237 {offsets = [1, 0], sizes = [1, 128], strides = [1, 1]} : vector<8x128xf32> to vector<1x128xf32>
      %add3A_246 = vector.broadcast %slice3A_245 : vector<1x128xf32> to vector<128x128xf32>
      %add3A_247 = arith.addf %slice3A_15, %add3A_246 : vector<128x128xf32>
      %max3A_248 = arith.constant 0.000000e+00 : f32
      %max3A_249 = vector.broadcast %max3A_248 : f32 to vector<128x128xf32>
      %max3A_250 = arith.maximumf %add3A_247, %max3A_249 : vector<128x128xf32>
      %add3A_251 = arith.addf %add3A_244, %max3A_250 : vector<128x128xf32>
      %slice3A_252 = vector.extract_strided_slice %concatenate3A_237 {offsets = [2, 0], sizes = [1, 128], strides = [1, 1]} : vector<8x128xf32> to vector<1x128xf32>
      %add3A_253 = vector.broadcast %slice3A_252 : vector<1x128xf32> to vector<128x128xf32>
      %add3A_254 = arith.addf %slice3A_15, %add3A_253 : vector<128x128xf32>
      %max3A_255 = arith.constant 0.000000e+00 : f32
      %max3A_256 = vector.broadcast %max3A_255 : f32 to vector<128x128xf32>
      %max3A_257 = arith.maximumf %add3A_254, %max3A_256 : vector<128x128xf32>
      %add3A_258 = arith.addf %add3A_251, %max3A_257 : vector<128x128xf32>
      %slice3A_259 = vector.extract_strided_slice %concatenate3A_237 {offsets = [3, 0], sizes = [1, 128], strides = [1, 1]} : vector<8x128xf32> to vector<1x128xf32>
      %add3A_260 = vector.broadcast %slice3A_259 : vector<1x128xf32> to vector<128x128xf32>
      %add3A_261 = arith.addf %slice3A_15, %add3A_260 : vector<128x128xf32>
      %max3A_262 = arith.constant 0.000000e+00 : f32
      %max3A_263 = vector.broadcast %max3A_262 : f32 to vector<128x128xf32>
      %max3A_264 = arith.maximumf %add3A_261, %max3A_263 : vector<128x128xf32>
      %add3A_265 = arith.addf %add3A_258, %max3A_264 : vector<128x128xf32>
      %slice3A_266 = vector.extract_strided_slice %concatenate3A_237 {offsets = [4, 0], sizes = [1, 128], strides = [1, 1]} : vector<8x128xf32> to vector<1x128xf32>
      %add3A_267 = vector.broadcast %slice3A_266 : vector<1x128xf32> to vector<128x128xf32>
      %add3A_268 = arith.addf %slice3A_15, %add3A_267 : vector<128x128xf32>
      %max3A_269 = arith.constant 0.000000e+00 : f32
      %max3A_270 = vector.broadcast %max3A_269 : f32 to vector<128x128xf32>
      %max3A_271 = arith.maximumf %add3A_268, %max3A_270 : vector<128x128xf32>
      %add3A_272 = arith.addf %add3A_265, %max3A_271 : vector<128x128xf32>
      %slice3A_273 = vector.extract_strided_slice %concatenate3A_237 {offsets = [5, 0], sizes = [1, 128], strides = [1, 1]} : vector<8x128xf32> to vector<1x128xf32>
      %add3A_274 = vector.broadcast %slice3A_273 : vector<1x128xf32> to vector<128x128xf32>
      %add3A_275 = arith.addf %slice3A_15, %add3A_274 : vector<128x128xf32>
      %max3A_276 = arith.constant 0.000000e+00 : f32
      %max3A_277 = vector.broadcast %max3A_276 : f32 to vector<128x128xf32>
      %max3A_278 = arith.maximumf %add3A_275, %max3A_277 : vector<128x128xf32>
      %add3A_279 = arith.addf %add3A_272, %max3A_278 : vector<128x128xf32>
      %slice3A_280 = vector.extract_strided_slice %concatenate3A_237 {offsets = [6, 0], sizes = [1, 128], strides = [1, 1]} : vector<8x128xf32> to vector<1x128xf32>
      %add3A_281 = vector.broadcast %slice3A_280 : vector<1x128xf32> to vector<128x128xf32>
      %add3A_282 = arith.addf %slice3A_15, %add3A_281 : vector<128x128xf32>
      %max3A_283 = arith.constant 0.000000e+00 : f32
      %max3A_284 = vector.broadcast %max3A_283 : f32 to vector<128x128xf32>
      %max3A_285 = arith.maximumf %add3A_282, %max3A_284 : vector<128x128xf32>
      %add3A_286 = arith.addf %add3A_279, %max3A_285 : vector<128x128xf32>
      %slice3A_287 = vector.extract_strided_slice %concatenate3A_237 {offsets = [7, 0], sizes = [1, 128], strides = [1, 1]} : vector<8x128xf32> to vector<1x128xf32>
      %add3A_288 = vector.broadcast %slice3A_287 : vector<1x128xf32> to vector<128x128xf32>
      %add3A_289 = arith.addf %slice3A_15, %add3A_288 : vector<128x128xf32>
      %max3A_290 = arith.constant 0.000000e+00 : f32
      %max3A_291 = vector.broadcast %max3A_290 : f32 to vector<128x128xf32>
      %max3A_292 = arith.maximumf %add3A_289, %max3A_291 : vector<128x128xf32>
      %add3A_293 = arith.addf %add3A_286, %max3A_292 : vector<128x128xf32>
      scf.yield %add3A_293 : vector<128x128xf32>
    }
    %scan3A_23 = arith.constant 64 : i32
    %slice3A_24 = vector.extract_strided_slice %concatenate3A {offsets = [256, 0], sizes = [128, 128], strides = [1, 1]} : vector<512x128xf32> to vector<128x128xf32>
    %broadcast_in_dim3A_25 = arith.constant 0.000000e+00 : f32
    %broadcast_in_dim3A_26 = vector.broadcast %broadcast_in_dim3A_25 : f32 to vector<128x128xf32>
    %scan3A_27 = arith.constant 0 : i32
    %scan3A_28 = arith.constant 64 : i32
    %scan3A_29 = arith.addi %scan3A_27, %scan3A_28 : i32
    %scan3A_30 = arith.constant 1 : i32
    %scan3A_31 = scf.for %scan3A_221 = %scan3A_27 to %scan3A_29 step %scan3A_30 iter_args(%scan3A_222 = %broadcast_in_dim3A_26) -> (vector<128x128xf32>)  : i32 {
      %mul3A_223 = arith.constant 8 : i32
      %mul3A_224 = arith.muli %scan3A_221, %mul3A_223 : i32
      %get3A_225 = arith.constant 0 : index
      %get3A_226 = arith.index_cast %mul3A_224 : i32 to index
      %get3A_227 = arith.constant 0 : index
      %get3A_228 = vector.load %arg1[%get3A_225, %get3A_226, %get3A_227] : memref<2x512x64xf32, #tpu.memory_space<vmem>>, vector<1x8x64xf32>
      %get3A_229 = vector.shape_cast %get3A_228 : vector<1x8x64xf32> to vector<8x64xf32>
      %mul3A_230 = arith.constant 8 : i32
      %mul3A_231 = arith.muli %scan3A_221, %mul3A_230 : i32
      %get3A_232 = arith.constant 1 : index
      %get3A_233 = arith.index_cast %mul3A_231 : i32 to index
      %get3A_234 = arith.constant 0 : index
      %get3A_235 = vector.load %arg1[%get3A_232, %get3A_233, %get3A_234] : memref<2x512x64xf32, #tpu.memory_space<vmem>>, vector<1x8x64xf32>
      %get3A_236 = vector.shape_cast %get3A_235 : vector<1x8x64xf32> to vector<8x64xf32>
      %concatenate3A_237 = tpu.concatenate %get3A_229, %get3A_236 in 1 : vector<8x64xf32>, vector<8x64xf32> -> vector<8x128xf32>
      %slice3A_238 = vector.extract_strided_slice %concatenate3A_237 {offsets = [0, 0], sizes = [1, 128], strides = [1, 1]} : vector<8x128xf32> to vector<1x128xf32>
      %add3A_239 = vector.broadcast %slice3A_238 : vector<1x128xf32> to vector<128x128xf32>
      %add3A_240 = arith.addf %slice3A_24, %add3A_239 : vector<128x128xf32>
      %max3A_241 = arith.constant 0.000000e+00 : f32
      %max3A_242 = vector.broadcast %max3A_241 : f32 to vector<128x128xf32>
      %max3A_243 = arith.maximumf %add3A_240, %max3A_242 : vector<128x128xf32>
      %add3A_244 = arith.addf %scan3A_222, %max3A_243 : vector<128x128xf32>
      %slice3A_245 = vector.extract_strided_slice %concatenate3A_237 {offsets = [1, 0], sizes = [1, 128], strides = [1, 1]} : vector<8x128xf32> to vector<1x128xf32>
      %add3A_246 = vector.broadcast %slice3A_245 : vector<1x128xf32> to vector<128x128xf32>
      %add3A_247 = arith.addf %slice3A_24, %add3A_246 : vector<128x128xf32>
      %max3A_248 = arith.constant 0.000000e+00 : f32
      %max3A_249 = vector.broadcast %max3A_248 : f32 to vector<128x128xf32>
      %max3A_250 = arith.maximumf %add3A_247, %max3A_249 : vector<128x128xf32>
      %add3A_251 = arith.addf %add3A_244, %max3A_250 : vector<128x128xf32>
      %slice3A_252 = vector.extract_strided_slice %concatenate3A_237 {offsets = [2, 0], sizes = [1, 128], strides = [1, 1]} : vector<8x128xf32> to vector<1x128xf32>
      %add3A_253 = vector.broadcast %slice3A_252 : vector<1x128xf32> to vector<128x128xf32>
      %add3A_254 = arith.addf %slice3A_24, %add3A_253 : vector<128x128xf32>
      %max3A_255 = arith.constant 0.000000e+00 : f32
      %max3A_256 = vector.broadcast %max3A_255 : f32 to vector<128x128xf32>
      %max3A_257 = arith.maximumf %add3A_254, %max3A_256 : vector<128x128xf32>
      %add3A_258 = arith.addf %add3A_251, %max3A_257 : vector<128x128xf32>
      %slice3A_259 = vector.extract_strided_slice %concatenate3A_237 {offsets = [3, 0], sizes = [1, 128], strides = [1, 1]} : vector<8x128xf32> to vector<1x128xf32>
      %add3A_260 = vector.broadcast %slice3A_259 : vector<1x128xf32> to vector<128x128xf32>
      %add3A_261 = arith.addf %slice3A_24, %add3A_260 : vector<128x128xf32>
      %max3A_262 = arith.constant 0.000000e+00 : f32
      %max3A_263 = vector.broadcast %max3A_262 : f32 to vector<128x128xf32>
      %max3A_264 = arith.maximumf %add3A_261, %max3A_263 : vector<128x128xf32>
      %add3A_265 = arith.addf %add3A_258, %max3A_264 : vector<128x128xf32>
      %slice3A_266 = vector.extract_strided_slice %concatenate3A_237 {offsets = [4, 0], sizes = [1, 128], strides = [1, 1]} : vector<8x128xf32> to vector<1x128xf32>
      %add3A_267 = vector.broadcast %slice3A_266 : vector<1x128xf32> to vector<128x128xf32>
      %add3A_268 = arith.addf %slice3A_24, %add3A_267 : vector<128x128xf32>
      %max3A_269 = arith.constant 0.000000e+00 : f32
      %max3A_270 = vector.broadcast %max3A_269 : f32 to vector<128x128xf32>
      %max3A_271 = arith.maximumf %add3A_268, %max3A_270 : vector<128x128xf32>
      %add3A_272 = arith.addf %add3A_265, %max3A_271 : vector<128x128xf32>
      %slice3A_273 = vector.extract_strided_slice %concatenate3A_237 {offsets = [5, 0], sizes = [1, 128], strides = [1, 1]} : vector<8x128xf32> to vector<1x128xf32>
      %add3A_274 = vector.broadcast %slice3A_273 : vector<1x128xf32> to vector<128x128xf32>
      %add3A_275 = arith.addf %slice3A_24, %add3A_274 : vector<128x128xf32>
      %max3A_276 = arith.constant 0.000000e+00 : f32
      %max3A_277 = vector.broadcast %max3A_276 : f32 to vector<128x128xf32>
      %max3A_278 = arith.maximumf %add3A_275, %max3A_277 : vector<128x128xf32>
      %add3A_279 = arith.addf %add3A_272, %max3A_278 : vector<128x128xf32>
      %slice3A_280 = vector.extract_strided_slice %concatenate3A_237 {offsets = [6, 0], sizes = [1, 128], strides = [1, 1]} : vector<8x128xf32> to vector<1x128xf32>
      %add3A_281 = vector.broadcast %slice3A_280 : vector<1x128xf32> to vector<128x128xf32>
      %add3A_282 = arith.addf %slice3A_24, %add3A_281 : vector<128x128xf32>
      %max3A_283 = arith.constant 0.000000e+00 : f32
      %max3A_284 = vector.broadcast %max3A_283 : f32 to vector<128x128xf32>
      %max3A_285 = arith.maximumf %add3A_282, %max3A_284 : vector<128x128xf32>
      %add3A_286 = arith.addf %add3A_279, %max3A_285 : vector<128x128xf32>
      %slice3A_287 = vector.extract_strided_slice %concatenate3A_237 {offsets = [7, 0], sizes = [1, 128], strides = [1, 1]} : vector<8x128xf32> to vector<1x128xf32>
      %add3A_288 = vector.broadcast %slice3A_287 : vector<1x128xf32> to vector<128x128xf32>
      %add3A_289 = arith.addf %slice3A_24, %add3A_288 : vector<128x128xf32>
      %max3A_290 = arith.constant 0.000000e+00 : f32
      %max3A_291 = vector.broadcast %max3A_290 : f32 to vector<128x128xf32>
      %max3A_292 = arith.maximumf %add3A_289, %max3A_291 : vector<128x128xf32>
      %add3A_293 = arith.addf %add3A_286, %max3A_292 : vector<128x128xf32>
      scf.yield %add3A_293 : vector<128x128xf32>
    }
    %scan3A_32 = arith.constant 64 : i32
    %slice3A_33 = vector.extract_strided_slice %concatenate3A {offsets = [384, 0], sizes = [128, 128], strides = [1, 1]} : vector<512x128xf32> to vector<128x128xf32>
    %broadcast_in_dim3A_34 = arith.constant 0.000000e+00 : f32
    %broadcast_in_dim3A_35 = vector.broadcast %broadcast_in_dim3A_34 : f32 to vector<128x128xf32>
    %scan3A_36 = arith.constant 0 : i32
    %scan3A_37 = arith.constant 64 : i32
    %scan3A_38 = arith.addi %scan3A_36, %scan3A_37 : i32
    %scan3A_39 = arith.constant 1 : i32
    %scan3A_40 = scf.for %scan3A_221 = %scan3A_36 to %scan3A_38 step %scan3A_39 iter_args(%scan3A_222 = %broadcast_in_dim3A_35) -> (vector<128x128xf32>)  : i32 {
      %mul3A_223 = arith.constant 8 : i32
      %mul3A_224 = arith.muli %scan3A_221, %mul3A_223 : i32
      %get3A_225 = arith.constant 0 : index
      %get3A_226 = arith.index_cast %mul3A_224 : i32 to index
      %get3A_227 = arith.constant 0 : index
      %get3A_228 = vector.load %arg1[%get3A_225, %get3A_226, %get3A_227] : memref<2x512x64xf32, #tpu.memory_space<vmem>>, vector<1x8x64xf32>
      %get3A_229 = vector.shape_cast %get3A_228 : vector<1x8x64xf32> to vector<8x64xf32>
      %mul3A_230 = arith.constant 8 : i32
      %mul3A_231 = arith.muli %scan3A_221, %mul3A_230 : i32
      %get3A_232 = arith.constant 1 : index
      %get3A_233 = arith.index_cast %mul3A_231 : i32 to index
      %get3A_234 = arith.constant 0 : index
      %get3A_235 = vector.load %arg1[%get3A_232, %get3A_233, %get3A_234] : memref<2x512x64xf32, #tpu.memory_space<vmem>>, vector<1x8x64xf32>
      %get3A_236 = vector.shape_cast %get3A_235 : vector<1x8x64xf32> to vector<8x64xf32>
      %concatenate3A_237 = tpu.concatenate %get3A_229, %get3A_236 in 1 : vector<8x64xf32>, vector<8x64xf32> -> vector<8x128xf32>
      %slice3A_238 = vector.extract_strided_slice %concatenate3A_237 {offsets = [0, 0], sizes = [1, 128], strides = [1, 1]} : vector<8x128xf32> to vector<1x128xf32>
      %add3A_239 = vector.broadcast %slice3A_238 : vector<1x128xf32> to vector<128x128xf32>
      %add3A_240 = arith.addf %slice3A_33, %add3A_239 : vector<128x128xf32>
      %max3A_241 = arith.constant 0.000000e+00 : f32
      %max3A_242 = vector.broadcast %max3A_241 : f32 to vector<128x128xf32>
      %max3A_243 = arith.maximumf %add3A_240, %max3A_242 : vector<128x128xf32>
      %add3A_244 = arith.addf %scan3A_222, %max3A_243 : vector<128x128xf32>
      %slice3A_245 = vector.extract_strided_slice %concatenate3A_237 {offsets = [1, 0], sizes = [1, 128], strides = [1, 1]} : vector<8x128xf32> to vector<1x128xf32>
      %add3A_246 = vector.broadcast %slice3A_245 : vector<1x128xf32> to vector<128x128xf32>
      %add3A_247 = arith.addf %slice3A_33, %add3A_246 : vector<128x128xf32>
      %max3A_248 = arith.constant 0.000000e+00 : f32
      %max3A_249 = vector.broadcast %max3A_248 : f32 to vector<128x128xf32>
      %max3A_250 = arith.maximumf %add3A_247, %max3A_249 : vector<128x128xf32>
      %add3A_251 = arith.addf %add3A_244, %max3A_250 : vector<128x128xf32>
      %slice3A_252 = vector.extract_strided_slice %concatenate3A_237 {offsets = [2, 0], sizes = [1, 128], strides = [1, 1]} : vector<8x128xf32> to vector<1x128xf32>
      %add3A_253 = vector.broadcast %slice3A_252 : vector<1x128xf32> to vector<128x128xf32>
      %add3A_254 = arith.addf %slice3A_33, %add3A_253 : vector<128x128xf32>
      %max3A_255 = arith.constant 0.000000e+00 : f32
      %max3A_256 = vector.broadcast %max3A_255 : f32 to vector<128x128xf32>
      %max3A_257 = arith.maximumf %add3A_254, %max3A_256 : vector<128x128xf32>
      %add3A_258 = arith.addf %add3A_251, %max3A_257 : vector<128x128xf32>
      %slice3A_259 = vector.extract_strided_slice %concatenate3A_237 {offsets = [3, 0], sizes = [1, 128], strides = [1, 1]} : vector<8x128xf32> to vector<1x128xf32>
      %add3A_260 = vector.broadcast %slice3A_259 : vector<1x128xf32> to vector<128x128xf32>
      %add3A_261 = arith.addf %slice3A_33, %add3A_260 : vector<128x128xf32>
      %max3A_262 = arith.constant 0.000000e+00 : f32
      %max3A_263 = vector.broadcast %max3A_262 : f32 to vector<128x128xf32>
      %max3A_264 = arith.maximumf %add3A_261, %max3A_263 : vector<128x128xf32>
      %add3A_265 = arith.addf %add3A_258, %max3A_264 : vector<128x128xf32>
      %slice3A_266 = vector.extract_strided_slice %concatenate3A_237 {offsets = [4, 0], sizes = [1, 128], strides = [1, 1]} : vector<8x128xf32> to vector<1x128xf32>
      %add3A_267 = vector.broadcast %slice3A_266 : vector<1x128xf32> to vector<128x128xf32>
      %add3A_268 = arith.addf %slice3A_33, %add3A_267 : vector<128x128xf32>
      %max3A_269 = arith.constant 0.000000e+00 : f32
      %max3A_270 = vector.broadcast %max3A_269 : f32 to vector<128x128xf32>
      %max3A_271 = arith.maximumf %add3A_268, %max3A_270 : vector<128x128xf32>
      %add3A_272 = arith.addf %add3A_265, %max3A_271 : vector<128x128xf32>
      %slice3A_273 = vector.extract_strided_slice %concatenate3A_237 {offsets = [5, 0], sizes = [1, 128], strides = [1, 1]} : vector<8x128xf32> to vector<1x128xf32>
      %add3A_274 = vector.broadcast %slice3A_273 : vector<1x128xf32> to vector<128x128xf32>
      %add3A_275 = arith.addf %slice3A_33, %add3A_274 : vector<128x128xf32>
      %max3A_276 = arith.constant 0.000000e+00 : f32
      %max3A_277 = vector.broadcast %max3A_276 : f32 to vector<128x128xf32>
      %max3A_278 = arith.maximumf %add3A_275, %max3A_277 : vector<128x128xf32>
      %add3A_279 = arith.addf %add3A_272, %max3A_278 : vector<128x128xf32>
      %slice3A_280 = vector.extract_strided_slice %concatenate3A_237 {offsets = [6, 0], sizes = [1, 128], strides = [1, 1]} : vector<8x128xf32> to vector<1x128xf32>
      %add3A_281 = vector.broadcast %slice3A_280 : vector<1x128xf32> to vector<128x128xf32>
      %add3A_282 = arith.addf %slice3A_33, %add3A_281 : vector<128x128xf32>
      %max3A_283 = arith.constant 0.000000e+00 : f32
      %max3A_284 = vector.broadcast %max3A_283 : f32 to vector<128x128xf32>
      %max3A_285 = arith.maximumf %add3A_282, %max3A_284 : vector<128x128xf32>
      %add3A_286 = arith.addf %add3A_279, %max3A_285 : vector<128x128xf32>
      %slice3A_287 = vector.extract_strided_slice %concatenate3A_237 {offsets = [7, 0], sizes = [1, 128], strides = [1, 1]} : vector<8x128xf32> to vector<1x128xf32>
      %add3A_288 = vector.broadcast %slice3A_287 : vector<1x128xf32> to vector<128x128xf32>
      %add3A_289 = arith.addf %slice3A_33, %add3A_288 : vector<128x128xf32>
      %max3A_290 = arith.constant 0.000000e+00 : f32
      %max3A_291 = vector.broadcast %max3A_290 : f32 to vector<128x128xf32>
      %max3A_292 = arith.maximumf %add3A_289, %max3A_291 : vector<128x128xf32>
      %add3A_293 = arith.addf %add3A_286, %max3A_292 : vector<128x128xf32>
      scf.yield %add3A_293 : vector<128x128xf32>
    }
    %scan3A_41 = arith.constant 64 : i32
    %concatenate3A_42 = tpu.concatenate %scan3A_13, %scan3A_22, %scan3A_31, %scan3A_40 in 0 : vector<128x128xf32>, vector<128x128xf32>, vector<128x128xf32>, vector<128x128xf32> -> vector<512x128xf32>
    %slice3A_43 = vector.extract_strided_slice %concatenate3A_42 {offsets = [0, 0], sizes = [512, 64], strides = [1, 1]} : vector<512x128xf32> to vector<512x64xf32>
    %get3A_44 = arith.constant 0 : index
    %get3A_45 = arith.constant 0 : index
    %get3A_46 = arith.constant 0 : index
    %get3A_47 = vector.load %arg2[%get3A_44, %get3A_45, %get3A_46] : memref<2x512x64xf32, #tpu.memory_space<vmem>>, vector<1x512x64xf32>
    %get3A_48 = vector.shape_cast %get3A_47 : vector<1x512x64xf32> to vector<512x64xf32>
    %add3A = arith.addf %slice3A_43, %get3A_48 : vector<512x64xf32>
    %get3A_49 = arith.constant 0 : index
    %get3A_50 = arith.constant 0 : index
    %get3A_51 = arith.constant 0 : index
    %get3A_52 = vector.load %arg3[%get3A_49, %get3A_50, %get3A_51] : memref<2x512x256xf32, #tpu.memory_space<vmem>>, vector<1x512x256xf32>
    %get3A_53 = vector.shape_cast %get3A_52 : vector<1x512x256xf32> to vector<512x256xf32>
    %get3A_54 = arith.constant 0 : index
    %get3A_55 = arith.constant 0 : index
    %get3A_56 = arith.constant 0 : index
    %get3A_57 = vector.load %arg4[%get3A_54, %get3A_55, %get3A_56] : memref<2x64x256xf32, #tpu.memory_space<vmem>>, vector<1x64x256xf32>
    %get3A_58 = vector.shape_cast %get3A_57 : vector<1x64x256xf32> to vector<64x256xf32>
    %dot_general3A = arith.constant dense<0.000000e+00> : vector<512x256xf32>
    %dot_general3A_59 = tpu.matmul %add3A, %get3A_58, %dot_general3A {dimension_numbers = #tpu.dot_dimension_numbers<[1], [0], [0], [1], [0, 0, 1, 1], [], []>, transpose_lhs_hint = false} : vector<512x64xf32>, vector<64x256xf32>, vector<512x256xf32> -> vector<512x256xf32>
    %add3A_60 = arith.addf %get3A_53, %dot_general3A_59 : vector<512x256xf32>
    %max3A = arith.constant 0.000000e+00 : f32
    %max3A_61 = vector.broadcast %max3A : f32 to vector<512x256xf32>
    %max3A_62 = arith.maximumf %add3A_60, %max3A_61 : vector<512x256xf32>
    %get3A_63 = arith.constant 0 : index
    %get3A_64 = arith.constant 0 : index
    %get3A_65 = arith.constant 0 : index
    %get3A_66 = vector.load %arg5[%get3A_63, %get3A_64, %get3A_65] : memref<2x1x256xf32, #tpu.memory_space<vmem>>, vector<1x1x256xf32>
    %get3A_67 = vector.shape_cast %get3A_66 : vector<1x1x256xf32> to vector<1x256xf32>
    %mul3A = vector.broadcast %get3A_67 : vector<1x256xf32> to vector<512x256xf32>
    %mul3A_68 = arith.mulf %max3A_62, %mul3A : vector<512x256xf32>
    %reduce_sum3A = arith.constant dense<0.000000e+00> : vector<512xf32>
    %reduce_sum3A_69 = vector.multi_reduction <add>, %mul3A_68, %reduce_sum3A [1] : vector<512x256xf32> to vector<512xf32>
    %broadcast_in_dim3A_70 = vector.shape_cast %reduce_sum3A_69 : vector<512xf32> to vector<512x1xf32>
    %logistic3A = arith.negf %broadcast_in_dim3A_70 : vector<512x1xf32>
    %logistic3A_71 = math.exp %logistic3A : vector<512x1xf32>
    %logistic3A_72 = arith.constant 1.000000e+00 : f32
    %logistic3A_73 = vector.broadcast %logistic3A_72 : f32 to vector<512x1xf32>
    %logistic3A_74 = arith.addf %logistic3A_73, %logistic3A_71 : vector<512x1xf32>
    %logistic3A_75 = arith.divf %logistic3A_73, %logistic3A_74 : vector<512x1xf32>
    %mul3A_76 = vector.broadcast %logistic3A_75 : vector<512x1xf32> to vector<512x256xf32>
    %mul3A_77 = arith.mulf %mul3A_76, %max3A_62 : vector<512x256xf32>
    %reduce_sum3A_78 = arith.constant dense<0.000000e+00> : vector<256xf32>
    %reduce_sum3A_79 = vector.multi_reduction <add>, %mul3A_77, %reduce_sum3A_78 [0] : vector<512x256xf32> to vector<256xf32>
    %broadcast_in_dim3A_80 = vector.shape_cast %reduce_sum3A_79 : vector<256xf32> to vector<1x256xf32>
    %get3A_81 = arith.constant 0 : index
    %get3A_82 = arith.constant 0 : index
    %get3A_83 = arith.constant 0 : index
    %get3A_84 = vector.load %arg6[%get3A_81, %get3A_82, %get3A_83] : memref<2x256x512xf32, #tpu.memory_space<vmem>>, vector<1x256x512xf32>
    %get3A_85 = vector.shape_cast %get3A_84 : vector<1x256x512xf32> to vector<256x512xf32>
    %dot_general3A_86 = arith.constant dense<0.000000e+00> : vector<1x512xf32>
    %dot_general3A_87 = tpu.matmul %broadcast_in_dim3A_80, %get3A_85, %dot_general3A_86 {dimension_numbers = #tpu.dot_dimension_numbers<[1], [0], [0], [1], [0, 0, 1, 1], [], []>, transpose_lhs_hint = false} : vector<1x256xf32>, vector<256x512xf32>, vector<1x512xf32> -> vector<1x512xf32>
    %get3A_88 = arith.constant 0 : index
    %get3A_89 = arith.constant 0 : index
    %get3A_90 = arith.constant 0 : index
    %get3A_91 = vector.load %arg7[%get3A_88, %get3A_89, %get3A_90] : memref<2x1x64xf32, #tpu.memory_space<vmem>>, vector<1x1x64xf32>
    %get3A_92 = vector.shape_cast %get3A_91 : vector<1x1x64xf32> to vector<1x64xf32>
    %mul3A_93 = vector.broadcast %get3A_92 : vector<1x64xf32> to vector<512x64xf32>
    %mul3A_94 = arith.mulf %add3A, %mul3A_93 : vector<512x64xf32>
    %reduce_sum3A_95 = arith.constant dense<0.000000e+00> : vector<512xf32>
    %reduce_sum3A_96 = vector.multi_reduction <add>, %mul3A_94, %reduce_sum3A_95 [1] : vector<512x64xf32> to vector<512xf32>
    %broadcast_in_dim3A_97 = vector.shape_cast %reduce_sum3A_96 : vector<512xf32> to vector<512x1xf32>
    %logistic3A_98 = arith.negf %broadcast_in_dim3A_97 : vector<512x1xf32>
    %logistic3A_99 = math.exp %logistic3A_98 : vector<512x1xf32>
    %logistic3A_100 = arith.constant 1.000000e+00 : f32
    %logistic3A_101 = vector.broadcast %logistic3A_100 : f32 to vector<512x1xf32>
    %logistic3A_102 = arith.addf %logistic3A_101, %logistic3A_99 : vector<512x1xf32>
    %logistic3A_103 = arith.divf %logistic3A_101, %logistic3A_102 : vector<512x1xf32>
    %mul3A_104 = vector.broadcast %logistic3A_103 : vector<512x1xf32> to vector<512x64xf32>
    %mul3A_105 = arith.mulf %mul3A_104, %add3A : vector<512x64xf32>
    %reduce_sum3A_106 = arith.constant dense<0.000000e+00> : vector<64xf32>
    %reduce_sum3A_107 = vector.multi_reduction <add>, %mul3A_105, %reduce_sum3A_106 [0] : vector<512x64xf32> to vector<64xf32>
    %broadcast_in_dim3A_108 = vector.shape_cast %reduce_sum3A_107 : vector<64xf32> to vector<1x64xf32>
    %get3A_109 = arith.constant 0 : index
    %get3A_110 = arith.constant 0 : index
    %get3A_111 = arith.constant 0 : index
    %get3A_112 = vector.load %arg8[%get3A_109, %get3A_110, %get3A_111] : memref<2x64x512xf32, #tpu.memory_space<vmem>>, vector<1x64x512xf32>
    %get3A_113 = vector.shape_cast %get3A_112 : vector<1x64x512xf32> to vector<64x512xf32>
    %dot_general3A_114 = arith.constant dense<0.000000e+00> : vector<1x512xf32>
    %dot_general3A_115 = tpu.matmul %broadcast_in_dim3A_108, %get3A_113, %dot_general3A_114 {dimension_numbers = #tpu.dot_dimension_numbers<[1], [0], [0], [1], [0, 0, 1, 1], [], []>, transpose_lhs_hint = false} : vector<1x64xf32>, vector<64x512xf32>, vector<1x512xf32> -> vector<1x512xf32>
    %add3A_116 = arith.addf %dot_general3A_87, %dot_general3A_115 : vector<1x512xf32>
    %slice3A_117 = vector.extract_strided_slice %concatenate3A_42 {offsets = [0, 64], sizes = [512, 64], strides = [1, 1]} : vector<512x128xf32> to vector<512x64xf32>
    %get3A_118 = arith.constant 1 : index
    %get3A_119 = arith.constant 0 : index
    %get3A_120 = arith.constant 0 : index
    %get3A_121 = vector.load %arg2[%get3A_118, %get3A_119, %get3A_120] : memref<2x512x64xf32, #tpu.memory_space<vmem>>, vector<1x512x64xf32>
    %get3A_122 = vector.shape_cast %get3A_121 : vector<1x512x64xf32> to vector<512x64xf32>
    %add3A_123 = arith.addf %slice3A_117, %get3A_122 : vector<512x64xf32>
    %get3A_124 = arith.constant 1 : index
    %get3A_125 = arith.constant 0 : index
    %get3A_126 = arith.constant 0 : index
    %get3A_127 = vector.load %arg3[%get3A_124, %get3A_125, %get3A_126] : memref<2x512x256xf32, #tpu.memory_space<vmem>>, vector<1x512x256xf32>
    %get3A_128 = vector.shape_cast %get3A_127 : vector<1x512x256xf32> to vector<512x256xf32>
    %get3A_129 = arith.constant 1 : index
    %get3A_130 = arith.constant 0 : index
    %get3A_131 = arith.constant 0 : index
    %get3A_132 = vector.load %arg4[%get3A_129, %get3A_130, %get3A_131] : memref<2x64x256xf32, #tpu.memory_space<vmem>>, vector<1x64x256xf32>
    %get3A_133 = vector.shape_cast %get3A_132 : vector<1x64x256xf32> to vector<64x256xf32>
    %dot_general3A_134 = arith.constant dense<0.000000e+00> : vector<512x256xf32>
    %dot_general3A_135 = tpu.matmul %add3A_123, %get3A_133, %dot_general3A_134 {dimension_numbers = #tpu.dot_dimension_numbers<[1], [0], [0], [1], [0, 0, 1, 1], [], []>, transpose_lhs_hint = false} : vector<512x64xf32>, vector<64x256xf32>, vector<512x256xf32> -> vector<512x256xf32>
    %add3A_136 = arith.addf %get3A_128, %dot_general3A_135 : vector<512x256xf32>
    %max3A_137 = arith.constant 0.000000e+00 : f32
    %max3A_138 = vector.broadcast %max3A_137 : f32 to vector<512x256xf32>
    %max3A_139 = arith.maximumf %add3A_136, %max3A_138 : vector<512x256xf32>
    %get3A_140 = arith.constant 1 : index
    %get3A_141 = arith.constant 0 : index
    %get3A_142 = arith.constant 0 : index
    %get3A_143 = vector.load %arg5[%get3A_140, %get3A_141, %get3A_142] : memref<2x1x256xf32, #tpu.memory_space<vmem>>, vector<1x1x256xf32>
    %get3A_144 = vector.shape_cast %get3A_143 : vector<1x1x256xf32> to vector<1x256xf32>
    %mul3A_145 = vector.broadcast %get3A_144 : vector<1x256xf32> to vector<512x256xf32>
    %mul3A_146 = arith.mulf %max3A_139, %mul3A_145 : vector<512x256xf32>
    %reduce_sum3A_147 = arith.constant dense<0.000000e+00> : vector<512xf32>
    %reduce_sum3A_148 = vector.multi_reduction <add>, %mul3A_146, %reduce_sum3A_147 [1] : vector<512x256xf32> to vector<512xf32>
    %broadcast_in_dim3A_149 = vector.shape_cast %reduce_sum3A_148 : vector<512xf32> to vector<512x1xf32>
    %logistic3A_150 = arith.negf %broadcast_in_dim3A_149 : vector<512x1xf32>
    %logistic3A_151 = math.exp %logistic3A_150 : vector<512x1xf32>
    %logistic3A_152 = arith.constant 1.000000e+00 : f32
    %logistic3A_153 = vector.broadcast %logistic3A_152 : f32 to vector<512x1xf32>
    %logistic3A_154 = arith.addf %logistic3A_153, %logistic3A_151 : vector<512x1xf32>
    %logistic3A_155 = arith.divf %logistic3A_153, %logistic3A_154 : vector<512x1xf32>
    %mul3A_156 = vector.broadcast %logistic3A_155 : vector<512x1xf32> to vector<512x256xf32>
    %mul3A_157 = arith.mulf %mul3A_156, %max3A_139 : vector<512x256xf32>
    %reduce_sum3A_158 = arith.constant dense<0.000000e+00> : vector<256xf32>
    %reduce_sum3A_159 = vector.multi_reduction <add>, %mul3A_157, %reduce_sum3A_158 [0] : vector<512x256xf32> to vector<256xf32>
    %broadcast_in_dim3A_160 = vector.shape_cast %reduce_sum3A_159 : vector<256xf32> to vector<1x256xf32>
    %get3A_161 = arith.constant 1 : index
    %get3A_162 = arith.constant 0 : index
    %get3A_163 = arith.constant 0 : index
    %get3A_164 = vector.load %arg6[%get3A_161, %get3A_162, %get3A_163] : memref<2x256x512xf32, #tpu.memory_space<vmem>>, vector<1x256x512xf32>
    %get3A_165 = vector.shape_cast %get3A_164 : vector<1x256x512xf32> to vector<256x512xf32>
    %dot_general3A_166 = arith.constant dense<0.000000e+00> : vector<1x512xf32>
    %dot_general3A_167 = tpu.matmul %broadcast_in_dim3A_160, %get3A_165, %dot_general3A_166 {dimension_numbers = #tpu.dot_dimension_numbers<[1], [0], [0], [1], [0, 0, 1, 1], [], []>, transpose_lhs_hint = false} : vector<1x256xf32>, vector<256x512xf32>, vector<1x512xf32> -> vector<1x512xf32>
    %get3A_168 = arith.constant 1 : index
    %get3A_169 = arith.constant 0 : index
    %get3A_170 = arith.constant 0 : index
    %get3A_171 = vector.load %arg7[%get3A_168, %get3A_169, %get3A_170] : memref<2x1x64xf32, #tpu.memory_space<vmem>>, vector<1x1x64xf32>
    %get3A_172 = vector.shape_cast %get3A_171 : vector<1x1x64xf32> to vector<1x64xf32>
    %mul3A_173 = vector.broadcast %get3A_172 : vector<1x64xf32> to vector<512x64xf32>
    %mul3A_174 = arith.mulf %add3A_123, %mul3A_173 : vector<512x64xf32>
    %reduce_sum3A_175 = arith.constant dense<0.000000e+00> : vector<512xf32>
    %reduce_sum3A_176 = vector.multi_reduction <add>, %mul3A_174, %reduce_sum3A_175 [1] : vector<512x64xf32> to vector<512xf32>
    %broadcast_in_dim3A_177 = vector.shape_cast %reduce_sum3A_176 : vector<512xf32> to vector<512x1xf32>
    %logistic3A_178 = arith.negf %broadcast_in_dim3A_177 : vector<512x1xf32>
    %logistic3A_179 = math.exp %logistic3A_178 : vector<512x1xf32>
    %logistic3A_180 = arith.constant 1.000000e+00 : f32
    %logistic3A_181 = vector.broadcast %logistic3A_180 : f32 to vector<512x1xf32>
    %logistic3A_182 = arith.addf %logistic3A_181, %logistic3A_179 : vector<512x1xf32>
    %logistic3A_183 = arith.divf %logistic3A_181, %logistic3A_182 : vector<512x1xf32>
    %mul3A_184 = vector.broadcast %logistic3A_183 : vector<512x1xf32> to vector<512x64xf32>
    %mul3A_185 = arith.mulf %mul3A_184, %add3A_123 : vector<512x64xf32>
    %reduce_sum3A_186 = arith.constant dense<0.000000e+00> : vector<64xf32>
    %reduce_sum3A_187 = vector.multi_reduction <add>, %mul3A_185, %reduce_sum3A_186 [0] : vector<512x64xf32> to vector<64xf32>
    %broadcast_in_dim3A_188 = vector.shape_cast %reduce_sum3A_187 : vector<64xf32> to vector<1x64xf32>
    %get3A_189 = arith.constant 1 : index
    %get3A_190 = arith.constant 0 : index
    %get3A_191 = arith.constant 0 : index
    %get3A_192 = vector.load %arg8[%get3A_189, %get3A_190, %get3A_191] : memref<2x64x512xf32, #tpu.memory_space<vmem>>, vector<1x64x512xf32>
    %get3A_193 = vector.shape_cast %get3A_192 : vector<1x64x512xf32> to vector<64x512xf32>
    %dot_general3A_194 = arith.constant dense<0.000000e+00> : vector<1x512xf32>
    %dot_general3A_195 = tpu.matmul %broadcast_in_dim3A_188, %get3A_193, %dot_general3A_194 {dimension_numbers = #tpu.dot_dimension_numbers<[1], [0], [0], [1], [0, 0, 1, 1], [], []>, transpose_lhs_hint = false} : vector<1x64xf32>, vector<64x512xf32>, vector<1x512xf32> -> vector<1x512xf32>
    %add3A_196 = arith.addf %dot_general3A_167, %dot_general3A_195 : vector<1x512xf32>
    %concatenate3A_197 = tpu.concatenate %add3A_116, %add3A_196 in 1 : vector<1x512xf32>, vector<1x512xf32> -> vector<1x1024xf32>
    %get3A_198 = arith.constant 0 : index
    %get3A_199 = arith.constant 0 : index
    %get3A_200 = vector.load %arg9[%get3A_198, %get3A_199] : memref<1024x512xf32, #tpu.memory_space<vmem>>, vector<1024x512xf32>
    %dot_general3A_201 = arith.constant dense<0.000000e+00> : vector<1x512xf32>
    %dot_general3A_202 = tpu.matmul %concatenate3A_197, %get3A_200, %dot_general3A_201 {dimension_numbers = #tpu.dot_dimension_numbers<[1], [0], [0], [1], [0, 0, 1, 1], [], []>, transpose_lhs_hint = false} : vector<1x1024xf32>, vector<1024x512xf32>, vector<1x512xf32> -> vector<1x512xf32>
    %get3A_203 = arith.constant 0 : index
    %get3A_204 = arith.constant 0 : index
    %get3A_205 = vector.load %arg10[%get3A_203, %get3A_204] : memref<1x512xf32, #tpu.memory_space<vmem>>, vector<1x512xf32>
    %add3A_206 = arith.addf %dot_general3A_202, %get3A_205 : vector<1x512xf32>
    %max3A_207 = arith.constant 0.000000e+00 : f32
    %max3A_208 = vector.broadcast %max3A_207 : f32 to vector<1x512xf32>
    %max3A_209 = arith.maximumf %add3A_206, %max3A_208 : vector<1x512xf32>
    %get3A_210 = arith.constant 0 : index
    %get3A_211 = arith.constant 0 : index
    %get3A_212 = vector.load %arg11[%get3A_210, %get3A_211] : memref<512x1xf32, #tpu.memory_space<vmem>>, vector<512x1xf32>
    %dot_general3A_213 = arith.constant dense<0.000000e+00> : vector<1x1xf32>
    %dot_general3A_214 = tpu.matmul %max3A_209, %get3A_212, %dot_general3A_213 {dimension_numbers = #tpu.dot_dimension_numbers<[1], [0], [0], [1], [0, 0, 1, 1], [], []>, transpose_lhs_hint = false} : vector<1x512xf32>, vector<512x1xf32>, vector<1x1xf32> -> vector<1x1xf32>
    %get3A_215 = arith.constant 0 : index
    %get3A_216 = arith.constant 0 : index
    %get3A_217 = vector.load %arg12[%get3A_215, %get3A_216] : memref<1x1xf32, #tpu.memory_space<vmem>>, vector<1x1xf32>
    %add3A_218 = arith.addf %dot_general3A_214, %get3A_217 : vector<1x1xf32>
    %swap3A = arith.constant 0 : index
    %swap3A_219 = arith.constant 0 : index
    %swap3A_220 = vector.load %arg13[%swap3A, %swap3A_219] : memref<1x1xf32, #tpu.memory_space<vmem>>, vector<1x1xf32>
    tpu.vector_store %arg13[%swap3A, %swap3A_219], %add3A_218 {strides = array<i32>} : memref<1x1xf32, #tpu.memory_space<vmem>>, vector<1x1xf32>,
    return
  }
}

</mosaic_0001>

<sc_bundles>
// kernel: kernel.5.cloned.1.call-start
scs
__scs_entry_jumppad:
0x0: {  	(pc) =	sbr.rel $0x88, $3  }
0x1: {  	(tag) =	ssettag $0x0;
	lr =	simm.s32 $0x1  }
0x2: {  	[smem:$0x3F73] =	sst lr;
	_ =	strace $0xD0000000  }
0x3: {  	_ = 	snop  }
0x4: {  	_ = 	snop  }
0x5: {  	_ = 	snop  }
0x6: {  	_ = 	snop  }
0x7: {  	_ = 	snop  }
__scs_overlays_trampoline_lowered:
0x8: {  	[smem:$0x3F82] =	sst s0  }
0x9: {  	[smem:$0x3F83] =	sst s1  }
0xa: {  	[smem:$0x3F84] =	sst s2  }
0xb: {  	[smem:$0x3F85] =	sst s3  }
0xc: {  	[smem:$0x3F86] =	sst s4  }
0xd: {  	[smem:$0x3F87] =	sst s5  }
0xe: {  	[smem:$0x3F88] =	sst s6  }
0xf: {  	[smem:$0x3F89] =	sst s7  }
0x10: {  	[smem:$0x3F8A] =	sst s8  }
0x11: {  	[smem:$0x3F8B] =	sst s9;
	s0 =	simm.s32 @!p0 $0x0  }
0x12: {  	s1 =	sld [smem:$0x3F71];
	s0 =	simm.s32 @p0 $0x1  }
0x13: {  	[smem:$0x3F8C] =	sst s0;
	s0 =	simm.s32 @!p1 $0x0  }
0x14: {  	s2 =	sld [smem:$0x3F70];
	s0 =	simm.s32 @p1 $0x1  }
0x15: {  	[smem:$0x3F8D] =	sst s0;
	s0 =	simm.s32 @!p2 $0x0  }
0x16: {  	s3 =	sld [smem:$0x3FDB];
	s0 =	simm.s32 @p2 $0x1  }
0x17: {  	s4 =	simm.s32 $0x1BF5;
	[smem:$0x3F8F] =	sst s0  }
0x18: {  	s0 =	sld [smem:$0x3F72];
	_ =	swait.ge [sflag:s4], $0x0  }
0x19: {  	s7 =	sld [smem:$0x3F73]  }
0x1a: {  	s8 =	sadd.s32 $0xFFFFE003, lr  }
0x1b: {  	s9 =	sadd.s32 $0xFFFFFEF7, lr;
	s5 =	simm.s32 $0xFFFFFFFF;
	p2 =	slt.u32 s8, $0xFFFFF086  }
0x1c: {  	p1 =	slt.u32 s9, $0xF7A;
	s5 =	simm.s32 @!p2 $0x0  }
0x1d: {  	s5 =	simm.s32 @p1 $0x1;
	p0 =	seq.s32 s7, s2  }
0x1e: {  	s7 =	smul.u32 @!p0 $0xF7A, s2;
	p2 =	seq.s32 @!p0 s5, $0x0  }
0x1f: {  	s9 =	smul.u32 $0xF7A, s1;
	s8 =	simm.s32 @!p0 $0x1BF5;
	p2 =	por !p2, p0  }
0x20: {  	[sflag:s8] =	ssyncset.s32 @!p0 $0xFFFFF086;
	s6 =	sadd.s32 @!p0 s3, s7;
	s7 =	simm.s32 @!p0 $0x108  }
0x21: {  	s3 =	sadd.s32 s3, s9;
	s6 =	sadd.s32 @!p0 $0x88, s6;
	s7 =	simm.s32 @p2 $0x1082  }
0x22: {  	[simem:s7], [sflag:s8] =	dma.local @!p0 [hbm:s6], $0xF7A  }
0x23: {  	s9 =	sor.u32 $0xD0000000, s2;
	s6 =	simm.s32 $0x108;
	_ =	swait.ge @!p0 [sflag:s8], $0x0  }
0x24: {  	s3 =	sadd.s32 $0x88, s3;
	s6 =	simm.s32 @!p1 $0x1082;
	[sflag:s4] =	ssyncset.s32 $0xFFFFF086  }
0x25: {  	[simem:s6], [sflag:s4] =	dma.local [hbm:s3], $0xF7A  }
0x26: {  	[smem:$0x3F73] =	sst s1;
	(tag) =	ssettag s2;
	_ =	strace s9  }
0x27: {  	s1 =	sld [smem:$0x3F83]  }
0x28: {  	s2 =	sld [smem:$0x3F84]  }
0x29: {  	s4 =	sld [smem:$0x3F86]  }
0x2a: {  	p0 =	seq.s32 s5, $0x0;
	s5 =	sld [smem:$0x3F87]  }
0x2b: {  	s6 =	sld [smem:$0x3F88]  }
0x2c: {  	s7 =	sld [smem:$0x3F89]  }
0x2d: {  	s3 =	simm.s32 $0x108;
	s8 =	sld [smem:$0x3F8A]  }
0x2e: {  	s3 =	simm.s32 @!p0 $0x1082;
	s9 =	sld [smem:$0x3F8B]  }
0x2f: {  	lr =	sadd.s32 s0, s3;
	s0 =	sld [smem:$0x3F82]  }
0x30: {  	s3 =	sld [smem:$0x3F85]  }
0x31: {  	[smem:$0x3F8E] =	sst s10  }
0x32: {  	s10 =	sld [smem:$0x3F8C];
	_ =	sdelay $0x3  }
0x33: {  	p0 =	seq.s32 s10, $0x1;
	s10 =	sld [smem:$0x3F8E];
	_ =	sdelay $0x3  }
0x34: {  	[smem:$0x3F8E] =	sst s10  }
0x35: {  	s10 =	sld [smem:$0x3F8D];
	_ =	sdelay $0x3  }
0x36: {  	p1 =	seq.s32 s10, $0x1;
	s10 =	sld [smem:$0x3F8E];
	_ =	sdelay $0x3  }
0x37: {  	[smem:$0x3F8E] =	sst s10  }
0x38: {  	s10 =	sld [smem:$0x3F8F]  }
0x39: {  	_ = 	snop;
	(pc) =	sbr.ind lr, $3  }
0x3a: {  	_ = 	snop  }
0x3b: {  	_ = 	snop  }
0x3c: {  	p2 =	seq.s32 s10, $0x1;
	s10 =	sld [smem:$0x3F8E]  }
0x3d: {  	_ =	shalt  }
0x3e: {  	_ =	shalt  }
0x3f: {  	_ =	shalt  }
0x40: {  	_ =	shalt  }
0x41: {  	_ =	shalt  }
0x42: {  	_ =	shalt  }
0x43: {  	_ =	shalt  }
0x44: {  	_ =	shalt  }
0x45: {  	_ =	shalt  }
0x46: {  	_ =	shalt  }
0x47: {  	_ =	shalt  }
0x48: {  	_ =	shalt  }
0x49: {  	_ =	shalt  }
0x4a: {  	_ =	shalt  }
0x4b: {  	_ =	shalt  }
0x4c: {  	_ =	shalt  }
0x4d: {  	_ =	shalt  }
0x4e: {  	_ =	shalt  }
0x4f: {  	_ =	shalt  }
0x50: {  	_ =	shalt  }
0x51: {  	_ =	shalt  }
0x52: {  	_ =	shalt  }
0x53: {  	_ =	shalt  }
0x54: {  	_ =	shalt  }
0x55: {  	_ =	shalt  }
0x56: {  	_ =	shalt  }
0x57: {  	_ =	shalt  }
0x58: {  	_ =	shalt  }
0x59: {  	_ =	shalt  }
0x5a: {  	_ =	shalt  }
0x5b: {  	_ =	shalt  }
0x5c: {  	_ =	shalt  }
0x5d: {  	_ =	shalt  }
0x5e: {  	_ =	shalt  }
0x5f: {  	_ =	shalt  }
0x60: {  	_ =	shalt  }
0x61: {  	_ =	shalt  }
0x62: {  	_ =	shalt  }
0x63: {  	_ =	shalt  }
0x64: {  	_ =	shalt  }
0x65: {  	_ =	shalt  }
0x66: {  	_ =	shalt  }
0x67: {  	_ =	shalt  }
0x68: {  	_ =	shalt  }
0x69: {  	_ =	shalt  }
0x6a: {  	_ =	shalt  }
0x6b: {  	_ =	shalt  }
0x6c: {  	_ =	shalt  }
0x6d: {  	_ =	shalt  }
0x6e: {  	_ =	shalt  }
0x6f: {  	_ =	shalt  }
0x70: {  	_ =	shalt  }
0x71: {  	_ =	shalt  }
0x72: {  	_ =	shalt  }
0x73: {  	_ =	shalt  }
0x74: {  	_ =	shalt  }
0x75: {  	_ =	shalt  }
0x76: {  	_ =	shalt  }
0x77: {  	_ =	shalt  }
0x78: {  	_ =	shalt  }
0x79: {  	_ =	shalt  }
0x7a: {  	_ =	shalt  }
0x7b: {  	_ =	shalt  }
0x7c: {  	_ =	shalt  }
0x7d: {  	_ =	shalt  }
0x7e: {  	_ =	shalt  }
0x7f: {  	_ =	shalt  }
0x80: {  	_ =	shalt  }
0x81: {  	_ =	shalt  }
0x82: {  	_ =	shalt  }
0x83: {  	_ =	shalt  }
0x84: {  	_ =	shalt  }
0x85: {  	_ =	shalt  }
0x86: {  	_ =	shalt  }
0x87: {  	_ =	shalt  }
.Lfunc_end0:
.L_simem_size_0:
called_computation_lowered:
.L_overlay_start_0:
0x88: {  	s2 =	sld [smem:$0x3FD9]  }
0x89: {  	s3 =	sld [smem:$0x3FFE];
	_ =	sdelay $0x1  }
0x8a: {  	s1 =	srdreg.scid  }
0x8b: {  	s0 =	sand.u32 $0x1, s1  }
0x8c: {  	s16 =	sshll.u32 s0, $0xA;
	s2 =	sadd.s32 s3, s2  }
0x8d: {  	s2 =	sadd.s32 s2, s16  }
0x8e: {  	[smem:$0x3F9A] =	sst s2  }
0x8f: {  	_ = 	snop  }
0x90: {  	(tm) =	ssettm $0x1  }
0x91: {  	s17 =	sld [smem:$0x3FFB];
	_ =	sdelay $0x3  }
0x92: {  	_ =	strace s17  }
0x93: {  	s2 =	sld [smem:$0x3FFC];
	_ =	sdelay $0x3  }
0x94: {  	_ =	strace s2  }
0x95: {  	s2 =	sld [smem:$0x3FFD];
	_ =	sdelay $0x3  }
0x96: {  	_ =	strace s2  }
0x97: {  	_ =	strace $0x8FFFFFFF  }
0x98: {  	s18 =	sld [smem:$0x3FDB];
	_ =	sdelay $0x1  }
0x99: {  	s19 =	simm.s32 $_scs_section_size  }
0x9a: {  	s4 =	simm.s32 $_size__tile_overlayer_lowered;
	s5 =	simm.s32 $_tile_overlayer_lowered  }
0x9b: {  	s22 =	simm.s32 $0x1BFF;
	s21 =	sshll.u32 s5, $0x1;
	s2 =	sadd.s32 s19, s18  }
0x9c: {  	s6 =	simm.s32 $0x0;
	s20 =	sshll.u32 s4, $0x1;
	s4 =	sadd.s32 s21, s2  }
0x9d: {  	[timem:s6], [sflag:s22] =	dma.local [hbm:s4], s20  }
0x9e: {  	_ =	swait.ge [sflag:s22], s20  }
0x9f: {  	s3 =	ssub.s32 $0x0, s20;
	[sflag:s22] =	ssyncset.done $0x0  }
0xa0: {  	[sflag:s22] =	ssyncadd.s32 s3;
	_ =	sdelay $0x1  }
0xa1: {  	s23 =	simm.s32 $0x1B8B  }
0xa2: {  	_ =	swait.ge [sflag:s23], $0x1  }
0xa3: {  	[sflag:s23] =	ssyncset.done $0x0  }
0xa4: {  	s25 =	simm.s32 $0x1B8E;
	s24 =	sld [smem:$0x3FFE];
	[sflag:s23] =	ssyncadd.s32 $0xFFFFFFFF  }
0xa5: {  	s26 =	simm.s32 $execute0_lowered;
	[smem:$0x3FD2] =	sst s25  }
0xa6: {  	s4 =	sshll.u32 s26, $0x1;
	_ =	strace $0x80000046;
	[dreg:$0x1] =	wrdreg $0xFFFFFFFF  }
0xa7: {  	s28 =	simm.s32 $_size_execute0_lowered;
	s2 =	sadd.s32 s2, s4;
	[dreg:$0x0] =	wrdreg $0x0  }
0xa8: {  	s4 =	sshll.u32 s28, $0x1;
	[dreg:$0x2] =	wrdreg s2  }
0xa9: {  	[dreg:$0x3] =	wrdreg s4  }
0xaa: {  	[dreg:$0x4] =	wrdreg $0xC0  }
0xab: {  	_ =	task [dreg:s6], $0x5FFFF  }
0xac: {  	[dreg:$0x1] =	wrdreg $0xFFFFFFFF  }
0xad: {  	[dreg:$0x0] =	wrdreg $0x60  }
0xae: {  	[dreg:$0x2] =	wrdreg s24  }
0xaf: {  	[dreg:$0x3] =	wrdreg $0x90000  }
0xb0: {  	[dreg:$0x4] =	wrdreg $0x0  }
0xb1: {  	[dreg:$0x5] =	wrdreg $0x80000  }
0xb2: {  	[dreg:$0x6] =	wrdreg $0x9  }
0xb3: {  	_ =	task.clear_ibuf [dreg:s6], $0x7FFFF;
	_ =	strace $0x90000046  }
0xb4: {  	s29 =	simm.s32 $0x9;
	_ =	strace $0x80000048  }
0xb5: {  	_ =	swait.ge [sflag:s29], $0x1  }
0xb6: {  	[sflag:s29] =	ssyncadd.s32 $0xFFFFFFFF  }
0xb7: {  	_ =	strace $0x90000048  }
0xb8: {  	_ =	sfence  }
0xb9: {  	s30 =	sld [smem:$0x0];
	_ =	sdelay $0x2  }
0xba: {  	s31 =	sshll.u32 s1, $0xD;
	s1 =	sshrl.u32 s1, $0x2  }
0xbb: {  	s3 =	sand.u32 $0x4000, s31;
	s1 =	sadd.s32 s1, s30  }
0xbc: {  	s0 =	sor.u32 s3, s0;
	s1 =	sshll.u32 s1, $0x11  }
0xbd: {  	s0 =	sor.u32 s1, s0  }
0xbe: {  	s0 =	sadd.s32 $0x8F2B, s0  }
0xbf: {  	[sflag:s0] =	ssyncadd.remote.s32 $0x1  }
0xc0: {  	_ =	sfence.sel $0xFFFF  }
0xc1: {  	[dreg:$0x0] =	wrdreg $0xFFFFFFFF;
	(pc) =	sbr.abs _section_cstart, $3  }
0xc2: {  	[dreg:$0x1] =	wrdreg $0xFFFFFFFF  }
0xc3: {  	_ =	task.clear_ibuf [dreg:s6], $0x2FFFF;
	_ =	strace $0x9FFFFFFF  }
0xc4: {  	(tm) =	ssettm $0x7FFFFFFF  }
0xc5: {  	_ =	shalt  }
tec
execute0_lowered:
.L_overlay_start_1:
0x0: {  	(tag) =	ssettag $0x1  }
0x1: {  	s0 =	rddreg [dreg:$0x0]  }
0x2: {  	s11 =	rddreg [dreg:$0x1]  }
0x3: {  	s12 =	rddreg [dreg:$0x2]  }
0x4: {  	s15 =	rddreg [dreg:$0x3]  }
0x5: {  	s4 =	simm.s32 $0x0;
	s25 =	srdreg.scid;
	s21 =	stileid.u32  }
0x6: {  	[smem:$0x7FF] =	sst s4;
	s1 =	sadd.s32 $0x2A200, s0;
	s2 =	sadd.s32 $0x29E00, s0  }
0x7: {  	s7 =	sadd.s32 $0x7E00, s0;
	s9 =	sadd.s32 $0x5E00, s0;
	s10 =	sshll.u32 s21, $0x9  }
0x8: {  	s14 =	sshll.u32 s21, $0xF;
	_ =	strace $0x80000047;
	[dreg:$0x5] =	wrdreg s1  }
0x9: {  	s20 =	sshll.u32 s21, $0xC;
	[dreg:$0x6] =	wrdreg s2;
	s1 =	sand.u32 $0x1, s25  }
0xa: {  	s16 =	sor.u32 $0x80, s10;
	s17 =	sor.u32 $0x100, s10;
	s18 =	sor.u32 $0x180, s10  }
0xb: {  	s14 =	sadd.s32 s14, s12;
	s13 =	sadd.s32 s20, s15;
	[dreg:$0x7] =	wrdreg s16  }
0xc: {  	s20 =	sor.u32 $0x40, s10;
	s3 =	ssub.s32 $0x2, s1;
	[dreg:$0x8] =	wrdreg s17  }
0xd: {  	s5 =	sshll.u32 s1, $0xD;
	s8 =	sshll.u32 s1, $0x9;
	[dreg:$0x9] =	wrdreg s18  }
0xe: {  	s2 =	sshll.u32 s16, $0x6;
	[dreg:$0x17] =	wrdreg s20;
	s20 =	sor.u32 $0x150, s10  }
0xf: {  	s6 =	sshrl.u32 s3, $0x1;
	s19 =	sor.u32 s10, s5;
	s23 =	sor.u32 s5, s16  }
0x10: {  	s24 =	sor.u32 s5, s17;
	s16 =	sadd.s32 $0x9200, s10;
	[smem:$0x7EB] =	sst s20  }
0x11: {  	s20 =	sadd.s32 $0x5800, s14;
	s3 =	ssub.s32 s3, s6;
	[dreg:$0x13] =	wrdreg s16  }
0x12: {  	s6 =	sshll.u32 s19, $0x3;
	s19 =	sor.u32 $0x30, s10;
	[smem:$0x7F9] =	sst s20  }
0x13: {  	s1 =	sshll.u32 s23, $0x3;
	s23 =	sor.u32 $0x60, s10;
	[dreg:$0x16] =	wrdreg s19  }
0x14: {  	s25 =	sshll.u32 s24, $0x3;
	s24 =	sor.u32 $0x70, s10;
	[dreg:$0x19] =	wrdreg s23  }
0x15: {  	s26 =	sadd.s32 $0x9E00, s0;
	s16 =	sor.u32 $0x110, s10;
	[dreg:$0x1a] =	wrdreg s24  }
0x16: {  	s0 =	sadd.s32 s5, s0;
	s22 =	sadd.s32 s26, s6;
	[smem:$0x7E7] =	sst s16  }
0x17: {  	s0 =	sadd.s32 s10, s0;
	s1 =	sadd.s32 s26, s1;
	[dreg:$0xa] =	wrdreg s22  }
0x18: {  	s0 =	sadd.s32 $0x2A600, s0;
	[dreg:$0xb] =	wrdreg s1  }
0x19: {  	s5 =	sor.u32 s5, s18;
	s15 =	smax.u32 s3, $0x1;
	[dreg:$0x11] =	wrdreg s0  }
0x1a: {  	s6 =	sshll.u32 s18, $0x6;
	s18 =	sor.u32 $0x20, s10;
	[dreg:$0x12] =	wrdreg s15  }
0x1b: {  	s3 =	sor.u32 $0xC0, s10;
	[dreg:$0x15] =	wrdreg s18  }
0x1c: {  	s19 =	sor.u32 $0x140, s10;
	[dreg:$0x1f] =	wrdreg s3  }
0x1d: {  	s23 =	sor.u32 $0x170, s10;
	[smem:$0x7EA] =	sst s19  }
0x1e: {  	s24 =	sadd.s32 $0x9380, s10;
	[smem:$0x7ED] =	sst s23  }
0x1f: {  	s16 =	sadd.s32 $0x3800, s14;
	[smem:$0x7EE] =	sst s24  }
0x20: {  	s5 =	sshll.u32 s5, $0x3;
	s1 =	sadd.s32 s26, s25;
	[smem:$0x7F5] =	sst s16  }
0x21: {  	s26 =	sadd.s32 s26, s5;
	[dreg:$0xc] =	wrdreg s1  }
0x22: {  	s5 =	sshll.u32 s17, $0x6;
	s17 =	sor.u32 $0x10, s10;
	[dreg:$0xd] =	wrdreg s26  }
0x23: {  	s22 =	sor.u32 $0x50, s10;
	[dreg:$0x14] =	wrdreg s17  }
0x24: {  	s25 =	sadd.s32 $0x9280, s10;
	[dreg:$0x18] =	wrdreg s22  }
0x25: {  	s15 =	sadd.s32 $0x9300, s10;
	[dreg:$0x1b] =	wrdreg s25  }
0x26: {  	s18 =	sor.u32 $0x130, s10;
	[smem:$0x7E6] =	sst s15  }
0x27: {  	s3 =	sadd.s32 $0x1000, s14;
	[smem:$0x7E9] =	sst s18  }
0x28: {  	s0 =	sadd.s32 s10, s11;
	s11 =	sadd.s32 $0x2800, s14;
	[smem:$0x7F0] =	sst s3  }
0x29: {  	s19 =	sadd.s32 $0x5000, s14;
	[smem:$0x7F3] =	sst s11  }
0x2a: {  	s23 =	sadd.s32 $0x6800, s14;
	[smem:$0x7F8] =	sst s19  }
0x2b: {  	s24 =	sadd.s32 $0x7000, s14;
	[smem:$0x7FB] =	sst s23  }
0x2c: {  	s28 =	sor.u32 $0x1C0, s10;
	s1 =	sadd.s32 s2, s12;
	[smem:$0x7FC] =	sst s24  }
0x2d: {  	s29 =	sor.u32 $0x1D0, s10;
	s26 =	sor.u32 $0x90, s10;
	[dreg:$0xe] =	wrdreg s1  }
0x2e: {  	s30 =	sor.u32 $0x1E0, s10;
	s2 =	sor.u32 $0xB0, s10;
	[dreg:$0x1c] =	wrdreg s26  }
0x2f: {  	s31 =	sor.u32 $0x1F0, s10;
	s17 =	sor.u32 $0x120, s10;
	[dreg:$0x1e] =	wrdreg s2  }
0x30: {  	v1 =	vmov s21;
	s21 =	smov.u32 s13;
	s22 =	sor.u32 $0x160, s10;
	[smem:$0x7E8] =	sst s17  }
0x31: {  	s20 =	simm.s32 $0x3;
	s25 =	sadd.s32 $0x800, s14;
	[smem:$0x7EC] =	sst s22  }
0x32: {  	s16 =	simm.s32 $0x13840;
	s18 =	sadd.s32 $0x4800, s14;
	[smem:$0x7EF] =	sst s25  }
0x33: {  	s15 =	sor.u32 $0x190, s10;
	s1 =	sadd.s32 s5, s12;
	[smem:$0x7F7] =	sst s18  }
0x34: {  	s3 =	simm.s32 $0xD600;
	s12 =	sadd.s32 s6, s12;
	[dreg:$0xf] =	wrdreg s1  }
0x35: {  	s19 =	simm.s32 $0x15840;
	s5 =	sor.u32 $0xD0, s10;
	[dreg:$0x10] =	wrdreg s12  }
0x36: {  	s23 =	simm.s32 $0x2;
	s6 =	sor.u32 $0xE0, s10;
	[smem:$0x7E3] =	sst s5  }
0x37: {  	s24 =	simm.s32 $0x19840;
	s17 =	sadd.s32 $0x4000, s14;
	[smem:$0x7E4] =	sst s6  }
0x38: {  	s2 =	sor.u32 $0x1A0, s10;
	s22 =	sadd.s32 $0x6000, s14;
	[smem:$0x7F6] =	sst s17  }
0x39: {  	s26 =	sor.u32 $0x1B0, s10;
	s25 =	sadd.s32 $0x7800, s14;
	[smem:$0x7FA] =	sst s22  }
0x3a: {  	s18 =	simm.s32 $0x17840;
	s1 =	sor.u32 $0xA0, s10;
	[smem:$0x7FD] =	sst s25  }
0x3b: {  	s12 =	sor.u32 $0xF0, s10;
	s5 =	sadd.s32 $0x1800, s14;
	[dreg:$0x1d] =	wrdreg s1  }
0x3c: {  	s6 =	sadd.s32 $0x2000, s14;
	s17 =	simm.s32 $0x80;
	[smem:$0x7E5] =	sst s12  }
0x3d: {  	v4 =	vlaneseq.u32;
	s22 =	simm.s32 $0x1;
	s25 =	simm.s32 $0x0;
	[smem:$0x7F1] =	sst s5  }
0x3e: {  	v2 =	vimm.f32 $0.0e+00;
	v3 =	vimm.s32 $0x0;
	v5 =	vor.u32 $0x10, v4;
	[smem:$0x7F2] =	sst s6;
	s12 =	sadd.s32 $0x3000, s14;
	s1 =	simm.s32 $0x4  }
0x3f: {  	v6 =	vor.u32 $0x20, v4;
	v7 =	vor.u32 $0x30, v4;
	v0 =	vmov s8;
	s5 =	simm.s32 $0x1D840;
	s6 =	simm.s32 $0xD800;
	[smem:$0x7F4] =	sst s12  }
.LBB2_1:
0x40: {  	[tilespmem:$0x1D840] =	vst v2  }
0x41: {  	[tilespmem:$0x1D880] =	vst v2  }
0x42: {  	[tilespmem:$0x1D8C0] =	vst v2  }
0x43: {  	[tilespmem:$0x1D900] =	vst v2  }
0x44: {  	[tilespmem:$0x1D940] =	vst v2  }
0x45: {  	[tilespmem:$0x1D980] =	vst v2  }
0x46: {  	[tilespmem:$0x1D9C0] =	vst v2  }
0x47: {  	[tilespmem:$0x1DA00] =	vst v2  }
0x48: {  	[tilespmem:$0x1DA40] =	vst v2  }
0x49: {  	[tilespmem:$0x1DA80] =	vst v2  }
0x4a: {  	[tilespmem:$0x1DAC0] =	vst v2  }
0x4b: {  	[tilespmem:$0x1DB00] =	vst v2  }
0x4c: {  	[tilespmem:$0x1DB40] =	vst v2  }
0x4d: {  	[tilespmem:$0x1DB80] =	vst v2  }
0x4e: {  	[tilespmem:$0x1DBC0] =	vst v2  }
0x4f: {  	[tilespmem:$0x1DC00] =	vst v2  }
0x50: {  	[tilespmem:$0x1DC40] =	vst v2  }
0x51: {  	[tilespmem:$0x1DC80] =	vst v2  }
0x52: {  	[tilespmem:$0x1DCC0] =	vst v2  }
0x53: {  	[tilespmem:$0x1DD00] =	vst v2  }
0x54: {  	[tilespmem:$0x1DD40] =	vst v2  }
0x55: {  	[tilespmem:$0x1DD80] =	vst v2  }
0x56: {  	[tilespmem:$0x1DDC0] =	vst v2  }
0x57: {  	[tilespmem:$0x1DE00] =	vst v2  }
0x58: {  	[tilespmem:$0x1DE40] =	vst v2  }
0x59: {  	[tilespmem:$0x1DE80] =	vst v2  }
0x5a: {  	[tilespmem:$0x1DEC0] =	vst v2  }
0x5b: {  	[tilespmem:$0x1DF00] =	vst v2  }
0x5c: {  	[tilespmem:$0x1DF40] =	vst v2  }
0x5d: {  	[tilespmem:$0x1DF80] =	vst v2  }
0x5e: {  	[tilespmem:$0x1DFC0] =	vst v2  }
0x5f: {  	[tilespmem:$0x1E000] =	vst v2  }
0x60: {  	[tilespmem:$0x1D850] =	vst v2  }
0x61: {  	[tilespmem:$0x1D890] =	vst v2  }
0x62: {  	[tilespmem:$0x1D8D0] =	vst v2  }
0x63: {  	[tilespmem:$0x1D910] =	vst v2  }
0x64: {  	[tilespmem:$0x1D950] =	vst v2  }
0x65: {  	[tilespmem:$0x1D990] =	vst v2  }
0x66: {  	[tilespmem:$0x1D9D0] =	vst v2  }
0x67: {  	[tilespmem:$0x1DA10] =	vst v2  }
0x68: {  	[tilespmem:$0x1DA50] =	vst v2  }
0x69: {  	[tilespmem:$0x1DA90] =	vst v2  }
0x6a: {  	[tilespmem:$0x1DAD0] =	vst v2  }
0x6b: {  	[tilespmem:$0x1DB10] =	vst v2  }
0x6c: {  	[tilespmem:$0x1DB50] =	vst v2  }
0x6d: {  	[tilespmem:$0x1DB90] =	vst v2  }
0x6e: {  	[tilespmem:$0x1DBD0] =	vst v2  }
0x6f: {  	[tilespmem:$0x1DC10] =	vst v2  }
0x70: {  	[tilespmem:$0x1DC50] =	vst v2  }
0x71: {  	[tilespmem:$0x1DC90] =	vst v2  }
0x72: {  	[tilespmem:$0x1DCD0] =	vst v2  }
0x73: {  	[tilespmem:$0x1DD10] =	vst v2  }
0x74: {  	[tilespmem:$0x1DD50] =	vst v2  }
0x75: {  	[tilespmem:$0x1DD90] =	vst v2  }
0x76: {  	[tilespmem:$0x1DDD0] =	vst v2  }
0x77: {  	[tilespmem:$0x1DE10] =	vst v2  }
0x78: {  	[tilespmem:$0x1DE50] =	vst v2  }
0x79: {  	[tilespmem:$0x1DE90] =	vst v2  }
0x7a: {  	[tilespmem:$0x1DED0] =	vst v2  }
0x7b: {  	[tilespmem:$0x1DF10] =	vst v2  }
0x7c: {  	[tilespmem:$0x1DF50] =	vst v2  }
0x7d: {  	[tilespmem:$0x1DF90] =	vst v2  }
0x7e: {  	[tilespmem:$0x1DFD0] =	vst v2  }
0x7f: {  	[tilespmem:$0x1E010] =	vst v2  }
0x80: {  	[tilespmem:$0x1D860] =	vst v2  }
0x81: {  	[tilespmem:$0x1D8A0] =	vst v2  }
0x82: {  	[tilespmem:$0x1D8E0] =	vst v2  }
0x83: {  	[tilespmem:$0x1D920] =	vst v2  }
0x84: {  	[tilespmem:$0x1D960] =	vst v2  }
0x85: {  	[tilespmem:$0x1D9A0] =	vst v2  }
0x86: {  	[tilespmem:$0x1D9E0] =	vst v2  }
0x87: {  	[tilespmem:$0x1DA20] =	vst v2  }
0x88: {  	[tilespmem:$0x1DA60] =	vst v2  }
0x89: {  	[tilespmem:$0x1DAA0] =	vst v2  }
0x8a: {  	[tilespmem:$0x1DAE0] =	vst v2  }
0x8b: {  	[tilespmem:$0x1DB20] =	vst v2  }
0x8c: {  	[tilespmem:$0x1DB60] =	vst v2  }
0x8d: {  	[tilespmem:$0x1DBA0] =	vst v2  }
0x8e: {  	[tilespmem:$0x1DBE0] =	vst v2  }
0x8f: {  	[tilespmem:$0x1DC20] =	vst v2  }
0x90: {  	[tilespmem:$0x1DC60] =	vst v2  }
0x91: {  	[tilespmem:$0x1DCA0] =	vst v2  }
0x92: {  	[tilespmem:$0x1DCE0] =	vst v2  }
0x93: {  	[tilespmem:$0x1DD20] =	vst v2  }
0x94: {  	[tilespmem:$0x1DD60] =	vst v2  }
0x95: {  	[tilespmem:$0x1DDA0] =	vst v2  }
0x96: {  	[tilespmem:$0x1DDE0] =	vst v2  }
0x97: {  	[tilespmem:$0x1DE20] =	vst v2  }
0x98: {  	[tilespmem:$0x1DE60] =	vst v2  }
0x99: {  	[tilespmem:$0x1DEA0] =	vst v2  }
0x9a: {  	[tilespmem:$0x1DEE0] =	vst v2  }
0x9b: {  	[tilespmem:$0x1DF20] =	vst v2  }
0x9c: {  	[tilespmem:$0x1DF60] =	vst v2  }
0x9d: {  	[tilespmem:$0x1DFA0] =	vst v2  }
0x9e: {  	[tilespmem:$0x1DFE0] =	vst v2  }
0x9f: {  	[tilespmem:$0x1E020] =	vst v2  }
0xa0: {  	[tilespmem:$0x1D870] =	vst v2  }
0xa1: {  	[tilespmem:$0x1D8B0] =	vst v2  }
0xa2: {  	[tilespmem:$0x1D8F0] =	vst v2  }
0xa3: {  	[tilespmem:$0x1D930] =	vst v2  }
0xa4: {  	[tilespmem:$0x1D970] =	vst v2  }
0xa5: {  	[tilespmem:$0x1D9B0] =	vst v2  }
0xa6: {  	[tilespmem:$0x1D9F0] =	vst v2  }
0xa7: {  	[tilespmem:$0x1DA30] =	vst v2  }
0xa8: {  	[tilespmem:$0x1DA70] =	vst v2  }
0xa9: {  	[tilespmem:$0x1DAB0] =	vst v2  }
0xaa: {  	[tilespmem:$0x1DAF0] =	vst v2  }
0xab: {  	[tilespmem:$0x1DB30] =	vst v2  }
0xac: {  	[tilespmem:$0x1DB70] =	vst v2  }
0xad: {  	[tilespmem:$0x1DBB0] =	vst v2  }
0xae: {  	[tilespmem:$0x1DBF0] =	vst v2  }
0xaf: {  	[tilespmem:$0x1DC30] =	vst v2  }
0xb0: {  	[tilespmem:$0x1DC70] =	vst v2  }
0xb1: {  	[tilespmem:$0x1DCB0] =	vst v2  }
0xb2: {  	[tilespmem:$0x1DCF0] =	vst v2  }
0xb3: {  	[tilespmem:$0x1DD30] =	vst v2  }
0xb4: {  	[tilespmem:$0x1DD70] =	vst v2  }
0xb5: {  	[tilespmem:$0x1DDB0] =	vst v2  }
0xb6: {  	[tilespmem:$0x1DDF0] =	vst v2  }
0xb7: {  	[tilespmem:$0x1DE30] =	vst v2  }
0xb8: {  	[tilespmem:$0x1DE70] =	vst v2  }
0xb9: {  	[tilespmem:$0x1DEB0] =	vst v2  }
0xba: {  	[tilespmem:$0x1DEF0] =	vst v2  }
0xbb: {  	[tilespmem:$0x1DF30] =	vst v2  }
0xbc: {  	[tilespmem:$0x1DF70] =	vst v2  }
0xbd: {  	[tilespmem:$0x1DFB0] =	vst v2  }
0xbe: {  	[tilespmem:$0x1DFF0] =	vst v2  }
0xbf: {  	[tilespmem:$0x1E030] =	vst v2  }
0xc0: {  	[tilespmem:$0x1E040] =	vst v2  }
0xc1: {  	[tilespmem:$0x1E0C0] =	vst v2  }
0xc2: {  	[tilespmem:$0x1E140] =	vst v2  }
0xc3: {  	[tilespmem:$0x1E1C0] =	vst v2  }
0xc4: {  	[tilespmem:$0x1E240] =	vst v2  }
0xc5: {  	[tilespmem:$0x1E2C0] =	vst v2  }
0xc6: {  	[tilespmem:$0x1E340] =	vst v2  }
0xc7: {  	[tilespmem:$0x1E3C0] =	vst v2  }
0xc8: {  	[tilespmem:$0x1E440] =	vst v2  }
0xc9: {  	[tilespmem:$0x1E4C0] =	vst v2  }
0xca: {  	[tilespmem:$0x1E540] =	vst v2  }
0xcb: {  	[tilespmem:$0x1E5C0] =	vst v2  }
0xcc: {  	[tilespmem:$0x1E640] =	vst v2  }
0xcd: {  	[tilespmem:$0x1E6C0] =	vst v2  }
0xce: {  	[tilespmem:$0x1E740] =	vst v2  }
0xcf: {  	[tilespmem:$0x1E7C0] =	vst v2  }
0xd0: {  	[tilespmem:$0x1E840] =	vst v2  }
0xd1: {  	[tilespmem:$0x1E8C0] =	vst v2  }
0xd2: {  	[tilespmem:$0x1E940] =	vst v2  }
0xd3: {  	[tilespmem:$0x1E9C0] =	vst v2  }
0xd4: {  	[tilespmem:$0x1EA40] =	vst v2  }
0xd5: {  	[tilespmem:$0x1EAC0] =	vst v2  }
0xd6: {  	[tilespmem:$0x1EB40] =	vst v2  }
0xd7: {  	[tilespmem:$0x1EBC0] =	vst v2  }
0xd8: {  	[tilespmem:$0x1EC40] =	vst v2  }
0xd9: {  	[tilespmem:$0x1ECC0] =	vst v2  }
0xda: {  	[tilespmem:$0x1ED40] =	vst v2  }
0xdb: {  	[tilespmem:$0x1EDC0] =	vst v2  }
0xdc: {  	[tilespmem:$0x1EE40] =	vst v2  }
0xdd: {  	[tilespmem:$0x1EEC0] =	vst v2  }
0xde: {  	[tilespmem:$0x1EF40] =	vst v2  }
0xdf: {  	[tilespmem:$0x1EFC0] =	vst v2  }
0xe0: {  	[tilespmem:$0x1E050] =	vst v2  }
0xe1: {  	[tilespmem:$0x1E0D0] =	vst v2  }
0xe2: {  	[tilespmem:$0x1E150] =	vst v2  }
0xe3: {  	[tilespmem:$0x1E1D0] =	vst v2  }
0xe4: {  	[tilespmem:$0x1E250] =	vst v2  }
0xe5: {  	[tilespmem:$0x1E2D0] =	vst v2  }
0xe6: {  	[tilespmem:$0x1E350] =	vst v2  }
0xe7: {  	[tilespmem:$0x1E3D0] =	vst v2  }
0xe8: {  	[tilespmem:$0x1E450] =	vst v2  }
0xe9: {  	[tilespmem:$0x1E4D0] =	vst v2  }
0xea: {  	[tilespmem:$0x1E550] =	vst v2  }
0xeb: {  	[tilespmem:$0x1E5D0] =	vst v2  }
0xec: {  	[tilespmem:$0x1E650] =	vst v2  }
0xed: {  	[tilespmem:$0x1E6D0] =	vst v2  }
0xee: {  	[tilespmem:$0x1E750] =	vst v2  }
0xef: {  	[tilespmem:$0x1E7D0] =	vst v2  }
0xf0: {  	[tilespmem:$0x1E850] =	vst v2  }
0xf1: {  	[tilespmem:$0x1E8D0] =	vst v2  }
0xf2: {  	[tilespmem:$0x1E950] =	vst v2  }
0xf3: {  	[tilespmem:$0x1E9D0] =	vst v2  }
0xf4: {  	[tilespmem:$0x1EA50] =	vst v2  }
0xf5: {  	[tilespmem:$0x1EAD0] =	vst v2  }
0xf6: {  	[tilespmem:$0x1EB50] =	vst v2  }
0xf7: {  	[tilespmem:$0x1EBD0] =	vst v2  }
0xf8: {  	[tilespmem:$0x1EC50] =	vst v2  }
0xf9: {  	[tilespmem:$0x1ECD0] =	vst v2  }
0xfa: {  	[tilespmem:$0x1ED50] =	vst v2  }
0xfb: {  	[tilespmem:$0x1EDD0] =	vst v2  }
0xfc: {  	[tilespmem:$0x1EE50] =	vst v2  }
0xfd: {  	[tilespmem:$0x1EED0] =	vst v2  }
0xfe: {  	[tilespmem:$0x1EF50] =	vst v2  }
0xff: {  	[tilespmem:$0x1EFD0] =	vst v2  }
0x100: {  	[tilespmem:$0x1E060] =	vst v2  }
0x101: {  	[tilespmem:$0x1E0E0] =	vst v2  }
0x102: {  	[tilespmem:$0x1E160] =	vst v2  }
0x103: {  	[tilespmem:$0x1E1E0] =	vst v2  }
0x104: {  	[tilespmem:$0x1E260] =	vst v2  }
0x105: {  	[tilespmem:$0x1E2E0] =	vst v2  }
0x106: {  	[tilespmem:$0x1E360] =	vst v2  }
0x107: {  	[tilespmem:$0x1E3E0] =	vst v2  }
0x108: {  	[tilespmem:$0x1E460] =	vst v2  }
0x109: {  	[tilespmem:$0x1E4E0] =	vst v2  }
0x10a: {  	[tilespmem:$0x1E560] =	vst v2  }
0x10b: {  	[tilespmem:$0x1E5E0] =	vst v2  }
0x10c: {  	[tilespmem:$0x1E660] =	vst v2  }
0x10d: {  	[tilespmem:$0x1E6E0] =	vst v2  }
0x10e: {  	[tilespmem:$0x1E760] =	vst v2  }
0x10f: {  	[tilespmem:$0x1E7E0] =	vst v2  }
0x110: {  	[tilespmem:$0x1E860] =	vst v2  }
0x111: {  	[tilespmem:$0x1E8E0] =	vst v2  }
0x112: {  	[tilespmem:$0x1E960] =	vst v2  }
0x113: {  	[tilespmem:$0x1E9E0] =	vst v2  }
0x114: {  	[tilespmem:$0x1EA60] =	vst v2  }
0x115: {  	[tilespmem:$0x1EAE0] =	vst v2  }
0x116: {  	[tilespmem:$0x1EB60] =	vst v2  }
0x117: {  	[tilespmem:$0x1EBE0] =	vst v2  }
0x118: {  	[tilespmem:$0x1EC60] =	vst v2  }
0x119: {  	[tilespmem:$0x1ECE0] =	vst v2  }
0x11a: {  	[tilespmem:$0x1ED60] =	vst v2  }
0x11b: {  	[tilespmem:$0x1EDE0] =	vst v2  }
0x11c: {  	[tilespmem:$0x1EE60] =	vst v2  }
0x11d: {  	[tilespmem:$0x1EEE0] =	vst v2  }
0x11e: {  	[tilespmem:$0x1EF60] =	vst v2  }
0x11f: {  	[tilespmem:$0x1EFE0] =	vst v2  }
0x120: {  	[tilespmem:$0x1E070] =	vst v2  }
0x121: {  	[tilespmem:$0x1E0F0] =	vst v2  }
0x122: {  	[tilespmem:$0x1E170] =	vst v2  }
0x123: {  	[tilespmem:$0x1E1F0] =	vst v2  }
0x124: {  	[tilespmem:$0x1E270] =	vst v2  }
0x125: {  	[tilespmem:$0x1E2F0] =	vst v2  }
0x126: {  	[tilespmem:$0x1E370] =	vst v2  }
0x127: {  	[tilespmem:$0x1E3F0] =	vst v2  }
0x128: {  	[tilespmem:$0x1E470] =	vst v2  }
0x129: {  	[tilespmem:$0x1E4F0] =	vst v2  }
0x12a: {  	[tilespmem:$0x1E570] =	vst v2  }
0x12b: {  	[tilespmem:$0x1E5F0] =	vst v2  }
0x12c: {  	[tilespmem:$0x1E670] =	vst v2  }
0x12d: {  	[tilespmem:$0x1E6F0] =	vst v2  }
0x12e: {  	[tilespmem:$0x1E770] =	vst v2  }
0x12f: {  	[tilespmem:$0x1E7F0] =	vst v2  }
0x130: {  	[tilespmem:$0x1E870] =	vst v2  }
0x131: {  	[tilespmem:$0x1E8F0] =	vst v2  }
0x132: {  	[tilespmem:$0x1E970] =	vst v2  }
0x133: {  	[tilespmem:$0x1E9F0] =	vst v2  }
0x134: {  	[tilespmem:$0x1EA70] =	vst v2  }
0x135: {  	[tilespmem:$0x1EAF0] =	vst v2  }
0x136: {  	[tilespmem:$0x1EB70] =	vst v2  }
0x137: {  	[tilespmem:$0x1EBF0] =	vst v2  }
0x138: {  	[tilespmem:$0x1EC70] =	vst v2  }
0x139: {  	[tilespmem:$0x1ECF0] =	vst v2  }
0x13a: {  	[tilespmem:$0x1ED70] =	vst v2  }
0x13b: {  	[tilespmem:$0x1EDF0] =	vst v2  }
0x13c: {  	[tilespmem:$0x1EE70] =	vst v2  }
0x13d: {  	[tilespmem:$0x1EEF0] =	vst v2  }
0x13e: {  	[tilespmem:$0x1EF70] =	vst v2  }
0x13f: {  	[tilespmem:$0x1EFF0] =	vst v2  }
0x140: {  	[tilespmem:$0x1E080] =	vst v2  }
0x141: {  	[tilespmem:$0x1E100] =	vst v2  }
0x142: {  	[tilespmem:$0x1E180] =	vst v2  }
0x143: {  	[tilespmem:$0x1E200] =	vst v2  }
0x144: {  	[tilespmem:$0x1E280] =	vst v2  }
0x145: {  	[tilespmem:$0x1E300] =	vst v2  }
0x146: {  	[tilespmem:$0x1E380] =	vst v2  }
0x147: {  	[tilespmem:$0x1E400] =	vst v2  }
0x148: {  	[tilespmem:$0x1E480] =	vst v2  }
0x149: {  	[tilespmem:$0x1E500] =	vst v2  }
0x14a: {  	[tilespmem:$0x1E580] =	vst v2  }
0x14b: {  	[tilespmem:$0x1E600] =	vst v2  }
0x14c: {  	[tilespmem:$0x1E680] =	vst v2  }
0x14d: {  	[tilespmem:$0x1E700] =	vst v2  }
0x14e: {  	[tilespmem:$0x1E780] =	vst v2  }
0x14f: {  	[tilespmem:$0x1E800] =	vst v2  }
0x150: {  	[tilespmem:$0x1E880] =	vst v2  }
0x151: {  	[tilespmem:$0x1E900] =	vst v2  }
0x152: {  	[tilespmem:$0x1E980] =	vst v2  }
0x153: {  	[tilespmem:$0x1EA00] =	vst v2  }
0x154: {  	[tilespmem:$0x1EA80] =	vst v2  }
0x155: {  	[tilespmem:$0x1EB00] =	vst v2  }
0x156: {  	[tilespmem:$0x1EB80] =	vst v2  }
0x157: {  	[tilespmem:$0x1EC00] =	vst v2  }
0x158: {  	[tilespmem:$0x1EC80] =	vst v2  }
0x159: {  	[tilespmem:$0x1ED00] =	vst v2  }
0x15a: {  	[tilespmem:$0x1ED80] =	vst v2  }
0x15b: {  	[tilespmem:$0x1EE00] =	vst v2  }
0x15c: {  	[tilespmem:$0x1EE80] =	vst v2  }
0x15d: {  	[tilespmem:$0x1EF00] =	vst v2  }
0x15e: {  	[tilespmem:$0x1EF80] =	vst v2  }
0x15f: {  	[tilespmem:$0x1F000] =	vst v2  }
0x160: {  	[tilespmem:$0x1E090] =	vst v2  }
0x161: {  	[tilespmem:$0x1E110] =	vst v2  }
0x162: {  	[tilespmem:$0x1E190] =	vst v2  }
0x163: {  	[tilespmem:$0x1E210] =	vst v2  }
0x164: {  	[tilespmem:$0x1E290] =	vst v2  }
0x165: {  	[tilespmem:$0x1E310] =	vst v2  }
0x166: {  	[tilespmem:$0x1E390] =	vst v2  }
0x167: {  	[tilespmem:$0x1E410] =	vst v2  }
0x168: {  	[tilespmem:$0x1E490] =	vst v2  }
0x169: {  	[tilespmem:$0x1E510] =	vst v2  }
0x16a: {  	[tilespmem:$0x1E590] =	vst v2  }
0x16b: {  	[tilespmem:$0x1E610] =	vst v2  }
0x16c: {  	[tilespmem:$0x1E690] =	vst v2  }
0x16d: {  	[tilespmem:$0x1E710] =	vst v2  }
0x16e: {  	[tilespmem:$0x1E790] =	vst v2  }
0x16f: {  	[tilespmem:$0x1E810] =	vst v2  }
0x170: {  	[tilespmem:$0x1E890] =	vst v2  }
0x171: {  	[tilespmem:$0x1E910] =	vst v2  }
0x172: {  	[tilespmem:$0x1E990] =	vst v2  }
0x173: {  	[tilespmem:$0x1EA10] =	vst v2  }
0x174: {  	[tilespmem:$0x1EA90] =	vst v2  }
0x175: {  	[tilespmem:$0x1EB10] =	vst v2  }
0x176: {  	[tilespmem:$0x1EB90] =	vst v2  }
0x177: {  	[tilespmem:$0x1EC10] =	vst v2  }
0x178: {  	[tilespmem:$0x1EC90] =	vst v2  }
0x179: {  	[tilespmem:$0x1ED10] =	vst v2  }
0x17a: {  	[tilespmem:$0x1ED90] =	vst v2  }
0x17b: {  	[tilespmem:$0x1EE10] =	vst v2  }
0x17c: {  	[tilespmem:$0x1EE90] =	vst v2  }
0x17d: {  	[tilespmem:$0x1EF10] =	vst v2  }
0x17e: {  	[tilespmem:$0x1EF90] =	vst v2  }
0x17f: {  	[tilespmem:$0x1F010] =	vst v2  }
0x180: {  	[tilespmem:$0x1E0A0] =	vst v2  }
0x181: {  	[tilespmem:$0x1E120] =	vst v2  }
0x182: {  	[tilespmem:$0x1E1A0] =	vst v2  }
0x183: {  	[tilespmem:$0x1E220] =	vst v2  }
0x184: {  	[tilespmem:$0x1E2A0] =	vst v2  }
0x185: {  	[tilespmem:$0x1E320] =	vst v2  }
0x186: {  	[tilespmem:$0x1E3A0] =	vst v2  }
0x187: {  	[tilespmem:$0x1E420] =	vst v2  }
0x188: {  	[tilespmem:$0x1E4A0] =	vst v2  }
0x189: {  	[tilespmem:$0x1E520] =	vst v2  }
0x18a: {  	[tilespmem:$0x1E5A0] =	vst v2  }
0x18b: {  	[tilespmem:$0x1E620] =	vst v2  }
0x18c: {  	[tilespmem:$0x1E6A0] =	vst v2  }
0x18d: {  	[tilespmem:$0x1E720] =	vst v2  }
0x18e: {  	[tilespmem:$0x1E7A0] =	vst v2  }
0x18f: {  	[tilespmem:$0x1E820] =	vst v2  }
0x190: {  	[tilespmem:$0x1E8A0] =	vst v2  }
0x191: {  	[tilespmem:$0x1E920] =	vst v2  }
0x192: {  	[tilespmem:$0x1E9A0] =	vst v2  }
0x193: {  	[tilespmem:$0x1EA20] =	vst v2  }
0x194: {  	[tilespmem:$0x1EAA0] =	vst v2  }
0x195: {  	[tilespmem:$0x1EB20] =	vst v2  }
0x196: {  	[tilespmem:$0x1EBA0] =	vst v2  }
0x197: {  	[tilespmem:$0x1EC20] =	vst v2  }
0x198: {  	[tilespmem:$0x1ECA0] =	vst v2  }
0x199: {  	[tilespmem:$0x1ED20] =	vst v2  }
0x19a: {  	[tilespmem:$0x1EDA0] =	vst v2  }
0x19b: {  	[tilespmem:$0x1EE20] =	vst v2  }
0x19c: {  	[tilespmem:$0x1EEA0] =	vst v2  }
0x19d: {  	[tilespmem:$0x1EF20] =	vst v2  }
0x19e: {  	[tilespmem:$0x1EFA0] =	vst v2  }
0x19f: {  	[tilespmem:$0x1F020] =	vst v2  }
0x1a0: {  	[tilespmem:$0x1E0B0] =	vst v2  }
0x1a1: {  	[tilespmem:$0x1E130] =	vst v2  }
0x1a2: {  	[tilespmem:$0x1E1B0] =	vst v2  }
0x1a3: {  	[tilespmem:$0x1E230] =	vst v2  }
0x1a4: {  	[tilespmem:$0x1E2B0] =	vst v2  }
0x1a5: {  	[tilespmem:$0x1E330] =	vst v2  }
0x1a6: {  	[tilespmem:$0x1E3B0] =	vst v2  }
0x1a7: {  	[tilespmem:$0x1E430] =	vst v2  }
0x1a8: {  	[tilespmem:$0x1F030] =	vst v2  }
0x1a9: {  	[tilespmem:$0x1EFB0] =	vst v2  }
0x1aa: {  	[tilespmem:$0x1EF30] =	vst v2  }
0x1ab: {  	[tilespmem:$0x1EEB0] =	vst v2  }
0x1ac: {  	[tilespmem:$0x1EE30] =	vst v2  }
0x1ad: {  	[tilespmem:$0x1EDB0] =	vst v2  }
0x1ae: {  	[tilespmem:$0x1ED30] =	vst v2  }
0x1af: {  	[tilespmem:$0x1ECB0] =	vst v2  }
0x1b0: {  	[tilespmem:$0x1EC30] =	vst v2  }
0x1b1: {  	[tilespmem:$0x1EBB0] =	vst v2  }
0x1b2: {  	[tilespmem:$0x1EB30] =	vst v2  }
0x1b3: {  	[tilespmem:$0x1EAB0] =	vst v2  }
0x1b4: {  	[tilespmem:$0x1EA30] =	vst v2  }
0x1b5: {  	[tilespmem:$0x1E9B0] =	vst v2  }
0x1b6: {  	[tilespmem:$0x1E930] =	vst v2  }
0x1b7: {  	[tilespmem:$0x1E8B0] =	vst v2  }
0x1b8: {  	[tilespmem:$0x1E830] =	vst v2  }
0x1b9: {  	[tilespmem:$0x1E7B0] =	vst v2  }
0x1ba: {  	[tilespmem:$0x1E730] =	vst v2  }
0x1bb: {  	[tilespmem:$0x1E6B0] =	vst v2  }
0x1bc: {  	[tilespmem:$0x1E630] =	vst v2  }
0x1bd: {  	[tilespmem:$0x1E5B0] =	vst v2  }
0x1be: {  	[tilespmem:$0x1E530] =	vst v2  }
0x1bf: {  	[tilespmem:$0x1E4B0] =	vst v2;
	s11 =	simm.s32 $0x9200;
	s8 =	rddreg [dreg:$0x5]  }
0x1c0: {  	[tilespmem:s11], [sflag:$0x4] =	stream.linear.gather [hbm4b:s8+s4], $0x2000, $0x38;
	[tilespmem:$0x1F040] =	vst v63  }
0x1c1: {  	_ =	swait.ge [sflag:s1], $0x2000  }
0x1c2: {  	[sflag:s1] =	ssyncset.done $0x0  }
0x1c3: {  	s8 =	simm.s32 $0xB200;
	s12 =	rddreg [dreg:$0x6];
	[sflag:s1] =	ssyncadd.s32 $0xFFFFE000  }
0x1c4: {  	[tilespmem:s8], [sflag:$0x4] =	stream.linear.gather [hbm4b:s12+s4], $0x2000, $0x38;
	[tilespmem:$0x1F040] =	vst v63  }
0x1c5: {  	_ =	swait.ge [sflag:s1], $0x2000  }
0x1c6: {  	[sflag:s1] =	ssyncset.done $0x0  }
0x1c7: {  	[sflag:s1] =	ssyncadd.s32 $0xFFFFE000  }
0x1c8: {  	v8 =	vld [tilespmem:s10+$0x9200];
	_ =	sdelay $0x4  }
0x1c9: {  	v8 =	vadd.s32 v0, v8  }
0x1ca: {  	[tilespmem:$0xD200] =	vst v8  }
0x1cb: {  	v8 =	vld [tilespmem:s10+$0xB200];
	_ =	sdelay $0x4  }
0x1cc: {  	[tilespmem:$0xD600] =	vst v3;
	v8 =	vadd.s32 v0, v8  }
0x1cd: {  	s13 =	rddreg [dreg:$0x14];
	[tilespmem:$0xD400] =	vst v8  }
0x1ce: {  	v8 =	vld [tilespmem:s13+$0x9200];
	_ =	sdelay $0x4  }
0x1cf: {  	v8 =	vadd.s32 v0, v8  }
0x1d0: {  	[tilespmem:$0xD210] =	vst v8  }
0x1d1: {  	v8 =	vld [tilespmem:s13+$0xB200];
	_ =	sdelay $0x4  }
0x1d2: {  	[tilespmem:$0xD610] =	vst v3;
	v8 =	vadd.s32 v0, v8  }
0x1d3: {  	s13 =	rddreg [dreg:$0x15];
	[tilespmem:$0xD410] =	vst v8  }
0x1d4: {  	v8 =	vld [tilespmem:s13+$0x9200];
	_ =	sdelay $0x4  }
0x1d5: {  	v8 =	vadd.s32 v0, v8  }
0x1d6: {  	[tilespmem:$0xD220] =	vst v8  }
0x1d7: {  	v8 =	vld [tilespmem:s13+$0xB200];
	_ =	sdelay $0x4  }
0x1d8: {  	[tilespmem:$0xD620] =	vst v3;
	v8 =	vadd.s32 v0, v8  }
0x1d9: {  	s13 =	rddreg [dreg:$0x16];
	[tilespmem:$0xD420] =	vst v8  }
0x1da: {  	v8 =	vld [tilespmem:s13+$0x9200];
	_ =	sdelay $0x4  }
0x1db: {  	v8 =	vadd.s32 v0, v8  }
0x1dc: {  	[tilespmem:$0xD230] =	vst v8  }
0x1dd: {  	v8 =	vld [tilespmem:s13+$0xB200];
	_ =	sdelay $0x4  }
0x1de: {  	[tilespmem:$0xD630] =	vst v3;
	v8 =	vadd.s32 v0, v8  }
0x1df: {  	s13 =	rddreg [dreg:$0x17];
	[tilespmem:$0xD430] =	vst v8  }
0x1e0: {  	v8 =	vld [tilespmem:s13+$0x9200];
	_ =	sdelay $0x4  }
0x1e1: {  	v8 =	vadd.s32 v0, v8  }
0x1e2: {  	[tilespmem:$0xD240] =	vst v8  }
0x1e3: {  	v8 =	vld [tilespmem:s13+$0xB200];
	_ =	sdelay $0x4  }
0x1e4: {  	[tilespmem:$0xD640] =	vst v3;
	v8 =	vadd.s32 v0, v8  }
0x1e5: {  	s13 =	rddreg [dreg:$0x18];
	[tilespmem:$0xD440] =	vst v8  }
0x1e6: {  	v8 =	vld [tilespmem:s13+$0x9200];
	_ =	sdelay $0x4  }
0x1e7: {  	v8 =	vadd.s32 v0, v8  }
0x1e8: {  	[tilespmem:$0xD250] =	vst v8  }
0x1e9: {  	v8 =	vld [tilespmem:s13+$0xB200];
	_ =	sdelay $0x4  }
0x1ea: {  	[tilespmem:$0xD650] =	vst v3;
	v8 =	vadd.s32 v0, v8  }
0x1eb: {  	s13 =	rddreg [dreg:$0x19];
	[tilespmem:$0xD450] =	vst v8  }
0x1ec: {  	v8 =	vld [tilespmem:s13+$0x9200];
	_ =	sdelay $0x4  }
0x1ed: {  	v8 =	vadd.s32 v0, v8  }
0x1ee: {  	[tilespmem:$0xD260] =	vst v8  }
0x1ef: {  	v8 =	vld [tilespmem:s13+$0xB200];
	_ =	sdelay $0x4  }
0x1f0: {  	[tilespmem:$0xD660] =	vst v3;
	v8 =	vadd.s32 v0, v8  }
0x1f1: {  	s13 =	rddreg [dreg:$0x1a];
	[tilespmem:$0xD460] =	vst v8  }
0x1f2: {  	v8 =	vld [tilespmem:s13+$0x9200];
	_ =	sdelay $0x4  }
0x1f3: {  	v8 =	vadd.s32 v0, v8  }
0x1f4: {  	[tilespmem:$0xD270] =	vst v8  }
0x1f5: {  	v8 =	vld [tilespmem:s13+$0xB200];
	_ =	sdelay $0x4  }
0x1f6: {  	[tilespmem:$0xD670] =	vst v3;
	v8 =	vadd.s32 v0, v8  }
0x1f7: {  	s13 =	rddreg [dreg:$0x7];
	[tilespmem:$0xD470] =	vst v8  }
0x1f8: {  	v8 =	vld [tilespmem:s13+$0x9200];
	_ =	sdelay $0x4  }
0x1f9: {  	v8 =	vadd.s32 v0, v8  }
0x1fa: {  	[tilespmem:$0xD280] =	vst v8  }
0x1fb: {  	v8 =	vld [tilespmem:s13+$0xB200];
	_ =	sdelay $0x4  }
0x1fc: {  	[tilespmem:$0xD680] =	vst v3;
	v8 =	vadd.s32 v0, v8  }
0x1fd: {  	s13 =	rddreg [dreg:$0x1c];
	[tilespmem:$0xD480] =	vst v8  }
0x1fe: {  	v8 =	vld [tilespmem:s13+$0x9200];
	_ =	sdelay $0x4  }
0x1ff: {  	v8 =	vadd.s32 v0, v8  }
0x200: {  	[tilespmem:$0xD290] =	vst v8  }
0x201: {  	v8 =	vld [tilespmem:s13+$0xB200];
	_ =	sdelay $0x4  }
0x202: {  	[tilespmem:$0xD690] =	vst v3;
	v8 =	vadd.s32 v0, v8  }
0x203: {  	s13 =	rddreg [dreg:$0x1d];
	[tilespmem:$0xD490] =	vst v8  }
0x204: {  	v8 =	vld [tilespmem:s13+$0x9200];
	_ =	sdelay $0x4  }
0x205: {  	v8 =	vadd.s32 v0, v8  }
0x206: {  	[tilespmem:$0xD2A0] =	vst v8  }
0x207: {  	v8 =	vld [tilespmem:s13+$0xB200];
	_ =	sdelay $0x4  }
0x208: {  	[tilespmem:$0xD6A0] =	vst v3;
	v8 =	vadd.s32 v0, v8  }
0x209: {  	s13 =	rddreg [dreg:$0x1e];
	[tilespmem:$0xD4A0] =	vst v8  }
0x20a: {  	v8 =	vld [tilespmem:s13+$0x9200];
	_ =	sdelay $0x4  }
0x20b: {  	v8 =	vadd.s32 v0, v8  }
0x20c: {  	[tilespmem:$0xD2B0] =	vst v8  }
0x20d: {  	v8 =	vld [tilespmem:s13+$0xB200];
	_ =	sdelay $0x4  }
0x20e: {  	[tilespmem:$0xD6B0] =	vst v3;
	v8 =	vadd.s32 v0, v8  }
0x20f: {  	s13 =	rddreg [dreg:$0x1f];
	[tilespmem:$0xD4B0] =	vst v8  }
0x210: {  	v8 =	vld [tilespmem:s13+$0x9200];
	_ =	sdelay $0x4  }
0x211: {  	v8 =	vadd.s32 v0, v8  }
0x212: {  	[tilespmem:$0xD2C0] =	vst v8  }
0x213: {  	v8 =	vld [tilespmem:s13+$0xB200];
	_ =	sdelay $0x3  }
0x214: {  	s13 =	sld [smem:$0x7E3]  }
0x215: {  	[tilespmem:$0xD6C0] =	vst v3;
	v8 =	vadd.s32 v0, v8  }
0x216: {  	[tilespmem:$0xD4C0] =	vst v8  }
0x217: {  	v8 =	vld [tilespmem:s13+$0x9200];
	_ =	sdelay $0x4  }
0x218: {  	v8 =	vadd.s32 v0, v8  }
0x219: {  	[tilespmem:$0xD2D0] =	vst v8  }
0x21a: {  	v8 =	vld [tilespmem:s13+$0xB200];
	_ =	sdelay $0x3  }
0x21b: {  	s13 =	sld [smem:$0x7E4]  }
0x21c: {  	[tilespmem:$0xD6D0] =	vst v3;
	v8 =	vadd.s32 v0, v8  }
0x21d: {  	[tilespmem:$0xD4D0] =	vst v8  }
0x21e: {  	v8 =	vld [tilespmem:s13+$0x9200];
	_ =	sdelay $0x4  }
0x21f: {  	v8 =	vadd.s32 v0, v8  }
0x220: {  	[tilespmem:$0xD2E0] =	vst v8  }
0x221: {  	v8 =	vld [tilespmem:s13+$0xB200];
	_ =	sdelay $0x3  }
0x222: {  	s13 =	sld [smem:$0x7E5]  }
0x223: {  	[tilespmem:$0xD6E0] =	vst v3;
	v8 =	vadd.s32 v0, v8  }
0x224: {  	[tilespmem:$0xD4E0] =	vst v8  }
0x225: {  	v8 =	vld [tilespmem:s13+$0x9200];
	_ =	sdelay $0x4  }
0x226: {  	v8 =	vadd.s32 v0, v8  }
0x227: {  	[tilespmem:$0xD2F0] =	vst v8  }
0x228: {  	v8 =	vld [tilespmem:s13+$0xB200];
	_ =	sdelay $0x4  }
0x229: {  	[tilespmem:$0xD6F0] =	vst v3;
	v8 =	vadd.s32 v0, v8  }
0x22a: {  	s13 =	rddreg [dreg:$0x8];
	[tilespmem:$0xD4F0] =	vst v8  }
0x22b: {  	v8 =	vld [tilespmem:s13+$0x9200];
	_ =	sdelay $0x4  }
0x22c: {  	v8 =	vadd.s32 v0, v8  }
0x22d: {  	[tilespmem:$0xD300] =	vst v8  }
0x22e: {  	v8 =	vld [tilespmem:s13+$0xB200];
	_ =	sdelay $0x3  }
0x22f: {  	s13 =	sld [smem:$0x7E7]  }
0x230: {  	[tilespmem:$0xD700] =	vst v3;
	v8 =	vadd.s32 v0, v8  }
0x231: {  	[tilespmem:$0xD500] =	vst v8  }
0x232: {  	v8 =	vld [tilespmem:s13+$0x9200];
	_ =	sdelay $0x4  }
0x233: {  	v8 =	vadd.s32 v0, v8  }
0x234: {  	[tilespmem:$0xD310] =	vst v8  }
0x235: {  	v8 =	vld [tilespmem:s13+$0xB200];
	_ =	sdelay $0x3  }
0x236: {  	s13 =	sld [smem:$0x7E8]  }
0x237: {  	[tilespmem:$0xD710] =	vst v3;
	v8 =	vadd.s32 v0, v8  }
0x238: {  	[tilespmem:$0xD510] =	vst v8  }
0x239: {  	v8 =	vld [tilespmem:s13+$0x9200];
	_ =	sdelay $0x4  }
0x23a: {  	v8 =	vadd.s32 v0, v8  }
0x23b: {  	[tilespmem:$0xD320] =	vst v8  }
0x23c: {  	v8 =	vld [tilespmem:s13+$0xB200];
	_ =	sdelay $0x3  }
0x23d: {  	s13 =	sld [smem:$0x7E9]  }
0x23e: {  	[tilespmem:$0xD720] =	vst v3;
	v8 =	vadd.s32 v0, v8  }
0x23f: {  	[tilespmem:$0xD520] =	vst v8  }
0x240: {  	v8 =	vld [tilespmem:s13+$0x9200];
	_ =	sdelay $0x4  }
0x241: {  	v8 =	vadd.s32 v0, v8  }
0x242: {  	[tilespmem:$0xD330] =	vst v8  }
0x243: {  	v8 =	vld [tilespmem:s13+$0xB200];
	_ =	sdelay $0x3  }
0x244: {  	s13 =	sld [smem:$0x7EA]  }
0x245: {  	[tilespmem:$0xD730] =	vst v3;
	v8 =	vadd.s32 v0, v8  }
0x246: {  	[tilespmem:$0xD530] =	vst v8  }
0x247: {  	v8 =	vld [tilespmem:s13+$0x9200];
	_ =	sdelay $0x4  }
0x248: {  	v8 =	vadd.s32 v0, v8  }
0x249: {  	[tilespmem:$0xD340] =	vst v8  }
0x24a: {  	v8 =	vld [tilespmem:s13+$0xB200];
	_ =	sdelay $0x3  }
0x24b: {  	s13 =	sld [smem:$0x7EB]  }
0x24c: {  	[tilespmem:$0xD740] =	vst v3;
	v8 =	vadd.s32 v0, v8  }
0x24d: {  	[tilespmem:$0xD540] =	vst v8  }
0x24e: {  	v8 =	vld [tilespmem:s13+$0x9200];
	_ =	sdelay $0x4  }
0x24f: {  	v8 =	vadd.s32 v0, v8  }
0x250: {  	[tilespmem:$0xD350] =	vst v8  }
0x251: {  	v8 =	vld [tilespmem:s13+$0xB200];
	_ =	sdelay $0x3  }
0x252: {  	s13 =	sld [smem:$0x7EC]  }
0x253: {  	[tilespmem:$0xD750] =	vst v3;
	v8 =	vadd.s32 v0, v8  }
0x254: {  	[tilespmem:$0xD550] =	vst v8  }
0x255: {  	v8 =	vld [tilespmem:s13+$0x9200];
	_ =	sdelay $0x4  }
0x256: {  	v8 =	vadd.s32 v0, v8  }
0x257: {  	[tilespmem:$0xD360] =	vst v8  }
0x258: {  	v8 =	vld [tilespmem:s13+$0xB200];
	_ =	sdelay $0x3  }
0x259: {  	s13 =	sld [smem:$0x7ED]  }
0x25a: {  	[tilespmem:$0xD760] =	vst v3;
	v8 =	vadd.s32 v0, v8  }
0x25b: {  	[tilespmem:$0xD560] =	vst v8  }
0x25c: {  	v8 =	vld [tilespmem:s13+$0x9200];
	_ =	sdelay $0x4  }
0x25d: {  	v8 =	vadd.s32 v0, v8  }
0x25e: {  	[tilespmem:$0xD370] =	vst v8  }
0x25f: {  	v8 =	vld [tilespmem:s13+$0xB200];
	_ =	sdelay $0x4  }
0x260: {  	[tilespmem:$0xD770] =	vst v3;
	v8 =	vadd.s32 v0, v8  }
0x261: {  	s13 =	rddreg [dreg:$0x9];
	[tilespmem:$0xD570] =	vst v8  }
0x262: {  	v8 =	vld [tilespmem:s13+$0x9200];
	_ =	sdelay $0x4  }
0x263: {  	v8 =	vadd.s32 v0, v8  }
0x264: {  	[tilespmem:$0xD380] =	vst v8  }
0x265: {  	v8 =	vld [tilespmem:s13+$0xB200];
	_ =	sdelay $0x4  }
0x266: {  	[tilespmem:$0xD780] =	vst v3;
	v8 =	vadd.s32 v0, v8  }
0x267: {  	[tilespmem:$0xD580] =	vst v8  }
0x268: {  	v8 =	vld [tilespmem:s15+$0x9200];
	_ =	sdelay $0x4  }
0x269: {  	v8 =	vadd.s32 v0, v8  }
0x26a: {  	[tilespmem:$0xD390] =	vst v8  }
0x26b: {  	v8 =	vld [tilespmem:s15+$0xB200];
	_ =	sdelay $0x4  }
0x26c: {  	[tilespmem:$0xD790] =	vst v3;
	v8 =	vadd.s32 v0, v8  }
0x26d: {  	[tilespmem:$0xD590] =	vst v8  }
0x26e: {  	v8 =	vld [tilespmem:s2+$0x9200];
	_ =	sdelay $0x4  }
0x26f: {  	v8 =	vadd.s32 v0, v8  }
0x270: {  	[tilespmem:$0xD3A0] =	vst v8  }
0x271: {  	v8 =	vld [tilespmem:s2+$0xB200];
	_ =	sdelay $0x4  }
0x272: {  	[tilespmem:$0xD7A0] =	vst v3;
	v8 =	vadd.s32 v0, v8  }
0x273: {  	[tilespmem:$0xD5A0] =	vst v8  }
0x274: {  	v8 =	vld [tilespmem:s26+$0x9200];
	_ =	sdelay $0x4  }
0x275: {  	v8 =	vadd.s32 v0, v8  }
0x276: {  	[tilespmem:$0xD3B0] =	vst v8  }
0x277: {  	v8 =	vld [tilespmem:s26+$0xB200];
	_ =	sdelay $0x4  }
0x278: {  	[tilespmem:$0xD7B0] =	vst v3;
	v8 =	vadd.s32 v0, v8  }
0x279: {  	[tilespmem:$0xD5B0] =	vst v8  }
0x27a: {  	v8 =	vld [tilespmem:s28+$0x9200];
	_ =	sdelay $0x4  }
0x27b: {  	v8 =	vadd.s32 v0, v8  }
0x27c: {  	[tilespmem:$0xD3C0] =	vst v8  }
0x27d: {  	v8 =	vld [tilespmem:s28+$0xB200];
	_ =	sdelay $0x4  }
0x27e: {  	[tilespmem:$0xD7C0] =	vst v3;
	v8 =	vadd.s32 v0, v8  }
0x27f: {  	[tilespmem:$0xD5C0] =	vst v8  }
0x280: {  	v8 =	vld [tilespmem:s29+$0x9200];
	_ =	sdelay $0x4  }
0x281: {  	v8 =	vadd.s32 v0, v8  }
0x282: {  	[tilespmem:$0xD3D0] =	vst v8  }
0x283: {  	v8 =	vld [tilespmem:s29+$0xB200];
	_ =	sdelay $0x4  }
0x284: {  	[tilespmem:$0xD7D0] =	vst v3;
	v8 =	vadd.s32 v0, v8  }
0x285: {  	[tilespmem:$0xD5D0] =	vst v8  }
0x286: {  	v8 =	vld [tilespmem:s30+$0x9200];
	_ =	sdelay $0x4  }
0x287: {  	v8 =	vadd.s32 v0, v8  }
0x288: {  	[tilespmem:$0xD3E0] =	vst v8  }
0x289: {  	v8 =	vld [tilespmem:s30+$0xB200];
	_ =	sdelay $0x4  }
0x28a: {  	[tilespmem:$0xD7E0] =	vst v3;
	v8 =	vadd.s32 v0, v8  }
0x28b: {  	[tilespmem:$0xD5E0] =	vst v8  }
0x28c: {  	v8 =	vld [tilespmem:s31+$0x9200];
	_ =	sdelay $0x4  }
0x28d: {  	v8 =	vadd.s32 v0, v8  }
0x28e: {  	[tilespmem:$0xD3F0] =	vst v8  }
0x28f: {  	v8 =	vld [tilespmem:s31+$0xB200];
	_ =	sdelay $0x4  }
0x290: {  	[tilespmem:$0xD7F0] =	vst v3;
	v8 =	vadd.s32 v0, v8  }
0x291: {  	[tilespmem:$0xD5F0] =	vst v8  }
0x292: {  	[spmem:s0] =	stream.linear.scatter [tilespmem:s3], [sflag:$0x4], $0x200, $0x38;
	[tilespmem:$0x1F040] =	vst v63  }
0x293: {  	_ =	swait.ge [sflag:s1], $0x200  }
0x294: {  	[sflag:s1] =	ssyncset.done $0x0  }
0x295: {  	[sflag:s1] =	ssyncadd.s32 $0xFFFFFE00  }
0x296: {  	[spmem:s14] =	stream.linear.scatter [tilespmem:s5], [sflag:$0x4], $0x800, $0x38;
	[tilespmem:$0x1F040] =	vst v63  }
0x297: {  	_ =	swait.ge [sflag:s1], $0x800  }
0x298: {  	s3 =	sld [smem:$0x7EF]  }
0x299: {  	[sflag:s1] =	ssyncset.done $0x0  }
0x29a: {  	[sflag:s1] =	ssyncadd.s32 $0xFFFFF800  }
0x29b: {  	[spmem:s3] =	stream.linear.scatter [tilespmem:s5], [sflag:$0x4], $0x800, $0x38;
	[tilespmem:$0x1F040] =	vst v63  }
0x29c: {  	_ =	swait.ge [sflag:s1], $0x800  }
0x29d: {  	s13 =	sld [smem:$0x7F0]  }
0x29e: {  	[sflag:s1] =	ssyncset.done $0x0  }
0x29f: {  	[sflag:s1] =	ssyncadd.s32 $0xFFFFF800  }
0x2a0: {  	[spmem:s13] =	stream.linear.scatter [tilespmem:s5], [sflag:$0x4], $0x800, $0x38;
	[tilespmem:$0x1F040] =	vst v63  }
0x2a1: {  	_ =	swait.ge [sflag:s1], $0x800  }
0x2a2: {  	s3 =	sld [smem:$0x7F1]  }
0x2a3: {  	[sflag:s1] =	ssyncset.done $0x0  }
0x2a4: {  	[sflag:s1] =	ssyncadd.s32 $0xFFFFF800  }
0x2a5: {  	[spmem:s3] =	stream.linear.scatter [tilespmem:s5], [sflag:$0x4], $0x800, $0x38;
	[tilespmem:$0x1F040] =	vst v63  }
0x2a6: {  	_ =	swait.ge [sflag:s1], $0x800  }
0x2a7: {  	s13 =	sld [smem:$0x7F2]  }
0x2a8: {  	[sflag:s1] =	ssyncset.done $0x0  }
0x2a9: {  	[sflag:s1] =	ssyncadd.s32 $0xFFFFF800  }
0x2aa: {  	[spmem:s13] =	stream.linear.scatter [tilespmem:s5], [sflag:$0x4], $0x800, $0x38;
	[tilespmem:$0x1F040] =	vst v63  }
0x2ab: {  	_ =	swait.ge [sflag:s1], $0x800  }
0x2ac: {  	s3 =	sld [smem:$0x7F3]  }
0x2ad: {  	[sflag:s1] =	ssyncset.done $0x0  }
0x2ae: {  	[sflag:s1] =	ssyncadd.s32 $0xFFFFF800  }
0x2af: {  	[spmem:s3] =	stream.linear.scatter [tilespmem:s5], [sflag:$0x4], $0x800, $0x38;
	[tilespmem:$0x1F040] =	vst v63  }
0x2b0: {  	_ =	swait.ge [sflag:s1], $0x800  }
0x2b1: {  	s13 =	sld [smem:$0x7F4]  }
0x2b2: {  	[sflag:s1] =	ssyncset.done $0x0  }
0x2b3: {  	[sflag:s1] =	ssyncadd.s32 $0xFFFFF800  }
0x2b4: {  	[spmem:s13] =	stream.linear.scatter [tilespmem:s5], [sflag:$0x4], $0x800, $0x38;
	[tilespmem:$0x1F040] =	vst v63  }
0x2b5: {  	_ =	swait.ge [sflag:s1], $0x800  }
0x2b6: {  	s3 =	sld [smem:$0x7F5]  }
0x2b7: {  	[sflag:s1] =	ssyncset.done $0x0  }
0x2b8: {  	[sflag:s1] =	ssyncadd.s32 $0xFFFFF800  }
0x2b9: {  	[spmem:s3] =	stream.linear.scatter [tilespmem:s5], [sflag:$0x4], $0x800, $0x38;
	[tilespmem:$0x1F040] =	vst v63  }
0x2ba: {  	_ =	swait.ge [sflag:s1], $0x800  }
0x2bb: {  	s13 =	sld [smem:$0x7F6]  }
0x2bc: {  	[sflag:s1] =	ssyncset.done $0x0  }
0x2bd: {  	[sflag:s1] =	ssyncadd.s32 $0xFFFFF800  }
0x2be: {  	[spmem:s13] =	stream.linear.scatter [tilespmem:s5], [sflag:$0x4], $0x800, $0x38;
	[tilespmem:$0x1F040] =	vst v63  }
0x2bf: {  	_ =	swait.ge [sflag:s1], $0x800  }
0x2c0: {  	s3 =	sld [smem:$0x7F7]  }
0x2c1: {  	[sflag:s1] =	ssyncset.done $0x0  }
0x2c2: {  	[sflag:s1] =	ssyncadd.s32 $0xFFFFF800  }
0x2c3: {  	[spmem:s3] =	stream.linear.scatter [tilespmem:s5], [sflag:$0x4], $0x800, $0x38;
	[tilespmem:$0x1F040] =	vst v63  }
0x2c4: {  	_ =	swait.ge [sflag:s1], $0x800  }
0x2c5: {  	s13 =	sld [smem:$0x7F8]  }
0x2c6: {  	[sflag:s1] =	ssyncset.done $0x0  }
0x2c7: {  	[sflag:s1] =	ssyncadd.s32 $0xFFFFF800  }
0x2c8: {  	[spmem:s13] =	stream.linear.scatter [tilespmem:s5], [sflag:$0x4], $0x800, $0x38;
	[tilespmem:$0x1F040] =	vst v63  }
0x2c9: {  	_ =	swait.ge [sflag:s1], $0x800  }
0x2ca: {  	s3 =	sld [smem:$0x7F9]  }
0x2cb: {  	[sflag:s1] =	ssyncset.done $0x0  }
0x2cc: {  	[sflag:s1] =	ssyncadd.s32 $0xFFFFF800  }
0x2cd: {  	[spmem:s3] =	stream.linear.scatter [tilespmem:s5], [sflag:$0x4], $0x800, $0x38;
	[tilespmem:$0x1F040] =	vst v63  }
0x2ce: {  	_ =	swait.ge [sflag:s1], $0x800  }
0x2cf: {  	s13 =	sld [smem:$0x7FA]  }
0x2d0: {  	[sflag:s1] =	ssyncset.done $0x0  }
0x2d1: {  	[sflag:s1] =	ssyncadd.s32 $0xFFFFF800  }
0x2d2: {  	[spmem:s13] =	stream.linear.scatter [tilespmem:s5], [sflag:$0x4], $0x800, $0x38;
	[tilespmem:$0x1F040] =	vst v63  }
0x2d3: {  	_ =	swait.ge [sflag:s1], $0x800  }
0x2d4: {  	s3 =	sld [smem:$0x7FB]  }
0x2d5: {  	[sflag:s1] =	ssyncset.done $0x0  }
0x2d6: {  	[sflag:s1] =	ssyncadd.s32 $0xFFFFF800  }
0x2d7: {  	[spmem:s3] =	stream.linear.scatter [tilespmem:s5], [sflag:$0x4], $0x800, $0x38;
	[tilespmem:$0x1F040] =	vst v63  }
0x2d8: {  	_ =	swait.ge [sflag:s1], $0x800  }
0x2d9: {  	s13 =	sld [smem:$0x7FC]  }
0x2da: {  	[sflag:s1] =	ssyncset.done $0x0  }
0x2db: {  	[sflag:s1] =	ssyncadd.s32 $0xFFFFF800  }
0x2dc: {  	[spmem:s13] =	stream.linear.scatter [tilespmem:s5], [sflag:$0x4], $0x800, $0x38;
	[tilespmem:$0x1F040] =	vst v63  }
0x2dd: {  	_ =	swait.ge [sflag:s1], $0x800  }
0x2de: {  	s3 =	sld [smem:$0x7FD]  }
0x2df: {  	[sflag:s1] =	ssyncset.done $0x0  }
0x2e0: {  	[sflag:s1] =	ssyncadd.s32 $0xFFFFF800  }
0x2e1: {  	[spmem:s3] =	stream.linear.scatter [tilespmem:s5], [sflag:$0x4], $0x800, $0x38;
	[tilespmem:$0x1F040] =	vst v63  }
0x2e2: {  	_ =	swait.ge [sflag:s1], $0x800  }
0x2e3: {  	[sflag:s1] =	ssyncset.done $0x0  }
0x2e4: {  	s12 =	simm.s32 $0x1E040;
	[sflag:s1] =	ssyncadd.s32 $0xFFFFF800  }
0x2e5: {  	[spmem:s21] =	stream.linear.scatter [tilespmem:s12], [sflag:$0x4], $0x1000, $0x38;
	[tilespmem:$0x1F040] =	vst v63  }
0x2e6: {  	_ =	swait.ge [sflag:s1], $0x1000  }
0x2e7: {  	[sflag:s1] =	ssyncset.done $0x0  }
0x2e8: {  	[sflag:s1] =	ssyncadd.s32 $0xFFFFF000  }
0x2e9: {  	s13 =	smov.u32 s21;
	s12 =	simm.s32 $0x0;
	[bflag:$0x0] =	sbarrier.arrive $0xFFFF  }
.LBB2_2:
0x2ea: {  	v8 =	vld [tilespmem:s11+$0x0]  }
0x2eb: {  	v9 =	vld [tilespmem:s8+$0x0];
	_ =	sdelay $0x3  }
0x2ec: {  	v8 =	vshll.u32 v8, $0x9  }
0x2ed: {  	v8 =	vadd.s32 v9, v8  }
0x2ee: {  	v10 =	vshrl.u32 v8, $0xE  }
0x2ef: {  	v9 =	vand.u32 $0x7, v9;
	v8 =	vand.u32 $0x3FF8, v8;
	vm0 =	veq.s32 v10, v1  }
0x2f0: {  	p0 =	sne.s32 s12, $0x1FF0;
	v8 =	vor.u32 v9, v8  }
.Ltmp0:
0x2f1: {  	_ = 	snop;
	(pc) =	sbr.rel @p0 .LBB2_2-.Ltmp0, $3  }
0x2f2: {  	_ =	sdelay $0x1  }
0x2f3: {  	v63 =	vor.u32 s12, v4  }
0x2f4: {  	s8 =	sadd.s32 $0x10, s8;
	s11 =	sadd.s32 $0x10, s11;
	s12 =	sadd.s32 $0x10, s12;
	[tilespmem:v8+s6+$0x0] =	vst.idx.msk vm0, v63  }
0x2f5: {  	s11 =	simm.s32 $0x0  }
0x2f6: {  	v8 =	vld [tilespmem:s11+$0x9200]  }
0x2f7: {  	v9 =	vld [tilespmem:s11+$0xB200];
	_ =	sdelay $0x3  }
0x2f8: {  	v8 =	vshll.u32 v8, $0x9  }
0x2f9: {  	s8 =	simm.s32 $0x10;
	v8 =	vadd.s32 v9, v8  }
0x2fa: {  	v11 =	vld [tilespmem:s8+$0x9200];
	v10 =	vshrl.u32 v8, $0xE  }
0x2fb: {  	v9 =	vand.u32 $0x7, v9;
	vm1 =	veq.s32 v10, v1;
	v10 =	vand.u32 $0x3FF8, v8;
	v8 =	vld [tilespmem:s8+$0xB200]  }
0x2fc: {  	v9 =	vor.u32 v9, v10;
	_ =	sdelay $0x2  }
0x2fd: {  	v10 =	vshll.u32 v11, $0x9  }
0x2fe: {  	v10 =	vadd.s32 v8, v10  }
0x2ff: {  	s12 =	simm.s32 $0x20;
	s21 =	simm.s32 $0xC0;
	vm0 =	vmmov vm1;
	v9 =	vld.idx.msk [tilespmem:v9+s6+$0x0], vm1;
	v11 =	vshrl.u32 v10, $0xE  }
.LBB2_4:
0x300: {  	p0 =	sne.s32 s21, $0x7FC0;
	v12 =	vld [tilespmem:s12+$0x9200];
	vm1 =	veq.s32 v11, v1;
	v10 =	vand.u32 $0x3FF8, v10;
	v11 =	vand.u32 $0x7, v8  }
0x301: {  	v8 =	vld [tilespmem:s12+$0xB200];
	v11 =	vor.u32 v11, v10;
	_ =	sdelay $0x1  }
.Ltmp1:
0x302: {  	(pc) =	sbr.rel @p0 .LBB2_4-.Ltmp1, $4  }
0x303: {  	v9 =	vnsel vm0, $0x0, v9;
	vm0 =	vmmov vm1  }
0x304: {  	v10 =	vshll.u32 v12, $0x9;
	[tilespmem:s11+$0x11800] =	vst v9;
	s11 =	smov.u32 s8;
	s8 =	smov.u32 s12  }
0x305: {  	v10 =	vadd.s32 v8, v10;
	v9 =	vld.idx.msk [tilespmem:v11+s6+$0x0], vm1  }
0x306: {  	s12 =	sshra.s32 s21, $0x2;
	s21 =	sadd.s32 $0x40, s21;
	v11 =	vshrl.u32 v10, $0xE  }
0x307: {  	v12 =	vld [tilespmem:s12+$0x9200]  }
0x308: {  	vm1 =	veq.s32 v11, v1;
	v10 =	vand.u32 $0x3FF8, v10;
	v8 =	vand.u32 $0x7, v8;
	v60 =	vld [tilespmem:s12+$0xB200]  }
0x309: {  	v8 =	vor.u32 v8, v10;
	_ =	sdelay $0x2  }
0x30a: {  	v9 =	vnsel vm0, $0x0, v9;
	v61 =	vshll.u32 v12, $0x9  }
0x30b: {  	[tilespmem:s11+$0x11800] =	vst v9;
	v62 =	vadd.s32 v60, v61  }
0x30c: {  	v8 =	vld.idx.msk [tilespmem:v8+s6+$0x0], vm1;
	v10 =	vshrl.u32 v62, $0xE  }
0x30d: {  	v63 =	vand.u32 $0x7, v60;
	v9 =	vand.u32 $0x3FF8, v62;
	vm15 =	veq.s32 v10, v1  }
0x30e: {  	v9 =	vor.u32 v63, v9;
	_ =	sdelay $0x1  }
0x30f: {  	vm1 =	vmmov vm1  }
0x310: {  	v8 =	vnsel vm1, $0x0, v8  }
0x311: {  	[tilespmem:s8+$0x11800] =	vst v8  }
0x312: {  	v8 =	vld.idx.msk [tilespmem:v9+s6+$0x0], vm15;
	_ =	sdelay $0x3  }
0x313: {  	vm0 =	vmmov vm15  }
0x314: {  	v8 =	vnsel vm0, $0x0, v8  }
0x315: {  	[tilespmem:s12+$0x11800] =	vst v8  }
0x316: {  	[tilespmem:$0x13800] =	vst v4  }
0x317: {  	[tilespmem:$0x13810] =	vst v5  }
0x318: {  	s3 =	simm.s32 $0x40;
	[tilespmem:$0x13820] =	vst v6  }
0x319: {  	s21 =	simm.s32 $0x11800;
	s11 =	rddreg [dreg:$0x1];
	s12 =	simm.s32 $0x13800;
	[tilespmem:$0x13830] =	vst v7  }
0x31a: {  	[spmem:s11] =	stream.indirect.scatter.add.s32 [tilespmem:s21], [sflag:$0x4], $0x80, s12, s3, $0xb8;
	[tilespmem:$0x1F040] =	vst v63  }
0x31b: {  	_ =	swait.ge [sflag:s1], $0x2000  }
0x31c: {  	[sflag:s1] =	ssyncset.done $0x0  }
0x31d: {  	[sflag:s1] =	ssyncadd.s32 $0xFFFFE000  }
0x31e: {  	s21 =	simm.s32 $0xD600;
	[bflag:$0x0] =	sbarrier.arrive $0xFFFF  }
0x31f: {  	[tilespmem:s21], [sflag:$0x4] =	stream.linear.gather [spmem:s0], $0x200, $0x38;
	[tilespmem:$0x1F040] =	vst v63  }
0x320: {  	_ =	swait.ge [sflag:s1], $0x200  }
0x321: {  	[sflag:s1] =	ssyncset.done $0x0  }
0x322: {  	s3 =	rddreg [dreg:$0xa];
	[sflag:s1] =	ssyncadd.s32 $0xFFFFFE00  }
0x323: {  	[tilespmem:s16], [sflag:$0x4] =	stream.linear.gather [hbm4b:s3+s4], $0x2000, $0x38;
	[tilespmem:$0x1F040] =	vst v63  }
0x324: {  	_ =	swait.ge [sflag:s1], $0x2000  }
0x325: {  	[sflag:s1] =	ssyncset.done $0x0  }
0x326: {  	[sflag:s1] =	ssyncadd.s32 $0xFFFFE000  }
0x327: {  	s8 =	rddreg [dreg:$0x2]  }
0x328: {  	[spmem:s8] =	stream.indirect.scatter.add.f32 [tilespmem:s16], [sflag:$0x4], $0x40, s21, s17, $0xb8;
	[tilespmem:$0x1F040] =	vst v63  }
0x329: {  	_ =	swait.ge [sflag:s1], $0x2000  }
0x32a: {  	[sflag:s1] =	ssyncset.done $0x0  }
0x32b: {  	s12 =	rddreg [dreg:$0xb];
	[sflag:s1] =	ssyncadd.s32 $0xFFFFE000  }
0x32c: {  	[tilespmem:s16], [sflag:$0x4] =	stream.linear.gather [hbm4b:s12+s4], $0x2000, $0x38;
	[tilespmem:$0x1F040] =	vst v63  }
0x32d: {  	_ =	swait.ge [sflag:s1], $0x2000  }
0x32e: {  	[sflag:s1] =	ssyncset.done $0x0  }
0x32f: {  	s21 =	simm.s32 $0xD680;
	[sflag:s1] =	ssyncadd.s32 $0xFFFFE000  }
0x330: {  	[spmem:s8] =	stream.indirect.scatter.add.f32 [tilespmem:s16], [sflag:$0x4], $0x40, s21, s17, $0xb8;
	[tilespmem:$0x1F040] =	vst v63  }
0x331: {  	_ =	swait.ge [sflag:s1], $0x2000  }
0x332: {  	[sflag:s1] =	ssyncset.done $0x0  }
0x333: {  	s12 =	rddreg [dreg:$0xc];
	[sflag:s1] =	ssyncadd.s32 $0xFFFFE000  }
0x334: {  	[tilespmem:s16], [sflag:$0x4] =	stream.linear.gather [hbm4b:s12+s4], $0x2000, $0x38;
	[tilespmem:$0x1F040] =	vst v63  }
0x335: {  	_ =	swait.ge [sflag:s1], $0x2000  }
0x336: {  	[sflag:s1] =	ssyncset.done $0x0  }
0x337: {  	s21 =	simm.s32 $0xD700;
	[sflag:s1] =	ssyncadd.s32 $0xFFFFE000  }
0x338: {  	[spmem:s8] =	stream.indirect.scatter.add.f32 [tilespmem:s16], [sflag:$0x4], $0x40, s21, s17, $0xb8;
	[tilespmem:$0x1F040] =	vst v63  }
0x339: {  	_ =	swait.ge [sflag:s1], $0x2000  }
0x33a: {  	[sflag:s1] =	ssyncset.done $0x0  }
0x33b: {  	s12 =	rddreg [dreg:$0xd];
	[sflag:s1] =	ssyncadd.s32 $0xFFFFE000  }
0x33c: {  	[tilespmem:s16], [sflag:$0x4] =	stream.linear.gather [hbm4b:s12+s4], $0x2000, $0x38;
	[tilespmem:$0x1F040] =	vst v63  }
0x33d: {  	_ =	swait.ge [sflag:s1], $0x2000  }
0x33e: {  	[sflag:s1] =	ssyncset.done $0x0  }
0x33f: {  	s21 =	simm.s32 $0xD780;
	[sflag:s1] =	ssyncadd.s32 $0xFFFFE000  }
0x340: {  	[spmem:s8] =	stream.indirect.scatter.add.f32 [tilespmem:s16], [sflag:$0x4], $0x40, s21, s17, $0xb8;
	[tilespmem:$0x1F040] =	vst v63  }
0x341: {  	_ =	swait.ge [sflag:s1], $0x2000  }
0x342: {  	[sflag:s1] =	ssyncset.done $0x0  }
0x343: {  	s11 =	simm.s32 $0xFFFF0200;
	[sflag:s1] =	ssyncadd.s32 $0xFFFFE000  }
0x344: {  	s3 =	simm.s32 $0xD600;
	s8 =	simm.s32 $0xFFFFC000;
	[bflag:$0x0] =	sbarrier.arrive $0xFFFF  }
.LBB2_6:
0x345: {  	p0 =	sne.s32 s11, $0xFFFFFE00;
	[tilespmem:s8+$0x1D8B0] =	vst v2;
	s12 =	smov.u32 s11;
	s11 =	sadd.s32 $0x200, s11  }
.Ltmp2:
0x346: {  	[tilespmem:s8+$0x1D8A0] =	vst v2;
	(pc) =	sbr.rel @p0 .LBB2_6-.Ltmp2, $3  }
0x347: {  	[tilespmem:s8+$0x1D880] =	vst v2  }
0x348: {  	[tilespmem:s8+$0x1D890] =	vst v2;
	_ =	sdelay $0x1  }
0x349: {  	s8 =	sshra.s32 s12, $0x2  }
0x34a: {  	[tilespmem:s8+$0x1D8B0] =	vst v2  }
0x34b: {  	[tilespmem:s8+$0x1D8A0] =	vst v2  }
0x34c: {  	[tilespmem:s8+$0x1D880] =	vst v2  }
0x34d: {  	[tilespmem:s8+$0x1D890] =	vst v2  }
0x34e: {  	[tilespmem:s18], [sflag:$0x3] =	stream.linear.gather [spmem:s14], $0x2000, $0x38;
	[tilespmem:$0x1F040] =	vst v63  }
0x34f: {  	s12 =	simm.s32 $0xD200  }
0x350: {  	[tilespmem:s16], [sflag:$0x1] =	stream.indirect.gather [hbm4b:s7+s17], $0x40, s12, s17, $0xb8;
	[tilespmem:$0x1F040] =	vst v63  }
0x351: {  	s21 =	simm.s32 $0xD400  }
0x352: {  	[tilespmem:s19], [sflag:$0x2] =	stream.indirect.gather [hbm4b:s9+s17], $0x40, s21, s17, $0xb8;
	[tilespmem:$0x1F040] =	vst v63  }
0x353: {  	_ =	swait.ge [sflag:s20], $0x2000  }
0x354: {  	[sflag:s20] =	ssyncset.done $0x0  }
0x355: {  	[sflag:s20] =	ssyncadd.s32 $0xFFFFE000  }
0x356: {  	_ =	swait.ge [sflag:s22], $0x2000  }
0x357: {  	[sflag:s22] =	ssyncset.done $0x0  }
0x358: {  	[sflag:s22] =	ssyncadd.s32 $0xFFFFE000  }
0x359: {  	_ =	swait.ge [sflag:s23], $0x2000  }
0x35a: {  	[sflag:s23] =	ssyncset.done $0x0  }
0x35b: {  	s11 =	simm.s32 $0x0;
	[sflag:s23] =	ssyncadd.s32 $0xFFFFE000  }
0x35c: {  	v8 =	vld [tilespmem:s11+$0x13840]  }
0x35d: {  	v9 =	vld [tilespmem:s11+$0x15840];
	_ =	sdelay $0x1  }
0x35e: {  	v10 =	vld [tilespmem:s11+$0x17840];
	_ =	sdelay $0x2  }
0x35f: {  	v8 =	vadd.f32 v9, v8;
	_ =	sdelay $0x1  }
0x360: {  	v9 =	vadd.f32 v10, v8;
	_ =	sdelay $0x1  }
0x361: {  	v8 =	vmax.f32 v8, $0.0e+00;
	v9 =	vmax.f32 v9, $0.0e+00  }
0x362: {  	v8 =	vsub.f32 v9, v8  }
0x363: {  	s8 =	simm.s32 $0x19860  }
0x364: {  	[tilespmem:s8+$0xFFFFFFE0] =	vst v8  }
0x365: {  	v8 =	vld [tilespmem:s11+$0x13850]  }
0x366: {  	v9 =	vld [tilespmem:s11+$0x15850];
	_ =	sdelay $0x1  }
0x367: {  	v10 =	vld [tilespmem:s11+$0x17850];
	_ =	sdelay $0x2  }
0x368: {  	v8 =	vadd.f32 v9, v8;
	_ =	sdelay $0x1  }
0x369: {  	v9 =	vadd.f32 v10, v8;
	_ =	sdelay $0x1  }
0x36a: {  	v8 =	vmax.f32 v8, $0.0e+00;
	v9 =	vmax.f32 v9, $0.0e+00  }
0x36b: {  	v8 =	vsub.f32 v9, v8;
	_ =	sdelay $0x1  }
0x36c: {  	[tilespmem:s8+$0xFFFFFFF0] =	vst v8  }
0x36d: {  	v8 =	vld [tilespmem:s11+$0x13860]  }
0x36e: {  	v9 =	vld [tilespmem:s11+$0x15860];
	_ =	sdelay $0x1  }
0x36f: {  	v10 =	vld [tilespmem:s11+$0x17860];
	_ =	sdelay $0x2  }
0x370: {  	v8 =	vadd.f32 v9, v8;
	_ =	sdelay $0x1  }
0x371: {  	v9 =	vadd.f32 v10, v8;
	_ =	sdelay $0x1  }
0x372: {  	v8 =	vmax.f32 v8, $0.0e+00;
	v9 =	vmax.f32 v9, $0.0e+00  }
0x373: {  	v8 =	vsub.f32 v9, v8;
	_ =	sdelay $0x1  }
0x374: {  	[tilespmem:s8+$0x0] =	vst v8  }
0x375: {  	v8 =	vld [tilespmem:s11+$0x13870]  }
0x376: {  	v10 =	vld [tilespmem:s11+$0x15870];
	_ =	sdelay $0x1  }
0x377: {  	v9 =	vld [tilespmem:s11+$0x17870];
	_ =	sdelay $0x2  }
0x378: {  	s12 =	simm.s32 $0x100;
	s11 =	simm.s32 $0x19860;
	v8 =	vadd.f32 v10, v8  }
.LBB2_8:
0x379: {  	p0 =	sne.s32 s12, $0x7F00  }
0x37a: {  	s8 =	sadd.s32 $0x80, s8;
	s21 =	smov.u32 s12;
	s12 =	sadd.s32 $0x100, s12;
	v9 =	vadd.f32 v9, v8  }
0x37b: {  	v8 =	vmax.f32 v8, $0.0e+00  }
0x37c: {  	v9 =	vmax.f32 v9, $0.0e+00  }
0x37d: {  	v8 =	vsub.f32 v9, v8  }
0x37e: {  	s21 =	sshra.s32 s21, $0x2  }
0x37f: {  	[tilespmem:s11+$0x10] =	vst v8;
	s11 =	smov.u32 s8  }
0x380: {  	v8 =	vld [tilespmem:s21+$0x13840]  }
0x381: {  	v9 =	vld [tilespmem:s21+$0x15840];
	_ =	sdelay $0x1  }
0x382: {  	v10 =	vld [tilespmem:s21+$0x17840];
	_ =	sdelay $0x2  }
0x383: {  	v8 =	vadd.f32 v9, v8;
	_ =	sdelay $0x1  }
0x384: {  	v9 =	vadd.f32 v10, v8;
	_ =	sdelay $0x1  }
0x385: {  	v8 =	vmax.f32 v8, $0.0e+00;
	v9 =	vmax.f32 v9, $0.0e+00  }
0x386: {  	v8 =	vsub.f32 v9, v8;
	_ =	sdelay $0x1  }
0x387: {  	[tilespmem:s8+$0xFFFFFFE0] =	vst v8  }
0x388: {  	v8 =	vld [tilespmem:s21+$0x13850]  }
0x389: {  	v9 =	vld [tilespmem:s21+$0x15850];
	_ =	sdelay $0x1  }
0x38a: {  	v10 =	vld [tilespmem:s21+$0x17850];
	_ =	sdelay $0x2  }
0x38b: {  	v8 =	vadd.f32 v9, v8;
	_ =	sdelay $0x1  }
0x38c: {  	v9 =	vadd.f32 v10, v8;
	_ =	sdelay $0x1  }
0x38d: {  	v8 =	vmax.f32 v8, $0.0e+00;
	v9 =	vmax.f32 v9, $0.0e+00  }
0x38e: {  	v8 =	vsub.f32 v9, v8;
	_ =	sdelay $0x1  }
0x38f: {  	[tilespmem:s8+$0xFFFFFFF0] =	vst v8  }
0x390: {  	v8 =	vld [tilespmem:s21+$0x13860]  }
0x391: {  	v9 =	vld [tilespmem:s21+$0x15860];
	_ =	sdelay $0x1  }
0x392: {  	v10 =	vld [tilespmem:s21+$0x17860];
	_ =	sdelay $0x2  }
0x393: {  	v8 =	vadd.f32 v9, v8;
	_ =	sdelay $0x1  }
0x394: {  	v9 =	vadd.f32 v10, v8;
	_ =	sdelay $0x1  }
0x395: {  	v8 =	vmax.f32 v8, $0.0e+00;
	v9 =	vmax.f32 v9, $0.0e+00  }
0x396: {  	v8 =	vsub.f32 v9, v8;
	_ =	sdelay $0x1  }
0x397: {  	[tilespmem:s8+$0x0] =	vst v8  }
0x398: {  	v8 =	vld [tilespmem:s21+$0x13870]  }
0x399: {  	v10 =	vld [tilespmem:s21+$0x15870]  }
.Ltmp3:
0x39a: {  	v9 =	vld [tilespmem:s21+$0x17870];
	(pc) =	sbr.rel @p0 .LBB2_8-.Ltmp3, $2  }
0x39b: {  	_ =	sdelay $0x2  }
0x39c: {  	v8 =	vadd.f32 v10, v8  }
0x39d: {  	_ = 	snop  }
0x39e: {  	v9 =	vadd.f32 v9, v8;
	_ =	sdelay $0x1  }
0x39f: {  	v8 =	vmax.f32 v8, $0.0e+00;
	v9 =	vmax.f32 v9, $0.0e+00  }
0x3a0: {  	v8 =	vsub.f32 v9, v8  }
0x3a1: {  	s8 =	rddreg [dreg:$0x3]  }
0x3a2: {  	s12 =	rddreg [dreg:$0x13];
	[tilespmem:s11+$0x10] =	vst v8  }
0x3a3: {  	[spmem:s8] =	stream.indirect.scatter.add.f32 [tilespmem:s24], [sflag:$0x4], $0x80, s12, s17, $0xb8;
	[tilespmem:$0x1F040] =	vst v63  }
0x3a4: {  	_ =	swait.ge [sflag:s1], $0x4000  }
0x3a5: {  	[sflag:s1] =	ssyncset.done $0x0  }
0x3a6: {  	s21 =	rddreg [dreg:$0xe];
	[sflag:s1] =	ssyncadd.s32 $0xFFFFC000  }
0x3a7: {  	[tilespmem:s18], [sflag:$0x3] =	stream.linear.gather [spmem:s21], $0x2000, $0x38;
	[tilespmem:$0x1F040] =	vst v63  }
0x3a8: {  	s11 =	simm.s32 $0xD280  }
0x3a9: {  	[tilespmem:s16], [sflag:$0x1] =	stream.indirect.gather [hbm4b:s7+s17], $0x40, s11, s17, $0xb8;
	[tilespmem:$0x1F040] =	vst v63  }
0x3aa: {  	s12 =	simm.s32 $0xD480  }
0x3ab: {  	[tilespmem:s19], [sflag:$0x2] =	stream.indirect.gather [hbm4b:s9+s17], $0x40, s12, s17, $0xb8;
	[tilespmem:$0x1F040] =	vst v63  }
0x3ac: {  	_ =	swait.ge [sflag:s20], $0x2000  }
0x3ad: {  	[sflag:s20] =	ssyncset.done $0x0  }
0x3ae: {  	[sflag:s20] =	ssyncadd.s32 $0xFFFFE000  }
0x3af: {  	_ =	swait.ge [sflag:s22], $0x2000  }
0x3b0: {  	[sflag:s22] =	ssyncset.done $0x0  }
0x3b1: {  	[sflag:s22] =	ssyncadd.s32 $0xFFFFE000  }
0x3b2: {  	_ =	swait.ge [sflag:s23], $0x2000  }
0x3b3: {  	[sflag:s23] =	ssyncset.done $0x0  }
0x3b4: {  	s21 =	simm.s32 $0x0;
	[sflag:s23] =	ssyncadd.s32 $0xFFFFE000  }
0x3b5: {  	v8 =	vld [tilespmem:s21+$0x13840]  }
0x3b6: {  	v9 =	vld [tilespmem:s21+$0x15840];
	_ =	sdelay $0x1  }
0x3b7: {  	v10 =	vld [tilespmem:s21+$0x17840];
	_ =	sdelay $0x2  }
0x3b8: {  	v8 =	vadd.f32 v9, v8;
	_ =	sdelay $0x1  }
0x3b9: {  	v9 =	vadd.f32 v10, v8;
	_ =	sdelay $0x1  }
0x3ba: {  	v8 =	vmax.f32 v8, $0.0e+00;
	v9 =	vmax.f32 v9, $0.0e+00  }
0x3bb: {  	v8 =	vsub.f32 v9, v8  }
0x3bc: {  	s8 =	simm.s32 $0x19860  }
0x3bd: {  	[tilespmem:s8+$0xFFFFFFE0] =	vst v8  }
0x3be: {  	v8 =	vld [tilespmem:s21+$0x13850]  }
0x3bf: {  	v9 =	vld [tilespmem:s21+$0x15850];
	_ =	sdelay $0x1  }
0x3c0: {  	v10 =	vld [tilespmem:s21+$0x17850];
	_ =	sdelay $0x2  }
0x3c1: {  	v8 =	vadd.f32 v9, v8;
	_ =	sdelay $0x1  }
0x3c2: {  	v9 =	vadd.f32 v10, v8;
	_ =	sdelay $0x1  }
0x3c3: {  	v8 =	vmax.f32 v8, $0.0e+00;
	v9 =	vmax.f32 v9, $0.0e+00  }
0x3c4: {  	v8 =	vsub.f32 v9, v8;
	_ =	sdelay $0x1  }
0x3c5: {  	[tilespmem:s8+$0xFFFFFFF0] =	vst v8  }
0x3c6: {  	v8 =	vld [tilespmem:s21+$0x13860]  }
0x3c7: {  	v9 =	vld [tilespmem:s21+$0x15860];
	_ =	sdelay $0x1  }
0x3c8: {  	v10 =	vld [tilespmem:s21+$0x17860];
	_ =	sdelay $0x2  }
0x3c9: {  	v8 =	vadd.f32 v9, v8;
	_ =	sdelay $0x1  }
0x3ca: {  	v9 =	vadd.f32 v10, v8;
	_ =	sdelay $0x1  }
0x3cb: {  	v8 =	vmax.f32 v8, $0.0e+00;
	v9 =	vmax.f32 v9, $0.0e+00  }
0x3cc: {  	v8 =	vsub.f32 v9, v8;
	_ =	sdelay $0x1  }
0x3cd: {  	[tilespmem:s8+$0x0] =	vst v8  }
0x3ce: {  	v8 =	vld [tilespmem:s21+$0x13870]  }
0x3cf: {  	v10 =	vld [tilespmem:s21+$0x15870];
	_ =	sdelay $0x1  }
0x3d0: {  	v9 =	vld [tilespmem:s21+$0x17870];
	_ =	sdelay $0x2  }
0x3d1: {  	s11 =	simm.s32 $0x19860;
	s12 =	simm.s32 $0x100;
	v8 =	vadd.f32 v10, v8  }
.LBB2_10:
0x3d2: {  	p0 =	sne.s32 s12, $0x7F00  }
0x3d3: {  	s8 =	sadd.s32 $0x80, s8;
	s21 =	smov.u32 s12;
	s12 =	sadd.s32 $0x100, s12;
	v9 =	vadd.f32 v9, v8  }
0x3d4: {  	v8 =	vmax.f32 v8, $0.0e+00  }
0x3d5: {  	v9 =	vmax.f32 v9, $0.0e+00  }
0x3d6: {  	v8 =	vsub.f32 v9, v8  }
0x3d7: {  	s21 =	sshra.s32 s21, $0x2  }
0x3d8: {  	[tilespmem:s11+$0x10] =	vst v8;
	s11 =	smov.u32 s8  }
0x3d9: {  	v8 =	vld [tilespmem:s21+$0x13840]  }
0x3da: {  	v9 =	vld [tilespmem:s21+$0x15840];
	_ =	sdelay $0x1  }
0x3db: {  	v10 =	vld [tilespmem:s21+$0x17840];
	_ =	sdelay $0x2  }
0x3dc: {  	v8 =	vadd.f32 v9, v8;
	_ =	sdelay $0x1  }
0x3dd: {  	v9 =	vadd.f32 v10, v8;
	_ =	sdelay $0x1  }
0x3de: {  	v8 =	vmax.f32 v8, $0.0e+00;
	v9 =	vmax.f32 v9, $0.0e+00  }
0x3df: {  	v8 =	vsub.f32 v9, v8;
	_ =	sdelay $0x1  }
0x3e0: {  	[tilespmem:s8+$0xFFFFFFE0] =	vst v8  }
0x3e1: {  	v8 =	vld [tilespmem:s21+$0x13850]  }
0x3e2: {  	v9 =	vld [tilespmem:s21+$0x15850];
	_ =	sdelay $0x1  }
0x3e3: {  	v10 =	vld [tilespmem:s21+$0x17850];
	_ =	sdelay $0x2  }
0x3e4: {  	v8 =	vadd.f32 v9, v8;
	_ =	sdelay $0x1  }
0x3e5: {  	v9 =	vadd.f32 v10, v8;
	_ =	sdelay $0x1  }
0x3e6: {  	v8 =	vmax.f32 v8, $0.0e+00;
	v9 =	vmax.f32 v9, $0.0e+00  }
0x3e7: {  	v8 =	vsub.f32 v9, v8;
	_ =	sdelay $0x1  }
0x3e8: {  	[tilespmem:s8+$0xFFFFFFF0] =	vst v8  }
0x3e9: {  	v8 =	vld [tilespmem:s21+$0x13860]  }
0x3ea: {  	v9 =	vld [tilespmem:s21+$0x15860];
	_ =	sdelay $0x1  }
0x3eb: {  	v10 =	vld [tilespmem:s21+$0x17860];
	_ =	sdelay $0x2  }
0x3ec: {  	v8 =	vadd.f32 v9, v8;
	_ =	sdelay $0x1  }
0x3ed: {  	v9 =	vadd.f32 v10, v8;
	_ =	sdelay $0x1  }
0x3ee: {  	v8 =	vmax.f32 v8, $0.0e+00;
	v9 =	vmax.f32 v9, $0.0e+00  }
0x3ef: {  	v8 =	vsub.f32 v9, v8;
	_ =	sdelay $0x1  }
0x3f0: {  	[tilespmem:s8+$0x0] =	vst v8  }
0x3f1: {  	v8 =	vld [tilespmem:s21+$0x13870]  }
0x3f2: {  	v10 =	vld [tilespmem:s21+$0x15870]  }
.Ltmp4:
0x3f3: {  	v9 =	vld [tilespmem:s21+$0x17870];
	(pc) =	sbr.rel @p0 .LBB2_10-.Ltmp4, $2  }
0x3f4: {  	_ =	sdelay $0x2  }
0x3f5: {  	v8 =	vadd.f32 v10, v8  }
0x3f6: {  	_ = 	snop  }
0x3f7: {  	v9 =	vadd.f32 v9, v8;
	_ =	sdelay $0x1  }
0x3f8: {  	v8 =	vmax.f32 v8, $0.0e+00;
	v9 =	vmax.f32 v9, $0.0e+00  }
0x3f9: {  	v8 =	vsub.f32 v9, v8  }
0x3fa: {  	s8 =	rddreg [dreg:$0x3]  }
0x3fb: {  	s12 =	rddreg [dreg:$0x1b];
	[tilespmem:s11+$0x10] =	vst v8  }
0x3fc: {  	[spmem:s8] =	stream.indirect.scatter.add.f32 [tilespmem:s24], [sflag:$0x4], $0x80, s12, s17, $0xb8;
	[tilespmem:$0x1F040] =	vst v63  }
0x3fd: {  	_ =	swait.ge [sflag:s1], $0x4000  }
0x3fe: {  	[sflag:s1] =	ssyncset.done $0x0  }
0x3ff: {  	s21 =	rddreg [dreg:$0xf];
	[sflag:s1] =	ssyncadd.s32 $0xFFFFC000  }
0x400: {  	[tilespmem:s18], [sflag:$0x3] =	stream.linear.gather [spmem:s21], $0x2000, $0x38;
	[tilespmem:$0x1F040] =	vst v63  }
0x401: {  	s11 =	simm.s32 $0xD300  }
0x402: {  	[tilespmem:s16], [sflag:$0x1] =	stream.indirect.gather [hbm4b:s7+s17], $0x40, s11, s17, $0xb8;
	[tilespmem:$0x1F040] =	vst v63  }
0x403: {  	s12 =	simm.s32 $0xD500  }
0x404: {  	[tilespmem:s19], [sflag:$0x2] =	stream.indirect.gather [hbm4b:s9+s17], $0x40, s12, s17, $0xb8;
	[tilespmem:$0x1F040] =	vst v63  }
0x405: {  	_ =	swait.ge [sflag:s20], $0x2000  }
0x406: {  	[sflag:s20] =	ssyncset.done $0x0  }
0x407: {  	[sflag:s20] =	ssyncadd.s32 $0xFFFFE000  }
0x408: {  	_ =	swait.ge [sflag:s22], $0x2000  }
0x409: {  	[sflag:s22] =	ssyncset.done $0x0  }
0x40a: {  	[sflag:s22] =	ssyncadd.s32 $0xFFFFE000  }
0x40b: {  	_ =	swait.ge [sflag:s23], $0x2000  }
0x40c: {  	[sflag:s23] =	ssyncset.done $0x0  }
0x40d: {  	s21 =	simm.s32 $0x0;
	[sflag:s23] =	ssyncadd.s32 $0xFFFFE000  }
0x40e: {  	v8 =	vld [tilespmem:s21+$0x13840]  }
0x40f: {  	v9 =	vld [tilespmem:s21+$0x15840];
	_ =	sdelay $0x1  }
0x410: {  	v10 =	vld [tilespmem:s21+$0x17840];
	_ =	sdelay $0x2  }
0x411: {  	v8 =	vadd.f32 v9, v8;
	_ =	sdelay $0x1  }
0x412: {  	v9 =	vadd.f32 v10, v8;
	_ =	sdelay $0x1  }
0x413: {  	v8 =	vmax.f32 v8, $0.0e+00;
	v9 =	vmax.f32 v9, $0.0e+00  }
0x414: {  	v8 =	vsub.f32 v9, v8  }
0x415: {  	s8 =	simm.s32 $0x19860  }
0x416: {  	[tilespmem:s8+$0xFFFFFFE0] =	vst v8  }
0x417: {  	v8 =	vld [tilespmem:s21+$0x13850]  }
0x418: {  	v9 =	vld [tilespmem:s21+$0x15850];
	_ =	sdelay $0x1  }
0x419: {  	v10 =	vld [tilespmem:s21+$0x17850];
	_ =	sdelay $0x2  }
0x41a: {  	v8 =	vadd.f32 v9, v8;
	_ =	sdelay $0x1  }
0x41b: {  	v9 =	vadd.f32 v10, v8;
	_ =	sdelay $0x1  }
0x41c: {  	v8 =	vmax.f32 v8, $0.0e+00;
	v9 =	vmax.f32 v9, $0.0e+00  }
0x41d: {  	v8 =	vsub.f32 v9, v8;
	_ =	sdelay $0x1  }
0x41e: {  	[tilespmem:s8+$0xFFFFFFF0] =	vst v8  }
0x41f: {  	v8 =	vld [tilespmem:s21+$0x13860]  }
0x420: {  	v9 =	vld [tilespmem:s21+$0x15860];
	_ =	sdelay $0x1  }
0x421: {  	v10 =	vld [tilespmem:s21+$0x17860];
	_ =	sdelay $0x2  }
0x422: {  	v8 =	vadd.f32 v9, v8;
	_ =	sdelay $0x1  }
0x423: {  	v9 =	vadd.f32 v10, v8;
	_ =	sdelay $0x1  }
0x424: {  	v8 =	vmax.f32 v8, $0.0e+00;
	v9 =	vmax.f32 v9, $0.0e+00  }
0x425: {  	v8 =	vsub.f32 v9, v8;
	_ =	sdelay $0x1  }
0x426: {  	[tilespmem:s8+$0x0] =	vst v8  }
0x427: {  	v8 =	vld [tilespmem:s21+$0x13870]  }
0x428: {  	v10 =	vld [tilespmem:s21+$0x15870];
	_ =	sdelay $0x1  }
0x429: {  	v9 =	vld [tilespmem:s21+$0x17870];
	_ =	sdelay $0x2  }
0x42a: {  	s11 =	simm.s32 $0x19860;
	s12 =	simm.s32 $0x100;
	v8 =	vadd.f32 v10, v8  }
.LBB2_12:
0x42b: {  	p0 =	sne.s32 s12, $0x7F00  }
0x42c: {  	s8 =	sadd.s32 $0x80, s8;
	s21 =	smov.u32 s12;
	s12 =	sadd.s32 $0x100, s12;
	v9 =	vadd.f32 v9, v8  }
0x42d: {  	v8 =	vmax.f32 v8, $0.0e+00  }
0x42e: {  	v9 =	vmax.f32 v9, $0.0e+00  }
0x42f: {  	v8 =	vsub.f32 v9, v8  }
0x430: {  	s21 =	sshra.s32 s21, $0x2  }
0x431: {  	[tilespmem:s11+$0x10] =	vst v8;
	s11 =	smov.u32 s8  }
0x432: {  	v8 =	vld [tilespmem:s21+$0x13840]  }
0x433: {  	v9 =	vld [tilespmem:s21+$0x15840];
	_ =	sdelay $0x1  }
0x434: {  	v10 =	vld [tilespmem:s21+$0x17840];
	_ =	sdelay $0x2  }
0x435: {  	v8 =	vadd.f32 v9, v8;
	_ =	sdelay $0x1  }
0x436: {  	v9 =	vadd.f32 v10, v8;
	_ =	sdelay $0x1  }
0x437: {  	v8 =	vmax.f32 v8, $0.0e+00;
	v9 =	vmax.f32 v9, $0.0e+00  }
0x438: {  	v8 =	vsub.f32 v9, v8;
	_ =	sdelay $0x1  }
0x439: {  	[tilespmem:s8+$0xFFFFFFE0] =	vst v8  }
0x43a: {  	v8 =	vld [tilespmem:s21+$0x13850]  }
0x43b: {  	v9 =	vld [tilespmem:s21+$0x15850];
	_ =	sdelay $0x1  }
0x43c: {  	v10 =	vld [tilespmem:s21+$0x17850];
	_ =	sdelay $0x2  }
0x43d: {  	v8 =	vadd.f32 v9, v8;
	_ =	sdelay $0x1  }
0x43e: {  	v9 =	vadd.f32 v10, v8;
	_ =	sdelay $0x1  }
0x43f: {  	v8 =	vmax.f32 v8, $0.0e+00;
	v9 =	vmax.f32 v9, $0.0e+00  }
0x440: {  	v8 =	vsub.f32 v9, v8;
	_ =	sdelay $0x1  }
0x441: {  	[tilespmem:s8+$0xFFFFFFF0] =	vst v8  }
0x442: {  	v8 =	vld [tilespmem:s21+$0x13860]  }
0x443: {  	v9 =	vld [tilespmem:s21+$0x15860];
	_ =	sdelay $0x1  }
0x444: {  	v10 =	vld [tilespmem:s21+$0x17860];
	_ =	sdelay $0x2  }
0x445: {  	v8 =	vadd.f32 v9, v8;
	_ =	sdelay $0x1  }
0x446: {  	v9 =	vadd.f32 v10, v8;
	_ =	sdelay $0x1  }
0x447: {  	v8 =	vmax.f32 v8, $0.0e+00;
	v9 =	vmax.f32 v9, $0.0e+00  }
0x448: {  	v8 =	vsub.f32 v9, v8;
	_ =	sdelay $0x1  }
0x449: {  	[tilespmem:s8+$0x0] =	vst v8  }
0x44a: {  	v8 =	vld [tilespmem:s21+$0x13870]  }
0x44b: {  	v10 =	vld [tilespmem:s21+$0x15870]  }
.Ltmp5:
0x44c: {  	v9 =	vld [tilespmem:s21+$0x17870];
	(pc) =	sbr.rel @p0 .LBB2_12-.Ltmp5, $2  }
0x44d: {  	_ =	sdelay $0x2  }
0x44e: {  	v8 =	vadd.f32 v10, v8  }
0x44f: {  	_ = 	snop  }
0x450: {  	v9 =	vadd.f32 v9, v8;
	_ =	sdelay $0x1  }
0x451: {  	v8 =	vmax.f32 v8, $0.0e+00;
	v9 =	vmax.f32 v9, $0.0e+00  }
0x452: {  	s12 =	sld [smem:$0x7E6];
	v8 =	vsub.f32 v9, v8;
	_ =	sdelay $0x1  }
0x453: {  	s8 =	rddreg [dreg:$0x3];
	[tilespmem:s11+$0x10] =	vst v8  }
0x454: {  	[spmem:s8] =	stream.indirect.scatter.add.f32 [tilespmem:s24], [sflag:$0x4], $0x80, s12, s17, $0xb8;
	[tilespmem:$0x1F040] =	vst v63  }
0x455: {  	_ =	swait.ge [sflag:s1], $0x4000  }
0x456: {  	[sflag:s1] =	ssyncset.done $0x0  }
0x457: {  	s21 =	rddreg [dreg:$0x10];
	[sflag:s1] =	ssyncadd.s32 $0xFFFFC000  }
0x458: {  	[tilespmem:s18], [sflag:$0x3] =	stream.linear.gather [spmem:s21], $0x2000, $0x38;
	[tilespmem:$0x1F040] =	vst v63  }
0x459: {  	s11 =	simm.s32 $0xD380  }
0x45a: {  	[tilespmem:s16], [sflag:$0x1] =	stream.indirect.gather [hbm4b:s7+s17], $0x40, s11, s17, $0xb8;
	[tilespmem:$0x1F040] =	vst v63  }
0x45b: {  	s12 =	simm.s32 $0xD580  }
0x45c: {  	[tilespmem:s19], [sflag:$0x2] =	stream.indirect.gather [hbm4b:s9+s17], $0x40, s12, s17, $0xb8;
	[tilespmem:$0x1F040] =	vst v63  }
0x45d: {  	_ =	swait.ge [sflag:s20], $0x2000  }
0x45e: {  	[sflag:s20] =	ssyncset.done $0x0  }
0x45f: {  	[sflag:s20] =	ssyncadd.s32 $0xFFFFE000  }
0x460: {  	_ =	swait.ge [sflag:s22], $0x2000  }
0x461: {  	[sflag:s22] =	ssyncset.done $0x0  }
0x462: {  	[sflag:s22] =	ssyncadd.s32 $0xFFFFE000  }
0x463: {  	_ =	swait.ge [sflag:s23], $0x2000  }
0x464: {  	[sflag:s23] =	ssyncset.done $0x0  }
0x465: {  	s21 =	simm.s32 $0x0;
	[sflag:s23] =	ssyncadd.s32 $0xFFFFE000  }
0x466: {  	v8 =	vld [tilespmem:s21+$0x13840]  }
0x467: {  	v9 =	vld [tilespmem:s21+$0x15840];
	_ =	sdelay $0x1  }
0x468: {  	v10 =	vld [tilespmem:s21+$0x17840];
	_ =	sdelay $0x2  }
0x469: {  	v8 =	vadd.f32 v9, v8;
	_ =	sdelay $0x1  }
0x46a: {  	v9 =	vadd.f32 v10, v8;
	_ =	sdelay $0x1  }
0x46b: {  	v8 =	vmax.f32 v8, $0.0e+00;
	v9 =	vmax.f32 v9, $0.0e+00  }
0x46c: {  	v8 =	vsub.f32 v9, v8  }
0x46d: {  	s8 =	simm.s32 $0x19860  }
0x46e: {  	[tilespmem:s8+$0xFFFFFFE0] =	vst v8  }
0x46f: {  	v8 =	vld [tilespmem:s21+$0x13850]  }
0x470: {  	v9 =	vld [tilespmem:s21+$0x15850];
	_ =	sdelay $0x1  }
0x471: {  	v10 =	vld [tilespmem:s21+$0x17850];
	_ =	sdelay $0x2  }
0x472: {  	v8 =	vadd.f32 v9, v8;
	_ =	sdelay $0x1  }
0x473: {  	v9 =	vadd.f32 v10, v8;
	_ =	sdelay $0x1  }
0x474: {  	v8 =	vmax.f32 v8, $0.0e+00;
	v9 =	vmax.f32 v9, $0.0e+00  }
0x475: {  	v8 =	vsub.f32 v9, v8;
	_ =	sdelay $0x1  }
0x476: {  	[tilespmem:s8+$0xFFFFFFF0] =	vst v8  }
0x477: {  	v8 =	vld [tilespmem:s21+$0x13860]  }
0x478: {  	v9 =	vld [tilespmem:s21+$0x15860];
	_ =	sdelay $0x1  }
0x479: {  	v10 =	vld [tilespmem:s21+$0x17860];
	_ =	sdelay $0x2  }
0x47a: {  	v8 =	vadd.f32 v9, v8;
	_ =	sdelay $0x1  }
0x47b: {  	v9 =	vadd.f32 v10, v8;
	_ =	sdelay $0x1  }
0x47c: {  	v8 =	vmax.f32 v8, $0.0e+00;
	v9 =	vmax.f32 v9, $0.0e+00  }
0x47d: {  	v8 =	vsub.f32 v9, v8;
	_ =	sdelay $0x1  }
0x47e: {  	[tilespmem:s8+$0x0] =	vst v8  }
0x47f: {  	v8 =	vld [tilespmem:s21+$0x13870]  }
0x480: {  	v10 =	vld [tilespmem:s21+$0x15870];
	_ =	sdelay $0x1  }
0x481: {  	v9 =	vld [tilespmem:s21+$0x17870];
	_ =	sdelay $0x2  }
0x482: {  	s11 =	simm.s32 $0x19860;
	s12 =	simm.s32 $0x100;
	v8 =	vadd.f32 v10, v8  }
.LBB2_14:
0x483: {  	p0 =	sne.s32 s12, $0x7F00  }
0x484: {  	s8 =	sadd.s32 $0x80, s8;
	s21 =	smov.u32 s12;
	s12 =	sadd.s32 $0x100, s12;
	v9 =	vadd.f32 v9, v8  }
0x485: {  	v8 =	vmax.f32 v8, $0.0e+00  }
0x486: {  	v9 =	vmax.f32 v9, $0.0e+00  }
0x487: {  	v8 =	vsub.f32 v9, v8  }
0x488: {  	s21 =	sshra.s32 s21, $0x2  }
0x489: {  	[tilespmem:s11+$0x10] =	vst v8;
	s11 =	smov.u32 s8  }
0x48a: {  	v8 =	vld [tilespmem:s21+$0x13840]  }
0x48b: {  	v9 =	vld [tilespmem:s21+$0x15840];
	_ =	sdelay $0x1  }
0x48c: {  	v10 =	vld [tilespmem:s21+$0x17840];
	_ =	sdelay $0x2  }
0x48d: {  	v8 =	vadd.f32 v9, v8;
	_ =	sdelay $0x1  }
0x48e: {  	v9 =	vadd.f32 v10, v8;
	_ =	sdelay $0x1  }
0x48f: {  	v8 =	vmax.f32 v8, $0.0e+00;
	v9 =	vmax.f32 v9, $0.0e+00  }
0x490: {  	v8 =	vsub.f32 v9, v8;
	_ =	sdelay $0x1  }
0x491: {  	[tilespmem:s8+$0xFFFFFFE0] =	vst v8  }
0x492: {  	v8 =	vld [tilespmem:s21+$0x13850]  }
0x493: {  	v9 =	vld [tilespmem:s21+$0x15850];
	_ =	sdelay $0x1  }
0x494: {  	v10 =	vld [tilespmem:s21+$0x17850];
	_ =	sdelay $0x2  }
0x495: {  	v8 =	vadd.f32 v9, v8;
	_ =	sdelay $0x1  }
0x496: {  	v9 =	vadd.f32 v10, v8;
	_ =	sdelay $0x1  }
0x497: {  	v8 =	vmax.f32 v8, $0.0e+00;
	v9 =	vmax.f32 v9, $0.0e+00  }
0x498: {  	v8 =	vsub.f32 v9, v8;
	_ =	sdelay $0x1  }
0x499: {  	[tilespmem:s8+$0xFFFFFFF0] =	vst v8  }
0x49a: {  	v8 =	vld [tilespmem:s21+$0x13860]  }
0x49b: {  	v9 =	vld [tilespmem:s21+$0x15860];
	_ =	sdelay $0x1  }
0x49c: {  	v10 =	vld [tilespmem:s21+$0x17860];
	_ =	sdelay $0x2  }
0x49d: {  	v8 =	vadd.f32 v9, v8;
	_ =	sdelay $0x1  }
0x49e: {  	v9 =	vadd.f32 v10, v8;
	_ =	sdelay $0x1  }
0x49f: {  	v8 =	vmax.f32 v8, $0.0e+00;
	v9 =	vmax.f32 v9, $0.0e+00  }
0x4a0: {  	v8 =	vsub.f32 v9, v8;
	_ =	sdelay $0x1  }
0x4a1: {  	[tilespmem:s8+$0x0] =	vst v8  }
0x4a2: {  	v8 =	vld [tilespmem:s21+$0x13870]  }
0x4a3: {  	v10 =	vld [tilespmem:s21+$0x15870]  }
.Ltmp6:
0x4a4: {  	v9 =	vld [tilespmem:s21+$0x17870];
	(pc) =	sbr.rel @p0 .LBB2_14-.Ltmp6, $2  }
0x4a5: {  	_ =	sdelay $0x2  }
0x4a6: {  	v8 =	vadd.f32 v10, v8  }
0x4a7: {  	_ = 	snop  }
0x4a8: {  	v9 =	vadd.f32 v9, v8;
	_ =	sdelay $0x1  }
0x4a9: {  	v8 =	vmax.f32 v8, $0.0e+00;
	v9 =	vmax.f32 v9, $0.0e+00  }
0x4aa: {  	s21 =	sld [smem:$0x7EE];
	v8 =	vsub.f32 v9, v8;
	_ =	sdelay $0x1  }
0x4ab: {  	s8 =	rddreg [dreg:$0x3];
	[tilespmem:s11+$0x10] =	vst v8  }
0x4ac: {  	[spmem:s8] =	stream.indirect.scatter.add.f32 [tilespmem:s24], [sflag:$0x4], $0x80, s21, s17, $0xb8;
	[tilespmem:$0x1F040] =	vst v63  }
0x4ad: {  	_ =	swait.ge [sflag:s1], $0x4000  }
0x4ae: {  	[sflag:s1] =	ssyncset.done $0x0  }
0x4af: {  	s12 =	stileid.u32;
	[sflag:s1] =	ssyncadd.s32 $0xFFFFC000  }
0x4b0: {  	s8 =	sshll.u32 s12, $0x6;
	s21 =	smov.u32 s13;
	[bflag:$0x0] =	sbarrier.arrive $0xFFFF  }
0x4b1: {  	s13 =	sshrl.u32 s13, $0x3;
	s8 =	sor.u32 $0x1C04, s8;
	s12 =	rddreg [dreg:$0x11]  }
0x4b2: {  	[hbm:s12], [sflag:s8] =	dma.local [spmem:s13], $0x200  }
0x4b3: {  	_ =	swait.ge [sflag:s1], $0x200  }
0x4b4: {  	s25 =	sadd.s32 $0x1, s25;
	s13 =	rddreg [dreg:$0x12]  }
0x4b5: {  	p0 =	sne.s32 s25, s13  }
.Ltmp7:
0x4b6: {  	_ = 	snop;
	(pc) =	sbr.rel @p0 .LBB2_1-.Ltmp7, $3  }
0x4b7: {  	_ =	sdelay $0x1  }
0x4b8: {  	[sflag:s1] =	ssyncset.done $0x0  }
0x4b9: {  	[sflag:s1] =	ssyncadd.s32 $0xFFFFFE00  }
0x4ba: {  	_ =	sfence.sel $0x180000  }
0x4bb: {  	[bflag:$0x0] =	sbarrier.arrive $0xFFFF  }
0x4bc: {  	_ =	strace $0x90000047  }
0x4bd: {  	s0 =	stileid.u32;
	[bflag:$0x2] =	sbarrier.arrive $0xFFFF  }
0x4be: {  	p0 =	sne.s32 s0, $0x0;
	s0 =	rddreg [dreg:$0x4]  }
0x4bf: {  	s0 =	sadd.s32 @!p0 $0x100000, s0  }
0x4c0: {  	[sflag:s0] =	ssyncadd.tile.s32 @!p0 $0x1;
	_ =	shalt  }
.Lfunc_end2:
_tile_overlayer_lowered:
.L_overlay_start_2:
0x4c1: {  	(tag) =	ssettag $0x2  }
0x4c2: {  	s0 =	rddreg [dreg:$0x0];
	s2 =	stileid.u32  }
0x4c3: {  	s1 =	rddreg [dreg:$0x1];
	p0 =	sne.s32 s2, $0x0  }
0x4c4: {  	s3 =	rddreg [dreg:$0x2];
	[bflag:$0x3] =	sbarrier.arrive $0xFFFF;
	s2 =	simm.s32 @!p0 $0x1C04  }
0x4c5: {  	[timem:s3], [sflag:s2] =	dma.local @!p0 [hbm:s0], s1  }
0x4c6: {  	s0 =	simm.s32 @!p0 $0x4  }
0x4c7: {  	_ =	swait.ge @!p0 [sflag:s0], s1  }
0x4c8: {  	s1 =	ssub.s32 @!p0 $0x0, s1;
	[sflag:s0] =	ssyncset.done @!p0 $0x0  }
0x4c9: {  	[sflag:s0] =	ssyncadd.s32 @!p0 s1  }
0x4ca: {  	[bflag:$0x3] =	sbarrier.arrive $0xFFFF  }
0x4cb: {  	_ =	shalt  }

</sc_bundles>
